<compile_context>
chip_gen: v7x
topology: tpu7x:2x2x1
jax: 0.10.2.dev20260603
libtpu: 0.0.44.dev20260713+nightly
codegen_flags: <defaults>
</compile_context>

<pallas_src>
import dataclasses
import functools

import jax
import jax.numpy as jnp
from jax import lax
from jax.experimental import pallas as pl
from jax.experimental.pallas import tpu as pltpu
from jax.experimental.pallas import tpu_sc as plsc

_NC = 2
_NS = 16
_LANES = 16


def _sc_compiler_params():
    cp = pltpu.CompilerParams()
    if "needs_layout_passes" in pltpu.CompilerParams.__dataclass_fields__:
        cp = dataclasses.replace(cp, needs_layout_passes=False)
    return cp


def _ceil_to(a, m):
    return (a + m - 1) // m * m


def _sc_degree(dst2d, nh):
    rows = dst2d.shape[0]
    half = rows // _NC
    per_tile = half // _NS
    sl = nh // _NS
    mesh = plsc.VectorSubcoreMesh(core_axis_name="c", subcore_axis_name="s")

    @functools.partial(
        pl.kernel,
        out_type=jax.ShapeDtypeStruct((_NC, nh), jnp.float32),
        mesh=mesh,
        scratch_types=[
            pltpu.VMEM((per_tile, 128), jnp.int32),
            pltpu.VMEM((nh,), jnp.float32),
            pltpu.VMEM((sl,), jnp.float32),
            pltpu.VMEM((sl,), jnp.float32),
            pltpu.VMEM_SHARED((_NS, nh), jnp.float32),
        ],
        compiler_params=_sc_compiler_params(),
    )
    def k(dst_hbm, deg_hbm, dst_v, hist_v, acc_v, buf_v, part_sp):
        c = lax.axis_index("c")
        s = lax.axis_index("s")
        zero16 = jnp.zeros((_LANES,), jnp.float32)
        one16 = jnp.ones((_LANES,), jnp.float32)

        @pl.loop(0, nh, step=_LANES)
        def _(i):
            hist_v[pl.ds(pl.multiple_of(i, _LANES), _LANES)] = zero16

        pltpu.sync_copy(dst_hbm.at[pl.ds(c * half + s * per_tile, per_tile)],
                        dst_v)

        @pl.loop(0, per_tile)
        def _(r):
            for j in range(128 // _LANES):
                idx = dst_v[r, pl.ds(j * _LANES, _LANES)]
                plsc.addupdate_scatter(hist_v, [idx], one16)

        pltpu.sync_copy(hist_v, part_sp.at[s])
        plsc.subcore_barrier()

        pltpu.sync_copy(part_sp.at[0, pl.ds(s * sl, sl)], acc_v)
        for t in range(1, _NS):
            pltpu.sync_copy(part_sp.at[t, pl.ds(s * sl, sl)], buf_v)

            @pl.loop(0, sl, step=_LANES)
            def _(j):
                jj = pl.multiple_of(j, _LANES)
                acc_v[pl.ds(jj, _LANES)] = (
                    acc_v[pl.ds(jj, _LANES)] + buf_v[pl.ds(jj, _LANES)])

        @pl.when(c == 0)
        def _():
            pltpu.sync_copy(acc_v, deg_hbm.at[0, pl.ds(s * sl, sl)])

        @pl.when(c == 1)
        def _():
            pltpu.sync_copy(acc_v, deg_hbm.at[1, pl.ds(s * sl, sl)])

    return k(dst2d)


def _sc_aggregate(g0, g1, src2d, dst2d, nh):
    rows = src2d.shape[0]
    per_tile = rows // _NS
    nch = 2
    chunk = per_tile // nch
    zrows = nh // _NS
    mesh = plsc.VectorSubcoreMesh(core_axis_name="c", subcore_axis_name="s")

    @functools.partial(
        pl.kernel,
        out_type=[jax.ShapeDtypeStruct((nh, 128), jnp.float32)] * 2,
        mesh=mesh,
        scratch_types=[
            pltpu.VMEM((chunk, 128), jnp.int32),
            pltpu.VMEM((chunk, 128), jnp.int32),
            pltpu.VMEM((64, 128), jnp.float32),
            pltpu.VMEM((64, 128), jnp.float32),
            pltpu.VMEM((64, 128), jnp.float32),
            pltpu.VMEM((64, 128), jnp.float32),
            pltpu.VMEM_SHARED((nh, 128), jnp.float32),
            pltpu.SemaphoreType.DMA((4,)),
            pltpu.SemaphoreType.DMA((4,)),
        ],
    )
    def k(g0_hbm, g1_hbm, src_hbm, dst_hbm, out0_hbm, out1_hbm,
          src_v, dst_v, b0, b1, b2, b3, acc_sp, gsem, ssem):
        c = lax.axis_index("c")
        s = lax.axis_index("s")
        bufs = (b0, b1, b2, b3)
        zero16 = jnp.zeros((_LANES,), jnp.float32)

        @pl.loop(0, 64)
        def _(i):
            for j in range(128 // _LANES):
                b0[i, pl.ds(j * _LANES, _LANES)] = zero16

        for j in range(zrows // 64):
            pltpu.sync_copy(b0, acc_sp.at[pl.ds(s * zrows + j * 64, 64)])

        plsc.subcore_barrier()

        def run_half(g_hbm):
            for ch in range(nch):
                base = s * per_tile + ch * chunk
                pltpu.sync_copy(src_hbm.at[pl.ds(base, chunk)], src_v)
                pltpu.sync_copy(dst_hbm.at[pl.ds(base, chunk)], dst_v)

                @pl.loop(0, chunk // 2)
                def _(t):
                    k0 = 2 * t
                    cps = [
                        pltpu.async_copy(
                            g_hbm.at[src_v.at[k0 + i // 2,
                                              pl.ds((i % 2) * 64, 64)]],
                            bufs[i], gsem.at[i])
                        for i in range(4)
                    ]
                    scs = []
                    for i in range(4):
                        cps[i].wait()
                        scs.append(pltpu.async_copy(
                            bufs[i],
                            acc_sp.at[dst_v.at[k0 + i // 2,
                                               pl.ds((i % 2) * 64, 64)]],
                            ssem.at[i], add=True))
                    for sc in scs:
                        sc.wait()

        @pl.when(c == 0)
        def _():
            run_half(g0_hbm)

        @pl.when(c == 1)
        def _():
            run_half(g1_hbm)

        plsc.subcore_barrier()
        out_slc = pl.ds(s * zrows, zrows)

        @pl.when(c == 0)
        def _():
            pltpu.sync_copy(acc_sp.at[out_slc], out0_hbm.at[out_slc])

        @pl.when(c == 1)
        def _():
            pltpu.sync_copy(acc_sp.at[out_slc], out1_hbm.at[out_slc])

    return k(g0, g1, src2d, dst2d)


def _tc_layer1(x, w, p0, p1, grid, rb):
    n, d = x.shape

    def body(x_ref, w_ref, p0_ref, p1_ref, h_ref, g0_ref, g1_ref):
        h = jnp.dot(x_ref[...], w_ref[...],
                    preferred_element_type=jnp.float32,
                    precision=lax.Precision.HIGHEST)
        deg = p0_ref[...] + p1_ref[...] + 1.0
        dis = lax.rsqrt(deg)
        g = h * dis
        h_ref[...] = h
        g0_ref[...] = g[:, :d // 2]
        g1_ref[...] = g[:, d // 2:]

    return pl.pallas_call(
        body,
        grid=(grid,),
        in_specs=[
            pl.BlockSpec((rb, d), lambda i: (i, 0)),
            pl.BlockSpec((d, d), lambda i: (0, 0)),
            pl.BlockSpec((rb, 1), lambda i: (i, 0)),
            pl.BlockSpec((rb, 1), lambda i: (i, 0)),
        ],
        out_specs=[
            pl.BlockSpec((rb, d), lambda i: (i, 0)),
            pl.BlockSpec((rb, d // 2), lambda i: (i, 0)),
            pl.BlockSpec((rb, d // 2), lambda i: (i, 0)),
        ],
        out_shape=[
            jax.ShapeDtypeStruct((n, d), jnp.float32),
            jax.ShapeDtypeStruct((n, d // 2), jnp.float32),
            jax.ShapeDtypeStruct((n, d // 2), jnp.float32),
        ],
    )(x, w, p0, p1)


def _tc_layer2(a0, a1, h_prev, p0, p1, b, w, grid, rb):
    n = h_prev.shape[0]
    d = h_prev.shape[1]

    def body(a0_ref, a1_ref, h_ref, p0_ref, p1_ref, b_ref, w_ref,
             h2_ref, g0_ref, g1_ref):
        deg = p0_ref[...] + p1_ref[...] + 1.0
        dis = lax.rsqrt(deg)
        inv = 1.0 / deg
        agg = jnp.concatenate([a0_ref[...], a1_ref[...]], axis=1)
        act = jnp.maximum(agg * dis + h_ref[...] * inv + b_ref[...], 0.0)
        h2 = jnp.dot(act, w_ref[...],
                     preferred_element_type=jnp.float32,
                     precision=lax.Precision.HIGHEST)
        g2 = h2 * dis
        h2_ref[...] = h2
        g0_ref[...] = g2[:, :d // 2]
        g1_ref[...] = g2[:, d // 2:]

    return pl.pallas_call(
        body,
        grid=(grid,),
        in_specs=[
            pl.BlockSpec((rb, d // 2), lambda i: (i, 0)),
            pl.BlockSpec((rb, d // 2), lambda i: (i, 0)),
            pl.BlockSpec((rb, d), lambda i: (i, 0)),
            pl.BlockSpec((rb, 1), lambda i: (i, 0)),
            pl.BlockSpec((rb, 1), lambda i: (i, 0)),
            pl.BlockSpec((1, d), lambda i: (0, 0)),
            pl.BlockSpec((d, d), lambda i: (0, 0)),
        ],
        out_specs=[
            pl.BlockSpec((rb, d), lambda i: (i, 0)),
            pl.BlockSpec((rb, d // 2), lambda i: (i, 0)),
            pl.BlockSpec((rb, d // 2), lambda i: (i, 0)),
        ],
        out_shape=[
            jax.ShapeDtypeStruct((n, d), jnp.float32),
            jax.ShapeDtypeStruct((n, d // 2), jnp.float32),
            jax.ShapeDtypeStruct((n, d // 2), jnp.float32),
        ],
    )(a0, a1, h_prev, p0, p1, b, w)


def _tc_final(a0, a1, h_prev, p0, p1, b, grid, rb):
    n = h_prev.shape[0]
    d = h_prev.shape[1]

    def body(a0_ref, a1_ref, h_ref, p0_ref, p1_ref, b_ref, o_ref):
        deg = p0_ref[...] + p1_ref[...] + 1.0
        dis = lax.rsqrt(deg)
        inv = 1.0 / deg
        agg = jnp.concatenate([a0_ref[...], a1_ref[...]], axis=1)
        o_ref[...] = agg * dis + h_ref[...] * inv + b_ref[...]

    return pl.pallas_call(
        body,
        grid=(grid,),
        in_specs=[
            pl.BlockSpec((rb, d // 2), lambda i: (i, 0)),
            pl.BlockSpec((rb, d // 2), lambda i: (i, 0)),
            pl.BlockSpec((rb, d), lambda i: (i, 0)),
            pl.BlockSpec((rb, 1), lambda i: (i, 0)),
            pl.BlockSpec((rb, 1), lambda i: (i, 0)),
            pl.BlockSpec((1, d), lambda i: (0, 0)),
        ],
        out_specs=pl.BlockSpec((rb, d), lambda i: (i, 0)),
        out_shape=jax.ShapeDtypeStruct((n, d), jnp.float32),
    )(a0, a1, h_prev, p0, p1, b)


@jax.jit
def kernel(x, edge_index, W1, b1, W2, b2):
    n, d = x.shape
    e = edge_index.shape[1]

    epad = _ceil_to(e, _NC * _NS * 128)
    src_p = jnp.concatenate(
        [edge_index[0], jnp.zeros((epad - e,), jnp.int32)]).reshape(-1, 128)
    dst_p = jnp.concatenate(
        [edge_index[1], jnp.full((epad - e,), n, jnp.int32)]).reshape(-1, 128)

    nh = _ceil_to(n + 1, _NS * 128)

    deg_parts = _sc_degree(dst_p, nh)
    p0 = deg_parts[0, :n].reshape(n, 1)
    p1 = deg_parts[1, :n].reshape(n, 1)

    grid, rb = 10, n // 10
    b1r = b1.reshape(1, d)
    b2r = b2.reshape(1, d)

    h1, g1a, g1b = _tc_layer1(x, W1, p0, p1, grid, rb)
    agg1a, agg1b = _sc_aggregate(g1a, g1b, src_p, dst_p, nh)
    h2, g2a, g2b = _tc_layer2(agg1a[:n], agg1b[:n], h1, p0, p1, b1r, W2,
                              grid, rb)
    agg2a, agg2b = _sc_aggregate(g2a, g2b, src_p, dst_p, nh)
    out = _tc_final(agg2a[:n], agg2b[:n], h2, p0, p1, b2r, grid, rb)
    return out

# --- scband reference (transcript-rebuilt; emitter-appended) ---
"""Pipeline reference for scband-gcn-44401371906335 (READ-ONLY COPY).

The authoritative reference and input builder live on the scoring server;
editing this copy changes nothing except your own understanding.
"""

import jax, jax.numpy as jnp
import numpy as np

N, D, E = 10000, 256, 160000


def _gcn_conv(x, src, dst, W, b, n):
    # GCNConv (PyG default): h = x @ W, symmetric normalization with self-loops
    h = x @ W
    deg = jnp.zeros((n,), dtype=h.dtype).at[dst].add(1.0)
    dis = jnp.where(deg > 0, jax.lax.rsqrt(jnp.maximum(deg, 1e-12)), 0.0)
    norm = dis[src] * dis[dst]
    msg = h[src] * norm[:, None]
    out = jnp.zeros_like(h).at[dst].add(msg)
    return out + b


def setup_inputs(seed: int = 0) -> dict:
    key = jax.random.key(seed)
    ks = jax.random.split(key, 6)
    x = jax.random.normal(ks[0], (N, D), dtype=jnp.float32)
    edge_index = jax.random.randint(ks[1], (2, E), 0, N, dtype=jnp.int32)
    lim = float(np.sqrt(6.0 / (D + D)))  # glorot uniform like PyG GCNConv
    W1 = jax.random.uniform(ks[2], (D, D), minval=-lim, maxval=lim, dtype=jnp.float32)
    b1 = jnp.zeros((D,), dtype=jnp.float32)
    W2 = jax.random.uniform(ks[3], (D, D), minval=-lim, maxval=lim, dtype=jnp.float32)
    b2 = jnp.zeros((D,), dtype=jnp.float32)
    return {"x": x, "edge_index": edge_index, "W1": W1, "b1": b1, "W2": W2, "b2": b2}


def reference(x, edge_index, W1, b1, W2, b2):
    n = x.shape[0]
    loops = jnp.arange(n, dtype=edge_index.dtype)
    src = jnp.concatenate([edge_index[0], loops])
    dst = jnp.concatenate([edge_index[1], loops])
    h = _gcn_conv(x, src, dst, W1, b1, n)
    h = jax.nn.relu(h)
    # F.dropout(training=self.training): identity in eval mode
    out = _gcn_conv(h, src, dst, W2, b2, n)
    return out

if __name__ == "__main__":
    import jax
    _d = setup_inputs()
    print(jax.jit(kernel)(*tuple(_d.values())))

</pallas_src>

<mosaic_0001>
#map = affine_map<(d0, d1) -> (0, 0)>
module attributes {stable_mosaic.version = 14 : i64} {
  func.func @k(%arg0: i32, %arg1: i32, %arg2: memref<10000x128xf32, #tpu.memory_space<hbm>>, %arg3: memref<10000x128xf32, #tpu.memory_space<hbm>>, %arg4: memref<1280x128xi32, #tpu.memory_space<hbm>>, %arg5: memref<1280x128xi32, #tpu.memory_space<hbm>>, %arg6: memref<10240x128xf32, #tpu.memory_space<hbm>>, %arg7: memref<10240x128xf32, #tpu.memory_space<hbm>>, %arg8: memref<40x128xi32, #tpu.memory_space<vmem>>, %arg9: memref<40x128xi32, #tpu.memory_space<vmem>>, %arg10: memref<64x128xf32, #tpu.memory_space<vmem>>, %arg11: memref<64x128xf32, #tpu.memory_space<vmem>>, %arg12: memref<64x128xf32, #tpu.memory_space<vmem>>, %arg13: memref<64x128xf32, #tpu.memory_space<vmem>>, %arg14: memref<10240x128xf32, #tpu.memory_space<vmem_shared>>, %arg15: memref<4x!tpu.dma_semaphore, #tpu.memory_space<semaphore_mem>>, %arg16: memref<4x!tpu.dma_semaphore, #tpu.memory_space<semaphore_mem>>) attributes {dimension_semantics = [#tpu.dimension_semantics<core_parallel>, #tpu.dimension_semantics<subcore_parallel>], iteration_bounds = array<i64: 2, 16>, scalar_prefetch = 0 : i64, scratch_operands = 9 : i64, tpu.core_type = #tpu.core_type<sc_vector_subcore>, window_params = [{transform_indices = #map}, {transform_indices = #map}, {transform_indices = #map}, {transform_indices = #map}, {transform_indices = #map}, {transform_indices = #map}]} {
    %broadcast_in_dim3A = arith.constant 0.000000e+00 : f32
    %broadcast_in_dim3A_0 = vector.broadcast %broadcast_in_dim3A : f32 to vector<16xf32>
    %scan3A = arith.constant 0 : i32
    %scan3A_1 = arith.constant 64 : i32
    %scan3A_2 = arith.addi %scan3A, %scan3A_1 : i32
    %scan3A_3 = arith.constant 1 : i32
    scf.for %scan3A_63 = %scan3A to %scan3A_2 step %scan3A_3  : i32 {
      %mul3A_64 = arith.constant 1 : i32
      %mul3A_65 = arith.muli %scan3A_63, %mul3A_64 : i32
      %add3A_66 = arith.constant 0 : i32
      %add3A_67 = arith.addi %add3A_66, %mul3A_65 : i32
      %swap3A = arith.index_cast %add3A_67 : i32 to index
      %swap3A_68 = arith.constant 0 : index
      %swap3A_69 = tpu.vector_load %arg10[%swap3A, %swap3A_68] {strides = array<i32>} : memref<64x128xf32, #tpu.memory_space<vmem>>, vector<1x16xf32>,
      %swap3A_70 = vector.shape_cast %swap3A_69 : vector<1x16xf32> to vector<16xf32>
      %swap3A_71 = vector.shape_cast %broadcast_in_dim3A_0 : vector<16xf32> to vector<1x16xf32>
      tpu.vector_store %arg10[%swap3A, %swap3A_68], %swap3A_71 {strides = array<i32>} : memref<64x128xf32, #tpu.memory_space<vmem>>, vector<1x16xf32>,
      %swap3A_72 = arith.index_cast %add3A_67 : i32 to index
      %swap3A_73 = arith.constant 16 : index
      %swap3A_74 = tpu.vector_load %arg10[%swap3A_72, %swap3A_73] {strides = array<i32>} : memref<64x128xf32, #tpu.memory_space<vmem>>, vector<1x16xf32>,
      %swap3A_75 = vector.shape_cast %swap3A_74 : vector<1x16xf32> to vector<16xf32>
      %swap3A_76 = vector.shape_cast %broadcast_in_dim3A_0 : vector<16xf32> to vector<1x16xf32>
      tpu.vector_store %arg10[%swap3A_72, %swap3A_73], %swap3A_76 {strides = array<i32>} : memref<64x128xf32, #tpu.memory_space<vmem>>, vector<1x16xf32>,
      %swap3A_77 = arith.index_cast %add3A_67 : i32 to index
      %swap3A_78 = arith.constant 32 : index
      %swap3A_79 = tpu.vector_load %arg10[%swap3A_77, %swap3A_78] {strides = array<i32>} : memref<64x128xf32, #tpu.memory_space<vmem>>, vector<1x16xf32>,
      %swap3A_80 = vector.shape_cast %swap3A_79 : vector<1x16xf32> to vector<16xf32>
      %swap3A_81 = vector.shape_cast %broadcast_in_dim3A_0 : vector<16xf32> to vector<1x16xf32>
      tpu.vector_store %arg10[%swap3A_77, %swap3A_78], %swap3A_81 {strides = array<i32>} : memref<64x128xf32, #tpu.memory_space<vmem>>, vector<1x16xf32>,
      %swap3A_82 = arith.index_cast %add3A_67 : i32 to index
      %swap3A_83 = arith.constant 48 : index
      %swap3A_84 = tpu.vector_load %arg10[%swap3A_82, %swap3A_83] {strides = array<i32>} : memref<64x128xf32, #tpu.memory_space<vmem>>, vector<1x16xf32>,
      %swap3A_85 = vector.shape_cast %swap3A_84 : vector<1x16xf32> to vector<16xf32>
      %swap3A_86 = vector.shape_cast %broadcast_in_dim3A_0 : vector<16xf32> to vector<1x16xf32>
      tpu.vector_store %arg10[%swap3A_82, %swap3A_83], %swap3A_86 {strides = array<i32>} : memref<64x128xf32, #tpu.memory_space<vmem>>, vector<1x16xf32>,
      %swap3A_87 = arith.index_cast %add3A_67 : i32 to index
      %swap3A_88 = arith.constant 64 : index
      %swap3A_89 = tpu.vector_load %arg10[%swap3A_87, %swap3A_88] {strides = array<i32>} : memref<64x128xf32, #tpu.memory_space<vmem>>, vector<1x16xf32>,
      %swap3A_90 = vector.shape_cast %swap3A_89 : vector<1x16xf32> to vector<16xf32>
      %swap3A_91 = vector.shape_cast %broadcast_in_dim3A_0 : vector<16xf32> to vector<1x16xf32>
      tpu.vector_store %arg10[%swap3A_87, %swap3A_88], %swap3A_91 {strides = array<i32>} : memref<64x128xf32, #tpu.memory_space<vmem>>, vector<1x16xf32>,
      %swap3A_92 = arith.index_cast %add3A_67 : i32 to index
      %swap3A_93 = arith.constant 80 : index
      %swap3A_94 = tpu.vector_load %arg10[%swap3A_92, %swap3A_93] {strides = array<i32>} : memref<64x128xf32, #tpu.memory_space<vmem>>, vector<1x16xf32>,
      %swap3A_95 = vector.shape_cast %swap3A_94 : vector<1x16xf32> to vector<16xf32>
      %swap3A_96 = vector.shape_cast %broadcast_in_dim3A_0 : vector<16xf32> to vector<1x16xf32>
      tpu.vector_store %arg10[%swap3A_92, %swap3A_93], %swap3A_96 {strides = array<i32>} : memref<64x128xf32, #tpu.memory_space<vmem>>, vector<1x16xf32>,
      %swap3A_97 = arith.index_cast %add3A_67 : i32 to index
      %swap3A_98 = arith.constant 96 : index
      %swap3A_99 = tpu.vector_load %arg10[%swap3A_97, %swap3A_98] {strides = array<i32>} : memref<64x128xf32, #tpu.memory_space<vmem>>, vector<1x16xf32>,
      %swap3A_100 = vector.shape_cast %swap3A_99 : vector<1x16xf32> to vector<16xf32>
      %swap3A_101 = vector.shape_cast %broadcast_in_dim3A_0 : vector<16xf32> to vector<1x16xf32>
      tpu.vector_store %arg10[%swap3A_97, %swap3A_98], %swap3A_101 {strides = array<i32>} : memref<64x128xf32, #tpu.memory_space<vmem>>, vector<1x16xf32>,
      %swap3A_102 = arith.index_cast %add3A_67 : i32 to index
      %swap3A_103 = arith.constant 112 : index
      %swap3A_104 = tpu.vector_load %arg10[%swap3A_102, %swap3A_103] {strides = array<i32>} : memref<64x128xf32, #tpu.memory_space<vmem>>, vector<1x16xf32>,
      %swap3A_105 = vector.shape_cast %swap3A_104 : vector<1x16xf32> to vector<16xf32>
      %swap3A_106 = vector.shape_cast %broadcast_in_dim3A_0 : vector<16xf32> to vector<1x16xf32>
      tpu.vector_store %arg10[%swap3A_102, %swap3A_103], %swap3A_106 {strides = array<i32>} : memref<64x128xf32, #tpu.memory_space<vmem>>, vector<1x16xf32>,
    }
    %scan3A_4 = arith.constant 64 : i32
    %mul3A = arith.constant 640 : i32
    %mul3A_5 = arith.muli %arg1, %mul3A : i32
    %add3A = arith.constant 0 : i32
    %add3A_6 = arith.addi %mul3A_5, %add3A : i32
    "tpu.region"() ({
      %run_scoped3A = tpu.sem_alloc : memref<!tpu.dma_semaphore, #tpu.memory_space<semaphore_mem>>
      %dma_start3A = arith.constant 0 : i32
      %dma_start3A_63 = tpu.memref_slice %arg14[%add3A_6, %dma_start3A] : memref<10240x128xf32, #tpu.memory_space<vmem_shared>> -> memref<64x128xf32, #tpu.memory_space<vmem_shared>>
      %dma_start3A_64 = arith.constant 0 : i32
      %dma_start3A_65 = tpu.memref_slice %arg14[%add3A_6, %dma_start3A_64] : memref<10240x128xf32, #tpu.memory_space<vmem_shared>> -> memref<64x128xf32, #tpu.memory_space<vmem_shared>>
      tpu.enqueue_dma source(%arg10 : memref<64x128xf32, #tpu.memory_space<vmem>>) target(%dma_start3A_65 : memref<64x128xf32, #tpu.memory_space<vmem_shared>>) target_semaphore(%run_scoped3A : memref<!tpu.dma_semaphore, #tpu.memory_space<semaphore_mem>>)
      %dma_wait3A = arith.constant 0 : i32
      %dma_wait3A_66 = tpu.memref_slice %arg14[%add3A_6, %dma_wait3A] : memref<10240x128xf32, #tpu.memory_space<vmem_shared>> -> memref<64x128xf32, #tpu.memory_space<vmem_shared>>
      %dma_wait3A_67 = arith.constant 0 : i32
      %dma_wait3A_68 = tpu.memref_slice %arg14[%add3A_6, %dma_wait3A_67] : memref<10240x128xf32, #tpu.memory_space<vmem_shared>> -> memref<64x128xf32, #tpu.memory_space<vmem_shared>>
      tpu.wait_dma2 semaphore(%run_scoped3A : memref<!tpu.dma_semaphore, #tpu.memory_space<semaphore_mem>>) src(%arg10 : memref<64x128xf32, #tpu.memory_space<vmem>>) dst(%dma_wait3A_68 : memref<64x128xf32, #tpu.memory_space<vmem_shared>>)
      tpu.yield
    }) : () -> ()
    %mul3A_7 = arith.constant 640 : i32
    %mul3A_8 = arith.muli %arg1, %mul3A_7 : i32
    %add3A_9 = arith.constant 64 : i32
    %add3A_10 = arith.addi %mul3A_8, %add3A_9 : i32
    "tpu.region"() ({
      %run_scoped3A = tpu.sem_alloc : memref<!tpu.dma_semaphore, #tpu.memory_space<semaphore_mem>>
      %dma_start3A = arith.constant 0 : i32
      %dma_start3A_63 = tpu.memref_slice %arg14[%add3A_10, %dma_start3A] : memref<10240x128xf32, #tpu.memory_space<vmem_shared>> -> memref<64x128xf32, #tpu.memory_space<vmem_shared>>
      %dma_start3A_64 = arith.constant 0 : i32
      %dma_start3A_65 = tpu.memref_slice %arg14[%add3A_10, %dma_start3A_64] : memref<10240x128xf32, #tpu.memory_space<vmem_shared>> -> memref<64x128xf32, #tpu.memory_space<vmem_shared>>
      tpu.enqueue_dma source(%arg10 : memref<64x128xf32, #tpu.memory_space<vmem>>) target(%dma_start3A_65 : memref<64x128xf32, #tpu.memory_space<vmem_shared>>) target_semaphore(%run_scoped3A : memref<!tpu.dma_semaphore, #tpu.memory_space<semaphore_mem>>)
      %dma_wait3A = arith.constant 0 : i32
      %dma_wait3A_66 = tpu.memref_slice %arg14[%add3A_10, %dma_wait3A] : memref<10240x128xf32, #tpu.memory_space<vmem_shared>> -> memref<64x128xf32, #tpu.memory_space<vmem_shared>>
      %dma_wait3A_67 = arith.constant 0 : i32
      %dma_wait3A_68 = tpu.memref_slice %arg14[%add3A_10, %dma_wait3A_67] : memref<10240x128xf32, #tpu.memory_space<vmem_shared>> -> memref<64x128xf32, #tpu.memory_space<vmem_shared>>
      tpu.wait_dma2 semaphore(%run_scoped3A : memref<!tpu.dma_semaphore, #tpu.memory_space<semaphore_mem>>) src(%arg10 : memref<64x128xf32, #tpu.memory_space<vmem>>) dst(%dma_wait3A_68 : memref<64x128xf32, #tpu.memory_space<vmem_shared>>)
      tpu.yield
    }) : () -> ()
    %mul3A_11 = arith.constant 640 : i32
    %mul3A_12 = arith.muli %arg1, %mul3A_11 : i32
    %add3A_13 = arith.constant 128 : i32
    %add3A_14 = arith.addi %mul3A_12, %add3A_13 : i32
    "tpu.region"() ({
      %run_scoped3A = tpu.sem_alloc : memref<!tpu.dma_semaphore, #tpu.memory_space<semaphore_mem>>
      %dma_start3A = arith.constant 0 : i32
      %dma_start3A_63 = tpu.memref_slice %arg14[%add3A_14, %dma_start3A] : memref<10240x128xf32, #tpu.memory_space<vmem_shared>> -> memref<64x128xf32, #tpu.memory_space<vmem_shared>>
      %dma_start3A_64 = arith.constant 0 : i32
      %dma_start3A_65 = tpu.memref_slice %arg14[%add3A_14, %dma_start3A_64] : memref<10240x128xf32, #tpu.memory_space<vmem_shared>> -> memref<64x128xf32, #tpu.memory_space<vmem_shared>>
      tpu.enqueue_dma source(%arg10 : memref<64x128xf32, #tpu.memory_space<vmem>>) target(%dma_start3A_65 : memref<64x128xf32, #tpu.memory_space<vmem_shared>>) target_semaphore(%run_scoped3A : memref<!tpu.dma_semaphore, #tpu.memory_space<semaphore_mem>>)
      %dma_wait3A = arith.constant 0 : i32
      %dma_wait3A_66 = tpu.memref_slice %arg14[%add3A_14, %dma_wait3A] : memref<10240x128xf32, #tpu.memory_space<vmem_shared>> -> memref<64x128xf32, #tpu.memory_space<vmem_shared>>
      %dma_wait3A_67 = arith.constant 0 : i32
      %dma_wait3A_68 = tpu.memref_slice %arg14[%add3A_14, %dma_wait3A_67] : memref<10240x128xf32, #tpu.memory_space<vmem_shared>> -> memref<64x128xf32, #tpu.memory_space<vmem_shared>>
      tpu.wait_dma2 semaphore(%run_scoped3A : memref<!tpu.dma_semaphore, #tpu.memory_space<semaphore_mem>>) src(%arg10 : memref<64x128xf32, #tpu.memory_space<vmem>>) dst(%dma_wait3A_68 : memref<64x128xf32, #tpu.memory_space<vmem_shared>>)
      tpu.yield
    }) : () -> ()
    %mul3A_15 = arith.constant 640 : i32
    %mul3A_16 = arith.muli %arg1, %mul3A_15 : i32
    %add3A_17 = arith.constant 192 : i32
    %add3A_18 = arith.addi %mul3A_16, %add3A_17 : i32
    "tpu.region"() ({
      %run_scoped3A = tpu.sem_alloc : memref<!tpu.dma_semaphore, #tpu.memory_space<semaphore_mem>>
      %dma_start3A = arith.constant 0 : i32
      %dma_start3A_63 = tpu.memref_slice %arg14[%add3A_18, %dma_start3A] : memref<10240x128xf32, #tpu.memory_space<vmem_shared>> -> memref<64x128xf32, #tpu.memory_space<vmem_shared>>
      %dma_start3A_64 = arith.constant 0 : i32
      %dma_start3A_65 = tpu.memref_slice %arg14[%add3A_18, %dma_start3A_64] : memref<10240x128xf32, #tpu.memory_space<vmem_shared>> -> memref<64x128xf32, #tpu.memory_space<vmem_shared>>
      tpu.enqueue_dma source(%arg10 : memref<64x128xf32, #tpu.memory_space<vmem>>) target(%dma_start3A_65 : memref<64x128xf32, #tpu.memory_space<vmem_shared>>) target_semaphore(%run_scoped3A : memref<!tpu.dma_semaphore, #tpu.memory_space<semaphore_mem>>)
      %dma_wait3A = arith.constant 0 : i32
      %dma_wait3A_66 = tpu.memref_slice %arg14[%add3A_18, %dma_wait3A] : memref<10240x128xf32, #tpu.memory_space<vmem_shared>> -> memref<64x128xf32, #tpu.memory_space<vmem_shared>>
      %dma_wait3A_67 = arith.constant 0 : i32
      %dma_wait3A_68 = tpu.memref_slice %arg14[%add3A_18, %dma_wait3A_67] : memref<10240x128xf32, #tpu.memory_space<vmem_shared>> -> memref<64x128xf32, #tpu.memory_space<vmem_shared>>
      tpu.wait_dma2 semaphore(%run_scoped3A : memref<!tpu.dma_semaphore, #tpu.memory_space<semaphore_mem>>) src(%arg10 : memref<64x128xf32, #tpu.memory_space<vmem>>) dst(%dma_wait3A_68 : memref<64x128xf32, #tpu.memory_space<vmem_shared>>)
      tpu.yield
    }) : () -> ()
    %mul3A_19 = arith.constant 640 : i32
    %mul3A_20 = arith.muli %arg1, %mul3A_19 : i32
    %add3A_21 = arith.constant 256 : i32
    %add3A_22 = arith.addi %mul3A_20, %add3A_21 : i32
    "tpu.region"() ({
      %run_scoped3A = tpu.sem_alloc : memref<!tpu.dma_semaphore, #tpu.memory_space<semaphore_mem>>
      %dma_start3A = arith.constant 0 : i32
      %dma_start3A_63 = tpu.memref_slice %arg14[%add3A_22, %dma_start3A] : memref<10240x128xf32, #tpu.memory_space<vmem_shared>> -> memref<64x128xf32, #tpu.memory_space<vmem_shared>>
      %dma_start3A_64 = arith.constant 0 : i32
      %dma_start3A_65 = tpu.memref_slice %arg14[%add3A_22, %dma_start3A_64] : memref<10240x128xf32, #tpu.memory_space<vmem_shared>> -> memref<64x128xf32, #tpu.memory_space<vmem_shared>>
      tpu.enqueue_dma source(%arg10 : memref<64x128xf32, #tpu.memory_space<vmem>>) target(%dma_start3A_65 : memref<64x128xf32, #tpu.memory_space<vmem_shared>>) target_semaphore(%run_scoped3A : memref<!tpu.dma_semaphore, #tpu.memory_space<semaphore_mem>>)
      %dma_wait3A = arith.constant 0 : i32
      %dma_wait3A_66 = tpu.memref_slice %arg14[%add3A_22, %dma_wait3A] : memref<10240x128xf32, #tpu.memory_space<vmem_shared>> -> memref<64x128xf32, #tpu.memory_space<vmem_shared>>
      %dma_wait3A_67 = arith.constant 0 : i32
      %dma_wait3A_68 = tpu.memref_slice %arg14[%add3A_22, %dma_wait3A_67] : memref<10240x128xf32, #tpu.memory_space<vmem_shared>> -> memref<64x128xf32, #tpu.memory_space<vmem_shared>>
      tpu.wait_dma2 semaphore(%run_scoped3A : memref<!tpu.dma_semaphore, #tpu.memory_space<semaphore_mem>>) src(%arg10 : memref<64x128xf32, #tpu.memory_space<vmem>>) dst(%dma_wait3A_68 : memref<64x128xf32, #tpu.memory_space<vmem_shared>>)
      tpu.yield
    }) : () -> ()
    %mul3A_23 = arith.constant 640 : i32
    %mul3A_24 = arith.muli %arg1, %mul3A_23 : i32
    %add3A_25 = arith.constant 320 : i32
    %add3A_26 = arith.addi %mul3A_24, %add3A_25 : i32
    "tpu.region"() ({
      %run_scoped3A = tpu.sem_alloc : memref<!tpu.dma_semaphore, #tpu.memory_space<semaphore_mem>>
      %dma_start3A = arith.constant 0 : i32
      %dma_start3A_63 = tpu.memref_slice %arg14[%add3A_26, %dma_start3A] : memref<10240x128xf32, #tpu.memory_space<vmem_shared>> -> memref<64x128xf32, #tpu.memory_space<vmem_shared>>
      %dma_start3A_64 = arith.constant 0 : i32
      %dma_start3A_65 = tpu.memref_slice %arg14[%add3A_26, %dma_start3A_64] : memref<10240x128xf32, #tpu.memory_space<vmem_shared>> -> memref<64x128xf32, #tpu.memory_space<vmem_shared>>
      tpu.enqueue_dma source(%arg10 : memref<64x128xf32, #tpu.memory_space<vmem>>) target(%dma_start3A_65 : memref<64x128xf32, #tpu.memory_space<vmem_shared>>) target_semaphore(%run_scoped3A : memref<!tpu.dma_semaphore, #tpu.memory_space<semaphore_mem>>)
      %dma_wait3A = arith.constant 0 : i32
      %dma_wait3A_66 = tpu.memref_slice %arg14[%add3A_26, %dma_wait3A] : memref<10240x128xf32, #tpu.memory_space<vmem_shared>> -> memref<64x128xf32, #tpu.memory_space<vmem_shared>>
      %dma_wait3A_67 = arith.constant 0 : i32
      %dma_wait3A_68 = tpu.memref_slice %arg14[%add3A_26, %dma_wait3A_67] : memref<10240x128xf32, #tpu.memory_space<vmem_shared>> -> memref<64x128xf32, #tpu.memory_space<vmem_shared>>
      tpu.wait_dma2 semaphore(%run_scoped3A : memref<!tpu.dma_semaphore, #tpu.memory_space<semaphore_mem>>) src(%arg10 : memref<64x128xf32, #tpu.memory_space<vmem>>) dst(%dma_wait3A_68 : memref<64x128xf32, #tpu.memory_space<vmem_shared>>)
      tpu.yield
    }) : () -> ()
    %mul3A_27 = arith.constant 640 : i32
    %mul3A_28 = arith.muli %arg1, %mul3A_27 : i32
    %add3A_29 = arith.constant 384 : i32
    %add3A_30 = arith.addi %mul3A_28, %add3A_29 : i32
    "tpu.region"() ({
      %run_scoped3A = tpu.sem_alloc : memref<!tpu.dma_semaphore, #tpu.memory_space<semaphore_mem>>
      %dma_start3A = arith.constant 0 : i32
      %dma_start3A_63 = tpu.memref_slice %arg14[%add3A_30, %dma_start3A] : memref<10240x128xf32, #tpu.memory_space<vmem_shared>> -> memref<64x128xf32, #tpu.memory_space<vmem_shared>>
      %dma_start3A_64 = arith.constant 0 : i32
      %dma_start3A_65 = tpu.memref_slice %arg14[%add3A_30, %dma_start3A_64] : memref<10240x128xf32, #tpu.memory_space<vmem_shared>> -> memref<64x128xf32, #tpu.memory_space<vmem_shared>>
      tpu.enqueue_dma source(%arg10 : memref<64x128xf32, #tpu.memory_space<vmem>>) target(%dma_start3A_65 : memref<64x128xf32, #tpu.memory_space<vmem_shared>>) target_semaphore(%run_scoped3A : memref<!tpu.dma_semaphore, #tpu.memory_space<semaphore_mem>>)
      %dma_wait3A = arith.constant 0 : i32
      %dma_wait3A_66 = tpu.memref_slice %arg14[%add3A_30, %dma_wait3A] : memref<10240x128xf32, #tpu.memory_space<vmem_shared>> -> memref<64x128xf32, #tpu.memory_space<vmem_shared>>
      %dma_wait3A_67 = arith.constant 0 : i32
      %dma_wait3A_68 = tpu.memref_slice %arg14[%add3A_30, %dma_wait3A_67] : memref<10240x128xf32, #tpu.memory_space<vmem_shared>> -> memref<64x128xf32, #tpu.memory_space<vmem_shared>>
      tpu.wait_dma2 semaphore(%run_scoped3A : memref<!tpu.dma_semaphore, #tpu.memory_space<semaphore_mem>>) src(%arg10 : memref<64x128xf32, #tpu.memory_space<vmem>>) dst(%dma_wait3A_68 : memref<64x128xf32, #tpu.memory_space<vmem_shared>>)
      tpu.yield
    }) : () -> ()
    %mul3A_31 = arith.constant 640 : i32
    %mul3A_32 = arith.muli %arg1, %mul3A_31 : i32
    %add3A_33 = arith.constant 448 : i32
    %add3A_34 = arith.addi %mul3A_32, %add3A_33 : i32
    "tpu.region"() ({
      %run_scoped3A = tpu.sem_alloc : memref<!tpu.dma_semaphore, #tpu.memory_space<semaphore_mem>>
      %dma_start3A = arith.constant 0 : i32
      %dma_start3A_63 = tpu.memref_slice %arg14[%add3A_34, %dma_start3A] : memref<10240x128xf32, #tpu.memory_space<vmem_shared>> -> memref<64x128xf32, #tpu.memory_space<vmem_shared>>
      %dma_start3A_64 = arith.constant 0 : i32
      %dma_start3A_65 = tpu.memref_slice %arg14[%add3A_34, %dma_start3A_64] : memref<10240x128xf32, #tpu.memory_space<vmem_shared>> -> memref<64x128xf32, #tpu.memory_space<vmem_shared>>
      tpu.enqueue_dma source(%arg10 : memref<64x128xf32, #tpu.memory_space<vmem>>) target(%dma_start3A_65 : memref<64x128xf32, #tpu.memory_space<vmem_shared>>) target_semaphore(%run_scoped3A : memref<!tpu.dma_semaphore, #tpu.memory_space<semaphore_mem>>)
      %dma_wait3A = arith.constant 0 : i32
      %dma_wait3A_66 = tpu.memref_slice %arg14[%add3A_34, %dma_wait3A] : memref<10240x128xf32, #tpu.memory_space<vmem_shared>> -> memref<64x128xf32, #tpu.memory_space<vmem_shared>>
      %dma_wait3A_67 = arith.constant 0 : i32
      %dma_wait3A_68 = tpu.memref_slice %arg14[%add3A_34, %dma_wait3A_67] : memref<10240x128xf32, #tpu.memory_space<vmem_shared>> -> memref<64x128xf32, #tpu.memory_space<vmem_shared>>
      tpu.wait_dma2 semaphore(%run_scoped3A : memref<!tpu.dma_semaphore, #tpu.memory_space<semaphore_mem>>) src(%arg10 : memref<64x128xf32, #tpu.memory_space<vmem>>) dst(%dma_wait3A_68 : memref<64x128xf32, #tpu.memory_space<vmem_shared>>)
      tpu.yield
    }) : () -> ()
    %mul3A_35 = arith.constant 640 : i32
    %mul3A_36 = arith.muli %arg1, %mul3A_35 : i32
    %add3A_37 = arith.constant 512 : i32
    %add3A_38 = arith.addi %mul3A_36, %add3A_37 : i32
    "tpu.region"() ({
      %run_scoped3A = tpu.sem_alloc : memref<!tpu.dma_semaphore, #tpu.memory_space<semaphore_mem>>
      %dma_start3A = arith.constant 0 : i32
      %dma_start3A_63 = tpu.memref_slice %arg14[%add3A_38, %dma_start3A] : memref<10240x128xf32, #tpu.memory_space<vmem_shared>> -> memref<64x128xf32, #tpu.memory_space<vmem_shared>>
      %dma_start3A_64 = arith.constant 0 : i32
      %dma_start3A_65 = tpu.memref_slice %arg14[%add3A_38, %dma_start3A_64] : memref<10240x128xf32, #tpu.memory_space<vmem_shared>> -> memref<64x128xf32, #tpu.memory_space<vmem_shared>>
      tpu.enqueue_dma source(%arg10 : memref<64x128xf32, #tpu.memory_space<vmem>>) target(%dma_start3A_65 : memref<64x128xf32, #tpu.memory_space<vmem_shared>>) target_semaphore(%run_scoped3A : memref<!tpu.dma_semaphore, #tpu.memory_space<semaphore_mem>>)
      %dma_wait3A = arith.constant 0 : i32
      %dma_wait3A_66 = tpu.memref_slice %arg14[%add3A_38, %dma_wait3A] : memref<10240x128xf32, #tpu.memory_space<vmem_shared>> -> memref<64x128xf32, #tpu.memory_space<vmem_shared>>
      %dma_wait3A_67 = arith.constant 0 : i32
      %dma_wait3A_68 = tpu.memref_slice %arg14[%add3A_38, %dma_wait3A_67] : memref<10240x128xf32, #tpu.memory_space<vmem_shared>> -> memref<64x128xf32, #tpu.memory_space<vmem_shared>>
      tpu.wait_dma2 semaphore(%run_scoped3A : memref<!tpu.dma_semaphore, #tpu.memory_space<semaphore_mem>>) src(%arg10 : memref<64x128xf32, #tpu.memory_space<vmem>>) dst(%dma_wait3A_68 : memref<64x128xf32, #tpu.memory_space<vmem_shared>>)
      tpu.yield
    }) : () -> ()
    %mul3A_39 = arith.constant 640 : i32
    %mul3A_40 = arith.muli %arg1, %mul3A_39 : i32
    %add3A_41 = arith.constant 576 : i32
    %add3A_42 = arith.addi %mul3A_40, %add3A_41 : i32
    "tpu.region"() ({
      %run_scoped3A = tpu.sem_alloc : memref<!tpu.dma_semaphore, #tpu.memory_space<semaphore_mem>>
      %dma_start3A = arith.constant 0 : i32
      %dma_start3A_63 = tpu.memref_slice %arg14[%add3A_42, %dma_start3A] : memref<10240x128xf32, #tpu.memory_space<vmem_shared>> -> memref<64x128xf32, #tpu.memory_space<vmem_shared>>
      %dma_start3A_64 = arith.constant 0 : i32
      %dma_start3A_65 = tpu.memref_slice %arg14[%add3A_42, %dma_start3A_64] : memref<10240x128xf32, #tpu.memory_space<vmem_shared>> -> memref<64x128xf32, #tpu.memory_space<vmem_shared>>
      tpu.enqueue_dma source(%arg10 : memref<64x128xf32, #tpu.memory_space<vmem>>) target(%dma_start3A_65 : memref<64x128xf32, #tpu.memory_space<vmem_shared>>) target_semaphore(%run_scoped3A : memref<!tpu.dma_semaphore, #tpu.memory_space<semaphore_mem>>)
      %dma_wait3A = arith.constant 0 : i32
      %dma_wait3A_66 = tpu.memref_slice %arg14[%add3A_42, %dma_wait3A] : memref<10240x128xf32, #tpu.memory_space<vmem_shared>> -> memref<64x128xf32, #tpu.memory_space<vmem_shared>>
      %dma_wait3A_67 = arith.constant 0 : i32
      %dma_wait3A_68 = tpu.memref_slice %arg14[%add3A_42, %dma_wait3A_67] : memref<10240x128xf32, #tpu.memory_space<vmem_shared>> -> memref<64x128xf32, #tpu.memory_space<vmem_shared>>
      tpu.wait_dma2 semaphore(%run_scoped3A : memref<!tpu.dma_semaphore, #tpu.memory_space<semaphore_mem>>) src(%arg10 : memref<64x128xf32, #tpu.memory_space<vmem>>) dst(%dma_wait3A_68 : memref<64x128xf32, #tpu.memory_space<vmem_shared>>)
      tpu.yield
    }) : () -> ()
    %barrier3A = arith.constant 0 : index
    tpu.barrier barrier_id(%barrier3A)
    %eq3A = arith.constant 0 : i32
    %eq3A_43 = arith.cmpi eq, %arg0, %eq3A : i32
    %convert_element_type3A = arith.extui %eq3A_43 : i1 to i32
    %cond3A = arith.constant 0 : i32
    %cond3A_44 = arith.cmpi ne, %convert_element_type3A, %cond3A : i32
    scf.if %cond3A_44 {
      %mul3A_63 = arith.constant 80 : i32
      %mul3A_64 = arith.muli %arg1, %mul3A_63 : i32
      %add3A_65 = arith.constant 0 : i32
      %add3A_66 = arith.addi %mul3A_64, %add3A_65 : i32
      "tpu.region"() ({
        %run_scoped3A = tpu.sem_alloc : memref<!tpu.dma_semaphore, #tpu.memory_space<semaphore_mem>>
        %dma_start3A = arith.constant 0 : i32
        %dma_start3A_81 = tpu.memref_slice %arg4[%add3A_66, %dma_start3A] : memref<1280x128xi32, #tpu.memory_space<hbm>> -> memref<40x128xi32, #tpu.memory_space<hbm>>
        %dma_start3A_82 = arith.constant 0 : i32
        %dma_start3A_83 = tpu.memref_slice %arg4[%add3A_66, %dma_start3A_82] : memref<1280x128xi32, #tpu.memory_space<hbm>> -> memref<40x128xi32, #tpu.memory_space<hbm>>
        tpu.enqueue_dma source(%dma_start3A_83 : memref<40x128xi32, #tpu.memory_space<hbm>>) target(%arg8 : memref<40x128xi32, #tpu.memory_space<vmem>>) target_semaphore(%run_scoped3A : memref<!tpu.dma_semaphore, #tpu.memory_space<semaphore_mem>>)
        %dma_wait3A = arith.constant 0 : i32
        %dma_wait3A_84 = tpu.memref_slice %arg4[%add3A_66, %dma_wait3A] : memref<1280x128xi32, #tpu.memory_space<hbm>> -> memref<40x128xi32, #tpu.memory_space<hbm>>
        %dma_wait3A_85 = arith.constant 0 : i32
        %dma_wait3A_86 = tpu.memref_slice %arg4[%add3A_66, %dma_wait3A_85] : memref<1280x128xi32, #tpu.memory_space<hbm>> -> memref<40x128xi32, #tpu.memory_space<hbm>>
        tpu.wait_dma2 semaphore(%run_scoped3A : memref<!tpu.dma_semaphore, #tpu.memory_space<semaphore_mem>>) src(%dma_wait3A_86 : memref<40x128xi32, #tpu.memory_space<hbm>>) dst(%arg8 : memref<40x128xi32, #tpu.memory_space<vmem>>)
        tpu.yield
      }) : () -> ()
      "tpu.region"() ({
        %run_scoped3A = tpu.sem_alloc : memref<!tpu.dma_semaphore, #tpu.memory_space<semaphore_mem>>
        %dma_start3A = arith.constant 0 : i32
        %dma_start3A_81 = tpu.memref_slice %arg5[%add3A_66, %dma_start3A] : memref<1280x128xi32, #tpu.memory_space<hbm>> -> memref<40x128xi32, #tpu.memory_space<hbm>>
        %dma_start3A_82 = arith.constant 0 : i32
        %dma_start3A_83 = tpu.memref_slice %arg5[%add3A_66, %dma_start3A_82] : memref<1280x128xi32, #tpu.memory_space<hbm>> -> memref<40x128xi32, #tpu.memory_space<hbm>>
        tpu.enqueue_dma source(%dma_start3A_83 : memref<40x128xi32, #tpu.memory_space<hbm>>) target(%arg9 : memref<40x128xi32, #tpu.memory_space<vmem>>) target_semaphore(%run_scoped3A : memref<!tpu.dma_semaphore, #tpu.memory_space<semaphore_mem>>)
        %dma_wait3A = arith.constant 0 : i32
        %dma_wait3A_84 = tpu.memref_slice %arg5[%add3A_66, %dma_wait3A] : memref<1280x128xi32, #tpu.memory_space<hbm>> -> memref<40x128xi32, #tpu.memory_space<hbm>>
        %dma_wait3A_85 = arith.constant 0 : i32
        %dma_wait3A_86 = tpu.memref_slice %arg5[%add3A_66, %dma_wait3A_85] : memref<1280x128xi32, #tpu.memory_space<hbm>> -> memref<40x128xi32, #tpu.memory_space<hbm>>
        tpu.wait_dma2 semaphore(%run_scoped3A : memref<!tpu.dma_semaphore, #tpu.memory_space<semaphore_mem>>) src(%dma_wait3A_86 : memref<40x128xi32, #tpu.memory_space<hbm>>) dst(%arg9 : memref<40x128xi32, #tpu.memory_space<vmem>>)
        tpu.yield
      }) : () -> ()
      %scan3A_67 = arith.constant 0 : i32
      %scan3A_68 = arith.constant 20 : i32
      %scan3A_69 = arith.addi %scan3A_67, %scan3A_68 : i32
      %scan3A_70 = arith.constant 1 : i32
      scf.for %scan3A_81 = %scan3A_67 to %scan3A_69 step %scan3A_70  : i32 {
        %mul3A_82 = arith.constant 1 : i32
        %mul3A_83 = arith.muli %scan3A_81, %mul3A_82 : i32
        %add3A_84 = arith.constant 0 : i32
        %add3A_85 = arith.addi %add3A_84, %mul3A_83 : i32
        %mul3A_86 = arith.constant 2 : i32
        %mul3A_87 = arith.muli %mul3A_86, %add3A_85 : i32
        %add3A_88 = arith.constant 0 : i32
        %add3A_89 = arith.addi %mul3A_87, %add3A_88 : i32
        %dma_start3A = arith.constant 0 : i32
        %dma_start3A_90 = arith.constant 0 : i32
        %dma_start3A_91 = tpu.memref_slice %arg8[%add3A_89, %dma_start3A_90] : memref<40x128xi32, #tpu.memory_space<vmem>> -> memref<1x64xi32, #tpu.memory_space<vmem>>
        %dma_start3A_92 = tpu.memref_squeeze %dma_start3A_91 : memref<1x64xi32, #tpu.memory_space<vmem>> -> memref<64xi32, #tpu.memory_space<vmem>>
        %dma_start3A_93 = arith.constant 0 : i32
        %dma_start3A_94 = arith.constant 0 : i32
        %dma_start3A_95 = tpu.memref_slice %arg2[%dma_start3A_93, %dma_start3A_94] : memref<10000x128xf32, #tpu.memory_space<hbm>> -> memref<10000x128xf32, #tpu.memory_space<hbm>>
        %dma_start3A_96 = tpu.memref_slice %arg15[%dma_start3A] : memref<4x!tpu.dma_semaphore, #tpu.memory_space<semaphore_mem>> -> memref<1x!tpu.dma_semaphore, #tpu.memory_space<semaphore_mem>>
        %dma_start3A_97 = tpu.memref_squeeze %dma_start3A_96 : memref<1x!tpu.dma_semaphore, #tpu.memory_space<semaphore_mem>> -> memref<!tpu.dma_semaphore, #tpu.memory_space<semaphore_mem>>
        tpu.enqueue_indirect_dma source(%dma_start3A_95 : memref<10000x128xf32, #tpu.memory_space<hbm>>) target(%arg10 : memref<64x128xf32, #tpu.memory_space<vmem>>) offsets(%dma_start3A_92 : memref<64xi32, #tpu.memory_space<vmem>>) semaphore(%dma_start3A_97 : memref<!tpu.dma_semaphore, #tpu.memory_space<semaphore_mem>>)
        %add3A_98 = arith.constant 0 : i32
        %add3A_99 = arith.addi %mul3A_87, %add3A_98 : i32
        %dma_start3A_100 = arith.constant 1 : i32
        %dma_start3A_101 = arith.constant 64 : i32
        %dma_start3A_102 = tpu.memref_slice %arg8[%add3A_99, %dma_start3A_101] : memref<40x128xi32, #tpu.memory_space<vmem>> -> memref<1x64xi32, #tpu.memory_space<vmem>>
        %dma_start3A_103 = tpu.memref_squeeze %dma_start3A_102 : memref<1x64xi32, #tpu.memory_space<vmem>> -> memref<64xi32, #tpu.memory_space<vmem>>
        %dma_start3A_104 = arith.constant 0 : i32
        %dma_start3A_105 = arith.constant 0 : i32
        %dma_start3A_106 = tpu.memref_slice %arg2[%dma_start3A_104, %dma_start3A_105] : memref<10000x128xf32, #tpu.memory_space<hbm>> -> memref<10000x128xf32, #tpu.memory_space<hbm>>
        %dma_start3A_107 = tpu.memref_slice %arg15[%dma_start3A_100] : memref<4x!tpu.dma_semaphore, #tpu.memory_space<semaphore_mem>> -> memref<1x!tpu.dma_semaphore, #tpu.memory_space<semaphore_mem>>
        %dma_start3A_108 = tpu.memref_squeeze %dma_start3A_107 : memref<1x!tpu.dma_semaphore, #tpu.memory_space<semaphore_mem>> -> memref<!tpu.dma_semaphore, #tpu.memory_space<semaphore_mem>>
        tpu.enqueue_indirect_dma source(%dma_start3A_106 : memref<10000x128xf32, #tpu.memory_space<hbm>>) target(%arg11 : memref<64x128xf32, #tpu.memory_space<vmem>>) offsets(%dma_start3A_103 : memref<64xi32, #tpu.memory_space<vmem>>) semaphore(%dma_start3A_108 : memref<!tpu.dma_semaphore, #tpu.memory_space<semaphore_mem>>)
        %add3A_109 = arith.constant 1 : i32
        %add3A_110 = arith.addi %mul3A_87, %add3A_109 : i32
        %dma_start3A_111 = arith.constant 2 : i32
        %dma_start3A_112 = arith.constant 0 : i32
        %dma_start3A_113 = tpu.memref_slice %arg8[%add3A_110, %dma_start3A_112] : memref<40x128xi32, #tpu.memory_space<vmem>> -> memref<1x64xi32, #tpu.memory_space<vmem>>
        %dma_start3A_114 = tpu.memref_squeeze %dma_start3A_113 : memref<1x64xi32, #tpu.memory_space<vmem>> -> memref<64xi32, #tpu.memory_space<vmem>>
        %dma_start3A_115 = arith.constant 0 : i32
        %dma_start3A_116 = arith.constant 0 : i32
        %dma_start3A_117 = tpu.memref_slice %arg2[%dma_start3A_115, %dma_start3A_116] : memref<10000x128xf32, #tpu.memory_space<hbm>> -> memref<10000x128xf32, #tpu.memory_space<hbm>>
        %dma_start3A_118 = tpu.memref_slice %arg15[%dma_start3A_111] : memref<4x!tpu.dma_semaphore, #tpu.memory_space<semaphore_mem>> -> memref<1x!tpu.dma_semaphore, #tpu.memory_space<semaphore_mem>>
        %dma_start3A_119 = tpu.memref_squeeze %dma_start3A_118 : memref<1x!tpu.dma_semaphore, #tpu.memory_space<semaphore_mem>> -> memref<!tpu.dma_semaphore, #tpu.memory_space<semaphore_mem>>
        tpu.enqueue_indirect_dma source(%dma_start3A_117 : memref<10000x128xf32, #tpu.memory_space<hbm>>) target(%arg12 : memref<64x128xf32, #tpu.memory_space<vmem>>) offsets(%dma_start3A_114 : memref<64xi32, #tpu.memory_space<vmem>>) semaphore(%dma_start3A_119 : memref<!tpu.dma_semaphore, #tpu.memory_space<semaphore_mem>>)
        %add3A_120 = arith.constant 1 : i32
        %add3A_121 = arith.addi %mul3A_87, %add3A_120 : i32
        %dma_start3A_122 = arith.constant 3 : i32
        %dma_start3A_123 = arith.constant 64 : i32
        %dma_start3A_124 = tpu.memref_slice %arg8[%add3A_121, %dma_start3A_123] : memref<40x128xi32, #tpu.memory_space<vmem>> -> memref<1x64xi32, #tpu.memory_space<vmem>>
        %dma_start3A_125 = tpu.memref_squeeze %dma_start3A_124 : memref<1x64xi32, #tpu.memory_space<vmem>> -> memref<64xi32, #tpu.memory_space<vmem>>
        %dma_start3A_126 = arith.constant 0 : i32
        %dma_start3A_127 = arith.constant 0 : i32
        %dma_start3A_128 = tpu.memref_slice %arg2[%dma_start3A_126, %dma_start3A_127] : memref<10000x128xf32, #tpu.memory_space<hbm>> -> memref<10000x128xf32, #tpu.memory_space<hbm>>
        %dma_start3A_129 = tpu.memref_slice %arg15[%dma_start3A_122] : memref<4x!tpu.dma_semaphore, #tpu.memory_space<semaphore_mem>> -> memref<1x!tpu.dma_semaphore, #tpu.memory_space<semaphore_mem>>
        %dma_start3A_130 = tpu.memref_squeeze %dma_start3A_129 : memref<1x!tpu.dma_semaphore, #tpu.memory_space<semaphore_mem>> -> memref<!tpu.dma_semaphore, #tpu.memory_space<semaphore_mem>>
        tpu.enqueue_indirect_dma source(%dma_start3A_128 : memref<10000x128xf32, #tpu.memory_space<hbm>>) target(%arg13 : memref<64x128xf32, #tpu.memory_space<vmem>>) offsets(%dma_start3A_125 : memref<64xi32, #tpu.memory_space<vmem>>) semaphore(%dma_start3A_130 : memref<!tpu.dma_semaphore, #tpu.memory_space<semaphore_mem>>)
        %dma_wait3A = arith.constant 0 : i32
        %dma_wait3A_131 = arith.constant 0 : i32
        %dma_wait3A_132 = tpu.memref_slice %arg8[%add3A_89, %dma_wait3A_131] : memref<40x128xi32, #tpu.memory_space<vmem>> -> memref<1x64xi32, #tpu.memory_space<vmem>>
        %dma_wait3A_133 = tpu.memref_squeeze %dma_wait3A_132 : memref<1x64xi32, #tpu.memory_space<vmem>> -> memref<64xi32, #tpu.memory_space<vmem>>
        %dma_wait3A_134 = arith.constant 0 : i32
        %dma_wait3A_135 = arith.constant 0 : i32
        %dma_wait3A_136 = tpu.memref_slice %arg2[%dma_wait3A_134, %dma_wait3A_135] : memref<10000x128xf32, #tpu.memory_space<hbm>> -> memref<10000x128xf32, #tpu.memory_space<hbm>>
        %dma_wait3A_137 = tpu.memref_slice %arg15[%dma_wait3A] : memref<4x!tpu.dma_semaphore, #tpu.memory_space<semaphore_mem>> -> memref<1x!tpu.dma_semaphore, #tpu.memory_space<semaphore_mem>>
        %dma_wait3A_138 = tpu.memref_squeeze %dma_wait3A_137 : memref<1x!tpu.dma_semaphore, #tpu.memory_space<semaphore_mem>> -> memref<!tpu.dma_semaphore, #tpu.memory_space<semaphore_mem>>
        tpu.wait_indirect_dma semaphore(%dma_wait3A_138 : memref<!tpu.dma_semaphore, #tpu.memory_space<semaphore_mem>>) src(%dma_wait3A_136 : memref<10000x128xf32, #tpu.memory_space<hbm>>) dst(%arg10 : memref<64x128xf32, #tpu.memory_space<vmem>>)
        %add3A_139 = arith.constant 0 : i32
        %add3A_140 = arith.addi %mul3A_87, %add3A_139 : i32
        %dma_start3A_141 = arith.constant 0 : i32
        %dma_start3A_142 = arith.constant 0 : i32
        %dma_start3A_143 = tpu.memref_slice %arg9[%add3A_140, %dma_start3A_142] : memref<40x128xi32, #tpu.memory_space<vmem>> -> memref<1x64xi32, #tpu.memory_space<vmem>>
        %dma_start3A_144 = tpu.memref_squeeze %dma_start3A_143 : memref<1x64xi32, #tpu.memory_space<vmem>> -> memref<64xi32, #tpu.memory_space<vmem>>
        %dma_start3A_145 = arith.constant 0 : i32
        %dma_start3A_146 = arith.constant 0 : i32
        %dma_start3A_147 = tpu.memref_slice %arg14[%dma_start3A_145, %dma_start3A_146] : memref<10240x128xf32, #tpu.memory_space<vmem_shared>> -> memref<10240x128xf32, #tpu.memory_space<vmem_shared>>
        %dma_start3A_148 = tpu.memref_slice %arg16[%dma_start3A_141] : memref<4x!tpu.dma_semaphore, #tpu.memory_space<semaphore_mem>> -> memref<1x!tpu.dma_semaphore, #tpu.memory_space<semaphore_mem>>
        %dma_start3A_149 = tpu.memref_squeeze %dma_start3A_148 : memref<1x!tpu.dma_semaphore, #tpu.memory_space<semaphore_mem>> -> memref<!tpu.dma_semaphore, #tpu.memory_space<semaphore_mem>>
        tpu.enqueue_indirect_dma source(%arg10 : memref<64x128xf32, #tpu.memory_space<vmem>>) target(%dma_start3A_147 : memref<10240x128xf32, #tpu.memory_space<vmem_shared>>) offsets(%dma_start3A_144 : memref<64xi32, #tpu.memory_space<vmem>>) semaphore(%dma_start3A_149 : memref<!tpu.dma_semaphore, #tpu.memory_space<semaphore_mem>>) {add = true}
        %dma_wait3A_150 = arith.constant 1 : i32
        %dma_wait3A_151 = arith.constant 64 : i32
        %dma_wait3A_152 = tpu.memref_slice %arg8[%add3A_99, %dma_wait3A_151] : memref<40x128xi32, #tpu.memory_space<vmem>> -> memref<1x64xi32, #tpu.memory_space<vmem>>
        %dma_wait3A_153 = tpu.memref_squeeze %dma_wait3A_152 : memref<1x64xi32, #tpu.memory_space<vmem>> -> memref<64xi32, #tpu.memory_space<vmem>>
        %dma_wait3A_154 = arith.constant 0 : i32
        %dma_wait3A_155 = arith.constant 0 : i32
        %dma_wait3A_156 = tpu.memref_slice %arg2[%dma_wait3A_154, %dma_wait3A_155] : memref<10000x128xf32, #tpu.memory_space<hbm>> -> memref<10000x128xf32, #tpu.memory_space<hbm>>
        %dma_wait3A_157 = tpu.memref_slice %arg15[%dma_wait3A_150] : memref<4x!tpu.dma_semaphore, #tpu.memory_space<semaphore_mem>> -> memref<1x!tpu.dma_semaphore, #tpu.memory_space<semaphore_mem>>
        %dma_wait3A_158 = tpu.memref_squeeze %dma_wait3A_157 : memref<1x!tpu.dma_semaphore, #tpu.memory_space<semaphore_mem>> -> memref<!tpu.dma_semaphore, #tpu.memory_space<semaphore_mem>>
        tpu.wait_indirect_dma semaphore(%dma_wait3A_158 : memref<!tpu.dma_semaphore, #tpu.memory_space<semaphore_mem>>) src(%dma_wait3A_156 : memref<10000x128xf32, #tpu.memory_space<hbm>>) dst(%arg11 : memref<64x128xf32, #tpu.memory_space<vmem>>)
        %add3A_159 = arith.constant 0 : i32
        %add3A_160 = arith.addi %mul3A_87, %add3A_159 : i32
        %dma_start3A_161 = arith.constant 1 : i32
        %dma_start3A_162 = arith.constant 64 : i32
        %dma_start3A_163 = tpu.memref_slice %arg9[%add3A_160, %dma_start3A_162] : memref<40x128xi32, #tpu.memory_space<vmem>> -> memref<1x64xi32, #tpu.memory_space<vmem>>
        %dma_start3A_164 = tpu.memref_squeeze %dma_start3A_163 : memref<1x64xi32, #tpu.memory_space<vmem>> -> memref<64xi32, #tpu.memory_space<vmem>>
        %dma_start3A_165 = arith.constant 0 : i32
        %dma_start3A_166 = arith.constant 0 : i32
        %dma_start3A_167 = tpu.memref_slice %arg14[%dma_start3A_165, %dma_start3A_166] : memref<10240x128xf32, #tpu.memory_space<vmem_shared>> -> memref<10240x128xf32, #tpu.memory_space<vmem_shared>>
        %dma_start3A_168 = tpu.memref_slice %arg16[%dma_start3A_161] : memref<4x!tpu.dma_semaphore, #tpu.memory_space<semaphore_mem>> -> memref<1x!tpu.dma_semaphore, #tpu.memory_space<semaphore_mem>>
        %dma_start3A_169 = tpu.memref_squeeze %dma_start3A_168 : memref<1x!tpu.dma_semaphore, #tpu.memory_space<semaphore_mem>> -> memref<!tpu.dma_semaphore, #tpu.memory_space<semaphore_mem>>
        tpu.enqueue_indirect_dma source(%arg11 : memref<64x128xf32, #tpu.memory_space<vmem>>) target(%dma_start3A_167 : memref<10240x128xf32, #tpu.memory_space<vmem_shared>>) offsets(%dma_start3A_164 : memref<64xi32, #tpu.memory_space<vmem>>) semaphore(%dma_start3A_169 : memref<!tpu.dma_semaphore, #tpu.memory_space<semaphore_mem>>) {add = true}
        %dma_wait3A_170 = arith.constant 2 : i32
        %dma_wait3A_171 = arith.constant 0 : i32
        %dma_wait3A_172 = tpu.memref_slice %arg8[%add3A_110, %dma_wait3A_171] : memref<40x128xi32, #tpu.memory_space<vmem>> -> memref<1x64xi32, #tpu.memory_space<vmem>>
        %dma_wait3A_173 = tpu.memref_squeeze %dma_wait3A_172 : memref<1x64xi32, #tpu.memory_space<vmem>> -> memref<64xi32, #tpu.memory_space<vmem>>
        %dma_wait3A_174 = arith.constant 0 : i32
        %dma_wait3A_175 = arith.constant 0 : i32
        %dma_wait3A_176 = tpu.memref_slice %arg2[%dma_wait3A_174, %dma_wait3A_175] : memref<10000x128xf32, #tpu.memory_space<hbm>> -> memref<10000x128xf32, #tpu.memory_space<hbm>>
        %dma_wait3A_177 = tpu.memref_slice %arg15[%dma_wait3A_170] : memref<4x!tpu.dma_semaphore, #tpu.memory_space<semaphore_mem>> -> memref<1x!tpu.dma_semaphore, #tpu.memory_space<semaphore_mem>>
        %dma_wait3A_178 = tpu.memref_squeeze %dma_wait3A_177 : memref<1x!tpu.dma_semaphore, #tpu.memory_space<semaphore_mem>> -> memref<!tpu.dma_semaphore, #tpu.memory_space<semaphore_mem>>
        tpu.wait_indirect_dma semaphore(%dma_wait3A_178 : memref<!tpu.dma_semaphore, #tpu.memory_space<semaphore_mem>>) src(%dma_wait3A_176 : memref<10000x128xf32, #tpu.memory_space<hbm>>) dst(%arg12 : memref<64x128xf32, #tpu.memory_space<vmem>>)
        %add3A_179 = arith.constant 1 : i32
        %add3A_180 = arith.addi %mul3A_87, %add3A_179 : i32
        %dma_start3A_181 = arith.constant 2 : i32
        %dma_start3A_182 = arith.constant 0 : i32
        %dma_start3A_183 = tpu.memref_slice %arg9[%add3A_180, %dma_start3A_182] : memref<40x128xi32, #tpu.memory_space<vmem>> -> memref<1x64xi32, #tpu.memory_space<vmem>>
        %dma_start3A_184 = tpu.memref_squeeze %dma_start3A_183 : memref<1x64xi32, #tpu.memory_space<vmem>> -> memref<64xi32, #tpu.memory_space<vmem>>
        %dma_start3A_185 = arith.constant 0 : i32
        %dma_start3A_186 = arith.constant 0 : i32
        %dma_start3A_187 = tpu.memref_slice %arg14[%dma_start3A_185, %dma_start3A_186] : memref<10240x128xf32, #tpu.memory_space<vmem_shared>> -> memref<10240x128xf32, #tpu.memory_space<vmem_shared>>
        %dma_start3A_188 = tpu.memref_slice %arg16[%dma_start3A_181] : memref<4x!tpu.dma_semaphore, #tpu.memory_space<semaphore_mem>> -> memref<1x!tpu.dma_semaphore, #tpu.memory_space<semaphore_mem>>
        %dma_start3A_189 = tpu.memref_squeeze %dma_start3A_188 : memref<1x!tpu.dma_semaphore, #tpu.memory_space<semaphore_mem>> -> memref<!tpu.dma_semaphore, #tpu.memory_space<semaphore_mem>>
        tpu.enqueue_indirect_dma source(%arg12 : memref<64x128xf32, #tpu.memory_space<vmem>>) target(%dma_start3A_187 : memref<10240x128xf32, #tpu.memory_space<vmem_shared>>) offsets(%dma_start3A_184 : memref<64xi32, #tpu.memory_space<vmem>>) semaphore(%dma_start3A_189 : memref<!tpu.dma_semaphore, #tpu.memory_space<semaphore_mem>>) {add = true}
        %dma_wait3A_190 = arith.constant 3 : i32
        %dma_wait3A_191 = arith.constant 64 : i32
        %dma_wait3A_192 = tpu.memref_slice %arg8[%add3A_121, %dma_wait3A_191] : memref<40x128xi32, #tpu.memory_space<vmem>> -> memref<1x64xi32, #tpu.memory_space<vmem>>
        %dma_wait3A_193 = tpu.memref_squeeze %dma_wait3A_192 : memref<1x64xi32, #tpu.memory_space<vmem>> -> memref<64xi32, #tpu.memory_space<vmem>>
        %dma_wait3A_194 = arith.constant 0 : i32
        %dma_wait3A_195 = arith.constant 0 : i32
        %dma_wait3A_196 = tpu.memref_slice %arg2[%dma_wait3A_194, %dma_wait3A_195] : memref<10000x128xf32, #tpu.memory_space<hbm>> -> memref<10000x128xf32, #tpu.memory_space<hbm>>
        %dma_wait3A_197 = tpu.memref_slice %arg15[%dma_wait3A_190] : memref<4x!tpu.dma_semaphore, #tpu.memory_space<semaphore_mem>> -> memref<1x!tpu.dma_semaphore, #tpu.memory_space<semaphore_mem>>
        %dma_wait3A_198 = tpu.memref_squeeze %dma_wait3A_197 : memref<1x!tpu.dma_semaphore, #tpu.memory_space<semaphore_mem>> -> memref<!tpu.dma_semaphore, #tpu.memory_space<semaphore_mem>>
        tpu.wait_indirect_dma semaphore(%dma_wait3A_198 : memref<!tpu.dma_semaphore, #tpu.memory_space<semaphore_mem>>) src(%dma_wait3A_196 : memref<10000x128xf32, #tpu.memory_space<hbm>>) dst(%arg13 : memref<64x128xf32, #tpu.memory_space<vmem>>)
        %add3A_199 = arith.constant 1 : i32
        %add3A_200 = arith.addi %mul3A_87, %add3A_199 : i32
        %dma_start3A_201 = arith.constant 3 : i32
        %dma_start3A_202 = arith.constant 64 : i32
        %dma_start3A_203 = tpu.memref_slice %arg9[%add3A_200, %dma_start3A_202] : memref<40x128xi32, #tpu.memory_space<vmem>> -> memref<1x64xi32, #tpu.memory_space<vmem>>
        %dma_start3A_204 = tpu.memref_squeeze %dma_start3A_203 : memref<1x64xi32, #tpu.memory_space<vmem>> -> memref<64xi32, #tpu.memory_space<vmem>>
        %dma_start3A_205 = arith.constant 0 : i32
        %dma_start3A_206 = arith.constant 0 : i32
        %dma_start3A_207 = tpu.memref_slice %arg14[%dma_start3A_205, %dma_start3A_206] : memref<10240x128xf32, #tpu.memory_space<vmem_shared>> -> memref<10240x128xf32, #tpu.memory_space<vmem_shared>>
        %dma_start3A_208 = tpu.memref_slice %arg16[%dma_start3A_201] : memref<4x!tpu.dma_semaphore, #tpu.memory_space<semaphore_mem>> -> memref<1x!tpu.dma_semaphore, #tpu.memory_space<semaphore_mem>>
        %dma_start3A_209 = tpu.memref_squeeze %dma_start3A_208 : memref<1x!tpu.dma_semaphore, #tpu.memory_space<semaphore_mem>> -> memref<!tpu.dma_semaphore, #tpu.memory_space<semaphore_mem>>
        tpu.enqueue_indirect_dma source(%arg13 : memref<64x128xf32, #tpu.memory_space<vmem>>) target(%dma_start3A_207 : memref<10240x128xf32, #tpu.memory_space<vmem_shared>>) offsets(%dma_start3A_204 : memref<64xi32, #tpu.memory_space<vmem>>) semaphore(%dma_start3A_209 : memref<!tpu.dma_semaphore, #tpu.memory_space<semaphore_mem>>) {add = true}
        %dma_wait3A_210 = arith.constant 0 : i32
        %dma_wait3A_211 = arith.constant 0 : i32
        %dma_wait3A_212 = tpu.memref_slice %arg9[%add3A_140, %dma_wait3A_211] : memref<40x128xi32, #tpu.memory_space<vmem>> -> memref<1x64xi32, #tpu.memory_space<vmem>>
        %dma_wait3A_213 = tpu.memref_squeeze %dma_wait3A_212 : memref<1x64xi32, #tpu.memory_space<vmem>> -> memref<64xi32, #tpu.memory_space<vmem>>
        %dma_wait3A_214 = arith.constant 0 : i32
        %dma_wait3A_215 = arith.constant 0 : i32
        %dma_wait3A_216 = tpu.memref_slice %arg14[%dma_wait3A_214, %dma_wait3A_215] : memref<10240x128xf32, #tpu.memory_space<vmem_shared>> -> memref<10240x128xf32, #tpu.memory_space<vmem_shared>>
        %dma_wait3A_217 = tpu.memref_slice %arg16[%dma_wait3A_210] : memref<4x!tpu.dma_semaphore, #tpu.memory_space<semaphore_mem>> -> memref<1x!tpu.dma_semaphore, #tpu.memory_space<semaphore_mem>>
        %dma_wait3A_218 = tpu.memref_squeeze %dma_wait3A_217 : memref<1x!tpu.dma_semaphore, #tpu.memory_space<semaphore_mem>> -> memref<!tpu.dma_semaphore, #tpu.memory_space<semaphore_mem>>
        tpu.wait_indirect_dma semaphore(%dma_wait3A_218 : memref<!tpu.dma_semaphore, #tpu.memory_space<semaphore_mem>>) src(%arg10 : memref<64x128xf32, #tpu.memory_space<vmem>>) dst(%dma_wait3A_216 : memref<10240x128xf32, #tpu.memory_space<vmem_shared>>)
        %dma_wait3A_219 = arith.constant 1 : i32
        %dma_wait3A_220 = arith.constant 64 : i32
        %dma_wait3A_221 = tpu.memref_slice %arg9[%add3A_160, %dma_wait3A_220] : memref<40x128xi32, #tpu.memory_space<vmem>> -> memref<1x64xi32, #tpu.memory_space<vmem>>
        %dma_wait3A_222 = tpu.memref_squeeze %dma_wait3A_221 : memref<1x64xi32, #tpu.memory_space<vmem>> -> memref<64xi32, #tpu.memory_space<vmem>>
        %dma_wait3A_223 = arith.constant 0 : i32
        %dma_wait3A_224 = arith.constant 0 : i32
        %dma_wait3A_225 = tpu.memref_slice %arg14[%dma_wait3A_223, %dma_wait3A_224] : memref<10240x128xf32, #tpu.memory_space<vmem_shared>> -> memref<10240x128xf32, #tpu.memory_space<vmem_shared>>
        %dma_wait3A_226 = tpu.memref_slice %arg16[%dma_wait3A_219] : memref<4x!tpu.dma_semaphore, #tpu.memory_space<semaphore_mem>> -> memref<1x!tpu.dma_semaphore, #tpu.memory_space<semaphore_mem>>
        %dma_wait3A_227 = tpu.memref_squeeze %dma_wait3A_226 : memref<1x!tpu.dma_semaphore, #tpu.memory_space<semaphore_mem>> -> memref<!tpu.dma_semaphore, #tpu.memory_space<semaphore_mem>>
        tpu.wait_indirect_dma semaphore(%dma_wait3A_227 : memref<!tpu.dma_semaphore, #tpu.memory_space<semaphore_mem>>) src(%arg11 : memref<64x128xf32, #tpu.memory_space<vmem>>) dst(%dma_wait3A_225 : memref<10240x128xf32, #tpu.memory_space<vmem_shared>>)
        %dma_wait3A_228 = arith.constant 2 : i32
        %dma_wait3A_229 = arith.constant 0 : i32
        %dma_wait3A_230 = tpu.memref_slice %arg9[%add3A_180, %dma_wait3A_229] : memref<40x128xi32, #tpu.memory_space<vmem>> -> memref<1x64xi32, #tpu.memory_space<vmem>>
        %dma_wait3A_231 = tpu.memref_squeeze %dma_wait3A_230 : memref<1x64xi32, #tpu.memory_space<vmem>> -> memref<64xi32, #tpu.memory_space<vmem>>
        %dma_wait3A_232 = arith.constant 0 : i32
        %dma_wait3A_233 = arith.constant 0 : i32
        %dma_wait3A_234 = tpu.memref_slice %arg14[%dma_wait3A_232, %dma_wait3A_233] : memref<10240x128xf32, #tpu.memory_space<vmem_shared>> -> memref<10240x128xf32, #tpu.memory_space<vmem_shared>>
        %dma_wait3A_235 = tpu.memref_slice %arg16[%dma_wait3A_228] : memref<4x!tpu.dma_semaphore, #tpu.memory_space<semaphore_mem>> -> memref<1x!tpu.dma_semaphore, #tpu.memory_space<semaphore_mem>>
        %dma_wait3A_236 = tpu.memref_squeeze %dma_wait3A_235 : memref<1x!tpu.dma_semaphore, #tpu.memory_space<semaphore_mem>> -> memref<!tpu.dma_semaphore, #tpu.memory_space<semaphore_mem>>
        tpu.wait_indirect_dma semaphore(%dma_wait3A_236 : memref<!tpu.dma_semaphore, #tpu.memory_space<semaphore_mem>>) src(%arg12 : memref<64x128xf32, #tpu.memory_space<vmem>>) dst(%dma_wait3A_234 : memref<10240x128xf32, #tpu.memory_space<vmem_shared>>)
        %dma_wait3A_237 = arith.constant 3 : i32
        %dma_wait3A_238 = arith.constant 64 : i32
        %dma_wait3A_239 = tpu.memref_slice %arg9[%add3A_200, %dma_wait3A_238] : memref<40x128xi32, #tpu.memory_space<vmem>> -> memref<1x64xi32, #tpu.memory_space<vmem>>
        %dma_wait3A_240 = tpu.memref_squeeze %dma_wait3A_239 : memref<1x64xi32, #tpu.memory_space<vmem>> -> memref<64xi32, #tpu.memory_space<vmem>>
        %dma_wait3A_241 = arith.constant 0 : i32
        %dma_wait3A_242 = arith.constant 0 : i32
        %dma_wait3A_243 = tpu.memref_slice %arg14[%dma_wait3A_241, %dma_wait3A_242] : memref<10240x128xf32, #tpu.memory_space<vmem_shared>> -> memref<10240x128xf32, #tpu.memory_space<vmem_shared>>
        %dma_wait3A_244 = tpu.memref_slice %arg16[%dma_wait3A_237] : memref<4x!tpu.dma_semaphore, #tpu.memory_space<semaphore_mem>> -> memref<1x!tpu.dma_semaphore, #tpu.memory_space<semaphore_mem>>
        %dma_wait3A_245 = tpu.memref_squeeze %dma_wait3A_244 : memref<1x!tpu.dma_semaphore, #tpu.memory_space<semaphore_mem>> -> memref<!tpu.dma_semaphore, #tpu.memory_space<semaphore_mem>>
        tpu.wait_indirect_dma semaphore(%dma_wait3A_245 : memref<!tpu.dma_semaphore, #tpu.memory_space<semaphore_mem>>) src(%arg13 : memref<64x128xf32, #tpu.memory_space<vmem>>) dst(%dma_wait3A_243 : memref<10240x128xf32, #tpu.memory_space<vmem_shared>>)
      }
      %scan3A_71 = arith.constant 20 : i32
      %mul3A_72 = arith.constant 80 : i32
      %mul3A_73 = arith.muli %arg1, %mul3A_72 : i32
      %add3A_74 = arith.constant 40 : i32
      %add3A_75 = arith.addi %mul3A_73, %add3A_74 : i32
      "tpu.region"() ({
        %run_scoped3A = tpu.sem_alloc : memref<!tpu.dma_semaphore, #tpu.memory_space<semaphore_mem>>
        %dma_start3A = arith.constant 0 : i32
        %dma_start3A_81 = tpu.memref_slice %arg4[%add3A_75, %dma_start3A] : memref<1280x128xi32, #tpu.memory_space<hbm>> -> memref<40x128xi32, #tpu.memory_space<hbm>>
        %dma_start3A_82 = arith.constant 0 : i32
        %dma_start3A_83 = tpu.memref_slice %arg4[%add3A_75, %dma_start3A_82] : memref<1280x128xi32, #tpu.memory_space<hbm>> -> memref<40x128xi32, #tpu.memory_space<hbm>>
        tpu.enqueue_dma source(%dma_start3A_83 : memref<40x128xi32, #tpu.memory_space<hbm>>) target(%arg8 : memref<40x128xi32, #tpu.memory_space<vmem>>) target_semaphore(%run_scoped3A : memref<!tpu.dma_semaphore, #tpu.memory_space<semaphore_mem>>)
        %dma_wait3A = arith.constant 0 : i32
        %dma_wait3A_84 = tpu.memref_slice %arg4[%add3A_75, %dma_wait3A] : memref<1280x128xi32, #tpu.memory_space<hbm>> -> memref<40x128xi32, #tpu.memory_space<hbm>>
        %dma_wait3A_85 = arith.constant 0 : i32
        %dma_wait3A_86 = tpu.memref_slice %arg4[%add3A_75, %dma_wait3A_85] : memref<1280x128xi32, #tpu.memory_space<hbm>> -> memref<40x128xi32, #tpu.memory_space<hbm>>
        tpu.wait_dma2 semaphore(%run_scoped3A : memref<!tpu.dma_semaphore, #tpu.memory_space<semaphore_mem>>) src(%dma_wait3A_86 : memref<40x128xi32, #tpu.memory_space<hbm>>) dst(%arg8 : memref<40x128xi32, #tpu.memory_space<vmem>>)
        tpu.yield
      }) : () -> ()
      "tpu.region"() ({
        %run_scoped3A = tpu.sem_alloc : memref<!tpu.dma_semaphore, #tpu.memory_space<semaphore_mem>>
        %dma_start3A = arith.constant 0 : i32
        %dma_start3A_81 = tpu.memref_slice %arg5[%add3A_75, %dma_start3A] : memref<1280x128xi32, #tpu.memory_space<hbm>> -> memref<40x128xi32, #tpu.memory_space<hbm>>
        %dma_start3A_82 = arith.constant 0 : i32
        %dma_start3A_83 = tpu.memref_slice %arg5[%add3A_75, %dma_start3A_82] : memref<1280x128xi32, #tpu.memory_space<hbm>> -> memref<40x128xi32, #tpu.memory_space<hbm>>
        tpu.enqueue_dma source(%dma_start3A_83 : memref<40x128xi32, #tpu.memory_space<hbm>>) target(%arg9 : memref<40x128xi32, #tpu.memory_space<vmem>>) target_semaphore(%run_scoped3A : memref<!tpu.dma_semaphore, #tpu.memory_space<semaphore_mem>>)
        %dma_wait3A = arith.constant 0 : i32
        %dma_wait3A_84 = tpu.memref_slice %arg5[%add3A_75, %dma_wait3A] : memref<1280x128xi32, #tpu.memory_space<hbm>> -> memref<40x128xi32, #tpu.memory_space<hbm>>
        %dma_wait3A_85 = arith.constant 0 : i32
        %dma_wait3A_86 = tpu.memref_slice %arg5[%add3A_75, %dma_wait3A_85] : memref<1280x128xi32, #tpu.memory_space<hbm>> -> memref<40x128xi32, #tpu.memory_space<hbm>>
        tpu.wait_dma2 semaphore(%run_scoped3A : memref<!tpu.dma_semaphore, #tpu.memory_space<semaphore_mem>>) src(%dma_wait3A_86 : memref<40x128xi32, #tpu.memory_space<hbm>>) dst(%arg9 : memref<40x128xi32, #tpu.memory_space<vmem>>)
        tpu.yield
      }) : () -> ()
      %scan3A_76 = arith.constant 0 : i32
      %scan3A_77 = arith.constant 20 : i32
      %scan3A_78 = arith.addi %scan3A_76, %scan3A_77 : i32
      %scan3A_79 = arith.constant 1 : i32
      scf.for %scan3A_81 = %scan3A_76 to %scan3A_78 step %scan3A_79  : i32 {
        %mul3A_82 = arith.constant 1 : i32
        %mul3A_83 = arith.muli %scan3A_81, %mul3A_82 : i32
        %add3A_84 = arith.constant 0 : i32
        %add3A_85 = arith.addi %add3A_84, %mul3A_83 : i32
        %mul3A_86 = arith.constant 2 : i32
        %mul3A_87 = arith.muli %mul3A_86, %add3A_85 : i32
        %add3A_88 = arith.constant 0 : i32
        %add3A_89 = arith.addi %mul3A_87, %add3A_88 : i32
        %dma_start3A = arith.constant 0 : i32
        %dma_start3A_90 = arith.constant 0 : i32
        %dma_start3A_91 = tpu.memref_slice %arg8[%add3A_89, %dma_start3A_90] : memref<40x128xi32, #tpu.memory_space<vmem>> -> memref<1x64xi32, #tpu.memory_space<vmem>>
        %dma_start3A_92 = tpu.memref_squeeze %dma_start3A_91 : memref<1x64xi32, #tpu.memory_space<vmem>> -> memref<64xi32, #tpu.memory_space<vmem>>
        %dma_start3A_93 = arith.constant 0 : i32
        %dma_start3A_94 = arith.constant 0 : i32
        %dma_start3A_95 = tpu.memref_slice %arg2[%dma_start3A_93, %dma_start3A_94] : memref<10000x128xf32, #tpu.memory_space<hbm>> -> memref<10000x128xf32, #tpu.memory_space<hbm>>
        %dma_start3A_96 = tpu.memref_slice %arg15[%dma_start3A] : memref<4x!tpu.dma_semaphore, #tpu.memory_space<semaphore_mem>> -> memref<1x!tpu.dma_semaphore, #tpu.memory_space<semaphore_mem>>
        %dma_start3A_97 = tpu.memref_squeeze %dma_start3A_96 : memref<1x!tpu.dma_semaphore, #tpu.memory_space<semaphore_mem>> -> memref<!tpu.dma_semaphore, #tpu.memory_space<semaphore_mem>>
        tpu.enqueue_indirect_dma source(%dma_start3A_95 : memref<10000x128xf32, #tpu.memory_space<hbm>>) target(%arg10 : memref<64x128xf32, #tpu.memory_space<vmem>>) offsets(%dma_start3A_92 : memref<64xi32, #tpu.memory_space<vmem>>) semaphore(%dma_start3A_97 : memref<!tpu.dma_semaphore, #tpu.memory_space<semaphore_mem>>)
        %add3A_98 = arith.constant 0 : i32
        %add3A_99 = arith.addi %mul3A_87, %add3A_98 : i32
        %dma_start3A_100 = arith.constant 1 : i32
        %dma_start3A_101 = arith.constant 64 : i32
        %dma_start3A_102 = tpu.memref_slice %arg8[%add3A_99, %dma_start3A_101] : memref<40x128xi32, #tpu.memory_space<vmem>> -> memref<1x64xi32, #tpu.memory_space<vmem>>
        %dma_start3A_103 = tpu.memref_squeeze %dma_start3A_102 : memref<1x64xi32, #tpu.memory_space<vmem>> -> memref<64xi32, #tpu.memory_space<vmem>>
        %dma_start3A_104 = arith.constant 0 : i32
        %dma_start3A_105 = arith.constant 0 : i32
        %dma_start3A_106 = tpu.memref_slice %arg2[%dma_start3A_104, %dma_start3A_105] : memref<10000x128xf32, #tpu.memory_space<hbm>> -> memref<10000x128xf32, #tpu.memory_space<hbm>>
        %dma_start3A_107 = tpu.memref_slice %arg15[%dma_start3A_100] : memref<4x!tpu.dma_semaphore, #tpu.memory_space<semaphore_mem>> -> memref<1x!tpu.dma_semaphore, #tpu.memory_space<semaphore_mem>>
        %dma_start3A_108 = tpu.memref_squeeze %dma_start3A_107 : memref<1x!tpu.dma_semaphore, #tpu.memory_space<semaphore_mem>> -> memref<!tpu.dma_semaphore, #tpu.memory_space<semaphore_mem>>
        tpu.enqueue_indirect_dma source(%dma_start3A_106 : memref<10000x128xf32, #tpu.memory_space<hbm>>) target(%arg11 : memref<64x128xf32, #tpu.memory_space<vmem>>) offsets(%dma_start3A_103 : memref<64xi32, #tpu.memory_space<vmem>>) semaphore(%dma_start3A_108 : memref<!tpu.dma_semaphore, #tpu.memory_space<semaphore_mem>>)
        %add3A_109 = arith.constant 1 : i32
        %add3A_110 = arith.addi %mul3A_87, %add3A_109 : i32
        %dma_start3A_111 = arith.constant 2 : i32
        %dma_start3A_112 = arith.constant 0 : i32
        %dma_start3A_113 = tpu.memref_slice %arg8[%add3A_110, %dma_start3A_112] : memref<40x128xi32, #tpu.memory_space<vmem>> -> memref<1x64xi32, #tpu.memory_space<vmem>>
        %dma_start3A_114 = tpu.memref_squeeze %dma_start3A_113 : memref<1x64xi32, #tpu.memory_space<vmem>> -> memref<64xi32, #tpu.memory_space<vmem>>
        %dma_start3A_115 = arith.constant 0 : i32
        %dma_start3A_116 = arith.constant 0 : i32
        %dma_start3A_117 = tpu.memref_slice %arg2[%dma_start3A_115, %dma_start3A_116] : memref<10000x128xf32, #tpu.memory_space<hbm>> -> memref<10000x128xf32, #tpu.memory_space<hbm>>
        %dma_start3A_118 = tpu.memref_slice %arg15[%dma_start3A_111] : memref<4x!tpu.dma_semaphore, #tpu.memory_space<semaphore_mem>> -> memref<1x!tpu.dma_semaphore, #tpu.memory_space<semaphore_mem>>
        %dma_start3A_119 = tpu.memref_squeeze %dma_start3A_118 : memref<1x!tpu.dma_semaphore, #tpu.memory_space<semaphore_mem>> -> memref<!tpu.dma_semaphore, #tpu.memory_space<semaphore_mem>>
        tpu.enqueue_indirect_dma source(%dma_start3A_117 : memref<10000x128xf32, #tpu.memory_space<hbm>>) target(%arg12 : memref<64x128xf32, #tpu.memory_space<vmem>>) offsets(%dma_start3A_114 : memref<64xi32, #tpu.memory_space<vmem>>) semaphore(%dma_start3A_119 : memref<!tpu.dma_semaphore, #tpu.memory_space<semaphore_mem>>)
        %add3A_120 = arith.constant 1 : i32
        %add3A_121 = arith.addi %mul3A_87, %add3A_120 : i32
        %dma_start3A_122 = arith.constant 3 : i32
        %dma_start3A_123 = arith.constant 64 : i32
        %dma_start3A_124 = tpu.memref_slice %arg8[%add3A_121, %dma_start3A_123] : memref<40x128xi32, #tpu.memory_space<vmem>> -> memref<1x64xi32, #tpu.memory_space<vmem>>
        %dma_start3A_125 = tpu.memref_squeeze %dma_start3A_124 : memref<1x64xi32, #tpu.memory_space<vmem>> -> memref<64xi32, #tpu.memory_space<vmem>>
        %dma_start3A_126 = arith.constant 0 : i32
        %dma_start3A_127 = arith.constant 0 : i32
        %dma_start3A_128 = tpu.memref_slice %arg2[%dma_start3A_126, %dma_start3A_127] : memref<10000x128xf32, #tpu.memory_space<hbm>> -> memref<10000x128xf32, #tpu.memory_space<hbm>>
        %dma_start3A_129 = tpu.memref_slice %arg15[%dma_start3A_122] : memref<4x!tpu.dma_semaphore, #tpu.memory_space<semaphore_mem>> -> memref<1x!tpu.dma_semaphore, #tpu.memory_space<semaphore_mem>>
        %dma_start3A_130 = tpu.memref_squeeze %dma_start3A_129 : memref<1x!tpu.dma_semaphore, #tpu.memory_space<semaphore_mem>> -> memref<!tpu.dma_semaphore, #tpu.memory_space<semaphore_mem>>
        tpu.enqueue_indirect_dma source(%dma_start3A_128 : memref<10000x128xf32, #tpu.memory_space<hbm>>) target(%arg13 : memref<64x128xf32, #tpu.memory_space<vmem>>) offsets(%dma_start3A_125 : memref<64xi32, #tpu.memory_space<vmem>>) semaphore(%dma_start3A_130 : memref<!tpu.dma_semaphore, #tpu.memory_space<semaphore_mem>>)
        %dma_wait3A = arith.constant 0 : i32
        %dma_wait3A_131 = arith.constant 0 : i32
        %dma_wait3A_132 = tpu.memref_slice %arg8[%add3A_89, %dma_wait3A_131] : memref<40x128xi32, #tpu.memory_space<vmem>> -> memref<1x64xi32, #tpu.memory_space<vmem>>
        %dma_wait3A_133 = tpu.memref_squeeze %dma_wait3A_132 : memref<1x64xi32, #tpu.memory_space<vmem>> -> memref<64xi32, #tpu.memory_space<vmem>>
        %dma_wait3A_134 = arith.constant 0 : i32
        %dma_wait3A_135 = arith.constant 0 : i32
        %dma_wait3A_136 = tpu.memref_slice %arg2[%dma_wait3A_134, %dma_wait3A_135] : memref<10000x128xf32, #tpu.memory_space<hbm>> -> memref<10000x128xf32, #tpu.memory_space<hbm>>
        %dma_wait3A_137 = tpu.memref_slice %arg15[%dma_wait3A] : memref<4x!tpu.dma_semaphore, #tpu.memory_space<semaphore_mem>> -> memref<1x!tpu.dma_semaphore, #tpu.memory_space<semaphore_mem>>
        %dma_wait3A_138 = tpu.memref_squeeze %dma_wait3A_137 : memref<1x!tpu.dma_semaphore, #tpu.memory_space<semaphore_mem>> -> memref<!tpu.dma_semaphore, #tpu.memory_space<semaphore_mem>>
        tpu.wait_indirect_dma semaphore(%dma_wait3A_138 : memref<!tpu.dma_semaphore, #tpu.memory_space<semaphore_mem>>) src(%dma_wait3A_136 : memref<10000x128xf32, #tpu.memory_space<hbm>>) dst(%arg10 : memref<64x128xf32, #tpu.memory_space<vmem>>)
        %add3A_139 = arith.constant 0 : i32
        %add3A_140 = arith.addi %mul3A_87, %add3A_139 : i32
        %dma_start3A_141 = arith.constant 0 : i32
        %dma_start3A_142 = arith.constant 0 : i32
        %dma_start3A_143 = tpu.memref_slice %arg9[%add3A_140, %dma_start3A_142] : memref<40x128xi32, #tpu.memory_space<vmem>> -> memref<1x64xi32, #tpu.memory_space<vmem>>
        %dma_start3A_144 = tpu.memref_squeeze %dma_start3A_143 : memref<1x64xi32, #tpu.memory_space<vmem>> -> memref<64xi32, #tpu.memory_space<vmem>>
        %dma_start3A_145 = arith.constant 0 : i32
        %dma_start3A_146 = arith.constant 0 : i32
        %dma_start3A_147 = tpu.memref_slice %arg14[%dma_start3A_145, %dma_start3A_146] : memref<10240x128xf32, #tpu.memory_space<vmem_shared>> -> memref<10240x128xf32, #tpu.memory_space<vmem_shared>>
        %dma_start3A_148 = tpu.memref_slice %arg16[%dma_start3A_141] : memref<4x!tpu.dma_semaphore, #tpu.memory_space<semaphore_mem>> -> memref<1x!tpu.dma_semaphore, #tpu.memory_space<semaphore_mem>>
        %dma_start3A_149 = tpu.memref_squeeze %dma_start3A_148 : memref<1x!tpu.dma_semaphore, #tpu.memory_space<semaphore_mem>> -> memref<!tpu.dma_semaphore, #tpu.memory_space<semaphore_mem>>
        tpu.enqueue_indirect_dma source(%arg10 : memref<64x128xf32, #tpu.memory_space<vmem>>) target(%dma_start3A_147 : memref<10240x128xf32, #tpu.memory_space<vmem_shared>>) offsets(%dma_start3A_144 : memref<64xi32, #tpu.memory_space<vmem>>) semaphore(%dma_start3A_149 : memref<!tpu.dma_semaphore, #tpu.memory_space<semaphore_mem>>) {add = true}
        %dma_wait3A_150 = arith.constant 1 : i32
        %dma_wait3A_151 = arith.constant 64 : i32
        %dma_wait3A_152 = tpu.memref_slice %arg8[%add3A_99, %dma_wait3A_151] : memref<40x128xi32, #tpu.memory_space<vmem>> -> memref<1x64xi32, #tpu.memory_space<vmem>>
        %dma_wait3A_153 = tpu.memref_squeeze %dma_wait3A_152 : memref<1x64xi32, #tpu.memory_space<vmem>> -> memref<64xi32, #tpu.memory_space<vmem>>
        %dma_wait3A_154 = arith.constant 0 : i32
        %dma_wait3A_155 = arith.constant 0 : i32
        %dma_wait3A_156 = tpu.memref_slice %arg2[%dma_wait3A_154, %dma_wait3A_155] : memref<10000x128xf32, #tpu.memory_space<hbm>> -> memref<10000x128xf32, #tpu.memory_space<hbm>>
        %dma_wait3A_157 = tpu.memref_slice %arg15[%dma_wait3A_150] : memref<4x!tpu.dma_semaphore, #tpu.memory_space<semaphore_mem>> -> memref<1x!tpu.dma_semaphore, #tpu.memory_space<semaphore_mem>>
        %dma_wait3A_158 = tpu.memref_squeeze %dma_wait3A_157 : memref<1x!tpu.dma_semaphore, #tpu.memory_space<semaphore_mem>> -> memref<!tpu.dma_semaphore, #tpu.memory_space<semaphore_mem>>
        tpu.wait_indirect_dma semaphore(%dma_wait3A_158 : memref<!tpu.dma_semaphore, #tpu.memory_space<semaphore_mem>>) src(%dma_wait3A_156 : memref<10000x128xf32, #tpu.memory_space<hbm>>) dst(%arg11 : memref<64x128xf32, #tpu.memory_space<vmem>>)
        %add3A_159 = arith.constant 0 : i32
        %add3A_160 = arith.addi %mul3A_87, %add3A_159 : i32
        %dma_start3A_161 = arith.constant 1 : i32
        %dma_start3A_162 = arith.constant 64 : i32
        %dma_start3A_163 = tpu.memref_slice %arg9[%add3A_160, %dma_start3A_162] : memref<40x128xi32, #tpu.memory_space<vmem>> -> memref<1x64xi32, #tpu.memory_space<vmem>>
        %dma_start3A_164 = tpu.memref_squeeze %dma_start3A_163 : memref<1x64xi32, #tpu.memory_space<vmem>> -> memref<64xi32, #tpu.memory_space<vmem>>
        %dma_start3A_165 = arith.constant 0 : i32
        %dma_start3A_166 = arith.constant 0 : i32
        %dma_start3A_167 = tpu.memref_slice %arg14[%dma_start3A_165, %dma_start3A_166] : memref<10240x128xf32, #tpu.memory_space<vmem_shared>> -> memref<10240x128xf32, #tpu.memory_space<vmem_shared>>
        %dma_start3A_168 = tpu.memref_slice %arg16[%dma_start3A_161] : memref<4x!tpu.dma_semaphore, #tpu.memory_space<semaphore_mem>> -> memref<1x!tpu.dma_semaphore, #tpu.memory_space<semaphore_mem>>
        %dma_start3A_169 = tpu.memref_squeeze %dma_start3A_168 : memref<1x!tpu.dma_semaphore, #tpu.memory_space<semaphore_mem>> -> memref<!tpu.dma_semaphore, #tpu.memory_space<semaphore_mem>>
        tpu.enqueue_indirect_dma source(%arg11 : memref<64x128xf32, #tpu.memory_space<vmem>>) target(%dma_start3A_167 : memref<10240x128xf32, #tpu.memory_space<vmem_shared>>) offsets(%dma_start3A_164 : memref<64xi32, #tpu.memory_space<vmem>>) semaphore(%dma_start3A_169 : memref<!tpu.dma_semaphore, #tpu.memory_space<semaphore_mem>>) {add = true}
        %dma_wait3A_170 = arith.constant 2 : i32
        %dma_wait3A_171 = arith.constant 0 : i32
        %dma_wait3A_172 = tpu.memref_slice %arg8[%add3A_110, %dma_wait3A_171] : memref<40x128xi32, #tpu.memory_space<vmem>> -> memref<1x64xi32, #tpu.memory_space<vmem>>
        %dma_wait3A_173 = tpu.memref_squeeze %dma_wait3A_172 : memref<1x64xi32, #tpu.memory_space<vmem>> -> memref<64xi32, #tpu.memory_space<vmem>>
        %dma_wait3A_174 = arith.constant 0 : i32
        %dma_wait3A_175 = arith.constant 0 : i32
        %dma_wait3A_176 = tpu.memref_slice %arg2[%dma_wait3A_174, %dma_wait3A_175] : memref<10000x128xf32, #tpu.memory_space<hbm>> -> memref<10000x128xf32, #tpu.memory_space<hbm>>
        %dma_wait3A_177 = tpu.memref_slice %arg15[%dma_wait3A_170] : memref<4x!tpu.dma_semaphore, #tpu.memory_space<semaphore_mem>> -> memref<1x!tpu.dma_semaphore, #tpu.memory_space<semaphore_mem>>
        %dma_wait3A_178 = tpu.memref_squeeze %dma_wait3A_177 : memref<1x!tpu.dma_semaphore, #tpu.memory_space<semaphore_mem>> -> memref<!tpu.dma_semaphore, #tpu.memory_space<semaphore_mem>>
        tpu.wait_indirect_dma semaphore(%dma_wait3A_178 : memref<!tpu.dma_semaphore, #tpu.memory_space<semaphore_mem>>) src(%dma_wait3A_176 : memref<10000x128xf32, #tpu.memory_space<hbm>>) dst(%arg12 : memref<64x128xf32, #tpu.memory_space<vmem>>)
        %add3A_179 = arith.constant 1 : i32
        %add3A_180 = arith.addi %mul3A_87, %add3A_179 : i32
        %dma_start3A_181 = arith.constant 2 : i32
        %dma_start3A_182 = arith.constant 0 : i32
        %dma_start3A_183 = tpu.memref_slice %arg9[%add3A_180, %dma_start3A_182] : memref<40x128xi32, #tpu.memory_space<vmem>> -> memref<1x64xi32, #tpu.memory_space<vmem>>
        %dma_start3A_184 = tpu.memref_squeeze %dma_start3A_183 : memref<1x64xi32, #tpu.memory_space<vmem>> -> memref<64xi32, #tpu.memory_space<vmem>>
        %dma_start3A_185 = arith.constant 0 : i32
        %dma_start3A_186 = arith.constant 0 : i32
        %dma_start3A_187 = tpu.memref_slice %arg14[%dma_start3A_185, %dma_start3A_186] : memref<10240x128xf32, #tpu.memory_space<vmem_shared>> -> memref<10240x128xf32, #tpu.memory_space<vmem_shared>>
        %dma_start3A_188 = tpu.memref_slice %arg16[%dma_start3A_181] : memref<4x!tpu.dma_semaphore, #tpu.memory_space<semaphore_mem>> -> memref<1x!tpu.dma_semaphore, #tpu.memory_space<semaphore_mem>>
        %dma_start3A_189 = tpu.memref_squeeze %dma_start3A_188 : memref<1x!tpu.dma_semaphore, #tpu.memory_space<semaphore_mem>> -> memref<!tpu.dma_semaphore, #tpu.memory_space<semaphore_mem>>
        tpu.enqueue_indirect_dma source(%arg12 : memref<64x128xf32, #tpu.memory_space<vmem>>) target(%dma_start3A_187 : memref<10240x128xf32, #tpu.memory_space<vmem_shared>>) offsets(%dma_start3A_184 : memref<64xi32, #tpu.memory_space<vmem>>) semaphore(%dma_start3A_189 : memref<!tpu.dma_semaphore, #tpu.memory_space<semaphore_mem>>) {add = true}
        %dma_wait3A_190 = arith.constant 3 : i32
        %dma_wait3A_191 = arith.constant 64 : i32
        %dma_wait3A_192 = tpu.memref_slice %arg8[%add3A_121, %dma_wait3A_191] : memref<40x128xi32, #tpu.memory_space<vmem>> -> memref<1x64xi32, #tpu.memory_space<vmem>>
        %dma_wait3A_193 = tpu.memref_squeeze %dma_wait3A_192 : memref<1x64xi32, #tpu.memory_space<vmem>> -> memref<64xi32, #tpu.memory_space<vmem>>
        %dma_wait3A_194 = arith.constant 0 : i32
        %dma_wait3A_195 = arith.constant 0 : i32
        %dma_wait3A_196 = tpu.memref_slice %arg2[%dma_wait3A_194, %dma_wait3A_195] : memref<10000x128xf32, #tpu.memory_space<hbm>> -> memref<10000x128xf32, #tpu.memory_space<hbm>>
        %dma_wait3A_197 = tpu.memref_slice %arg15[%dma_wait3A_190] : memref<4x!tpu.dma_semaphore, #tpu.memory_space<semaphore_mem>> -> memref<1x!tpu.dma_semaphore, #tpu.memory_space<semaphore_mem>>
        %dma_wait3A_198 = tpu.memref_squeeze %dma_wait3A_197 : memref<1x!tpu.dma_semaphore, #tpu.memory_space<semaphore_mem>> -> memref<!tpu.dma_semaphore, #tpu.memory_space<semaphore_mem>>
        tpu.wait_indirect_dma semaphore(%dma_wait3A_198 : memref<!tpu.dma_semaphore, #tpu.memory_space<semaphore_mem>>) src(%dma_wait3A_196 : memref<10000x128xf32, #tpu.memory_space<hbm>>) dst(%arg13 : memref<64x128xf32, #tpu.memory_space<vmem>>)
        %add3A_199 = arith.constant 1 : i32
        %add3A_200 = arith.addi %mul3A_87, %add3A_199 : i32
        %dma_start3A_201 = arith.constant 3 : i32
        %dma_start3A_202 = arith.constant 64 : i32
        %dma_start3A_203 = tpu.memref_slice %arg9[%add3A_200, %dma_start3A_202] : memref<40x128xi32, #tpu.memory_space<vmem>> -> memref<1x64xi32, #tpu.memory_space<vmem>>
        %dma_start3A_204 = tpu.memref_squeeze %dma_start3A_203 : memref<1x64xi32, #tpu.memory_space<vmem>> -> memref<64xi32, #tpu.memory_space<vmem>>
        %dma_start3A_205 = arith.constant 0 : i32
        %dma_start3A_206 = arith.constant 0 : i32
        %dma_start3A_207 = tpu.memref_slice %arg14[%dma_start3A_205, %dma_start3A_206] : memref<10240x128xf32, #tpu.memory_space<vmem_shared>> -> memref<10240x128xf32, #tpu.memory_space<vmem_shared>>
        %dma_start3A_208 = tpu.memref_slice %arg16[%dma_start3A_201] : memref<4x!tpu.dma_semaphore, #tpu.memory_space<semaphore_mem>> -> memref<1x!tpu.dma_semaphore, #tpu.memory_space<semaphore_mem>>
        %dma_start3A_209 = tpu.memref_squeeze %dma_start3A_208 : memref<1x!tpu.dma_semaphore, #tpu.memory_space<semaphore_mem>> -> memref<!tpu.dma_semaphore, #tpu.memory_space<semaphore_mem>>
        tpu.enqueue_indirect_dma source(%arg13 : memref<64x128xf32, #tpu.memory_space<vmem>>) target(%dma_start3A_207 : memref<10240x128xf32, #tpu.memory_space<vmem_shared>>) offsets(%dma_start3A_204 : memref<64xi32, #tpu.memory_space<vmem>>) semaphore(%dma_start3A_209 : memref<!tpu.dma_semaphore, #tpu.memory_space<semaphore_mem>>) {add = true}
        %dma_wait3A_210 = arith.constant 0 : i32
        %dma_wait3A_211 = arith.constant 0 : i32
        %dma_wait3A_212 = tpu.memref_slice %arg9[%add3A_140, %dma_wait3A_211] : memref<40x128xi32, #tpu.memory_space<vmem>> -> memref<1x64xi32, #tpu.memory_space<vmem>>
        %dma_wait3A_213 = tpu.memref_squeeze %dma_wait3A_212 : memref<1x64xi32, #tpu.memory_space<vmem>> -> memref<64xi32, #tpu.memory_space<vmem>>
        %dma_wait3A_214 = arith.constant 0 : i32
        %dma_wait3A_215 = arith.constant 0 : i32
        %dma_wait3A_216 = tpu.memref_slice %arg14[%dma_wait3A_214, %dma_wait3A_215] : memref<10240x128xf32, #tpu.memory_space<vmem_shared>> -> memref<10240x128xf32, #tpu.memory_space<vmem_shared>>
        %dma_wait3A_217 = tpu.memref_slice %arg16[%dma_wait3A_210] : memref<4x!tpu.dma_semaphore, #tpu.memory_space<semaphore_mem>> -> memref<1x!tpu.dma_semaphore, #tpu.memory_space<semaphore_mem>>
        %dma_wait3A_218 = tpu.memref_squeeze %dma_wait3A_217 : memref<1x!tpu.dma_semaphore, #tpu.memory_space<semaphore_mem>> -> memref<!tpu.dma_semaphore, #tpu.memory_space<semaphore_mem>>
        tpu.wait_indirect_dma semaphore(%dma_wait3A_218 : memref<!tpu.dma_semaphore, #tpu.memory_space<semaphore_mem>>) src(%arg10 : memref<64x128xf32, #tpu.memory_space<vmem>>) dst(%dma_wait3A_216 : memref<10240x128xf32, #tpu.memory_space<vmem_shared>>)
        %dma_wait3A_219 = arith.constant 1 : i32
        %dma_wait3A_220 = arith.constant 64 : i32
        %dma_wait3A_221 = tpu.memref_slice %arg9[%add3A_160, %dma_wait3A_220] : memref<40x128xi32, #tpu.memory_space<vmem>> -> memref<1x64xi32, #tpu.memory_space<vmem>>
        %dma_wait3A_222 = tpu.memref_squeeze %dma_wait3A_221 : memref<1x64xi32, #tpu.memory_space<vmem>> -> memref<64xi32, #tpu.memory_space<vmem>>
        %dma_wait3A_223 = arith.constant 0 : i32
        %dma_wait3A_224 = arith.constant 0 : i32
        %dma_wait3A_225 = tpu.memref_slice %arg14[%dma_wait3A_223, %dma_wait3A_224] : memref<10240x128xf32, #tpu.memory_space<vmem_shared>> -> memref<10240x128xf32, #tpu.memory_space<vmem_shared>>
        %dma_wait3A_226 = tpu.memref_slice %arg16[%dma_wait3A_219] : memref<4x!tpu.dma_semaphore, #tpu.memory_space<semaphore_mem>> -> memref<1x!tpu.dma_semaphore, #tpu.memory_space<semaphore_mem>>
        %dma_wait3A_227 = tpu.memref_squeeze %dma_wait3A_226 : memref<1x!tpu.dma_semaphore, #tpu.memory_space<semaphore_mem>> -> memref<!tpu.dma_semaphore, #tpu.memory_space<semaphore_mem>>
        tpu.wait_indirect_dma semaphore(%dma_wait3A_227 : memref<!tpu.dma_semaphore, #tpu.memory_space<semaphore_mem>>) src(%arg11 : memref<64x128xf32, #tpu.memory_space<vmem>>) dst(%dma_wait3A_225 : memref<10240x128xf32, #tpu.memory_space<vmem_shared>>)
        %dma_wait3A_228 = arith.constant 2 : i32
        %dma_wait3A_229 = arith.constant 0 : i32
        %dma_wait3A_230 = tpu.memref_slice %arg9[%add3A_180, %dma_wait3A_229] : memref<40x128xi32, #tpu.memory_space<vmem>> -> memref<1x64xi32, #tpu.memory_space<vmem>>
        %dma_wait3A_231 = tpu.memref_squeeze %dma_wait3A_230 : memref<1x64xi32, #tpu.memory_space<vmem>> -> memref<64xi32, #tpu.memory_space<vmem>>
        %dma_wait3A_232 = arith.constant 0 : i32
        %dma_wait3A_233 = arith.constant 0 : i32
        %dma_wait3A_234 = tpu.memref_slice %arg14[%dma_wait3A_232, %dma_wait3A_233] : memref<10240x128xf32, #tpu.memory_space<vmem_shared>> -> memref<10240x128xf32, #tpu.memory_space<vmem_shared>>
        %dma_wait3A_235 = tpu.memref_slice %arg16[%dma_wait3A_228] : memref<4x!tpu.dma_semaphore, #tpu.memory_space<semaphore_mem>> -> memref<1x!tpu.dma_semaphore, #tpu.memory_space<semaphore_mem>>
        %dma_wait3A_236 = tpu.memref_squeeze %dma_wait3A_235 : memref<1x!tpu.dma_semaphore, #tpu.memory_space<semaphore_mem>> -> memref<!tpu.dma_semaphore, #tpu.memory_space<semaphore_mem>>
        tpu.wait_indirect_dma semaphore(%dma_wait3A_236 : memref<!tpu.dma_semaphore, #tpu.memory_space<semaphore_mem>>) src(%arg12 : memref<64x128xf32, #tpu.memory_space<vmem>>) dst(%dma_wait3A_234 : memref<10240x128xf32, #tpu.memory_space<vmem_shared>>)
        %dma_wait3A_237 = arith.constant 3 : i32
        %dma_wait3A_238 = arith.constant 64 : i32
        %dma_wait3A_239 = tpu.memref_slice %arg9[%add3A_200, %dma_wait3A_238] : memref<40x128xi32, #tpu.memory_space<vmem>> -> memref<1x64xi32, #tpu.memory_space<vmem>>
        %dma_wait3A_240 = tpu.memref_squeeze %dma_wait3A_239 : memref<1x64xi32, #tpu.memory_space<vmem>> -> memref<64xi32, #tpu.memory_space<vmem>>
        %dma_wait3A_241 = arith.constant 0 : i32
        %dma_wait3A_242 = arith.constant 0 : i32
        %dma_wait3A_243 = tpu.memref_slice %arg14[%dma_wait3A_241, %dma_wait3A_242] : memref<10240x128xf32, #tpu.memory_space<vmem_shared>> -> memref<10240x128xf32, #tpu.memory_space<vmem_shared>>
        %dma_wait3A_244 = tpu.memref_slice %arg16[%dma_wait3A_237] : memref<4x!tpu.dma_semaphore, #tpu.memory_space<semaphore_mem>> -> memref<1x!tpu.dma_semaphore, #tpu.memory_space<semaphore_mem>>
        %dma_wait3A_245 = tpu.memref_squeeze %dma_wait3A_244 : memref<1x!tpu.dma_semaphore, #tpu.memory_space<semaphore_mem>> -> memref<!tpu.dma_semaphore, #tpu.memory_space<semaphore_mem>>
        tpu.wait_indirect_dma semaphore(%dma_wait3A_245 : memref<!tpu.dma_semaphore, #tpu.memory_space<semaphore_mem>>) src(%arg13 : memref<64x128xf32, #tpu.memory_space<vmem>>) dst(%dma_wait3A_243 : memref<10240x128xf32, #tpu.memory_space<vmem_shared>>)
      }
      %scan3A_80 = arith.constant 20 : i32
    } else {
    }
    %eq3A_45 = arith.constant 1 : i32
    %eq3A_46 = arith.cmpi eq, %arg0, %eq3A_45 : i32
    %convert_element_type3A_47 = arith.extui %eq3A_46 : i1 to i32
    %cond3A_48 = arith.constant 0 : i32
    %cond3A_49 = arith.cmpi ne, %convert_element_type3A_47, %cond3A_48 : i32
    scf.if %cond3A_49 {
      %mul3A_63 = arith.constant 80 : i32
      %mul3A_64 = arith.muli %arg1, %mul3A_63 : i32
      %add3A_65 = arith.constant 0 : i32
      %add3A_66 = arith.addi %mul3A_64, %add3A_65 : i32
      "tpu.region"() ({
        %run_scoped3A = tpu.sem_alloc : memref<!tpu.dma_semaphore, #tpu.memory_space<semaphore_mem>>
        %dma_start3A = arith.constant 0 : i32
        %dma_start3A_81 = tpu.memref_slice %arg4[%add3A_66, %dma_start3A] : memref<1280x128xi32, #tpu.memory_space<hbm>> -> memref<40x128xi32, #tpu.memory_space<hbm>>
        %dma_start3A_82 = arith.constant 0 : i32
        %dma_start3A_83 = tpu.memref_slice %arg4[%add3A_66, %dma_start3A_82] : memref<1280x128xi32, #tpu.memory_space<hbm>> -> memref<40x128xi32, #tpu.memory_space<hbm>>
        tpu.enqueue_dma source(%dma_start3A_83 : memref<40x128xi32, #tpu.memory_space<hbm>>) target(%arg8 : memref<40x128xi32, #tpu.memory_space<vmem>>) target_semaphore(%run_scoped3A : memref<!tpu.dma_semaphore, #tpu.memory_space<semaphore_mem>>)
        %dma_wait3A = arith.constant 0 : i32
        %dma_wait3A_84 = tpu.memref_slice %arg4[%add3A_66, %dma_wait3A] : memref<1280x128xi32, #tpu.memory_space<hbm>> -> memref<40x128xi32, #tpu.memory_space<hbm>>
        %dma_wait3A_85 = arith.constant 0 : i32
        %dma_wait3A_86 = tpu.memref_slice %arg4[%add3A_66, %dma_wait3A_85] : memref<1280x128xi32, #tpu.memory_space<hbm>> -> memref<40x128xi32, #tpu.memory_space<hbm>>
        tpu.wait_dma2 semaphore(%run_scoped3A : memref<!tpu.dma_semaphore, #tpu.memory_space<semaphore_mem>>) src(%dma_wait3A_86 : memref<40x128xi32, #tpu.memory_space<hbm>>) dst(%arg8 : memref<40x128xi32, #tpu.memory_space<vmem>>)
        tpu.yield
      }) : () -> ()
      "tpu.region"() ({
        %run_scoped3A = tpu.sem_alloc : memref<!tpu.dma_semaphore, #tpu.memory_space<semaphore_mem>>
        %dma_start3A = arith.constant 0 : i32
        %dma_start3A_81 = tpu.memref_slice %arg5[%add3A_66, %dma_start3A] : memref<1280x128xi32, #tpu.memory_space<hbm>> -> memref<40x128xi32, #tpu.memory_space<hbm>>
        %dma_start3A_82 = arith.constant 0 : i32
        %dma_start3A_83 = tpu.memref_slice %arg5[%add3A_66, %dma_start3A_82] : memref<1280x128xi32, #tpu.memory_space<hbm>> -> memref<40x128xi32, #tpu.memory_space<hbm>>
        tpu.enqueue_dma source(%dma_start3A_83 : memref<40x128xi32, #tpu.memory_space<hbm>>) target(%arg9 : memref<40x128xi32, #tpu.memory_space<vmem>>) target_semaphore(%run_scoped3A : memref<!tpu.dma_semaphore, #tpu.memory_space<semaphore_mem>>)
        %dma_wait3A = arith.constant 0 : i32
        %dma_wait3A_84 = tpu.memref_slice %arg5[%add3A_66, %dma_wait3A] : memref<1280x128xi32, #tpu.memory_space<hbm>> -> memref<40x128xi32, #tpu.memory_space<hbm>>
        %dma_wait3A_85 = arith.constant 0 : i32
        %dma_wait3A_86 = tpu.memref_slice %arg5[%add3A_66, %dma_wait3A_85] : memref<1280x128xi32, #tpu.memory_space<hbm>> -> memref<40x128xi32, #tpu.memory_space<hbm>>
        tpu.wait_dma2 semaphore(%run_scoped3A : memref<!tpu.dma_semaphore, #tpu.memory_space<semaphore_mem>>) src(%dma_wait3A_86 : memref<40x128xi32, #tpu.memory_space<hbm>>) dst(%arg9 : memref<40x128xi32, #tpu.memory_space<vmem>>)
        tpu.yield
      }) : () -> ()
      %scan3A_67 = arith.constant 0 : i32
      %scan3A_68 = arith.constant 20 : i32
      %scan3A_69 = arith.addi %scan3A_67, %scan3A_68 : i32
      %scan3A_70 = arith.constant 1 : i32
      scf.for %scan3A_81 = %scan3A_67 to %scan3A_69 step %scan3A_70  : i32 {
        %mul3A_82 = arith.constant 1 : i32
        %mul3A_83 = arith.muli %scan3A_81, %mul3A_82 : i32
        %add3A_84 = arith.constant 0 : i32
        %add3A_85 = arith.addi %add3A_84, %mul3A_83 : i32
        %mul3A_86 = arith.constant 2 : i32
        %mul3A_87 = arith.muli %mul3A_86, %add3A_85 : i32
        %add3A_88 = arith.constant 0 : i32
        %add3A_89 = arith.addi %mul3A_87, %add3A_88 : i32
        %dma_start3A = arith.constant 0 : i32
        %dma_start3A_90 = arith.constant 0 : i32
        %dma_start3A_91 = tpu.memref_slice %arg8[%add3A_89, %dma_start3A_90] : memref<40x128xi32, #tpu.memory_space<vmem>> -> memref<1x64xi32, #tpu.memory_space<vmem>>
        %dma_start3A_92 = tpu.memref_squeeze %dma_start3A_91 : memref<1x64xi32, #tpu.memory_space<vmem>> -> memref<64xi32, #tpu.memory_space<vmem>>
        %dma_start3A_93 = arith.constant 0 : i32
        %dma_start3A_94 = arith.constant 0 : i32
        %dma_start3A_95 = tpu.memref_slice %arg3[%dma_start3A_93, %dma_start3A_94] : memref<10000x128xf32, #tpu.memory_space<hbm>> -> memref<10000x128xf32, #tpu.memory_space<hbm>>
        %dma_start3A_96 = tpu.memref_slice %arg15[%dma_start3A] : memref<4x!tpu.dma_semaphore, #tpu.memory_space<semaphore_mem>> -> memref<1x!tpu.dma_semaphore, #tpu.memory_space<semaphore_mem>>
        %dma_start3A_97 = tpu.memref_squeeze %dma_start3A_96 : memref<1x!tpu.dma_semaphore, #tpu.memory_space<semaphore_mem>> -> memref<!tpu.dma_semaphore, #tpu.memory_space<semaphore_mem>>
        tpu.enqueue_indirect_dma source(%dma_start3A_95 : memref<10000x128xf32, #tpu.memory_space<hbm>>) target(%arg10 : memref<64x128xf32, #tpu.memory_space<vmem>>) offsets(%dma_start3A_92 : memref<64xi32, #tpu.memory_space<vmem>>) semaphore(%dma_start3A_97 : memref<!tpu.dma_semaphore, #tpu.memory_space<semaphore_mem>>)
        %add3A_98 = arith.constant 0 : i32
        %add3A_99 = arith.addi %mul3A_87, %add3A_98 : i32
        %dma_start3A_100 = arith.constant 1 : i32
        %dma_start3A_101 = arith.constant 64 : i32
        %dma_start3A_102 = tpu.memref_slice %arg8[%add3A_99, %dma_start3A_101] : memref<40x128xi32, #tpu.memory_space<vmem>> -> memref<1x64xi32, #tpu.memory_space<vmem>>
        %dma_start3A_103 = tpu.memref_squeeze %dma_start3A_102 : memref<1x64xi32, #tpu.memory_space<vmem>> -> memref<64xi32, #tpu.memory_space<vmem>>
        %dma_start3A_104 = arith.constant 0 : i32
        %dma_start3A_105 = arith.constant 0 : i32
        %dma_start3A_106 = tpu.memref_slice %arg3[%dma_start3A_104, %dma_start3A_105] : memref<10000x128xf32, #tpu.memory_space<hbm>> -> memref<10000x128xf32, #tpu.memory_space<hbm>>
        %dma_start3A_107 = tpu.memref_slice %arg15[%dma_start3A_100] : memref<4x!tpu.dma_semaphore, #tpu.memory_space<semaphore_mem>> -> memref<1x!tpu.dma_semaphore, #tpu.memory_space<semaphore_mem>>
        %dma_start3A_108 = tpu.memref_squeeze %dma_start3A_107 : memref<1x!tpu.dma_semaphore, #tpu.memory_space<semaphore_mem>> -> memref<!tpu.dma_semaphore, #tpu.memory_space<semaphore_mem>>
        tpu.enqueue_indirect_dma source(%dma_start3A_106 : memref<10000x128xf32, #tpu.memory_space<hbm>>) target(%arg11 : memref<64x128xf32, #tpu.memory_space<vmem>>) offsets(%dma_start3A_103 : memref<64xi32, #tpu.memory_space<vmem>>) semaphore(%dma_start3A_108 : memref<!tpu.dma_semaphore, #tpu.memory_space<semaphore_mem>>)
        %add3A_109 = arith.constant 1 : i32
        %add3A_110 = arith.addi %mul3A_87, %add3A_109 : i32
        %dma_start3A_111 = arith.constant 2 : i32
        %dma_start3A_112 = arith.constant 0 : i32
        %dma_start3A_113 = tpu.memref_slice %arg8[%add3A_110, %dma_start3A_112] : memref<40x128xi32, #tpu.memory_space<vmem>> -> memref<1x64xi32, #tpu.memory_space<vmem>>
        %dma_start3A_114 = tpu.memref_squeeze %dma_start3A_113 : memref<1x64xi32, #tpu.memory_space<vmem>> -> memref<64xi32, #tpu.memory_space<vmem>>
        %dma_start3A_115 = arith.constant 0 : i32
        %dma_start3A_116 = arith.constant 0 : i32
        %dma_start3A_117 = tpu.memref_slice %arg3[%dma_start3A_115, %dma_start3A_116] : memref<10000x128xf32, #tpu.memory_space<hbm>> -> memref<10000x128xf32, #tpu.memory_space<hbm>>
        %dma_start3A_118 = tpu.memref_slice %arg15[%dma_start3A_111] : memref<4x!tpu.dma_semaphore, #tpu.memory_space<semaphore_mem>> -> memref<1x!tpu.dma_semaphore, #tpu.memory_space<semaphore_mem>>
        %dma_start3A_119 = tpu.memref_squeeze %dma_start3A_118 : memref<1x!tpu.dma_semaphore, #tpu.memory_space<semaphore_mem>> -> memref<!tpu.dma_semaphore, #tpu.memory_space<semaphore_mem>>
        tpu.enqueue_indirect_dma source(%dma_start3A_117 : memref<10000x128xf32, #tpu.memory_space<hbm>>) target(%arg12 : memref<64x128xf32, #tpu.memory_space<vmem>>) offsets(%dma_start3A_114 : memref<64xi32, #tpu.memory_space<vmem>>) semaphore(%dma_start3A_119 : memref<!tpu.dma_semaphore, #tpu.memory_space<semaphore_mem>>)
        %add3A_120 = arith.constant 1 : i32
        %add3A_121 = arith.addi %mul3A_87, %add3A_120 : i32
        %dma_start3A_122 = arith.constant 3 : i32
        %dma_start3A_123 = arith.constant 64 : i32
        %dma_start3A_124 = tpu.memref_slice %arg8[%add3A_121, %dma_start3A_123] : memref<40x128xi32, #tpu.memory_space<vmem>> -> memref<1x64xi32, #tpu.memory_space<vmem>>
        %dma_start3A_125 = tpu.memref_squeeze %dma_start3A_124 : memref<1x64xi32, #tpu.memory_space<vmem>> -> memref<64xi32, #tpu.memory_space<vmem>>
        %dma_start3A_126 = arith.constant 0 : i32
        %dma_start3A_127 = arith.constant 0 : i32
        %dma_start3A_128 = tpu.memref_slice %arg3[%dma_start3A_126, %dma_start3A_127] : memref<10000x128xf32, #tpu.memory_space<hbm>> -> memref<10000x128xf32, #tpu.memory_space<hbm>>
        %dma_start3A_129 = tpu.memref_slice %arg15[%dma_start3A_122] : memref<4x!tpu.dma_semaphore, #tpu.memory_space<semaphore_mem>> -> memref<1x!tpu.dma_semaphore, #tpu.memory_space<semaphore_mem>>
        %dma_start3A_130 = tpu.memref_squeeze %dma_start3A_129 : memref<1x!tpu.dma_semaphore, #tpu.memory_space<semaphore_mem>> -> memref<!tpu.dma_semaphore, #tpu.memory_space<semaphore_mem>>
        tpu.enqueue_indirect_dma source(%dma_start3A_128 : memref<10000x128xf32, #tpu.memory_space<hbm>>) target(%arg13 : memref<64x128xf32, #tpu.memory_space<vmem>>) offsets(%dma_start3A_125 : memref<64xi32, #tpu.memory_space<vmem>>) semaphore(%dma_start3A_130 : memref<!tpu.dma_semaphore, #tpu.memory_space<semaphore_mem>>)
        %dma_wait3A = arith.constant 0 : i32
        %dma_wait3A_131 = arith.constant 0 : i32
        %dma_wait3A_132 = tpu.memref_slice %arg8[%add3A_89, %dma_wait3A_131] : memref<40x128xi32, #tpu.memory_space<vmem>> -> memref<1x64xi32, #tpu.memory_space<vmem>>
        %dma_wait3A_133 = tpu.memref_squeeze %dma_wait3A_132 : memref<1x64xi32, #tpu.memory_space<vmem>> -> memref<64xi32, #tpu.memory_space<vmem>>
        %dma_wait3A_134 = arith.constant 0 : i32
        %dma_wait3A_135 = arith.constant 0 : i32
        %dma_wait3A_136 = tpu.memref_slice %arg3[%dma_wait3A_134, %dma_wait3A_135] : memref<10000x128xf32, #tpu.memory_space<hbm>> -> memref<10000x128xf32, #tpu.memory_space<hbm>>
        %dma_wait3A_137 = tpu.memref_slice %arg15[%dma_wait3A] : memref<4x!tpu.dma_semaphore, #tpu.memory_space<semaphore_mem>> -> memref<1x!tpu.dma_semaphore, #tpu.memory_space<semaphore_mem>>
        %dma_wait3A_138 = tpu.memref_squeeze %dma_wait3A_137 : memref<1x!tpu.dma_semaphore, #tpu.memory_space<semaphore_mem>> -> memref<!tpu.dma_semaphore, #tpu.memory_space<semaphore_mem>>
        tpu.wait_indirect_dma semaphore(%dma_wait3A_138 : memref<!tpu.dma_semaphore, #tpu.memory_space<semaphore_mem>>) src(%dma_wait3A_136 : memref<10000x128xf32, #tpu.memory_space<hbm>>) dst(%arg10 : memref<64x128xf32, #tpu.memory_space<vmem>>)
        %add3A_139 = arith.constant 0 : i32
        %add3A_140 = arith.addi %mul3A_87, %add3A_139 : i32
        %dma_start3A_141 = arith.constant 0 : i32
        %dma_start3A_142 = arith.constant 0 : i32
        %dma_start3A_143 = tpu.memref_slice %arg9[%add3A_140, %dma_start3A_142] : memref<40x128xi32, #tpu.memory_space<vmem>> -> memref<1x64xi32, #tpu.memory_space<vmem>>
        %dma_start3A_144 = tpu.memref_squeeze %dma_start3A_143 : memref<1x64xi32, #tpu.memory_space<vmem>> -> memref<64xi32, #tpu.memory_space<vmem>>
        %dma_start3A_145 = arith.constant 0 : i32
        %dma_start3A_146 = arith.constant 0 : i32
        %dma_start3A_147 = tpu.memref_slice %arg14[%dma_start3A_145, %dma_start3A_146] : memref<10240x128xf32, #tpu.memory_space<vmem_shared>> -> memref<10240x128xf32, #tpu.memory_space<vmem_shared>>
        %dma_start3A_148 = tpu.memref_slice %arg16[%dma_start3A_141] : memref<4x!tpu.dma_semaphore, #tpu.memory_space<semaphore_mem>> -> memref<1x!tpu.dma_semaphore, #tpu.memory_space<semaphore_mem>>
        %dma_start3A_149 = tpu.memref_squeeze %dma_start3A_148 : memref<1x!tpu.dma_semaphore, #tpu.memory_space<semaphore_mem>> -> memref<!tpu.dma_semaphore, #tpu.memory_space<semaphore_mem>>
        tpu.enqueue_indirect_dma source(%arg10 : memref<64x128xf32, #tpu.memory_space<vmem>>) target(%dma_start3A_147 : memref<10240x128xf32, #tpu.memory_space<vmem_shared>>) offsets(%dma_start3A_144 : memref<64xi32, #tpu.memory_space<vmem>>) semaphore(%dma_start3A_149 : memref<!tpu.dma_semaphore, #tpu.memory_space<semaphore_mem>>) {add = true}
        %dma_wait3A_150 = arith.constant 1 : i32
        %dma_wait3A_151 = arith.constant 64 : i32
        %dma_wait3A_152 = tpu.memref_slice %arg8[%add3A_99, %dma_wait3A_151] : memref<40x128xi32, #tpu.memory_space<vmem>> -> memref<1x64xi32, #tpu.memory_space<vmem>>
        %dma_wait3A_153 = tpu.memref_squeeze %dma_wait3A_152 : memref<1x64xi32, #tpu.memory_space<vmem>> -> memref<64xi32, #tpu.memory_space<vmem>>
        %dma_wait3A_154 = arith.constant 0 : i32
        %dma_wait3A_155 = arith.constant 0 : i32
        %dma_wait3A_156 = tpu.memref_slice %arg3[%dma_wait3A_154, %dma_wait3A_155] : memref<10000x128xf32, #tpu.memory_space<hbm>> -> memref<10000x128xf32, #tpu.memory_space<hbm>>
        %dma_wait3A_157 = tpu.memref_slice %arg15[%dma_wait3A_150] : memref<4x!tpu.dma_semaphore, #tpu.memory_space<semaphore_mem>> -> memref<1x!tpu.dma_semaphore, #tpu.memory_space<semaphore_mem>>
        %dma_wait3A_158 = tpu.memref_squeeze %dma_wait3A_157 : memref<1x!tpu.dma_semaphore, #tpu.memory_space<semaphore_mem>> -> memref<!tpu.dma_semaphore, #tpu.memory_space<semaphore_mem>>
        tpu.wait_indirect_dma semaphore(%dma_wait3A_158 : memref<!tpu.dma_semaphore, #tpu.memory_space<semaphore_mem>>) src(%dma_wait3A_156 : memref<10000x128xf32, #tpu.memory_space<hbm>>) dst(%arg11 : memref<64x128xf32, #tpu.memory_space<vmem>>)
        %add3A_159 = arith.constant 0 : i32
        %add3A_160 = arith.addi %mul3A_87, %add3A_159 : i32
        %dma_start3A_161 = arith.constant 1 : i32
        %dma_start3A_162 = arith.constant 64 : i32
        %dma_start3A_163 = tpu.memref_slice %arg9[%add3A_160, %dma_start3A_162] : memref<40x128xi32, #tpu.memory_space<vmem>> -> memref<1x64xi32, #tpu.memory_space<vmem>>
        %dma_start3A_164 = tpu.memref_squeeze %dma_start3A_163 : memref<1x64xi32, #tpu.memory_space<vmem>> -> memref<64xi32, #tpu.memory_space<vmem>>
        %dma_start3A_165 = arith.constant 0 : i32
        %dma_start3A_166 = arith.constant 0 : i32
        %dma_start3A_167 = tpu.memref_slice %arg14[%dma_start3A_165, %dma_start3A_166] : memref<10240x128xf32, #tpu.memory_space<vmem_shared>> -> memref<10240x128xf32, #tpu.memory_space<vmem_shared>>
        %dma_start3A_168 = tpu.memref_slice %arg16[%dma_start3A_161] : memref<4x!tpu.dma_semaphore, #tpu.memory_space<semaphore_mem>> -> memref<1x!tpu.dma_semaphore, #tpu.memory_space<semaphore_mem>>
        %dma_start3A_169 = tpu.memref_squeeze %dma_start3A_168 : memref<1x!tpu.dma_semaphore, #tpu.memory_space<semaphore_mem>> -> memref<!tpu.dma_semaphore, #tpu.memory_space<semaphore_mem>>
        tpu.enqueue_indirect_dma source(%arg11 : memref<64x128xf32, #tpu.memory_space<vmem>>) target(%dma_start3A_167 : memref<10240x128xf32, #tpu.memory_space<vmem_shared>>) offsets(%dma_start3A_164 : memref<64xi32, #tpu.memory_space<vmem>>) semaphore(%dma_start3A_169 : memref<!tpu.dma_semaphore, #tpu.memory_space<semaphore_mem>>) {add = true}
        %dma_wait3A_170 = arith.constant 2 : i32
        %dma_wait3A_171 = arith.constant 0 : i32
        %dma_wait3A_172 = tpu.memref_slice %arg8[%add3A_110, %dma_wait3A_171] : memref<40x128xi32, #tpu.memory_space<vmem>> -> memref<1x64xi32, #tpu.memory_space<vmem>>
        %dma_wait3A_173 = tpu.memref_squeeze %dma_wait3A_172 : memref<1x64xi32, #tpu.memory_space<vmem>> -> memref<64xi32, #tpu.memory_space<vmem>>
        %dma_wait3A_174 = arith.constant 0 : i32
        %dma_wait3A_175 = arith.constant 0 : i32
        %dma_wait3A_176 = tpu.memref_slice %arg3[%dma_wait3A_174, %dma_wait3A_175] : memref<10000x128xf32, #tpu.memory_space<hbm>> -> memref<10000x128xf32, #tpu.memory_space<hbm>>
        %dma_wait3A_177 = tpu.memref_slice %arg15[%dma_wait3A_170] : memref<4x!tpu.dma_semaphore, #tpu.memory_space<semaphore_mem>> -> memref<1x!tpu.dma_semaphore, #tpu.memory_space<semaphore_mem>>
        %dma_wait3A_178 = tpu.memref_squeeze %dma_wait3A_177 : memref<1x!tpu.dma_semaphore, #tpu.memory_space<semaphore_mem>> -> memref<!tpu.dma_semaphore, #tpu.memory_space<semaphore_mem>>
        tpu.wait_indirect_dma semaphore(%dma_wait3A_178 : memref<!tpu.dma_semaphore, #tpu.memory_space<semaphore_mem>>) src(%dma_wait3A_176 : memref<10000x128xf32, #tpu.memory_space<hbm>>) dst(%arg12 : memref<64x128xf32, #tpu.memory_space<vmem>>)
        %add3A_179 = arith.constant 1 : i32
        %add3A_180 = arith.addi %mul3A_87, %add3A_179 : i32
        %dma_start3A_181 = arith.constant 2 : i32
        %dma_start3A_182 = arith.constant 0 : i32
        %dma_start3A_183 = tpu.memref_slice %arg9[%add3A_180, %dma_start3A_182] : memref<40x128xi32, #tpu.memory_space<vmem>> -> memref<1x64xi32, #tpu.memory_space<vmem>>
        %dma_start3A_184 = tpu.memref_squeeze %dma_start3A_183 : memref<1x64xi32, #tpu.memory_space<vmem>> -> memref<64xi32, #tpu.memory_space<vmem>>
        %dma_start3A_185 = arith.constant 0 : i32
        %dma_start3A_186 = arith.constant 0 : i32
        %dma_start3A_187 = tpu.memref_slice %arg14[%dma_start3A_185, %dma_start3A_186] : memref<10240x128xf32, #tpu.memory_space<vmem_shared>> -> memref<10240x128xf32, #tpu.memory_space<vmem_shared>>
        %dma_start3A_188 = tpu.memref_slice %arg16[%dma_start3A_181] : memref<4x!tpu.dma_semaphore, #tpu.memory_space<semaphore_mem>> -> memref<1x!tpu.dma_semaphore, #tpu.memory_space<semaphore_mem>>
        %dma_start3A_189 = tpu.memref_squeeze %dma_start3A_188 : memref<1x!tpu.dma_semaphore, #tpu.memory_space<semaphore_mem>> -> memref<!tpu.dma_semaphore, #tpu.memory_space<semaphore_mem>>
        tpu.enqueue_indirect_dma source(%arg12 : memref<64x128xf32, #tpu.memory_space<vmem>>) target(%dma_start3A_187 : memref<10240x128xf32, #tpu.memory_space<vmem_shared>>) offsets(%dma_start3A_184 : memref<64xi32, #tpu.memory_space<vmem>>) semaphore(%dma_start3A_189 : memref<!tpu.dma_semaphore, #tpu.memory_space<semaphore_mem>>) {add = true}
        %dma_wait3A_190 = arith.constant 3 : i32
        %dma_wait3A_191 = arith.constant 64 : i32
        %dma_wait3A_192 = tpu.memref_slice %arg8[%add3A_121, %dma_wait3A_191] : memref<40x128xi32, #tpu.memory_space<vmem>> -> memref<1x64xi32, #tpu.memory_space<vmem>>
        %dma_wait3A_193 = tpu.memref_squeeze %dma_wait3A_192 : memref<1x64xi32, #tpu.memory_space<vmem>> -> memref<64xi32, #tpu.memory_space<vmem>>
        %dma_wait3A_194 = arith.constant 0 : i32
        %dma_wait3A_195 = arith.constant 0 : i32
        %dma_wait3A_196 = tpu.memref_slice %arg3[%dma_wait3A_194, %dma_wait3A_195] : memref<10000x128xf32, #tpu.memory_space<hbm>> -> memref<10000x128xf32, #tpu.memory_space<hbm>>
        %dma_wait3A_197 = tpu.memref_slice %arg15[%dma_wait3A_190] : memref<4x!tpu.dma_semaphore, #tpu.memory_space<semaphore_mem>> -> memref<1x!tpu.dma_semaphore, #tpu.memory_space<semaphore_mem>>
        %dma_wait3A_198 = tpu.memref_squeeze %dma_wait3A_197 : memref<1x!tpu.dma_semaphore, #tpu.memory_space<semaphore_mem>> -> memref<!tpu.dma_semaphore, #tpu.memory_space<semaphore_mem>>
        tpu.wait_indirect_dma semaphore(%dma_wait3A_198 : memref<!tpu.dma_semaphore, #tpu.memory_space<semaphore_mem>>) src(%dma_wait3A_196 : memref<10000x128xf32, #tpu.memory_space<hbm>>) dst(%arg13 : memref<64x128xf32, #tpu.memory_space<vmem>>)
        %add3A_199 = arith.constant 1 : i32
        %add3A_200 = arith.addi %mul3A_87, %add3A_199 : i32
        %dma_start3A_201 = arith.constant 3 : i32
        %dma_start3A_202 = arith.constant 64 : i32
        %dma_start3A_203 = tpu.memref_slice %arg9[%add3A_200, %dma_start3A_202] : memref<40x128xi32, #tpu.memory_space<vmem>> -> memref<1x64xi32, #tpu.memory_space<vmem>>
        %dma_start3A_204 = tpu.memref_squeeze %dma_start3A_203 : memref<1x64xi32, #tpu.memory_space<vmem>> -> memref<64xi32, #tpu.memory_space<vmem>>
        %dma_start3A_205 = arith.constant 0 : i32
        %dma_start3A_206 = arith.constant 0 : i32
        %dma_start3A_207 = tpu.memref_slice %arg14[%dma_start3A_205, %dma_start3A_206] : memref<10240x128xf32, #tpu.memory_space<vmem_shared>> -> memref<10240x128xf32, #tpu.memory_space<vmem_shared>>
        %dma_start3A_208 = tpu.memref_slice %arg16[%dma_start3A_201] : memref<4x!tpu.dma_semaphore, #tpu.memory_space<semaphore_mem>> -> memref<1x!tpu.dma_semaphore, #tpu.memory_space<semaphore_mem>>
        %dma_start3A_209 = tpu.memref_squeeze %dma_start3A_208 : memref<1x!tpu.dma_semaphore, #tpu.memory_space<semaphore_mem>> -> memref<!tpu.dma_semaphore, #tpu.memory_space<semaphore_mem>>
        tpu.enqueue_indirect_dma source(%arg13 : memref<64x128xf32, #tpu.memory_space<vmem>>) target(%dma_start3A_207 : memref<10240x128xf32, #tpu.memory_space<vmem_shared>>) offsets(%dma_start3A_204 : memref<64xi32, #tpu.memory_space<vmem>>) semaphore(%dma_start3A_209 : memref<!tpu.dma_semaphore, #tpu.memory_space<semaphore_mem>>) {add = true}
        %dma_wait3A_210 = arith.constant 0 : i32
        %dma_wait3A_211 = arith.constant 0 : i32
        %dma_wait3A_212 = tpu.memref_slice %arg9[%add3A_140, %dma_wait3A_211] : memref<40x128xi32, #tpu.memory_space<vmem>> -> memref<1x64xi32, #tpu.memory_space<vmem>>
        %dma_wait3A_213 = tpu.memref_squeeze %dma_wait3A_212 : memref<1x64xi32, #tpu.memory_space<vmem>> -> memref<64xi32, #tpu.memory_space<vmem>>
        %dma_wait3A_214 = arith.constant 0 : i32
        %dma_wait3A_215 = arith.constant 0 : i32
        %dma_wait3A_216 = tpu.memref_slice %arg14[%dma_wait3A_214, %dma_wait3A_215] : memref<10240x128xf32, #tpu.memory_space<vmem_shared>> -> memref<10240x128xf32, #tpu.memory_space<vmem_shared>>
        %dma_wait3A_217 = tpu.memref_slice %arg16[%dma_wait3A_210] : memref<4x!tpu.dma_semaphore, #tpu.memory_space<semaphore_mem>> -> memref<1x!tpu.dma_semaphore, #tpu.memory_space<semaphore_mem>>
        %dma_wait3A_218 = tpu.memref_squeeze %dma_wait3A_217 : memref<1x!tpu.dma_semaphore, #tpu.memory_space<semaphore_mem>> -> memref<!tpu.dma_semaphore, #tpu.memory_space<semaphore_mem>>
        tpu.wait_indirect_dma semaphore(%dma_wait3A_218 : memref<!tpu.dma_semaphore, #tpu.memory_space<semaphore_mem>>) src(%arg10 : memref<64x128xf32, #tpu.memory_space<vmem>>) dst(%dma_wait3A_216 : memref<10240x128xf32, #tpu.memory_space<vmem_shared>>)
        %dma_wait3A_219 = arith.constant 1 : i32
        %dma_wait3A_220 = arith.constant 64 : i32
        %dma_wait3A_221 = tpu.memref_slice %arg9[%add3A_160, %dma_wait3A_220] : memref<40x128xi32, #tpu.memory_space<vmem>> -> memref<1x64xi32, #tpu.memory_space<vmem>>
        %dma_wait3A_222 = tpu.memref_squeeze %dma_wait3A_221 : memref<1x64xi32, #tpu.memory_space<vmem>> -> memref<64xi32, #tpu.memory_space<vmem>>
        %dma_wait3A_223 = arith.constant 0 : i32
        %dma_wait3A_224 = arith.constant 0 : i32
        %dma_wait3A_225 = tpu.memref_slice %arg14[%dma_wait3A_223, %dma_wait3A_224] : memref<10240x128xf32, #tpu.memory_space<vmem_shared>> -> memref<10240x128xf32, #tpu.memory_space<vmem_shared>>
        %dma_wait3A_226 = tpu.memref_slice %arg16[%dma_wait3A_219] : memref<4x!tpu.dma_semaphore, #tpu.memory_space<semaphore_mem>> -> memref<1x!tpu.dma_semaphore, #tpu.memory_space<semaphore_mem>>
        %dma_wait3A_227 = tpu.memref_squeeze %dma_wait3A_226 : memref<1x!tpu.dma_semaphore, #tpu.memory_space<semaphore_mem>> -> memref<!tpu.dma_semaphore, #tpu.memory_space<semaphore_mem>>
        tpu.wait_indirect_dma semaphore(%dma_wait3A_227 : memref<!tpu.dma_semaphore, #tpu.memory_space<semaphore_mem>>) src(%arg11 : memref<64x128xf32, #tpu.memory_space<vmem>>) dst(%dma_wait3A_225 : memref<10240x128xf32, #tpu.memory_space<vmem_shared>>)
        %dma_wait3A_228 = arith.constant 2 : i32
        %dma_wait3A_229 = arith.constant 0 : i32
        %dma_wait3A_230 = tpu.memref_slice %arg9[%add3A_180, %dma_wait3A_229] : memref<40x128xi32, #tpu.memory_space<vmem>> -> memref<1x64xi32, #tpu.memory_space<vmem>>
        %dma_wait3A_231 = tpu.memref_squeeze %dma_wait3A_230 : memref<1x64xi32, #tpu.memory_space<vmem>> -> memref<64xi32, #tpu.memory_space<vmem>>
        %dma_wait3A_232 = arith.constant 0 : i32
        %dma_wait3A_233 = arith.constant 0 : i32
        %dma_wait3A_234 = tpu.memref_slice %arg14[%dma_wait3A_232, %dma_wait3A_233] : memref<10240x128xf32, #tpu.memory_space<vmem_shared>> -> memref<10240x128xf32, #tpu.memory_space<vmem_shared>>
        %dma_wait3A_235 = tpu.memref_slice %arg16[%dma_wait3A_228] : memref<4x!tpu.dma_semaphore, #tpu.memory_space<semaphore_mem>> -> memref<1x!tpu.dma_semaphore, #tpu.memory_space<semaphore_mem>>
        %dma_wait3A_236 = tpu.memref_squeeze %dma_wait3A_235 : memref<1x!tpu.dma_semaphore, #tpu.memory_space<semaphore_mem>> -> memref<!tpu.dma_semaphore, #tpu.memory_space<semaphore_mem>>
        tpu.wait_indirect_dma semaphore(%dma_wait3A_236 : memref<!tpu.dma_semaphore, #tpu.memory_space<semaphore_mem>>) src(%arg12 : memref<64x128xf32, #tpu.memory_space<vmem>>) dst(%dma_wait3A_234 : memref<10240x128xf32, #tpu.memory_space<vmem_shared>>)
        %dma_wait3A_237 = arith.constant 3 : i32
        %dma_wait3A_238 = arith.constant 64 : i32
        %dma_wait3A_239 = tpu.memref_slice %arg9[%add3A_200, %dma_wait3A_238] : memref<40x128xi32, #tpu.memory_space<vmem>> -> memref<1x64xi32, #tpu.memory_space<vmem>>
        %dma_wait3A_240 = tpu.memref_squeeze %dma_wait3A_239 : memref<1x64xi32, #tpu.memory_space<vmem>> -> memref<64xi32, #tpu.memory_space<vmem>>
        %dma_wait3A_241 = arith.constant 0 : i32
        %dma_wait3A_242 = arith.constant 0 : i32
        %dma_wait3A_243 = tpu.memref_slice %arg14[%dma_wait3A_241, %dma_wait3A_242] : memref<10240x128xf32, #tpu.memory_space<vmem_shared>> -> memref<10240x128xf32, #tpu.memory_space<vmem_shared>>
        %dma_wait3A_244 = tpu.memref_slice %arg16[%dma_wait3A_237] : memref<4x!tpu.dma_semaphore, #tpu.memory_space<semaphore_mem>> -> memref<1x!tpu.dma_semaphore, #tpu.memory_space<semaphore_mem>>
        %dma_wait3A_245 = tpu.memref_squeeze %dma_wait3A_244 : memref<1x!tpu.dma_semaphore, #tpu.memory_space<semaphore_mem>> -> memref<!tpu.dma_semaphore, #tpu.memory_space<semaphore_mem>>
        tpu.wait_indirect_dma semaphore(%dma_wait3A_245 : memref<!tpu.dma_semaphore, #tpu.memory_space<semaphore_mem>>) src(%arg13 : memref<64x128xf32, #tpu.memory_space<vmem>>) dst(%dma_wait3A_243 : memref<10240x128xf32, #tpu.memory_space<vmem_shared>>)
      }
      %scan3A_71 = arith.constant 20 : i32
      %mul3A_72 = arith.constant 80 : i32
      %mul3A_73 = arith.muli %arg1, %mul3A_72 : i32
      %add3A_74 = arith.constant 40 : i32
      %add3A_75 = arith.addi %mul3A_73, %add3A_74 : i32
      "tpu.region"() ({
        %run_scoped3A = tpu.sem_alloc : memref<!tpu.dma_semaphore, #tpu.memory_space<semaphore_mem>>
        %dma_start3A = arith.constant 0 : i32
        %dma_start3A_81 = tpu.memref_slice %arg4[%add3A_75, %dma_start3A] : memref<1280x128xi32, #tpu.memory_space<hbm>> -> memref<40x128xi32, #tpu.memory_space<hbm>>
        %dma_start3A_82 = arith.constant 0 : i32
        %dma_start3A_83 = tpu.memref_slice %arg4[%add3A_75, %dma_start3A_82] : memref<1280x128xi32, #tpu.memory_space<hbm>> -> memref<40x128xi32, #tpu.memory_space<hbm>>
        tpu.enqueue_dma source(%dma_start3A_83 : memref<40x128xi32, #tpu.memory_space<hbm>>) target(%arg8 : memref<40x128xi32, #tpu.memory_space<vmem>>) target_semaphore(%run_scoped3A : memref<!tpu.dma_semaphore, #tpu.memory_space<semaphore_mem>>)
        %dma_wait3A = arith.constant 0 : i32
        %dma_wait3A_84 = tpu.memref_slice %arg4[%add3A_75, %dma_wait3A] : memref<1280x128xi32, #tpu.memory_space<hbm>> -> memref<40x128xi32, #tpu.memory_space<hbm>>
        %dma_wait3A_85 = arith.constant 0 : i32
        %dma_wait3A_86 = tpu.memref_slice %arg4[%add3A_75, %dma_wait3A_85] : memref<1280x128xi32, #tpu.memory_space<hbm>> -> memref<40x128xi32, #tpu.memory_space<hbm>>
        tpu.wait_dma2 semaphore(%run_scoped3A : memref<!tpu.dma_semaphore, #tpu.memory_space<semaphore_mem>>) src(%dma_wait3A_86 : memref<40x128xi32, #tpu.memory_space<hbm>>) dst(%arg8 : memref<40x128xi32, #tpu.memory_space<vmem>>)
        tpu.yield
      }) : () -> ()
      "tpu.region"() ({
        %run_scoped3A = tpu.sem_alloc : memref<!tpu.dma_semaphore, #tpu.memory_space<semaphore_mem>>
        %dma_start3A = arith.constant 0 : i32
        %dma_start3A_81 = tpu.memref_slice %arg5[%add3A_75, %dma_start3A] : memref<1280x128xi32, #tpu.memory_space<hbm>> -> memref<40x128xi32, #tpu.memory_space<hbm>>
        %dma_start3A_82 = arith.constant 0 : i32
        %dma_start3A_83 = tpu.memref_slice %arg5[%add3A_75, %dma_start3A_82] : memref<1280x128xi32, #tpu.memory_space<hbm>> -> memref<40x128xi32, #tpu.memory_space<hbm>>
        tpu.enqueue_dma source(%dma_start3A_83 : memref<40x128xi32, #tpu.memory_space<hbm>>) target(%arg9 : memref<40x128xi32, #tpu.memory_space<vmem>>) target_semaphore(%run_scoped3A : memref<!tpu.dma_semaphore, #tpu.memory_space<semaphore_mem>>)
        %dma_wait3A = arith.constant 0 : i32
        %dma_wait3A_84 = tpu.memref_slice %arg5[%add3A_75, %dma_wait3A] : memref<1280x128xi32, #tpu.memory_space<hbm>> -> memref<40x128xi32, #tpu.memory_space<hbm>>
        %dma_wait3A_85 = arith.constant 0 : i32
        %dma_wait3A_86 = tpu.memref_slice %arg5[%add3A_75, %dma_wait3A_85] : memref<1280x128xi32, #tpu.memory_space<hbm>> -> memref<40x128xi32, #tpu.memory_space<hbm>>
        tpu.wait_dma2 semaphore(%run_scoped3A : memref<!tpu.dma_semaphore, #tpu.memory_space<semaphore_mem>>) src(%dma_wait3A_86 : memref<40x128xi32, #tpu.memory_space<hbm>>) dst(%arg9 : memref<40x128xi32, #tpu.memory_space<vmem>>)
        tpu.yield
      }) : () -> ()
      %scan3A_76 = arith.constant 0 : i32
      %scan3A_77 = arith.constant 20 : i32
      %scan3A_78 = arith.addi %scan3A_76, %scan3A_77 : i32
      %scan3A_79 = arith.constant 1 : i32
      scf.for %scan3A_81 = %scan3A_76 to %scan3A_78 step %scan3A_79  : i32 {
        %mul3A_82 = arith.constant 1 : i32
        %mul3A_83 = arith.muli %scan3A_81, %mul3A_82 : i32
        %add3A_84 = arith.constant 0 : i32
        %add3A_85 = arith.addi %add3A_84, %mul3A_83 : i32
        %mul3A_86 = arith.constant 2 : i32
        %mul3A_87 = arith.muli %mul3A_86, %add3A_85 : i32
        %add3A_88 = arith.constant 0 : i32
        %add3A_89 = arith.addi %mul3A_87, %add3A_88 : i32
        %dma_start3A = arith.constant 0 : i32
        %dma_start3A_90 = arith.constant 0 : i32
        %dma_start3A_91 = tpu.memref_slice %arg8[%add3A_89, %dma_start3A_90] : memref<40x128xi32, #tpu.memory_space<vmem>> -> memref<1x64xi32, #tpu.memory_space<vmem>>
        %dma_start3A_92 = tpu.memref_squeeze %dma_start3A_91 : memref<1x64xi32, #tpu.memory_space<vmem>> -> memref<64xi32, #tpu.memory_space<vmem>>
        %dma_start3A_93 = arith.constant 0 : i32
        %dma_start3A_94 = arith.constant 0 : i32
        %dma_start3A_95 = tpu.memref_slice %arg3[%dma_start3A_93, %dma_start3A_94] : memref<10000x128xf32, #tpu.memory_space<hbm>> -> memref<10000x128xf32, #tpu.memory_space<hbm>>
        %dma_start3A_96 = tpu.memref_slice %arg15[%dma_start3A] : memref<4x!tpu.dma_semaphore, #tpu.memory_space<semaphore_mem>> -> memref<1x!tpu.dma_semaphore, #tpu.memory_space<semaphore_mem>>
        %dma_start3A_97 = tpu.memref_squeeze %dma_start3A_96 : memref<1x!tpu.dma_semaphore, #tpu.memory_space<semaphore_mem>> -> memref<!tpu.dma_semaphore, #tpu.memory_space<semaphore_mem>>
        tpu.enqueue_indirect_dma source(%dma_start3A_95 : memref<10000x128xf32, #tpu.memory_space<hbm>>) target(%arg10 : memref<64x128xf32, #tpu.memory_space<vmem>>) offsets(%dma_start3A_92 : memref<64xi32, #tpu.memory_space<vmem>>) semaphore(%dma_start3A_97 : memref<!tpu.dma_semaphore, #tpu.memory_space<semaphore_mem>>)
        %add3A_98 = arith.constant 0 : i32
        %add3A_99 = arith.addi %mul3A_87, %add3A_98 : i32
        %dma_start3A_100 = arith.constant 1 : i32
        %dma_start3A_101 = arith.constant 64 : i32
        %dma_start3A_102 = tpu.memref_slice %arg8[%add3A_99, %dma_start3A_101] : memref<40x128xi32, #tpu.memory_space<vmem>> -> memref<1x64xi32, #tpu.memory_space<vmem>>
        %dma_start3A_103 = tpu.memref_squeeze %dma_start3A_102 : memref<1x64xi32, #tpu.memory_space<vmem>> -> memref<64xi32, #tpu.memory_space<vmem>>
        %dma_start3A_104 = arith.constant 0 : i32
        %dma_start3A_105 = arith.constant 0 : i32
        %dma_start3A_106 = tpu.memref_slice %arg3[%dma_start3A_104, %dma_start3A_105] : memref<10000x128xf32, #tpu.memory_space<hbm>> -> memref<10000x128xf32, #tpu.memory_space<hbm>>
        %dma_start3A_107 = tpu.memref_slice %arg15[%dma_start3A_100] : memref<4x!tpu.dma_semaphore, #tpu.memory_space<semaphore_mem>> -> memref<1x!tpu.dma_semaphore, #tpu.memory_space<semaphore_mem>>
        %dma_start3A_108 = tpu.memref_squeeze %dma_start3A_107 : memref<1x!tpu.dma_semaphore, #tpu.memory_space<semaphore_mem>> -> memref<!tpu.dma_semaphore, #tpu.memory_space<semaphore_mem>>
        tpu.enqueue_indirect_dma source(%dma_start3A_106 : memref<10000x128xf32, #tpu.memory_space<hbm>>) target(%arg11 : memref<64x128xf32, #tpu.memory_space<vmem>>) offsets(%dma_start3A_103 : memref<64xi32, #tpu.memory_space<vmem>>) semaphore(%dma_start3A_108 : memref<!tpu.dma_semaphore, #tpu.memory_space<semaphore_mem>>)
        %add3A_109 = arith.constant 1 : i32
        %add3A_110 = arith.addi %mul3A_87, %add3A_109 : i32
        %dma_start3A_111 = arith.constant 2 : i32
        %dma_start3A_112 = arith.constant 0 : i32
        %dma_start3A_113 = tpu.memref_slice %arg8[%add3A_110, %dma_start3A_112] : memref<40x128xi32, #tpu.memory_space<vmem>> -> memref<1x64xi32, #tpu.memory_space<vmem>>
        %dma_start3A_114 = tpu.memref_squeeze %dma_start3A_113 : memref<1x64xi32, #tpu.memory_space<vmem>> -> memref<64xi32, #tpu.memory_space<vmem>>
        %dma_start3A_115 = arith.constant 0 : i32
        %dma_start3A_116 = arith.constant 0 : i32
        %dma_start3A_117 = tpu.memref_slice %arg3[%dma_start3A_115, %dma_start3A_116] : memref<10000x128xf32, #tpu.memory_space<hbm>> -> memref<10000x128xf32, #tpu.memory_space<hbm>>
        %dma_start3A_118 = tpu.memref_slice %arg15[%dma_start3A_111] : memref<4x!tpu.dma_semaphore, #tpu.memory_space<semaphore_mem>> -> memref<1x!tpu.dma_semaphore, #tpu.memory_space<semaphore_mem>>
        %dma_start3A_119 = tpu.memref_squeeze %dma_start3A_118 : memref<1x!tpu.dma_semaphore, #tpu.memory_space<semaphore_mem>> -> memref<!tpu.dma_semaphore, #tpu.memory_space<semaphore_mem>>
        tpu.enqueue_indirect_dma source(%dma_start3A_117 : memref<10000x128xf32, #tpu.memory_space<hbm>>) target(%arg12 : memref<64x128xf32, #tpu.memory_space<vmem>>) offsets(%dma_start3A_114 : memref<64xi32, #tpu.memory_space<vmem>>) semaphore(%dma_start3A_119 : memref<!tpu.dma_semaphore, #tpu.memory_space<semaphore_mem>>)
        %add3A_120 = arith.constant 1 : i32
        %add3A_121 = arith.addi %mul3A_87, %add3A_120 : i32
        %dma_start3A_122 = arith.constant 3 : i32
        %dma_start3A_123 = arith.constant 64 : i32
        %dma_start3A_124 = tpu.memref_slice %arg8[%add3A_121, %dma_start3A_123] : memref<40x128xi32, #tpu.memory_space<vmem>> -> memref<1x64xi32, #tpu.memory_space<vmem>>
        %dma_start3A_125 = tpu.memref_squeeze %dma_start3A_124 : memref<1x64xi32, #tpu.memory_space<vmem>> -> memref<64xi32, #tpu.memory_space<vmem>>
        %dma_start3A_126 = arith.constant 0 : i32
        %dma_start3A_127 = arith.constant 0 : i32
        %dma_start3A_128 = tpu.memref_slice %arg3[%dma_start3A_126, %dma_start3A_127] : memref<10000x128xf32, #tpu.memory_space<hbm>> -> memref<10000x128xf32, #tpu.memory_space<hbm>>
        %dma_start3A_129 = tpu.memref_slice %arg15[%dma_start3A_122] : memref<4x!tpu.dma_semaphore, #tpu.memory_space<semaphore_mem>> -> memref<1x!tpu.dma_semaphore, #tpu.memory_space<semaphore_mem>>
        %dma_start3A_130 = tpu.memref_squeeze %dma_start3A_129 : memref<1x!tpu.dma_semaphore, #tpu.memory_space<semaphore_mem>> -> memref<!tpu.dma_semaphore, #tpu.memory_space<semaphore_mem>>
        tpu.enqueue_indirect_dma source(%dma_start3A_128 : memref<10000x128xf32, #tpu.memory_space<hbm>>) target(%arg13 : memref<64x128xf32, #tpu.memory_space<vmem>>) offsets(%dma_start3A_125 : memref<64xi32, #tpu.memory_space<vmem>>) semaphore(%dma_start3A_130 : memref<!tpu.dma_semaphore, #tpu.memory_space<semaphore_mem>>)
        %dma_wait3A = arith.constant 0 : i32
        %dma_wait3A_131 = arith.constant 0 : i32
        %dma_wait3A_132 = tpu.memref_slice %arg8[%add3A_89, %dma_wait3A_131] : memref<40x128xi32, #tpu.memory_space<vmem>> -> memref<1x64xi32, #tpu.memory_space<vmem>>
        %dma_wait3A_133 = tpu.memref_squeeze %dma_wait3A_132 : memref<1x64xi32, #tpu.memory_space<vmem>> -> memref<64xi32, #tpu.memory_space<vmem>>
        %dma_wait3A_134 = arith.constant 0 : i32
        %dma_wait3A_135 = arith.constant 0 : i32
        %dma_wait3A_136 = tpu.memref_slice %arg3[%dma_wait3A_134, %dma_wait3A_135] : memref<10000x128xf32, #tpu.memory_space<hbm>> -> memref<10000x128xf32, #tpu.memory_space<hbm>>
        %dma_wait3A_137 = tpu.memref_slice %arg15[%dma_wait3A] : memref<4x!tpu.dma_semaphore, #tpu.memory_space<semaphore_mem>> -> memref<1x!tpu.dma_semaphore, #tpu.memory_space<semaphore_mem>>
        %dma_wait3A_138 = tpu.memref_squeeze %dma_wait3A_137 : memref<1x!tpu.dma_semaphore, #tpu.memory_space<semaphore_mem>> -> memref<!tpu.dma_semaphore, #tpu.memory_space<semaphore_mem>>
        tpu.wait_indirect_dma semaphore(%dma_wait3A_138 : memref<!tpu.dma_semaphore, #tpu.memory_space<semaphore_mem>>) src(%dma_wait3A_136 : memref<10000x128xf32, #tpu.memory_space<hbm>>) dst(%arg10 : memref<64x128xf32, #tpu.memory_space<vmem>>)
        %add3A_139 = arith.constant 0 : i32
        %add3A_140 = arith.addi %mul3A_87, %add3A_139 : i32
        %dma_start3A_141 = arith.constant 0 : i32
        %dma_start3A_142 = arith.constant 0 : i32
        %dma_start3A_143 = tpu.memref_slice %arg9[%add3A_140, %dma_start3A_142] : memref<40x128xi32, #tpu.memory_space<vmem>> -> memref<1x64xi32, #tpu.memory_space<vmem>>
        %dma_start3A_144 = tpu.memref_squeeze %dma_start3A_143 : memref<1x64xi32, #tpu.memory_space<vmem>> -> memref<64xi32, #tpu.memory_space<vmem>>
        %dma_start3A_145 = arith.constant 0 : i32
        %dma_start3A_146 = arith.constant 0 : i32
        %dma_start3A_147 = tpu.memref_slice %arg14[%dma_start3A_145, %dma_start3A_146] : memref<10240x128xf32, #tpu.memory_space<vmem_shared>> -> memref<10240x128xf32, #tpu.memory_space<vmem_shared>>
        %dma_start3A_148 = tpu.memref_slice %arg16[%dma_start3A_141] : memref<4x!tpu.dma_semaphore, #tpu.memory_space<semaphore_mem>> -> memref<1x!tpu.dma_semaphore, #tpu.memory_space<semaphore_mem>>
        %dma_start3A_149 = tpu.memref_squeeze %dma_start3A_148 : memref<1x!tpu.dma_semaphore, #tpu.memory_space<semaphore_mem>> -> memref<!tpu.dma_semaphore, #tpu.memory_space<semaphore_mem>>
        tpu.enqueue_indirect_dma source(%arg10 : memref<64x128xf32, #tpu.memory_space<vmem>>) target(%dma_start3A_147 : memref<10240x128xf32, #tpu.memory_space<vmem_shared>>) offsets(%dma_start3A_144 : memref<64xi32, #tpu.memory_space<vmem>>) semaphore(%dma_start3A_149 : memref<!tpu.dma_semaphore, #tpu.memory_space<semaphore_mem>>) {add = true}
        %dma_wait3A_150 = arith.constant 1 : i32
        %dma_wait3A_151 = arith.constant 64 : i32
        %dma_wait3A_152 = tpu.memref_slice %arg8[%add3A_99, %dma_wait3A_151] : memref<40x128xi32, #tpu.memory_space<vmem>> -> memref<1x64xi32, #tpu.memory_space<vmem>>
        %dma_wait3A_153 = tpu.memref_squeeze %dma_wait3A_152 : memref<1x64xi32, #tpu.memory_space<vmem>> -> memref<64xi32, #tpu.memory_space<vmem>>
        %dma_wait3A_154 = arith.constant 0 : i32
        %dma_wait3A_155 = arith.constant 0 : i32
        %dma_wait3A_156 = tpu.memref_slice %arg3[%dma_wait3A_154, %dma_wait3A_155] : memref<10000x128xf32, #tpu.memory_space<hbm>> -> memref<10000x128xf32, #tpu.memory_space<hbm>>
        %dma_wait3A_157 = tpu.memref_slice %arg15[%dma_wait3A_150] : memref<4x!tpu.dma_semaphore, #tpu.memory_space<semaphore_mem>> -> memref<1x!tpu.dma_semaphore, #tpu.memory_space<semaphore_mem>>
        %dma_wait3A_158 = tpu.memref_squeeze %dma_wait3A_157 : memref<1x!tpu.dma_semaphore, #tpu.memory_space<semaphore_mem>> -> memref<!tpu.dma_semaphore, #tpu.memory_space<semaphore_mem>>
        tpu.wait_indirect_dma semaphore(%dma_wait3A_158 : memref<!tpu.dma_semaphore, #tpu.memory_space<semaphore_mem>>) src(%dma_wait3A_156 : memref<10000x128xf32, #tpu.memory_space<hbm>>) dst(%arg11 : memref<64x128xf32, #tpu.memory_space<vmem>>)
        %add3A_159 = arith.constant 0 : i32
        %add3A_160 = arith.addi %mul3A_87, %add3A_159 : i32
        %dma_start3A_161 = arith.constant 1 : i32
        %dma_start3A_162 = arith.constant 64 : i32
        %dma_start3A_163 = tpu.memref_slice %arg9[%add3A_160, %dma_start3A_162] : memref<40x128xi32, #tpu.memory_space<vmem>> -> memref<1x64xi32, #tpu.memory_space<vmem>>
        %dma_start3A_164 = tpu.memref_squeeze %dma_start3A_163 : memref<1x64xi32, #tpu.memory_space<vmem>> -> memref<64xi32, #tpu.memory_space<vmem>>
        %dma_start3A_165 = arith.constant 0 : i32
        %dma_start3A_166 = arith.constant 0 : i32
        %dma_start3A_167 = tpu.memref_slice %arg14[%dma_start3A_165, %dma_start3A_166] : memref<10240x128xf32, #tpu.memory_space<vmem_shared>> -> memref<10240x128xf32, #tpu.memory_space<vmem_shared>>
        %dma_start3A_168 = tpu.memref_slice %arg16[%dma_start3A_161] : memref<4x!tpu.dma_semaphore, #tpu.memory_space<semaphore_mem>> -> memref<1x!tpu.dma_semaphore, #tpu.memory_space<semaphore_mem>>
        %dma_start3A_169 = tpu.memref_squeeze %dma_start3A_168 : memref<1x!tpu.dma_semaphore, #tpu.memory_space<semaphore_mem>> -> memref<!tpu.dma_semaphore, #tpu.memory_space<semaphore_mem>>
        tpu.enqueue_indirect_dma source(%arg11 : memref<64x128xf32, #tpu.memory_space<vmem>>) target(%dma_start3A_167 : memref<10240x128xf32, #tpu.memory_space<vmem_shared>>) offsets(%dma_start3A_164 : memref<64xi32, #tpu.memory_space<vmem>>) semaphore(%dma_start3A_169 : memref<!tpu.dma_semaphore, #tpu.memory_space<semaphore_mem>>) {add = true}
        %dma_wait3A_170 = arith.constant 2 : i32
        %dma_wait3A_171 = arith.constant 0 : i32
        %dma_wait3A_172 = tpu.memref_slice %arg8[%add3A_110, %dma_wait3A_171] : memref<40x128xi32, #tpu.memory_space<vmem>> -> memref<1x64xi32, #tpu.memory_space<vmem>>
        %dma_wait3A_173 = tpu.memref_squeeze %dma_wait3A_172 : memref<1x64xi32, #tpu.memory_space<vmem>> -> memref<64xi32, #tpu.memory_space<vmem>>
        %dma_wait3A_174 = arith.constant 0 : i32
        %dma_wait3A_175 = arith.constant 0 : i32
        %dma_wait3A_176 = tpu.memref_slice %arg3[%dma_wait3A_174, %dma_wait3A_175] : memref<10000x128xf32, #tpu.memory_space<hbm>> -> memref<10000x128xf32, #tpu.memory_space<hbm>>
        %dma_wait3A_177 = tpu.memref_slice %arg15[%dma_wait3A_170] : memref<4x!tpu.dma_semaphore, #tpu.memory_space<semaphore_mem>> -> memref<1x!tpu.dma_semaphore, #tpu.memory_space<semaphore_mem>>
        %dma_wait3A_178 = tpu.memref_squeeze %dma_wait3A_177 : memref<1x!tpu.dma_semaphore, #tpu.memory_space<semaphore_mem>> -> memref<!tpu.dma_semaphore, #tpu.memory_space<semaphore_mem>>
        tpu.wait_indirect_dma semaphore(%dma_wait3A_178 : memref<!tpu.dma_semaphore, #tpu.memory_space<semaphore_mem>>) src(%dma_wait3A_176 : memref<10000x128xf32, #tpu.memory_space<hbm>>) dst(%arg12 : memref<64x128xf32, #tpu.memory_space<vmem>>)
        %add3A_179 = arith.constant 1 : i32
        %add3A_180 = arith.addi %mul3A_87, %add3A_179 : i32
        %dma_start3A_181 = arith.constant 2 : i32
        %dma_start3A_182 = arith.constant 0 : i32
        %dma_start3A_183 = tpu.memref_slice %arg9[%add3A_180, %dma_start3A_182] : memref<40x128xi32, #tpu.memory_space<vmem>> -> memref<1x64xi32, #tpu.memory_space<vmem>>
        %dma_start3A_184 = tpu.memref_squeeze %dma_start3A_183 : memref<1x64xi32, #tpu.memory_space<vmem>> -> memref<64xi32, #tpu.memory_space<vmem>>
        %dma_start3A_185 = arith.constant 0 : i32
        %dma_start3A_186 = arith.constant 0 : i32
        %dma_start3A_187 = tpu.memref_slice %arg14[%dma_start3A_185, %dma_start3A_186] : memref<10240x128xf32, #tpu.memory_space<vmem_shared>> -> memref<10240x128xf32, #tpu.memory_space<vmem_shared>>
        %dma_start3A_188 = tpu.memref_slice %arg16[%dma_start3A_181] : memref<4x!tpu.dma_semaphore, #tpu.memory_space<semaphore_mem>> -> memref<1x!tpu.dma_semaphore, #tpu.memory_space<semaphore_mem>>
        %dma_start3A_189 = tpu.memref_squeeze %dma_start3A_188 : memref<1x!tpu.dma_semaphore, #tpu.memory_space<semaphore_mem>> -> memref<!tpu.dma_semaphore, #tpu.memory_space<semaphore_mem>>
        tpu.enqueue_indirect_dma source(%arg12 : memref<64x128xf32, #tpu.memory_space<vmem>>) target(%dma_start3A_187 : memref<10240x128xf32, #tpu.memory_space<vmem_shared>>) offsets(%dma_start3A_184 : memref<64xi32, #tpu.memory_space<vmem>>) semaphore(%dma_start3A_189 : memref<!tpu.dma_semaphore, #tpu.memory_space<semaphore_mem>>) {add = true}
        %dma_wait3A_190 = arith.constant 3 : i32
        %dma_wait3A_191 = arith.constant 64 : i32
        %dma_wait3A_192 = tpu.memref_slice %arg8[%add3A_121, %dma_wait3A_191] : memref<40x128xi32, #tpu.memory_space<vmem>> -> memref<1x64xi32, #tpu.memory_space<vmem>>
        %dma_wait3A_193 = tpu.memref_squeeze %dma_wait3A_192 : memref<1x64xi32, #tpu.memory_space<vmem>> -> memref<64xi32, #tpu.memory_space<vmem>>
        %dma_wait3A_194 = arith.constant 0 : i32
        %dma_wait3A_195 = arith.constant 0 : i32
        %dma_wait3A_196 = tpu.memref_slice %arg3[%dma_wait3A_194, %dma_wait3A_195] : memref<10000x128xf32, #tpu.memory_space<hbm>> -> memref<10000x128xf32, #tpu.memory_space<hbm>>
        %dma_wait3A_197 = tpu.memref_slice %arg15[%dma_wait3A_190] : memref<4x!tpu.dma_semaphore, #tpu.memory_space<semaphore_mem>> -> memref<1x!tpu.dma_semaphore, #tpu.memory_space<semaphore_mem>>
        %dma_wait3A_198 = tpu.memref_squeeze %dma_wait3A_197 : memref<1x!tpu.dma_semaphore, #tpu.memory_space<semaphore_mem>> -> memref<!tpu.dma_semaphore, #tpu.memory_space<semaphore_mem>>
        tpu.wait_indirect_dma semaphore(%dma_wait3A_198 : memref<!tpu.dma_semaphore, #tpu.memory_space<semaphore_mem>>) src(%dma_wait3A_196 : memref<10000x128xf32, #tpu.memory_space<hbm>>) dst(%arg13 : memref<64x128xf32, #tpu.memory_space<vmem>>)
        %add3A_199 = arith.constant 1 : i32
        %add3A_200 = arith.addi %mul3A_87, %add3A_199 : i32
        %dma_start3A_201 = arith.constant 3 : i32
        %dma_start3A_202 = arith.constant 64 : i32
        %dma_start3A_203 = tpu.memref_slice %arg9[%add3A_200, %dma_start3A_202] : memref<40x128xi32, #tpu.memory_space<vmem>> -> memref<1x64xi32, #tpu.memory_space<vmem>>
        %dma_start3A_204 = tpu.memref_squeeze %dma_start3A_203 : memref<1x64xi32, #tpu.memory_space<vmem>> -> memref<64xi32, #tpu.memory_space<vmem>>
        %dma_start3A_205 = arith.constant 0 : i32
        %dma_start3A_206 = arith.constant 0 : i32
        %dma_start3A_207 = tpu.memref_slice %arg14[%dma_start3A_205, %dma_start3A_206] : memref<10240x128xf32, #tpu.memory_space<vmem_shared>> -> memref<10240x128xf32, #tpu.memory_space<vmem_shared>>
        %dma_start3A_208 = tpu.memref_slice %arg16[%dma_start3A_201] : memref<4x!tpu.dma_semaphore, #tpu.memory_space<semaphore_mem>> -> memref<1x!tpu.dma_semaphore, #tpu.memory_space<semaphore_mem>>
        %dma_start3A_209 = tpu.memref_squeeze %dma_start3A_208 : memref<1x!tpu.dma_semaphore, #tpu.memory_space<semaphore_mem>> -> memref<!tpu.dma_semaphore, #tpu.memory_space<semaphore_mem>>
        tpu.enqueue_indirect_dma source(%arg13 : memref<64x128xf32, #tpu.memory_space<vmem>>) target(%dma_start3A_207 : memref<10240x128xf32, #tpu.memory_space<vmem_shared>>) offsets(%dma_start3A_204 : memref<64xi32, #tpu.memory_space<vmem>>) semaphore(%dma_start3A_209 : memref<!tpu.dma_semaphore, #tpu.memory_space<semaphore_mem>>) {add = true}
        %dma_wait3A_210 = arith.constant 0 : i32
        %dma_wait3A_211 = arith.constant 0 : i32
        %dma_wait3A_212 = tpu.memref_slice %arg9[%add3A_140, %dma_wait3A_211] : memref<40x128xi32, #tpu.memory_space<vmem>> -> memref<1x64xi32, #tpu.memory_space<vmem>>
        %dma_wait3A_213 = tpu.memref_squeeze %dma_wait3A_212 : memref<1x64xi32, #tpu.memory_space<vmem>> -> memref<64xi32, #tpu.memory_space<vmem>>
        %dma_wait3A_214 = arith.constant 0 : i32
        %dma_wait3A_215 = arith.constant 0 : i32
        %dma_wait3A_216 = tpu.memref_slice %arg14[%dma_wait3A_214, %dma_wait3A_215] : memref<10240x128xf32, #tpu.memory_space<vmem_shared>> -> memref<10240x128xf32, #tpu.memory_space<vmem_shared>>
        %dma_wait3A_217 = tpu.memref_slice %arg16[%dma_wait3A_210] : memref<4x!tpu.dma_semaphore, #tpu.memory_space<semaphore_mem>> -> memref<1x!tpu.dma_semaphore, #tpu.memory_space<semaphore_mem>>
        %dma_wait3A_218 = tpu.memref_squeeze %dma_wait3A_217 : memref<1x!tpu.dma_semaphore, #tpu.memory_space<semaphore_mem>> -> memref<!tpu.dma_semaphore, #tpu.memory_space<semaphore_mem>>
        tpu.wait_indirect_dma semaphore(%dma_wait3A_218 : memref<!tpu.dma_semaphore, #tpu.memory_space<semaphore_mem>>) src(%arg10 : memref<64x128xf32, #tpu.memory_space<vmem>>) dst(%dma_wait3A_216 : memref<10240x128xf32, #tpu.memory_space<vmem_shared>>)
        %dma_wait3A_219 = arith.constant 1 : i32
        %dma_wait3A_220 = arith.constant 64 : i32
        %dma_wait3A_221 = tpu.memref_slice %arg9[%add3A_160, %dma_wait3A_220] : memref<40x128xi32, #tpu.memory_space<vmem>> -> memref<1x64xi32, #tpu.memory_space<vmem>>
        %dma_wait3A_222 = tpu.memref_squeeze %dma_wait3A_221 : memref<1x64xi32, #tpu.memory_space<vmem>> -> memref<64xi32, #tpu.memory_space<vmem>>
        %dma_wait3A_223 = arith.constant 0 : i32
        %dma_wait3A_224 = arith.constant 0 : i32
        %dma_wait3A_225 = tpu.memref_slice %arg14[%dma_wait3A_223, %dma_wait3A_224] : memref<10240x128xf32, #tpu.memory_space<vmem_shared>> -> memref<10240x128xf32, #tpu.memory_space<vmem_shared>>
        %dma_wait3A_226 = tpu.memref_slice %arg16[%dma_wait3A_219] : memref<4x!tpu.dma_semaphore, #tpu.memory_space<semaphore_mem>> -> memref<1x!tpu.dma_semaphore, #tpu.memory_space<semaphore_mem>>
        %dma_wait3A_227 = tpu.memref_squeeze %dma_wait3A_226 : memref<1x!tpu.dma_semaphore, #tpu.memory_space<semaphore_mem>> -> memref<!tpu.dma_semaphore, #tpu.memory_space<semaphore_mem>>
        tpu.wait_indirect_dma semaphore(%dma_wait3A_227 : memref<!tpu.dma_semaphore, #tpu.memory_space<semaphore_mem>>) src(%arg11 : memref<64x128xf32, #tpu.memory_space<vmem>>) dst(%dma_wait3A_225 : memref<10240x128xf32, #tpu.memory_space<vmem_shared>>)
        %dma_wait3A_228 = arith.constant 2 : i32
        %dma_wait3A_229 = arith.constant 0 : i32
        %dma_wait3A_230 = tpu.memref_slice %arg9[%add3A_180, %dma_wait3A_229] : memref<40x128xi32, #tpu.memory_space<vmem>> -> memref<1x64xi32, #tpu.memory_space<vmem>>
        %dma_wait3A_231 = tpu.memref_squeeze %dma_wait3A_230 : memref<1x64xi32, #tpu.memory_space<vmem>> -> memref<64xi32, #tpu.memory_space<vmem>>
        %dma_wait3A_232 = arith.constant 0 : i32
        %dma_wait3A_233 = arith.constant 0 : i32
        %dma_wait3A_234 = tpu.memref_slice %arg14[%dma_wait3A_232, %dma_wait3A_233] : memref<10240x128xf32, #tpu.memory_space<vmem_shared>> -> memref<10240x128xf32, #tpu.memory_space<vmem_shared>>
        %dma_wait3A_235 = tpu.memref_slice %arg16[%dma_wait3A_228] : memref<4x!tpu.dma_semaphore, #tpu.memory_space<semaphore_mem>> -> memref<1x!tpu.dma_semaphore, #tpu.memory_space<semaphore_mem>>
        %dma_wait3A_236 = tpu.memref_squeeze %dma_wait3A_235 : memref<1x!tpu.dma_semaphore, #tpu.memory_space<semaphore_mem>> -> memref<!tpu.dma_semaphore, #tpu.memory_space<semaphore_mem>>
        tpu.wait_indirect_dma semaphore(%dma_wait3A_236 : memref<!tpu.dma_semaphore, #tpu.memory_space<semaphore_mem>>) src(%arg12 : memref<64x128xf32, #tpu.memory_space<vmem>>) dst(%dma_wait3A_234 : memref<10240x128xf32, #tpu.memory_space<vmem_shared>>)
        %dma_wait3A_237 = arith.constant 3 : i32
        %dma_wait3A_238 = arith.constant 64 : i32
        %dma_wait3A_239 = tpu.memref_slice %arg9[%add3A_200, %dma_wait3A_238] : memref<40x128xi32, #tpu.memory_space<vmem>> -> memref<1x64xi32, #tpu.memory_space<vmem>>
        %dma_wait3A_240 = tpu.memref_squeeze %dma_wait3A_239 : memref<1x64xi32, #tpu.memory_space<vmem>> -> memref<64xi32, #tpu.memory_space<vmem>>
        %dma_wait3A_241 = arith.constant 0 : i32
        %dma_wait3A_242 = arith.constant 0 : i32
        %dma_wait3A_243 = tpu.memref_slice %arg14[%dma_wait3A_241, %dma_wait3A_242] : memref<10240x128xf32, #tpu.memory_space<vmem_shared>> -> memref<10240x128xf32, #tpu.memory_space<vmem_shared>>
        %dma_wait3A_244 = tpu.memref_slice %arg16[%dma_wait3A_237] : memref<4x!tpu.dma_semaphore, #tpu.memory_space<semaphore_mem>> -> memref<1x!tpu.dma_semaphore, #tpu.memory_space<semaphore_mem>>
        %dma_wait3A_245 = tpu.memref_squeeze %dma_wait3A_244 : memref<1x!tpu.dma_semaphore, #tpu.memory_space<semaphore_mem>> -> memref<!tpu.dma_semaphore, #tpu.memory_space<semaphore_mem>>
        tpu.wait_indirect_dma semaphore(%dma_wait3A_245 : memref<!tpu.dma_semaphore, #tpu.memory_space<semaphore_mem>>) src(%arg13 : memref<64x128xf32, #tpu.memory_space<vmem>>) dst(%dma_wait3A_243 : memref<10240x128xf32, #tpu.memory_space<vmem_shared>>)
      }
      %scan3A_80 = arith.constant 20 : i32
    } else {
    }
    %barrier3A_50 = arith.constant 0 : index
    tpu.barrier barrier_id(%barrier3A_50)
    %mul3A_51 = arith.constant 640 : i32
    %mul3A_52 = arith.muli %arg1, %mul3A_51 : i32
    %eq3A_53 = arith.constant 0 : i32
    %eq3A_54 = arith.cmpi eq, %arg0, %eq3A_53 : i32
    %convert_element_type3A_55 = arith.extui %eq3A_54 : i1 to i32
    %cond3A_56 = arith.constant 0 : i32
    %cond3A_57 = arith.cmpi ne, %convert_element_type3A_55, %cond3A_56 : i32
    scf.if %cond3A_57 {
      "tpu.region"() ({
        %run_scoped3A = tpu.sem_alloc : memref<!tpu.dma_semaphore, #tpu.memory_space<semaphore_mem>>
        %dma_start3A = arith.constant 0 : i32
        %dma_start3A_63 = tpu.memref_slice %arg6[%mul3A_52, %dma_start3A] : memref<10240x128xf32, #tpu.memory_space<hbm>> -> memref<640x128xf32, #tpu.memory_space<hbm>>
        %dma_start3A_64 = arith.constant 0 : i32
        %dma_start3A_65 = tpu.memref_slice %arg14[%mul3A_52, %dma_start3A_64] : memref<10240x128xf32, #tpu.memory_space<vmem_shared>> -> memref<640x128xf32, #tpu.memory_space<vmem_shared>>
        tpu.enqueue_dma source(%dma_start3A_65 : memref<640x128xf32, #tpu.memory_space<vmem_shared>>) target(%dma_start3A_63 : memref<640x128xf32, #tpu.memory_space<hbm>>) target_semaphore(%run_scoped3A : memref<!tpu.dma_semaphore, #tpu.memory_space<semaphore_mem>>)
        %dma_wait3A = arith.constant 0 : i32
        %dma_wait3A_66 = tpu.memref_slice %arg6[%mul3A_52, %dma_wait3A] : memref<10240x128xf32, #tpu.memory_space<hbm>> -> memref<640x128xf32, #tpu.memory_space<hbm>>
        %dma_wait3A_67 = arith.constant 0 : i32
        %dma_wait3A_68 = tpu.memref_slice %arg14[%mul3A_52, %dma_wait3A_67] : memref<10240x128xf32, #tpu.memory_space<vmem_shared>> -> memref<640x128xf32, #tpu.memory_space<vmem_shared>>
        tpu.wait_dma2 semaphore(%run_scoped3A : memref<!tpu.dma_semaphore, #tpu.memory_space<semaphore_mem>>) src(%dma_wait3A_68 : memref<640x128xf32, #tpu.memory_space<vmem_shared>>) dst(%dma_wait3A_66 : memref<640x128xf32, #tpu.memory_space<hbm>>)
        tpu.yield
      }) : () -> ()
    } else {
    }
    %eq3A_58 = arith.constant 1 : i32
    %eq3A_59 = arith.cmpi eq, %arg0, %eq3A_58 : i32
    %convert_element_type3A_60 = arith.extui %eq3A_59 : i1 to i32
    %cond3A_61 = arith.constant 0 : i32
    %cond3A_62 = arith.cmpi ne, %convert_element_type3A_60, %cond3A_61 : i32
    scf.if %cond3A_62 {
      "tpu.region"() ({
        %run_scoped3A = tpu.sem_alloc : memref<!tpu.dma_semaphore, #tpu.memory_space<semaphore_mem>>
        %dma_start3A = arith.constant 0 : i32
        %dma_start3A_63 = tpu.memref_slice %arg7[%mul3A_52, %dma_start3A] : memref<10240x128xf32, #tpu.memory_space<hbm>> -> memref<640x128xf32, #tpu.memory_space<hbm>>
        %dma_start3A_64 = arith.constant 0 : i32
        %dma_start3A_65 = tpu.memref_slice %arg14[%mul3A_52, %dma_start3A_64] : memref<10240x128xf32, #tpu.memory_space<vmem_shared>> -> memref<640x128xf32, #tpu.memory_space<vmem_shared>>
        tpu.enqueue_dma source(%dma_start3A_65 : memref<640x128xf32, #tpu.memory_space<vmem_shared>>) target(%dma_start3A_63 : memref<640x128xf32, #tpu.memory_space<hbm>>) target_semaphore(%run_scoped3A : memref<!tpu.dma_semaphore, #tpu.memory_space<semaphore_mem>>)
        %dma_wait3A = arith.constant 0 : i32
        %dma_wait3A_66 = tpu.memref_slice %arg7[%mul3A_52, %dma_wait3A] : memref<10240x128xf32, #tpu.memory_space<hbm>> -> memref<640x128xf32, #tpu.memory_space<hbm>>
        %dma_wait3A_67 = arith.constant 0 : i32
        %dma_wait3A_68 = tpu.memref_slice %arg14[%mul3A_52, %dma_wait3A_67] : memref<10240x128xf32, #tpu.memory_space<vmem_shared>> -> memref<640x128xf32, #tpu.memory_space<vmem_shared>>
        tpu.wait_dma2 semaphore(%run_scoped3A : memref<!tpu.dma_semaphore, #tpu.memory_space<semaphore_mem>>) src(%dma_wait3A_68 : memref<640x128xf32, #tpu.memory_space<vmem_shared>>) dst(%dma_wait3A_66 : memref<640x128xf32, #tpu.memory_space<hbm>>)
        tpu.yield
      }) : () -> ()
    } else {
    }
    return
  }
}

#map = affine_map<(d0, d1) -> (0, 0)>
module attributes {stable_mosaic.version = 14 : i64} {
  func.func @k(%arg0: i32, %arg1: i32, %arg2: memref<1280x128xi32, #tpu.memory_space<hbm>>, %arg3: memref<2x10240xf32, #tpu.memory_space<hbm>>, %arg4: memref<40x128xi32, #tpu.memory_space<vmem>>, %arg5: memref<10240xf32, #tpu.memory_space<vmem>>, %arg6: memref<640xf32, #tpu.memory_space<vmem>>, %arg7: memref<640xf32, #tpu.memory_space<vmem>>, %arg8: memref<16x10240xf32, #tpu.memory_space<vmem_shared>>) attributes {dimension_semantics = [#tpu.dimension_semantics<core_parallel>, #tpu.dimension_semantics<subcore_parallel>], iteration_bounds = array<i64: 2, 16>, scalar_prefetch = 0 : i64, scratch_operands = 5 : i64, tpu.core_type = #tpu.core_type<sc_vector_subcore>, window_params = [{transform_indices = #map}, {transform_indices = #map}]} {
    %broadcast_in_dim3A = arith.constant 0.000000e+00 : f32
    %broadcast_in_dim3A_0 = vector.broadcast %broadcast_in_dim3A : f32 to vector<16xf32>
    %broadcast_in_dim3A_1 = arith.constant 1.000000e+00 : f32
    %broadcast_in_dim3A_2 = vector.broadcast %broadcast_in_dim3A_1 : f32 to vector<16xf32>
    %scan3A = arith.constant 0 : i32
    %scan3A_3 = arith.constant 640 : i32
    %scan3A_4 = arith.addi %scan3A, %scan3A_3 : i32
    %scan3A_5 = arith.constant 1 : i32
    scf.for %scan3A_144 = %scan3A to %scan3A_4 step %scan3A_5  : i32 {
      %mul3A_145 = arith.constant 16 : i32
      %mul3A_146 = arith.muli %scan3A_144, %mul3A_145 : i32
      %add3A_147 = arith.constant 0 : i32
      %add3A_148 = arith.addi %add3A_147, %mul3A_146 : i32
      %multiple_of3A = tpu.assume_multiple %add3A_148, 16 : i32
      %swap3A = arith.index_cast %multiple_of3A : i32 to index
      %swap3A_149 = tpu.vector_load %arg5[%swap3A] {strides = array<i32>} : memref<10240xf32, #tpu.memory_space<vmem>>, vector<16xf32>,
      tpu.vector_store %arg5[%swap3A], %broadcast_in_dim3A_0 {strides = array<i32>} : memref<10240xf32, #tpu.memory_space<vmem>>, vector<16xf32>,
    }
    %scan3A_6 = arith.constant 640 : i32
    %mul3A = arith.constant 640 : i32
    %mul3A_7 = arith.muli %arg0, %mul3A : i32
    %mul3A_8 = arith.constant 40 : i32
    %mul3A_9 = arith.muli %arg1, %mul3A_8 : i32
    %add3A = arith.addi %mul3A_7, %mul3A_9 : i32
    "tpu.region"() ({
      %run_scoped3A_144 = tpu.sem_alloc : memref<!tpu.dma_semaphore, #tpu.memory_space<semaphore_mem>>
      %dma_start3A = arith.constant 0 : i32
      %dma_start3A_145 = tpu.memref_slice %arg2[%add3A, %dma_start3A] : memref<1280x128xi32, #tpu.memory_space<hbm>> -> memref<40x128xi32, #tpu.memory_space<hbm>>
      %dma_start3A_146 = arith.constant 0 : i32
      %dma_start3A_147 = tpu.memref_slice %arg2[%add3A, %dma_start3A_146] : memref<1280x128xi32, #tpu.memory_space<hbm>> -> memref<40x128xi32, #tpu.memory_space<hbm>>
      tpu.enqueue_dma source(%dma_start3A_147 : memref<40x128xi32, #tpu.memory_space<hbm>>) target(%arg4 : memref<40x128xi32, #tpu.memory_space<vmem>>) target_semaphore(%run_scoped3A_144 : memref<!tpu.dma_semaphore, #tpu.memory_space<semaphore_mem>>)
      %dma_wait3A = arith.constant 0 : i32
      %dma_wait3A_148 = tpu.memref_slice %arg2[%add3A, %dma_wait3A] : memref<1280x128xi32, #tpu.memory_space<hbm>> -> memref<40x128xi32, #tpu.memory_space<hbm>>
      %dma_wait3A_149 = arith.constant 0 : i32
      %dma_wait3A_150 = tpu.memref_slice %arg2[%add3A, %dma_wait3A_149] : memref<1280x128xi32, #tpu.memory_space<hbm>> -> memref<40x128xi32, #tpu.memory_space<hbm>>
      tpu.wait_dma2 semaphore(%run_scoped3A_144 : memref<!tpu.dma_semaphore, #tpu.memory_space<semaphore_mem>>) src(%dma_wait3A_150 : memref<40x128xi32, #tpu.memory_space<hbm>>) dst(%arg4 : memref<40x128xi32, #tpu.memory_space<vmem>>)
      tpu.yield
    }) : () -> ()
    %scan3A_10 = arith.constant 0 : i32
    %scan3A_11 = arith.constant 40 : i32
    %scan3A_12 = arith.addi %scan3A_10, %scan3A_11 : i32
    %scan3A_13 = arith.constant 1 : i32
    scf.for %scan3A_144 = %scan3A_10 to %scan3A_12 step %scan3A_13  : i32 {
      %mul3A_145 = arith.constant 1 : i32
      %mul3A_146 = arith.muli %scan3A_144, %mul3A_145 : i32
      %add3A_147 = arith.constant 0 : i32
      %add3A_148 = arith.addi %add3A_147, %mul3A_146 : i32
      %get3A = arith.index_cast %add3A_148 : i32 to index
      %get3A_149 = arith.constant 0 : index
      %get3A_150 = tpu.vector_load %arg4[%get3A, %get3A_149] {strides = array<i32>} : memref<40x128xi32, #tpu.memory_space<vmem>>, vector<16xi32>,
      tpu.vector_store_idx %arg5[%get3A_150], %broadcast_in_dim3A_2 {add = true} : memref<10240xf32, #tpu.memory_space<vmem>>[vector<16xi32>], vector<16xf32>,
      %get3A_151 = arith.index_cast %add3A_148 : i32 to index
      %get3A_152 = arith.constant 16 : index
      %get3A_153 = tpu.vector_load %arg4[%get3A_151, %get3A_152] {strides = array<i32>} : memref<40x128xi32, #tpu.memory_space<vmem>>, vector<16xi32>,
      tpu.vector_store_idx %arg5[%get3A_153], %broadcast_in_dim3A_2 {add = true} : memref<10240xf32, #tpu.memory_space<vmem>>[vector<16xi32>], vector<16xf32>,
      %get3A_154 = arith.index_cast %add3A_148 : i32 to index
      %get3A_155 = arith.constant 32 : index
      %get3A_156 = tpu.vector_load %arg4[%get3A_154, %get3A_155] {strides = array<i32>} : memref<40x128xi32, #tpu.memory_space<vmem>>, vector<16xi32>,
      tpu.vector_store_idx %arg5[%get3A_156], %broadcast_in_dim3A_2 {add = true} : memref<10240xf32, #tpu.memory_space<vmem>>[vector<16xi32>], vector<16xf32>,
      %get3A_157 = arith.index_cast %add3A_148 : i32 to index
      %get3A_158 = arith.constant 48 : index
      %get3A_159 = tpu.vector_load %arg4[%get3A_157, %get3A_158] {strides = array<i32>} : memref<40x128xi32, #tpu.memory_space<vmem>>, vector<16xi32>,
      tpu.vector_store_idx %arg5[%get3A_159], %broadcast_in_dim3A_2 {add = true} : memref<10240xf32, #tpu.memory_space<vmem>>[vector<16xi32>], vector<16xf32>,
      %get3A_160 = arith.index_cast %add3A_148 : i32 to index
      %get3A_161 = arith.constant 64 : index
      %get3A_162 = tpu.vector_load %arg4[%get3A_160, %get3A_161] {strides = array<i32>} : memref<40x128xi32, #tpu.memory_space<vmem>>, vector<16xi32>,
      tpu.vector_store_idx %arg5[%get3A_162], %broadcast_in_dim3A_2 {add = true} : memref<10240xf32, #tpu.memory_space<vmem>>[vector<16xi32>], vector<16xf32>,
      %get3A_163 = arith.index_cast %add3A_148 : i32 to index
      %get3A_164 = arith.constant 80 : index
      %get3A_165 = tpu.vector_load %arg4[%get3A_163, %get3A_164] {strides = array<i32>} : memref<40x128xi32, #tpu.memory_space<vmem>>, vector<16xi32>,
      tpu.vector_store_idx %arg5[%get3A_165], %broadcast_in_dim3A_2 {add = true} : memref<10240xf32, #tpu.memory_space<vmem>>[vector<16xi32>], vector<16xf32>,
      %get3A_166 = arith.index_cast %add3A_148 : i32 to index
      %get3A_167 = arith.constant 96 : index
      %get3A_168 = tpu.vector_load %arg4[%get3A_166, %get3A_167] {strides = array<i32>} : memref<40x128xi32, #tpu.memory_space<vmem>>, vector<16xi32>,
      tpu.vector_store_idx %arg5[%get3A_168], %broadcast_in_dim3A_2 {add = true} : memref<10240xf32, #tpu.memory_space<vmem>>[vector<16xi32>], vector<16xf32>,
      %get3A_169 = arith.index_cast %add3A_148 : i32 to index
      %get3A_170 = arith.constant 112 : index
      %get3A_171 = tpu.vector_load %arg4[%get3A_169, %get3A_170] {strides = array<i32>} : memref<40x128xi32, #tpu.memory_space<vmem>>, vector<16xi32>,
      tpu.vector_store_idx %arg5[%get3A_171], %broadcast_in_dim3A_2 {add = true} : memref<10240xf32, #tpu.memory_space<vmem>>[vector<16xi32>], vector<16xf32>,
    }
    %scan3A_14 = arith.constant 40 : i32
    "tpu.region"() ({
      %run_scoped3A_144 = tpu.sem_alloc : memref<!tpu.dma_semaphore, #tpu.memory_space<semaphore_mem>>
      %dma_start3A = arith.constant 0 : i32
      %dma_start3A_145 = tpu.memref_slice %arg8[%arg1, %dma_start3A] : memref<16x10240xf32, #tpu.memory_space<vmem_shared>> -> memref<1x10240xf32, #tpu.memory_space<vmem_shared>>
      %dma_start3A_146 = tpu.memref_squeeze %dma_start3A_145 : memref<1x10240xf32, #tpu.memory_space<vmem_shared>> -> memref<10240xf32, #tpu.memory_space<vmem_shared>>
      %dma_start3A_147 = arith.constant 0 : i32
      %dma_start3A_148 = tpu.memref_slice %arg8[%arg1, %dma_start3A_147] : memref<16x10240xf32, #tpu.memory_space<vmem_shared>> -> memref<1x10240xf32, #tpu.memory_space<vmem_shared>>
      %dma_start3A_149 = tpu.memref_squeeze %dma_start3A_148 : memref<1x10240xf32, #tpu.memory_space<vmem_shared>> -> memref<10240xf32, #tpu.memory_space<vmem_shared>>
      tpu.enqueue_dma source(%arg5 : memref<10240xf32, #tpu.memory_space<vmem>>) target(%dma_start3A_149 : memref<10240xf32, #tpu.memory_space<vmem_shared>>) target_semaphore(%run_scoped3A_144 : memref<!tpu.dma_semaphore, #tpu.memory_space<semaphore_mem>>)
      %dma_wait3A = arith.constant 0 : i32
      %dma_wait3A_150 = tpu.memref_slice %arg8[%arg1, %dma_wait3A] : memref<16x10240xf32, #tpu.memory_space<vmem_shared>> -> memref<1x10240xf32, #tpu.memory_space<vmem_shared>>
      %dma_wait3A_151 = tpu.memref_squeeze %dma_wait3A_150 : memref<1x10240xf32, #tpu.memory_space<vmem_shared>> -> memref<10240xf32, #tpu.memory_space<vmem_shared>>
      %dma_wait3A_152 = arith.constant 0 : i32
      %dma_wait3A_153 = tpu.memref_slice %arg8[%arg1, %dma_wait3A_152] : memref<16x10240xf32, #tpu.memory_space<vmem_shared>> -> memref<1x10240xf32, #tpu.memory_space<vmem_shared>>
      %dma_wait3A_154 = tpu.memref_squeeze %dma_wait3A_153 : memref<1x10240xf32, #tpu.memory_space<vmem_shared>> -> memref<10240xf32, #tpu.memory_space<vmem_shared>>
      tpu.wait_dma2 semaphore(%run_scoped3A_144 : memref<!tpu.dma_semaphore, #tpu.memory_space<semaphore_mem>>) src(%arg5 : memref<10240xf32, #tpu.memory_space<vmem>>) dst(%dma_wait3A_154 : memref<10240xf32, #tpu.memory_space<vmem_shared>>)
      tpu.yield
    }) : () -> ()
    %barrier3A = arith.constant 0 : index
    tpu.barrier barrier_id(%barrier3A)
    %mul3A_15 = arith.constant 640 : i32
    %mul3A_16 = arith.muli %arg1, %mul3A_15 : i32
    %run_scoped3A = arith.constant 0 : i32
    "tpu.region"() ({
      %run_scoped3A_144 = tpu.sem_alloc : memref<!tpu.dma_semaphore, #tpu.memory_space<semaphore_mem>>
      %dma_start3A = tpu.memref_slice %arg8[%run_scoped3A, %mul3A_16] : memref<16x10240xf32, #tpu.memory_space<vmem_shared>> -> memref<1x640xf32, #tpu.memory_space<vmem_shared>>
      %dma_start3A_145 = tpu.memref_squeeze %dma_start3A : memref<1x640xf32, #tpu.memory_space<vmem_shared>> -> memref<640xf32, #tpu.memory_space<vmem_shared>>
      %dma_start3A_146 = tpu.memref_slice %arg8[%run_scoped3A, %mul3A_16] : memref<16x10240xf32, #tpu.memory_space<vmem_shared>> -> memref<1x640xf32, #tpu.memory_space<vmem_shared>>
      %dma_start3A_147 = tpu.memref_squeeze %dma_start3A_146 : memref<1x640xf32, #tpu.memory_space<vmem_shared>> -> memref<640xf32, #tpu.memory_space<vmem_shared>>
      tpu.enqueue_dma source(%dma_start3A_147 : memref<640xf32, #tpu.memory_space<vmem_shared>>) target(%arg6 : memref<640xf32, #tpu.memory_space<vmem>>) target_semaphore(%run_scoped3A_144 : memref<!tpu.dma_semaphore, #tpu.memory_space<semaphore_mem>>)
      %dma_wait3A = tpu.memref_slice %arg8[%run_scoped3A, %mul3A_16] : memref<16x10240xf32, #tpu.memory_space<vmem_shared>> -> memref<1x640xf32, #tpu.memory_space<vmem_shared>>
      %dma_wait3A_148 = tpu.memref_squeeze %dma_wait3A : memref<1x640xf32, #tpu.memory_space<vmem_shared>> -> memref<640xf32, #tpu.memory_space<vmem_shared>>
      %dma_wait3A_149 = tpu.memref_slice %arg8[%run_scoped3A, %mul3A_16] : memref<16x10240xf32, #tpu.memory_space<vmem_shared>> -> memref<1x640xf32, #tpu.memory_space<vmem_shared>>
      %dma_wait3A_150 = tpu.memref_squeeze %dma_wait3A_149 : memref<1x640xf32, #tpu.memory_space<vmem_shared>> -> memref<640xf32, #tpu.memory_space<vmem_shared>>
      tpu.wait_dma2 semaphore(%run_scoped3A_144 : memref<!tpu.dma_semaphore, #tpu.memory_space<semaphore_mem>>) src(%dma_wait3A_150 : memref<640xf32, #tpu.memory_space<vmem_shared>>) dst(%arg6 : memref<640xf32, #tpu.memory_space<vmem>>)
      tpu.yield
    }) : () -> ()
    %mul3A_17 = arith.constant 640 : i32
    %mul3A_18 = arith.muli %arg1, %mul3A_17 : i32
    %run_scoped3A_19 = arith.constant 1 : i32
    "tpu.region"() ({
      %run_scoped3A_144 = tpu.sem_alloc : memref<!tpu.dma_semaphore, #tpu.memory_space<semaphore_mem>>
      %dma_start3A = tpu.memref_slice %arg8[%run_scoped3A_19, %mul3A_18] : memref<16x10240xf32, #tpu.memory_space<vmem_shared>> -> memref<1x640xf32, #tpu.memory_space<vmem_shared>>
      %dma_start3A_145 = tpu.memref_squeeze %dma_start3A : memref<1x640xf32, #tpu.memory_space<vmem_shared>> -> memref<640xf32, #tpu.memory_space<vmem_shared>>
      %dma_start3A_146 = tpu.memref_slice %arg8[%run_scoped3A_19, %mul3A_18] : memref<16x10240xf32, #tpu.memory_space<vmem_shared>> -> memref<1x640xf32, #tpu.memory_space<vmem_shared>>
      %dma_start3A_147 = tpu.memref_squeeze %dma_start3A_146 : memref<1x640xf32, #tpu.memory_space<vmem_shared>> -> memref<640xf32, #tpu.memory_space<vmem_shared>>
      tpu.enqueue_dma source(%dma_start3A_147 : memref<640xf32, #tpu.memory_space<vmem_shared>>) target(%arg7 : memref<640xf32, #tpu.memory_space<vmem>>) target_semaphore(%run_scoped3A_144 : memref<!tpu.dma_semaphore, #tpu.memory_space<semaphore_mem>>)
      %dma_wait3A = tpu.memref_slice %arg8[%run_scoped3A_19, %mul3A_18] : memref<16x10240xf32, #tpu.memory_space<vmem_shared>> -> memref<1x640xf32, #tpu.memory_space<vmem_shared>>
      %dma_wait3A_148 = tpu.memref_squeeze %dma_wait3A : memref<1x640xf32, #tpu.memory_space<vmem_shared>> -> memref<640xf32, #tpu.memory_space<vmem_shared>>
      %dma_wait3A_149 = tpu.memref_slice %arg8[%run_scoped3A_19, %mul3A_18] : memref<16x10240xf32, #tpu.memory_space<vmem_shared>> -> memref<1x640xf32, #tpu.memory_space<vmem_shared>>
      %dma_wait3A_150 = tpu.memref_squeeze %dma_wait3A_149 : memref<1x640xf32, #tpu.memory_space<vmem_shared>> -> memref<640xf32, #tpu.memory_space<vmem_shared>>
      tpu.wait_dma2 semaphore(%run_scoped3A_144 : memref<!tpu.dma_semaphore, #tpu.memory_space<semaphore_mem>>) src(%dma_wait3A_150 : memref<640xf32, #tpu.memory_space<vmem_shared>>) dst(%arg7 : memref<640xf32, #tpu.memory_space<vmem>>)
      tpu.yield
    }) : () -> ()
    %scan3A_20 = arith.constant 0 : i32
    %scan3A_21 = arith.constant 40 : i32
    %scan3A_22 = arith.addi %scan3A_20, %scan3A_21 : i32
    %scan3A_23 = arith.constant 1 : i32
    scf.for %scan3A_144 = %scan3A_20 to %scan3A_22 step %scan3A_23  : i32 {
      %mul3A_145 = arith.constant 16 : i32
      %mul3A_146 = arith.muli %scan3A_144, %mul3A_145 : i32
      %add3A_147 = arith.constant 0 : i32
      %add3A_148 = arith.addi %add3A_147, %mul3A_146 : i32
      %multiple_of3A = tpu.assume_multiple %add3A_148, 16 : i32
      %get3A = arith.index_cast %multiple_of3A : i32 to index
      %get3A_149 = tpu.vector_load %arg6[%get3A] {strides = array<i32>} : memref<640xf32, #tpu.memory_space<vmem>>, vector<16xf32>,
      %get3A_150 = arith.index_cast %multiple_of3A : i32 to index
      %get3A_151 = tpu.vector_load %arg7[%get3A_150] {strides = array<i32>} : memref<640xf32, #tpu.memory_space<vmem>>, vector<16xf32>,
      %add3A_152 = arith.addf %get3A_149, %get3A_151 : vector<16xf32>
      %swap3A = arith.index_cast %multiple_of3A : i32 to index
      %swap3A_153 = tpu.vector_load %arg6[%swap3A] {strides = array<i32>} : memref<640xf32, #tpu.memory_space<vmem>>, vector<16xf32>,
      tpu.vector_store %arg6[%swap3A], %add3A_152 {strides = array<i32>} : memref<640xf32, #tpu.memory_space<vmem>>, vector<16xf32>,
    }
    %scan3A_24 = arith.constant 40 : i32
    %mul3A_25 = arith.constant 640 : i32
    %mul3A_26 = arith.muli %arg1, %mul3A_25 : i32
    %run_scoped3A_27 = arith.constant 2 : i32
    "tpu.region"() ({
      %run_scoped3A_144 = tpu.sem_alloc : memref<!tpu.dma_semaphore, #tpu.memory_space<semaphore_mem>>
      %dma_start3A = tpu.memref_slice %arg8[%run_scoped3A_27, %mul3A_26] : memref<16x10240xf32, #tpu.memory_space<vmem_shared>> -> memref<1x640xf32, #tpu.memory_space<vmem_shared>>
      %dma_start3A_145 = tpu.memref_squeeze %dma_start3A : memref<1x640xf32, #tpu.memory_space<vmem_shared>> -> memref<640xf32, #tpu.memory_space<vmem_shared>>
      %dma_start3A_146 = tpu.memref_slice %arg8[%run_scoped3A_27, %mul3A_26] : memref<16x10240xf32, #tpu.memory_space<vmem_shared>> -> memref<1x640xf32, #tpu.memory_space<vmem_shared>>
      %dma_start3A_147 = tpu.memref_squeeze %dma_start3A_146 : memref<1x640xf32, #tpu.memory_space<vmem_shared>> -> memref<640xf32, #tpu.memory_space<vmem_shared>>
      tpu.enqueue_dma source(%dma_start3A_147 : memref<640xf32, #tpu.memory_space<vmem_shared>>) target(%arg7 : memref<640xf32, #tpu.memory_space<vmem>>) target_semaphore(%run_scoped3A_144 : memref<!tpu.dma_semaphore, #tpu.memory_space<semaphore_mem>>)
      %dma_wait3A = tpu.memref_slice %arg8[%run_scoped3A_27, %mul3A_26] : memref<16x10240xf32, #tpu.memory_space<vmem_shared>> -> memref<1x640xf32, #tpu.memory_space<vmem_shared>>
      %dma_wait3A_148 = tpu.memref_squeeze %dma_wait3A : memref<1x640xf32, #tpu.memory_space<vmem_shared>> -> memref<640xf32, #tpu.memory_space<vmem_shared>>
      %dma_wait3A_149 = tpu.memref_slice %arg8[%run_scoped3A_27, %mul3A_26] : memref<16x10240xf32, #tpu.memory_space<vmem_shared>> -> memref<1x640xf32, #tpu.memory_space<vmem_shared>>
      %dma_wait3A_150 = tpu.memref_squeeze %dma_wait3A_149 : memref<1x640xf32, #tpu.memory_space<vmem_shared>> -> memref<640xf32, #tpu.memory_space<vmem_shared>>
      tpu.wait_dma2 semaphore(%run_scoped3A_144 : memref<!tpu.dma_semaphore, #tpu.memory_space<semaphore_mem>>) src(%dma_wait3A_150 : memref<640xf32, #tpu.memory_space<vmem_shared>>) dst(%arg7 : memref<640xf32, #tpu.memory_space<vmem>>)
      tpu.yield
    }) : () -> ()
    %scan3A_28 = arith.constant 0 : i32
    %scan3A_29 = arith.constant 40 : i32
    %scan3A_30 = arith.addi %scan3A_28, %scan3A_29 : i32
    %scan3A_31 = arith.constant 1 : i32
    scf.for %scan3A_144 = %scan3A_28 to %scan3A_30 step %scan3A_31  : i32 {
      %mul3A_145 = arith.constant 16 : i32
      %mul3A_146 = arith.muli %scan3A_144, %mul3A_145 : i32
      %add3A_147 = arith.constant 0 : i32
      %add3A_148 = arith.addi %add3A_147, %mul3A_146 : i32
      %multiple_of3A = tpu.assume_multiple %add3A_148, 16 : i32
      %get3A = arith.index_cast %multiple_of3A : i32 to index
      %get3A_149 = tpu.vector_load %arg6[%get3A] {strides = array<i32>} : memref<640xf32, #tpu.memory_space<vmem>>, vector<16xf32>,
      %get3A_150 = arith.index_cast %multiple_of3A : i32 to index
      %get3A_151 = tpu.vector_load %arg7[%get3A_150] {strides = array<i32>} : memref<640xf32, #tpu.memory_space<vmem>>, vector<16xf32>,
      %add3A_152 = arith.addf %get3A_149, %get3A_151 : vector<16xf32>
      %swap3A = arith.index_cast %multiple_of3A : i32 to index
      %swap3A_153 = tpu.vector_load %arg6[%swap3A] {strides = array<i32>} : memref<640xf32, #tpu.memory_space<vmem>>, vector<16xf32>,
      tpu.vector_store %arg6[%swap3A], %add3A_152 {strides = array<i32>} : memref<640xf32, #tpu.memory_space<vmem>>, vector<16xf32>,
    }
    %scan3A_32 = arith.constant 40 : i32
    %mul3A_33 = arith.constant 640 : i32
    %mul3A_34 = arith.muli %arg1, %mul3A_33 : i32
    %run_scoped3A_35 = arith.constant 3 : i32
    "tpu.region"() ({
      %run_scoped3A_144 = tpu.sem_alloc : memref<!tpu.dma_semaphore, #tpu.memory_space<semaphore_mem>>
      %dma_start3A = tpu.memref_slice %arg8[%run_scoped3A_35, %mul3A_34] : memref<16x10240xf32, #tpu.memory_space<vmem_shared>> -> memref<1x640xf32, #tpu.memory_space<vmem_shared>>
      %dma_start3A_145 = tpu.memref_squeeze %dma_start3A : memref<1x640xf32, #tpu.memory_space<vmem_shared>> -> memref<640xf32, #tpu.memory_space<vmem_shared>>
      %dma_start3A_146 = tpu.memref_slice %arg8[%run_scoped3A_35, %mul3A_34] : memref<16x10240xf32, #tpu.memory_space<vmem_shared>> -> memref<1x640xf32, #tpu.memory_space<vmem_shared>>
      %dma_start3A_147 = tpu.memref_squeeze %dma_start3A_146 : memref<1x640xf32, #tpu.memory_space<vmem_shared>> -> memref<640xf32, #tpu.memory_space<vmem_shared>>
      tpu.enqueue_dma source(%dma_start3A_147 : memref<640xf32, #tpu.memory_space<vmem_shared>>) target(%arg7 : memref<640xf32, #tpu.memory_space<vmem>>) target_semaphore(%run_scoped3A_144 : memref<!tpu.dma_semaphore, #tpu.memory_space<semaphore_mem>>)
      %dma_wait3A = tpu.memref_slice %arg8[%run_scoped3A_35, %mul3A_34] : memref<16x10240xf32, #tpu.memory_space<vmem_shared>> -> memref<1x640xf32, #tpu.memory_space<vmem_shared>>
      %dma_wait3A_148 = tpu.memref_squeeze %dma_wait3A : memref<1x640xf32, #tpu.memory_space<vmem_shared>> -> memref<640xf32, #tpu.memory_space<vmem_shared>>
      %dma_wait3A_149 = tpu.memref_slice %arg8[%run_scoped3A_35, %mul3A_34] : memref<16x10240xf32, #tpu.memory_space<vmem_shared>> -> memref<1x640xf32, #tpu.memory_space<vmem_shared>>
      %dma_wait3A_150 = tpu.memref_squeeze %dma_wait3A_149 : memref<1x640xf32, #tpu.memory_space<vmem_shared>> -> memref<640xf32, #tpu.memory_space<vmem_shared>>
      tpu.wait_dma2 semaphore(%run_scoped3A_144 : memref<!tpu.dma_semaphore, #tpu.memory_space<semaphore_mem>>) src(%dma_wait3A_150 : memref<640xf32, #tpu.memory_space<vmem_shared>>) dst(%arg7 : memref<640xf32, #tpu.memory_space<vmem>>)
      tpu.yield
    }) : () -> ()
    %scan3A_36 = arith.constant 0 : i32
    %scan3A_37 = arith.constant 40 : i32
    %scan3A_38 = arith.addi %scan3A_36, %scan3A_37 : i32
    %scan3A_39 = arith.constant 1 : i32
    scf.for %scan3A_144 = %scan3A_36 to %scan3A_38 step %scan3A_39  : i32 {
      %mul3A_145 = arith.constant 16 : i32
      %mul3A_146 = arith.muli %scan3A_144, %mul3A_145 : i32
      %add3A_147 = arith.constant 0 : i32
      %add3A_148 = arith.addi %add3A_147, %mul3A_146 : i32
      %multiple_of3A = tpu.assume_multiple %add3A_148, 16 : i32
      %get3A = arith.index_cast %multiple_of3A : i32 to index
      %get3A_149 = tpu.vector_load %arg6[%get3A] {strides = array<i32>} : memref<640xf32, #tpu.memory_space<vmem>>, vector<16xf32>,
      %get3A_150 = arith.index_cast %multiple_of3A : i32 to index
      %get3A_151 = tpu.vector_load %arg7[%get3A_150] {strides = array<i32>} : memref<640xf32, #tpu.memory_space<vmem>>, vector<16xf32>,
      %add3A_152 = arith.addf %get3A_149, %get3A_151 : vector<16xf32>
      %swap3A = arith.index_cast %multiple_of3A : i32 to index
      %swap3A_153 = tpu.vector_load %arg6[%swap3A] {strides = array<i32>} : memref<640xf32, #tpu.memory_space<vmem>>, vector<16xf32>,
      tpu.vector_store %arg6[%swap3A], %add3A_152 {strides = array<i32>} : memref<640xf32, #tpu.memory_space<vmem>>, vector<16xf32>,
    }
    %scan3A_40 = arith.constant 40 : i32
    %mul3A_41 = arith.constant 640 : i32
    %mul3A_42 = arith.muli %arg1, %mul3A_41 : i32
    %run_scoped3A_43 = arith.constant 4 : i32
    "tpu.region"() ({
      %run_scoped3A_144 = tpu.sem_alloc : memref<!tpu.dma_semaphore, #tpu.memory_space<semaphore_mem>>
      %dma_start3A = tpu.memref_slice %arg8[%run_scoped3A_43, %mul3A_42] : memref<16x10240xf32, #tpu.memory_space<vmem_shared>> -> memref<1x640xf32, #tpu.memory_space<vmem_shared>>
      %dma_start3A_145 = tpu.memref_squeeze %dma_start3A : memref<1x640xf32, #tpu.memory_space<vmem_shared>> -> memref<640xf32, #tpu.memory_space<vmem_shared>>
      %dma_start3A_146 = tpu.memref_slice %arg8[%run_scoped3A_43, %mul3A_42] : memref<16x10240xf32, #tpu.memory_space<vmem_shared>> -> memref<1x640xf32, #tpu.memory_space<vmem_shared>>
      %dma_start3A_147 = tpu.memref_squeeze %dma_start3A_146 : memref<1x640xf32, #tpu.memory_space<vmem_shared>> -> memref<640xf32, #tpu.memory_space<vmem_shared>>
      tpu.enqueue_dma source(%dma_start3A_147 : memref<640xf32, #tpu.memory_space<vmem_shared>>) target(%arg7 : memref<640xf32, #tpu.memory_space<vmem>>) target_semaphore(%run_scoped3A_144 : memref<!tpu.dma_semaphore, #tpu.memory_space<semaphore_mem>>)
      %dma_wait3A = tpu.memref_slice %arg8[%run_scoped3A_43, %mul3A_42] : memref<16x10240xf32, #tpu.memory_space<vmem_shared>> -> memref<1x640xf32, #tpu.memory_space<vmem_shared>>
      %dma_wait3A_148 = tpu.memref_squeeze %dma_wait3A : memref<1x640xf32, #tpu.memory_space<vmem_shared>> -> memref<640xf32, #tpu.memory_space<vmem_shared>>
      %dma_wait3A_149 = tpu.memref_slice %arg8[%run_scoped3A_43, %mul3A_42] : memref<16x10240xf32, #tpu.memory_space<vmem_shared>> -> memref<1x640xf32, #tpu.memory_space<vmem_shared>>
      %dma_wait3A_150 = tpu.memref_squeeze %dma_wait3A_149 : memref<1x640xf32, #tpu.memory_space<vmem_shared>> -> memref<640xf32, #tpu.memory_space<vmem_shared>>
      tpu.wait_dma2 semaphore(%run_scoped3A_144 : memref<!tpu.dma_semaphore, #tpu.memory_space<semaphore_mem>>) src(%dma_wait3A_150 : memref<640xf32, #tpu.memory_space<vmem_shared>>) dst(%arg7 : memref<640xf32, #tpu.memory_space<vmem>>)
      tpu.yield
    }) : () -> ()
    %scan3A_44 = arith.constant 0 : i32
    %scan3A_45 = arith.constant 40 : i32
    %scan3A_46 = arith.addi %scan3A_44, %scan3A_45 : i32
    %scan3A_47 = arith.constant 1 : i32
    scf.for %scan3A_144 = %scan3A_44 to %scan3A_46 step %scan3A_47  : i32 {
      %mul3A_145 = arith.constant 16 : i32
      %mul3A_146 = arith.muli %scan3A_144, %mul3A_145 : i32
      %add3A_147 = arith.constant 0 : i32
      %add3A_148 = arith.addi %add3A_147, %mul3A_146 : i32
      %multiple_of3A = tpu.assume_multiple %add3A_148, 16 : i32
      %get3A = arith.index_cast %multiple_of3A : i32 to index
      %get3A_149 = tpu.vector_load %arg6[%get3A] {strides = array<i32>} : memref<640xf32, #tpu.memory_space<vmem>>, vector<16xf32>,
      %get3A_150 = arith.index_cast %multiple_of3A : i32 to index
      %get3A_151 = tpu.vector_load %arg7[%get3A_150] {strides = array<i32>} : memref<640xf32, #tpu.memory_space<vmem>>, vector<16xf32>,
      %add3A_152 = arith.addf %get3A_149, %get3A_151 : vector<16xf32>
      %swap3A = arith.index_cast %multiple_of3A : i32 to index
      %swap3A_153 = tpu.vector_load %arg6[%swap3A] {strides = array<i32>} : memref<640xf32, #tpu.memory_space<vmem>>, vector<16xf32>,
      tpu.vector_store %arg6[%swap3A], %add3A_152 {strides = array<i32>} : memref<640xf32, #tpu.memory_space<vmem>>, vector<16xf32>,
    }
    %scan3A_48 = arith.constant 40 : i32
    %mul3A_49 = arith.constant 640 : i32
    %mul3A_50 = arith.muli %arg1, %mul3A_49 : i32
    %run_scoped3A_51 = arith.constant 5 : i32
    "tpu.region"() ({
      %run_scoped3A_144 = tpu.sem_alloc : memref<!tpu.dma_semaphore, #tpu.memory_space<semaphore_mem>>
      %dma_start3A = tpu.memref_slice %arg8[%run_scoped3A_51, %mul3A_50] : memref<16x10240xf32, #tpu.memory_space<vmem_shared>> -> memref<1x640xf32, #tpu.memory_space<vmem_shared>>
      %dma_start3A_145 = tpu.memref_squeeze %dma_start3A : memref<1x640xf32, #tpu.memory_space<vmem_shared>> -> memref<640xf32, #tpu.memory_space<vmem_shared>>
      %dma_start3A_146 = tpu.memref_slice %arg8[%run_scoped3A_51, %mul3A_50] : memref<16x10240xf32, #tpu.memory_space<vmem_shared>> -> memref<1x640xf32, #tpu.memory_space<vmem_shared>>
      %dma_start3A_147 = tpu.memref_squeeze %dma_start3A_146 : memref<1x640xf32, #tpu.memory_space<vmem_shared>> -> memref<640xf32, #tpu.memory_space<vmem_shared>>
      tpu.enqueue_dma source(%dma_start3A_147 : memref<640xf32, #tpu.memory_space<vmem_shared>>) target(%arg7 : memref<640xf32, #tpu.memory_space<vmem>>) target_semaphore(%run_scoped3A_144 : memref<!tpu.dma_semaphore, #tpu.memory_space<semaphore_mem>>)
      %dma_wait3A = tpu.memref_slice %arg8[%run_scoped3A_51, %mul3A_50] : memref<16x10240xf32, #tpu.memory_space<vmem_shared>> -> memref<1x640xf32, #tpu.memory_space<vmem_shared>>
      %dma_wait3A_148 = tpu.memref_squeeze %dma_wait3A : memref<1x640xf32, #tpu.memory_space<vmem_shared>> -> memref<640xf32, #tpu.memory_space<vmem_shared>>
      %dma_wait3A_149 = tpu.memref_slice %arg8[%run_scoped3A_51, %mul3A_50] : memref<16x10240xf32, #tpu.memory_space<vmem_shared>> -> memref<1x640xf32, #tpu.memory_space<vmem_shared>>
      %dma_wait3A_150 = tpu.memref_squeeze %dma_wait3A_149 : memref<1x640xf32, #tpu.memory_space<vmem_shared>> -> memref<640xf32, #tpu.memory_space<vmem_shared>>
      tpu.wait_dma2 semaphore(%run_scoped3A_144 : memref<!tpu.dma_semaphore, #tpu.memory_space<semaphore_mem>>) src(%dma_wait3A_150 : memref<640xf32, #tpu.memory_space<vmem_shared>>) dst(%arg7 : memref<640xf32, #tpu.memory_space<vmem>>)
      tpu.yield
    }) : () -> ()
    %scan3A_52 = arith.constant 0 : i32
    %scan3A_53 = arith.constant 40 : i32
    %scan3A_54 = arith.addi %scan3A_52, %scan3A_53 : i32
    %scan3A_55 = arith.constant 1 : i32
    scf.for %scan3A_144 = %scan3A_52 to %scan3A_54 step %scan3A_55  : i32 {
      %mul3A_145 = arith.constant 16 : i32
      %mul3A_146 = arith.muli %scan3A_144, %mul3A_145 : i32
      %add3A_147 = arith.constant 0 : i32
      %add3A_148 = arith.addi %add3A_147, %mul3A_146 : i32
      %multiple_of3A = tpu.assume_multiple %add3A_148, 16 : i32
      %get3A = arith.index_cast %multiple_of3A : i32 to index
      %get3A_149 = tpu.vector_load %arg6[%get3A] {strides = array<i32>} : memref<640xf32, #tpu.memory_space<vmem>>, vector<16xf32>,
      %get3A_150 = arith.index_cast %multiple_of3A : i32 to index
      %get3A_151 = tpu.vector_load %arg7[%get3A_150] {strides = array<i32>} : memref<640xf32, #tpu.memory_space<vmem>>, vector<16xf32>,
      %add3A_152 = arith.addf %get3A_149, %get3A_151 : vector<16xf32>
      %swap3A = arith.index_cast %multiple_of3A : i32 to index
      %swap3A_153 = tpu.vector_load %arg6[%swap3A] {strides = array<i32>} : memref<640xf32, #tpu.memory_space<vmem>>, vector<16xf32>,
      tpu.vector_store %arg6[%swap3A], %add3A_152 {strides = array<i32>} : memref<640xf32, #tpu.memory_space<vmem>>, vector<16xf32>,
    }
    %scan3A_56 = arith.constant 40 : i32
    %mul3A_57 = arith.constant 640 : i32
    %mul3A_58 = arith.muli %arg1, %mul3A_57 : i32
    %run_scoped3A_59 = arith.constant 6 : i32
    "tpu.region"() ({
      %run_scoped3A_144 = tpu.sem_alloc : memref<!tpu.dma_semaphore, #tpu.memory_space<semaphore_mem>>
      %dma_start3A = tpu.memref_slice %arg8[%run_scoped3A_59, %mul3A_58] : memref<16x10240xf32, #tpu.memory_space<vmem_shared>> -> memref<1x640xf32, #tpu.memory_space<vmem_shared>>
      %dma_start3A_145 = tpu.memref_squeeze %dma_start3A : memref<1x640xf32, #tpu.memory_space<vmem_shared>> -> memref<640xf32, #tpu.memory_space<vmem_shared>>
      %dma_start3A_146 = tpu.memref_slice %arg8[%run_scoped3A_59, %mul3A_58] : memref<16x10240xf32, #tpu.memory_space<vmem_shared>> -> memref<1x640xf32, #tpu.memory_space<vmem_shared>>
      %dma_start3A_147 = tpu.memref_squeeze %dma_start3A_146 : memref<1x640xf32, #tpu.memory_space<vmem_shared>> -> memref<640xf32, #tpu.memory_space<vmem_shared>>
      tpu.enqueue_dma source(%dma_start3A_147 : memref<640xf32, #tpu.memory_space<vmem_shared>>) target(%arg7 : memref<640xf32, #tpu.memory_space<vmem>>) target_semaphore(%run_scoped3A_144 : memref<!tpu.dma_semaphore, #tpu.memory_space<semaphore_mem>>)
      %dma_wait3A = tpu.memref_slice %arg8[%run_scoped3A_59, %mul3A_58] : memref<16x10240xf32, #tpu.memory_space<vmem_shared>> -> memref<1x640xf32, #tpu.memory_space<vmem_shared>>
      %dma_wait3A_148 = tpu.memref_squeeze %dma_wait3A : memref<1x640xf32, #tpu.memory_space<vmem_shared>> -> memref<640xf32, #tpu.memory_space<vmem_shared>>
      %dma_wait3A_149 = tpu.memref_slice %arg8[%run_scoped3A_59, %mul3A_58] : memref<16x10240xf32, #tpu.memory_space<vmem_shared>> -> memref<1x640xf32, #tpu.memory_space<vmem_shared>>
      %dma_wait3A_150 = tpu.memref_squeeze %dma_wait3A_149 : memref<1x640xf32, #tpu.memory_space<vmem_shared>> -> memref<640xf32, #tpu.memory_space<vmem_shared>>
      tpu.wait_dma2 semaphore(%run_scoped3A_144 : memref<!tpu.dma_semaphore, #tpu.memory_space<semaphore_mem>>) src(%dma_wait3A_150 : memref<640xf32, #tpu.memory_space<vmem_shared>>) dst(%arg7 : memref<640xf32, #tpu.memory_space<vmem>>)
      tpu.yield
    }) : () -> ()
    %scan3A_60 = arith.constant 0 : i32
    %scan3A_61 = arith.constant 40 : i32
    %scan3A_62 = arith.addi %scan3A_60, %scan3A_61 : i32
    %scan3A_63 = arith.constant 1 : i32
    scf.for %scan3A_144 = %scan3A_60 to %scan3A_62 step %scan3A_63  : i32 {
      %mul3A_145 = arith.constant 16 : i32
      %mul3A_146 = arith.muli %scan3A_144, %mul3A_145 : i32
      %add3A_147 = arith.constant 0 : i32
      %add3A_148 = arith.addi %add3A_147, %mul3A_146 : i32
      %multiple_of3A = tpu.assume_multiple %add3A_148, 16 : i32
      %get3A = arith.index_cast %multiple_of3A : i32 to index
      %get3A_149 = tpu.vector_load %arg6[%get3A] {strides = array<i32>} : memref<640xf32, #tpu.memory_space<vmem>>, vector<16xf32>,
      %get3A_150 = arith.index_cast %multiple_of3A : i32 to index
      %get3A_151 = tpu.vector_load %arg7[%get3A_150] {strides = array<i32>} : memref<640xf32, #tpu.memory_space<vmem>>, vector<16xf32>,
      %add3A_152 = arith.addf %get3A_149, %get3A_151 : vector<16xf32>
      %swap3A = arith.index_cast %multiple_of3A : i32 to index
      %swap3A_153 = tpu.vector_load %arg6[%swap3A] {strides = array<i32>} : memref<640xf32, #tpu.memory_space<vmem>>, vector<16xf32>,
      tpu.vector_store %arg6[%swap3A], %add3A_152 {strides = array<i32>} : memref<640xf32, #tpu.memory_space<vmem>>, vector<16xf32>,
    }
    %scan3A_64 = arith.constant 40 : i32
    %mul3A_65 = arith.constant 640 : i32
    %mul3A_66 = arith.muli %arg1, %mul3A_65 : i32
    %run_scoped3A_67 = arith.constant 7 : i32
    "tpu.region"() ({
      %run_scoped3A_144 = tpu.sem_alloc : memref<!tpu.dma_semaphore, #tpu.memory_space<semaphore_mem>>
      %dma_start3A = tpu.memref_slice %arg8[%run_scoped3A_67, %mul3A_66] : memref<16x10240xf32, #tpu.memory_space<vmem_shared>> -> memref<1x640xf32, #tpu.memory_space<vmem_shared>>
      %dma_start3A_145 = tpu.memref_squeeze %dma_start3A : memref<1x640xf32, #tpu.memory_space<vmem_shared>> -> memref<640xf32, #tpu.memory_space<vmem_shared>>
      %dma_start3A_146 = tpu.memref_slice %arg8[%run_scoped3A_67, %mul3A_66] : memref<16x10240xf32, #tpu.memory_space<vmem_shared>> -> memref<1x640xf32, #tpu.memory_space<vmem_shared>>
      %dma_start3A_147 = tpu.memref_squeeze %dma_start3A_146 : memref<1x640xf32, #tpu.memory_space<vmem_shared>> -> memref<640xf32, #tpu.memory_space<vmem_shared>>
      tpu.enqueue_dma source(%dma_start3A_147 : memref<640xf32, #tpu.memory_space<vmem_shared>>) target(%arg7 : memref<640xf32, #tpu.memory_space<vmem>>) target_semaphore(%run_scoped3A_144 : memref<!tpu.dma_semaphore, #tpu.memory_space<semaphore_mem>>)
      %dma_wait3A = tpu.memref_slice %arg8[%run_scoped3A_67, %mul3A_66] : memref<16x10240xf32, #tpu.memory_space<vmem_shared>> -> memref<1x640xf32, #tpu.memory_space<vmem_shared>>
      %dma_wait3A_148 = tpu.memref_squeeze %dma_wait3A : memref<1x640xf32, #tpu.memory_space<vmem_shared>> -> memref<640xf32, #tpu.memory_space<vmem_shared>>
      %dma_wait3A_149 = tpu.memref_slice %arg8[%run_scoped3A_67, %mul3A_66] : memref<16x10240xf32, #tpu.memory_space<vmem_shared>> -> memref<1x640xf32, #tpu.memory_space<vmem_shared>>
      %dma_wait3A_150 = tpu.memref_squeeze %dma_wait3A_149 : memref<1x640xf32, #tpu.memory_space<vmem_shared>> -> memref<640xf32, #tpu.memory_space<vmem_shared>>
      tpu.wait_dma2 semaphore(%run_scoped3A_144 : memref<!tpu.dma_semaphore, #tpu.memory_space<semaphore_mem>>) src(%dma_wait3A_150 : memref<640xf32, #tpu.memory_space<vmem_shared>>) dst(%arg7 : memref<640xf32, #tpu.memory_space<vmem>>)
      tpu.yield
    }) : () -> ()
    %scan3A_68 = arith.constant 0 : i32
    %scan3A_69 = arith.constant 40 : i32
    %scan3A_70 = arith.addi %scan3A_68, %scan3A_69 : i32
    %scan3A_71 = arith.constant 1 : i32
    scf.for %scan3A_144 = %scan3A_68 to %scan3A_70 step %scan3A_71  : i32 {
      %mul3A_145 = arith.constant 16 : i32
      %mul3A_146 = arith.muli %scan3A_144, %mul3A_145 : i32
      %add3A_147 = arith.constant 0 : i32
      %add3A_148 = arith.addi %add3A_147, %mul3A_146 : i32
      %multiple_of3A = tpu.assume_multiple %add3A_148, 16 : i32
      %get3A = arith.index_cast %multiple_of3A : i32 to index
      %get3A_149 = tpu.vector_load %arg6[%get3A] {strides = array<i32>} : memref<640xf32, #tpu.memory_space<vmem>>, vector<16xf32>,
      %get3A_150 = arith.index_cast %multiple_of3A : i32 to index
      %get3A_151 = tpu.vector_load %arg7[%get3A_150] {strides = array<i32>} : memref<640xf32, #tpu.memory_space<vmem>>, vector<16xf32>,
      %add3A_152 = arith.addf %get3A_149, %get3A_151 : vector<16xf32>
      %swap3A = arith.index_cast %multiple_of3A : i32 to index
      %swap3A_153 = tpu.vector_load %arg6[%swap3A] {strides = array<i32>} : memref<640xf32, #tpu.memory_space<vmem>>, vector<16xf32>,
      tpu.vector_store %arg6[%swap3A], %add3A_152 {strides = array<i32>} : memref<640xf32, #tpu.memory_space<vmem>>, vector<16xf32>,
    }
    %scan3A_72 = arith.constant 40 : i32
    %mul3A_73 = arith.constant 640 : i32
    %mul3A_74 = arith.muli %arg1, %mul3A_73 : i32
    %run_scoped3A_75 = arith.constant 8 : i32
    "tpu.region"() ({
      %run_scoped3A_144 = tpu.sem_alloc : memref<!tpu.dma_semaphore, #tpu.memory_space<semaphore_mem>>
      %dma_start3A = tpu.memref_slice %arg8[%run_scoped3A_75, %mul3A_74] : memref<16x10240xf32, #tpu.memory_space<vmem_shared>> -> memref<1x640xf32, #tpu.memory_space<vmem_shared>>
      %dma_start3A_145 = tpu.memref_squeeze %dma_start3A : memref<1x640xf32, #tpu.memory_space<vmem_shared>> -> memref<640xf32, #tpu.memory_space<vmem_shared>>
      %dma_start3A_146 = tpu.memref_slice %arg8[%run_scoped3A_75, %mul3A_74] : memref<16x10240xf32, #tpu.memory_space<vmem_shared>> -> memref<1x640xf32, #tpu.memory_space<vmem_shared>>
      %dma_start3A_147 = tpu.memref_squeeze %dma_start3A_146 : memref<1x640xf32, #tpu.memory_space<vmem_shared>> -> memref<640xf32, #tpu.memory_space<vmem_shared>>
      tpu.enqueue_dma source(%dma_start3A_147 : memref<640xf32, #tpu.memory_space<vmem_shared>>) target(%arg7 : memref<640xf32, #tpu.memory_space<vmem>>) target_semaphore(%run_scoped3A_144 : memref<!tpu.dma_semaphore, #tpu.memory_space<semaphore_mem>>)
      %dma_wait3A = tpu.memref_slice %arg8[%run_scoped3A_75, %mul3A_74] : memref<16x10240xf32, #tpu.memory_space<vmem_shared>> -> memref<1x640xf32, #tpu.memory_space<vmem_shared>>
      %dma_wait3A_148 = tpu.memref_squeeze %dma_wait3A : memref<1x640xf32, #tpu.memory_space<vmem_shared>> -> memref<640xf32, #tpu.memory_space<vmem_shared>>
      %dma_wait3A_149 = tpu.memref_slice %arg8[%run_scoped3A_75, %mul3A_74] : memref<16x10240xf32, #tpu.memory_space<vmem_shared>> -> memref<1x640xf32, #tpu.memory_space<vmem_shared>>
      %dma_wait3A_150 = tpu.memref_squeeze %dma_wait3A_149 : memref<1x640xf32, #tpu.memory_space<vmem_shared>> -> memref<640xf32, #tpu.memory_space<vmem_shared>>
      tpu.wait_dma2 semaphore(%run_scoped3A_144 : memref<!tpu.dma_semaphore, #tpu.memory_space<semaphore_mem>>) src(%dma_wait3A_150 : memref<640xf32, #tpu.memory_space<vmem_shared>>) dst(%arg7 : memref<640xf32, #tpu.memory_space<vmem>>)
      tpu.yield
    }) : () -> ()
    %scan3A_76 = arith.constant 0 : i32
    %scan3A_77 = arith.constant 40 : i32
    %scan3A_78 = arith.addi %scan3A_76, %scan3A_77 : i32
    %scan3A_79 = arith.constant 1 : i32
    scf.for %scan3A_144 = %scan3A_76 to %scan3A_78 step %scan3A_79  : i32 {
      %mul3A_145 = arith.constant 16 : i32
      %mul3A_146 = arith.muli %scan3A_144, %mul3A_145 : i32
      %add3A_147 = arith.constant 0 : i32
      %add3A_148 = arith.addi %add3A_147, %mul3A_146 : i32
      %multiple_of3A = tpu.assume_multiple %add3A_148, 16 : i32
      %get3A = arith.index_cast %multiple_of3A : i32 to index
      %get3A_149 = tpu.vector_load %arg6[%get3A] {strides = array<i32>} : memref<640xf32, #tpu.memory_space<vmem>>, vector<16xf32>,
      %get3A_150 = arith.index_cast %multiple_of3A : i32 to index
      %get3A_151 = tpu.vector_load %arg7[%get3A_150] {strides = array<i32>} : memref<640xf32, #tpu.memory_space<vmem>>, vector<16xf32>,
      %add3A_152 = arith.addf %get3A_149, %get3A_151 : vector<16xf32>
      %swap3A = arith.index_cast %multiple_of3A : i32 to index
      %swap3A_153 = tpu.vector_load %arg6[%swap3A] {strides = array<i32>} : memref<640xf32, #tpu.memory_space<vmem>>, vector<16xf32>,
      tpu.vector_store %arg6[%swap3A], %add3A_152 {strides = array<i32>} : memref<640xf32, #tpu.memory_space<vmem>>, vector<16xf32>,
    }
    %scan3A_80 = arith.constant 40 : i32
    %mul3A_81 = arith.constant 640 : i32
    %mul3A_82 = arith.muli %arg1, %mul3A_81 : i32
    %run_scoped3A_83 = arith.constant 9 : i32
    "tpu.region"() ({
      %run_scoped3A_144 = tpu.sem_alloc : memref<!tpu.dma_semaphore, #tpu.memory_space<semaphore_mem>>
      %dma_start3A = tpu.memref_slice %arg8[%run_scoped3A_83, %mul3A_82] : memref<16x10240xf32, #tpu.memory_space<vmem_shared>> -> memref<1x640xf32, #tpu.memory_space<vmem_shared>>
      %dma_start3A_145 = tpu.memref_squeeze %dma_start3A : memref<1x640xf32, #tpu.memory_space<vmem_shared>> -> memref<640xf32, #tpu.memory_space<vmem_shared>>
      %dma_start3A_146 = tpu.memref_slice %arg8[%run_scoped3A_83, %mul3A_82] : memref<16x10240xf32, #tpu.memory_space<vmem_shared>> -> memref<1x640xf32, #tpu.memory_space<vmem_shared>>
      %dma_start3A_147 = tpu.memref_squeeze %dma_start3A_146 : memref<1x640xf32, #tpu.memory_space<vmem_shared>> -> memref<640xf32, #tpu.memory_space<vmem_shared>>
      tpu.enqueue_dma source(%dma_start3A_147 : memref<640xf32, #tpu.memory_space<vmem_shared>>) target(%arg7 : memref<640xf32, #tpu.memory_space<vmem>>) target_semaphore(%run_scoped3A_144 : memref<!tpu.dma_semaphore, #tpu.memory_space<semaphore_mem>>)
      %dma_wait3A = tpu.memref_slice %arg8[%run_scoped3A_83, %mul3A_82] : memref<16x10240xf32, #tpu.memory_space<vmem_shared>> -> memref<1x640xf32, #tpu.memory_space<vmem_shared>>
      %dma_wait3A_148 = tpu.memref_squeeze %dma_wait3A : memref<1x640xf32, #tpu.memory_space<vmem_shared>> -> memref<640xf32, #tpu.memory_space<vmem_shared>>
      %dma_wait3A_149 = tpu.memref_slice %arg8[%run_scoped3A_83, %mul3A_82] : memref<16x10240xf32, #tpu.memory_space<vmem_shared>> -> memref<1x640xf32, #tpu.memory_space<vmem_shared>>
      %dma_wait3A_150 = tpu.memref_squeeze %dma_wait3A_149 : memref<1x640xf32, #tpu.memory_space<vmem_shared>> -> memref<640xf32, #tpu.memory_space<vmem_shared>>
      tpu.wait_dma2 semaphore(%run_scoped3A_144 : memref<!tpu.dma_semaphore, #tpu.memory_space<semaphore_mem>>) src(%dma_wait3A_150 : memref<640xf32, #tpu.memory_space<vmem_shared>>) dst(%arg7 : memref<640xf32, #tpu.memory_space<vmem>>)
      tpu.yield
    }) : () -> ()
    %scan3A_84 = arith.constant 0 : i32
    %scan3A_85 = arith.constant 40 : i32
    %scan3A_86 = arith.addi %scan3A_84, %scan3A_85 : i32
    %scan3A_87 = arith.constant 1 : i32
    scf.for %scan3A_144 = %scan3A_84 to %scan3A_86 step %scan3A_87  : i32 {
      %mul3A_145 = arith.constant 16 : i32
      %mul3A_146 = arith.muli %scan3A_144, %mul3A_145 : i32
      %add3A_147 = arith.constant 0 : i32
      %add3A_148 = arith.addi %add3A_147, %mul3A_146 : i32
      %multiple_of3A = tpu.assume_multiple %add3A_148, 16 : i32
      %get3A = arith.index_cast %multiple_of3A : i32 to index
      %get3A_149 = tpu.vector_load %arg6[%get3A] {strides = array<i32>} : memref<640xf32, #tpu.memory_space<vmem>>, vector<16xf32>,
      %get3A_150 = arith.index_cast %multiple_of3A : i32 to index
      %get3A_151 = tpu.vector_load %arg7[%get3A_150] {strides = array<i32>} : memref<640xf32, #tpu.memory_space<vmem>>, vector<16xf32>,
      %add3A_152 = arith.addf %get3A_149, %get3A_151 : vector<16xf32>
      %swap3A = arith.index_cast %multiple_of3A : i32 to index
      %swap3A_153 = tpu.vector_load %arg6[%swap3A] {strides = array<i32>} : memref<640xf32, #tpu.memory_space<vmem>>, vector<16xf32>,
      tpu.vector_store %arg6[%swap3A], %add3A_152 {strides = array<i32>} : memref<640xf32, #tpu.memory_space<vmem>>, vector<16xf32>,
    }
    %scan3A_88 = arith.constant 40 : i32
    %mul3A_89 = arith.constant 640 : i32
    %mul3A_90 = arith.muli %arg1, %mul3A_89 : i32
    %run_scoped3A_91 = arith.constant 10 : i32
    "tpu.region"() ({
      %run_scoped3A_144 = tpu.sem_alloc : memref<!tpu.dma_semaphore, #tpu.memory_space<semaphore_mem>>
      %dma_start3A = tpu.memref_slice %arg8[%run_scoped3A_91, %mul3A_90] : memref<16x10240xf32, #tpu.memory_space<vmem_shared>> -> memref<1x640xf32, #tpu.memory_space<vmem_shared>>
      %dma_start3A_145 = tpu.memref_squeeze %dma_start3A : memref<1x640xf32, #tpu.memory_space<vmem_shared>> -> memref<640xf32, #tpu.memory_space<vmem_shared>>
      %dma_start3A_146 = tpu.memref_slice %arg8[%run_scoped3A_91, %mul3A_90] : memref<16x10240xf32, #tpu.memory_space<vmem_shared>> -> memref<1x640xf32, #tpu.memory_space<vmem_shared>>
      %dma_start3A_147 = tpu.memref_squeeze %dma_start3A_146 : memref<1x640xf32, #tpu.memory_space<vmem_shared>> -> memref<640xf32, #tpu.memory_space<vmem_shared>>
      tpu.enqueue_dma source(%dma_start3A_147 : memref<640xf32, #tpu.memory_space<vmem_shared>>) target(%arg7 : memref<640xf32, #tpu.memory_space<vmem>>) target_semaphore(%run_scoped3A_144 : memref<!tpu.dma_semaphore, #tpu.memory_space<semaphore_mem>>)
      %dma_wait3A = tpu.memref_slice %arg8[%run_scoped3A_91, %mul3A_90] : memref<16x10240xf32, #tpu.memory_space<vmem_shared>> -> memref<1x640xf32, #tpu.memory_space<vmem_shared>>
      %dma_wait3A_148 = tpu.memref_squeeze %dma_wait3A : memref<1x640xf32, #tpu.memory_space<vmem_shared>> -> memref<640xf32, #tpu.memory_space<vmem_shared>>
      %dma_wait3A_149 = tpu.memref_slice %arg8[%run_scoped3A_91, %mul3A_90] : memref<16x10240xf32, #tpu.memory_space<vmem_shared>> -> memref<1x640xf32, #tpu.memory_space<vmem_shared>>
      %dma_wait3A_150 = tpu.memref_squeeze %dma_wait3A_149 : memref<1x640xf32, #tpu.memory_space<vmem_shared>> -> memref<640xf32, #tpu.memory_space<vmem_shared>>
      tpu.wait_dma2 semaphore(%run_scoped3A_144 : memref<!tpu.dma_semaphore, #tpu.memory_space<semaphore_mem>>) src(%dma_wait3A_150 : memref<640xf32, #tpu.memory_space<vmem_shared>>) dst(%arg7 : memref<640xf32, #tpu.memory_space<vmem>>)
      tpu.yield
    }) : () -> ()
    %scan3A_92 = arith.constant 0 : i32
    %scan3A_93 = arith.constant 40 : i32
    %scan3A_94 = arith.addi %scan3A_92, %scan3A_93 : i32
    %scan3A_95 = arith.constant 1 : i32
    scf.for %scan3A_144 = %scan3A_92 to %scan3A_94 step %scan3A_95  : i32 {
      %mul3A_145 = arith.constant 16 : i32
      %mul3A_146 = arith.muli %scan3A_144, %mul3A_145 : i32
      %add3A_147 = arith.constant 0 : i32
      %add3A_148 = arith.addi %add3A_147, %mul3A_146 : i32
      %multiple_of3A = tpu.assume_multiple %add3A_148, 16 : i32
      %get3A = arith.index_cast %multiple_of3A : i32 to index
      %get3A_149 = tpu.vector_load %arg6[%get3A] {strides = array<i32>} : memref<640xf32, #tpu.memory_space<vmem>>, vector<16xf32>,
      %get3A_150 = arith.index_cast %multiple_of3A : i32 to index
      %get3A_151 = tpu.vector_load %arg7[%get3A_150] {strides = array<i32>} : memref<640xf32, #tpu.memory_space<vmem>>, vector<16xf32>,
      %add3A_152 = arith.addf %get3A_149, %get3A_151 : vector<16xf32>
      %swap3A = arith.index_cast %multiple_of3A : i32 to index
      %swap3A_153 = tpu.vector_load %arg6[%swap3A] {strides = array<i32>} : memref<640xf32, #tpu.memory_space<vmem>>, vector<16xf32>,
      tpu.vector_store %arg6[%swap3A], %add3A_152 {strides = array<i32>} : memref<640xf32, #tpu.memory_space<vmem>>, vector<16xf32>,
    }
    %scan3A_96 = arith.constant 40 : i32
    %mul3A_97 = arith.constant 640 : i32
    %mul3A_98 = arith.muli %arg1, %mul3A_97 : i32
    %run_scoped3A_99 = arith.constant 11 : i32
    "tpu.region"() ({
      %run_scoped3A_144 = tpu.sem_alloc : memref<!tpu.dma_semaphore, #tpu.memory_space<semaphore_mem>>
      %dma_start3A = tpu.memref_slice %arg8[%run_scoped3A_99, %mul3A_98] : memref<16x10240xf32, #tpu.memory_space<vmem_shared>> -> memref<1x640xf32, #tpu.memory_space<vmem_shared>>
      %dma_start3A_145 = tpu.memref_squeeze %dma_start3A : memref<1x640xf32, #tpu.memory_space<vmem_shared>> -> memref<640xf32, #tpu.memory_space<vmem_shared>>
      %dma_start3A_146 = tpu.memref_slice %arg8[%run_scoped3A_99, %mul3A_98] : memref<16x10240xf32, #tpu.memory_space<vmem_shared>> -> memref<1x640xf32, #tpu.memory_space<vmem_shared>>
      %dma_start3A_147 = tpu.memref_squeeze %dma_start3A_146 : memref<1x640xf32, #tpu.memory_space<vmem_shared>> -> memref<640xf32, #tpu.memory_space<vmem_shared>>
      tpu.enqueue_dma source(%dma_start3A_147 : memref<640xf32, #tpu.memory_space<vmem_shared>>) target(%arg7 : memref<640xf32, #tpu.memory_space<vmem>>) target_semaphore(%run_scoped3A_144 : memref<!tpu.dma_semaphore, #tpu.memory_space<semaphore_mem>>)
      %dma_wait3A = tpu.memref_slice %arg8[%run_scoped3A_99, %mul3A_98] : memref<16x10240xf32, #tpu.memory_space<vmem_shared>> -> memref<1x640xf32, #tpu.memory_space<vmem_shared>>
      %dma_wait3A_148 = tpu.memref_squeeze %dma_wait3A : memref<1x640xf32, #tpu.memory_space<vmem_shared>> -> memref<640xf32, #tpu.memory_space<vmem_shared>>
      %dma_wait3A_149 = tpu.memref_slice %arg8[%run_scoped3A_99, %mul3A_98] : memref<16x10240xf32, #tpu.memory_space<vmem_shared>> -> memref<1x640xf32, #tpu.memory_space<vmem_shared>>
      %dma_wait3A_150 = tpu.memref_squeeze %dma_wait3A_149 : memref<1x640xf32, #tpu.memory_space<vmem_shared>> -> memref<640xf32, #tpu.memory_space<vmem_shared>>
      tpu.wait_dma2 semaphore(%run_scoped3A_144 : memref<!tpu.dma_semaphore, #tpu.memory_space<semaphore_mem>>) src(%dma_wait3A_150 : memref<640xf32, #tpu.memory_space<vmem_shared>>) dst(%arg7 : memref<640xf32, #tpu.memory_space<vmem>>)
      tpu.yield
    }) : () -> ()
    %scan3A_100 = arith.constant 0 : i32
    %scan3A_101 = arith.constant 40 : i32
    %scan3A_102 = arith.addi %scan3A_100, %scan3A_101 : i32
    %scan3A_103 = arith.constant 1 : i32
    scf.for %scan3A_144 = %scan3A_100 to %scan3A_102 step %scan3A_103  : i32 {
      %mul3A_145 = arith.constant 16 : i32
      %mul3A_146 = arith.muli %scan3A_144, %mul3A_145 : i32
      %add3A_147 = arith.constant 0 : i32
      %add3A_148 = arith.addi %add3A_147, %mul3A_146 : i32
      %multiple_of3A = tpu.assume_multiple %add3A_148, 16 : i32
      %get3A = arith.index_cast %multiple_of3A : i32 to index
      %get3A_149 = tpu.vector_load %arg6[%get3A] {strides = array<i32>} : memref<640xf32, #tpu.memory_space<vmem>>, vector<16xf32>,
      %get3A_150 = arith.index_cast %multiple_of3A : i32 to index
      %get3A_151 = tpu.vector_load %arg7[%get3A_150] {strides = array<i32>} : memref<640xf32, #tpu.memory_space<vmem>>, vector<16xf32>,
      %add3A_152 = arith.addf %get3A_149, %get3A_151 : vector<16xf32>
      %swap3A = arith.index_cast %multiple_of3A : i32 to index
      %swap3A_153 = tpu.vector_load %arg6[%swap3A] {strides = array<i32>} : memref<640xf32, #tpu.memory_space<vmem>>, vector<16xf32>,
      tpu.vector_store %arg6[%swap3A], %add3A_152 {strides = array<i32>} : memref<640xf32, #tpu.memory_space<vmem>>, vector<16xf32>,
    }
    %scan3A_104 = arith.constant 40 : i32
    %mul3A_105 = arith.constant 640 : i32
    %mul3A_106 = arith.muli %arg1, %mul3A_105 : i32
    %run_scoped3A_107 = arith.constant 12 : i32
    "tpu.region"() ({
      %run_scoped3A_144 = tpu.sem_alloc : memref<!tpu.dma_semaphore, #tpu.memory_space<semaphore_mem>>
      %dma_start3A = tpu.memref_slice %arg8[%run_scoped3A_107, %mul3A_106] : memref<16x10240xf32, #tpu.memory_space<vmem_shared>> -> memref<1x640xf32, #tpu.memory_space<vmem_shared>>
      %dma_start3A_145 = tpu.memref_squeeze %dma_start3A : memref<1x640xf32, #tpu.memory_space<vmem_shared>> -> memref<640xf32, #tpu.memory_space<vmem_shared>>
      %dma_start3A_146 = tpu.memref_slice %arg8[%run_scoped3A_107, %mul3A_106] : memref<16x10240xf32, #tpu.memory_space<vmem_shared>> -> memref<1x640xf32, #tpu.memory_space<vmem_shared>>
      %dma_start3A_147 = tpu.memref_squeeze %dma_start3A_146 : memref<1x640xf32, #tpu.memory_space<vmem_shared>> -> memref<640xf32, #tpu.memory_space<vmem_shared>>
      tpu.enqueue_dma source(%dma_start3A_147 : memref<640xf32, #tpu.memory_space<vmem_shared>>) target(%arg7 : memref<640xf32, #tpu.memory_space<vmem>>) target_semaphore(%run_scoped3A_144 : memref<!tpu.dma_semaphore, #tpu.memory_space<semaphore_mem>>)
      %dma_wait3A = tpu.memref_slice %arg8[%run_scoped3A_107, %mul3A_106] : memref<16x10240xf32, #tpu.memory_space<vmem_shared>> -> memref<1x640xf32, #tpu.memory_space<vmem_shared>>
      %dma_wait3A_148 = tpu.memref_squeeze %dma_wait3A : memref<1x640xf32, #tpu.memory_space<vmem_shared>> -> memref<640xf32, #tpu.memory_space<vmem_shared>>
      %dma_wait3A_149 = tpu.memref_slice %arg8[%run_scoped3A_107, %mul3A_106] : memref<16x10240xf32, #tpu.memory_space<vmem_shared>> -> memref<1x640xf32, #tpu.memory_space<vmem_shared>>
      %dma_wait3A_150 = tpu.memref_squeeze %dma_wait3A_149 : memref<1x640xf32, #tpu.memory_space<vmem_shared>> -> memref<640xf32, #tpu.memory_space<vmem_shared>>
      tpu.wait_dma2 semaphore(%run_scoped3A_144 : memref<!tpu.dma_semaphore, #tpu.memory_space<semaphore_mem>>) src(%dma_wait3A_150 : memref<640xf32, #tpu.memory_space<vmem_shared>>) dst(%arg7 : memref<640xf32, #tpu.memory_space<vmem>>)
      tpu.yield
    }) : () -> ()
    %scan3A_108 = arith.constant 0 : i32
    %scan3A_109 = arith.constant 40 : i32
    %scan3A_110 = arith.addi %scan3A_108, %scan3A_109 : i32
    %scan3A_111 = arith.constant 1 : i32
    scf.for %scan3A_144 = %scan3A_108 to %scan3A_110 step %scan3A_111  : i32 {
      %mul3A_145 = arith.constant 16 : i32
      %mul3A_146 = arith.muli %scan3A_144, %mul3A_145 : i32
      %add3A_147 = arith.constant 0 : i32
      %add3A_148 = arith.addi %add3A_147, %mul3A_146 : i32
      %multiple_of3A = tpu.assume_multiple %add3A_148, 16 : i32
      %get3A = arith.index_cast %multiple_of3A : i32 to index
      %get3A_149 = tpu.vector_load %arg6[%get3A] {strides = array<i32>} : memref<640xf32, #tpu.memory_space<vmem>>, vector<16xf32>,
      %get3A_150 = arith.index_cast %multiple_of3A : i32 to index
      %get3A_151 = tpu.vector_load %arg7[%get3A_150] {strides = array<i32>} : memref<640xf32, #tpu.memory_space<vmem>>, vector<16xf32>,
      %add3A_152 = arith.addf %get3A_149, %get3A_151 : vector<16xf32>
      %swap3A = arith.index_cast %multiple_of3A : i32 to index
      %swap3A_153 = tpu.vector_load %arg6[%swap3A] {strides = array<i32>} : memref<640xf32, #tpu.memory_space<vmem>>, vector<16xf32>,
      tpu.vector_store %arg6[%swap3A], %add3A_152 {strides = array<i32>} : memref<640xf32, #tpu.memory_space<vmem>>, vector<16xf32>,
    }
    %scan3A_112 = arith.constant 40 : i32
    %mul3A_113 = arith.constant 640 : i32
    %mul3A_114 = arith.muli %arg1, %mul3A_113 : i32
    %run_scoped3A_115 = arith.constant 13 : i32
    "tpu.region"() ({
      %run_scoped3A_144 = tpu.sem_alloc : memref<!tpu.dma_semaphore, #tpu.memory_space<semaphore_mem>>
      %dma_start3A = tpu.memref_slice %arg8[%run_scoped3A_115, %mul3A_114] : memref<16x10240xf32, #tpu.memory_space<vmem_shared>> -> memref<1x640xf32, #tpu.memory_space<vmem_shared>>
      %dma_start3A_145 = tpu.memref_squeeze %dma_start3A : memref<1x640xf32, #tpu.memory_space<vmem_shared>> -> memref<640xf32, #tpu.memory_space<vmem_shared>>
      %dma_start3A_146 = tpu.memref_slice %arg8[%run_scoped3A_115, %mul3A_114] : memref<16x10240xf32, #tpu.memory_space<vmem_shared>> -> memref<1x640xf32, #tpu.memory_space<vmem_shared>>
      %dma_start3A_147 = tpu.memref_squeeze %dma_start3A_146 : memref<1x640xf32, #tpu.memory_space<vmem_shared>> -> memref<640xf32, #tpu.memory_space<vmem_shared>>
      tpu.enqueue_dma source(%dma_start3A_147 : memref<640xf32, #tpu.memory_space<vmem_shared>>) target(%arg7 : memref<640xf32, #tpu.memory_space<vmem>>) target_semaphore(%run_scoped3A_144 : memref<!tpu.dma_semaphore, #tpu.memory_space<semaphore_mem>>)
      %dma_wait3A = tpu.memref_slice %arg8[%run_scoped3A_115, %mul3A_114] : memref<16x10240xf32, #tpu.memory_space<vmem_shared>> -> memref<1x640xf32, #tpu.memory_space<vmem_shared>>
      %dma_wait3A_148 = tpu.memref_squeeze %dma_wait3A : memref<1x640xf32, #tpu.memory_space<vmem_shared>> -> memref<640xf32, #tpu.memory_space<vmem_shared>>
      %dma_wait3A_149 = tpu.memref_slice %arg8[%run_scoped3A_115, %mul3A_114] : memref<16x10240xf32, #tpu.memory_space<vmem_shared>> -> memref<1x640xf32, #tpu.memory_space<vmem_shared>>
      %dma_wait3A_150 = tpu.memref_squeeze %dma_wait3A_149 : memref<1x640xf32, #tpu.memory_space<vmem_shared>> -> memref<640xf32, #tpu.memory_space<vmem_shared>>
      tpu.wait_dma2 semaphore(%run_scoped3A_144 : memref<!tpu.dma_semaphore, #tpu.memory_space<semaphore_mem>>) src(%dma_wait3A_150 : memref<640xf32, #tpu.memory_space<vmem_shared>>) dst(%arg7 : memref<640xf32, #tpu.memory_space<vmem>>)
      tpu.yield
    }) : () -> ()
    %scan3A_116 = arith.constant 0 : i32
    %scan3A_117 = arith.constant 40 : i32
    %scan3A_118 = arith.addi %scan3A_116, %scan3A_117 : i32
    %scan3A_119 = arith.constant 1 : i32
    scf.for %scan3A_144 = %scan3A_116 to %scan3A_118 step %scan3A_119  : i32 {
      %mul3A_145 = arith.constant 16 : i32
      %mul3A_146 = arith.muli %scan3A_144, %mul3A_145 : i32
      %add3A_147 = arith.constant 0 : i32
      %add3A_148 = arith.addi %add3A_147, %mul3A_146 : i32
      %multiple_of3A = tpu.assume_multiple %add3A_148, 16 : i32
      %get3A = arith.index_cast %multiple_of3A : i32 to index
      %get3A_149 = tpu.vector_load %arg6[%get3A] {strides = array<i32>} : memref<640xf32, #tpu.memory_space<vmem>>, vector<16xf32>,
      %get3A_150 = arith.index_cast %multiple_of3A : i32 to index
      %get3A_151 = tpu.vector_load %arg7[%get3A_150] {strides = array<i32>} : memref<640xf32, #tpu.memory_space<vmem>>, vector<16xf32>,
      %add3A_152 = arith.addf %get3A_149, %get3A_151 : vector<16xf32>
      %swap3A = arith.index_cast %multiple_of3A : i32 to index
      %swap3A_153 = tpu.vector_load %arg6[%swap3A] {strides = array<i32>} : memref<640xf32, #tpu.memory_space<vmem>>, vector<16xf32>,
      tpu.vector_store %arg6[%swap3A], %add3A_152 {strides = array<i32>} : memref<640xf32, #tpu.memory_space<vmem>>, vector<16xf32>,
    }
    %scan3A_120 = arith.constant 40 : i32
    %mul3A_121 = arith.constant 640 : i32
    %mul3A_122 = arith.muli %arg1, %mul3A_121 : i32
    %run_scoped3A_123 = arith.constant 14 : i32
    "tpu.region"() ({
      %run_scoped3A_144 = tpu.sem_alloc : memref<!tpu.dma_semaphore, #tpu.memory_space<semaphore_mem>>
      %dma_start3A = tpu.memref_slice %arg8[%run_scoped3A_123, %mul3A_122] : memref<16x10240xf32, #tpu.memory_space<vmem_shared>> -> memref<1x640xf32, #tpu.memory_space<vmem_shared>>
      %dma_start3A_145 = tpu.memref_squeeze %dma_start3A : memref<1x640xf32, #tpu.memory_space<vmem_shared>> -> memref<640xf32, #tpu.memory_space<vmem_shared>>
      %dma_start3A_146 = tpu.memref_slice %arg8[%run_scoped3A_123, %mul3A_122] : memref<16x10240xf32, #tpu.memory_space<vmem_shared>> -> memref<1x640xf32, #tpu.memory_space<vmem_shared>>
      %dma_start3A_147 = tpu.memref_squeeze %dma_start3A_146 : memref<1x640xf32, #tpu.memory_space<vmem_shared>> -> memref<640xf32, #tpu.memory_space<vmem_shared>>
      tpu.enqueue_dma source(%dma_start3A_147 : memref<640xf32, #tpu.memory_space<vmem_shared>>) target(%arg7 : memref<640xf32, #tpu.memory_space<vmem>>) target_semaphore(%run_scoped3A_144 : memref<!tpu.dma_semaphore, #tpu.memory_space<semaphore_mem>>)
      %dma_wait3A = tpu.memref_slice %arg8[%run_scoped3A_123, %mul3A_122] : memref<16x10240xf32, #tpu.memory_space<vmem_shared>> -> memref<1x640xf32, #tpu.memory_space<vmem_shared>>
      %dma_wait3A_148 = tpu.memref_squeeze %dma_wait3A : memref<1x640xf32, #tpu.memory_space<vmem_shared>> -> memref<640xf32, #tpu.memory_space<vmem_shared>>
      %dma_wait3A_149 = tpu.memref_slice %arg8[%run_scoped3A_123, %mul3A_122] : memref<16x10240xf32, #tpu.memory_space<vmem_shared>> -> memref<1x640xf32, #tpu.memory_space<vmem_shared>>
      %dma_wait3A_150 = tpu.memref_squeeze %dma_wait3A_149 : memref<1x640xf32, #tpu.memory_space<vmem_shared>> -> memref<640xf32, #tpu.memory_space<vmem_shared>>
      tpu.wait_dma2 semaphore(%run_scoped3A_144 : memref<!tpu.dma_semaphore, #tpu.memory_space<semaphore_mem>>) src(%dma_wait3A_150 : memref<640xf32, #tpu.memory_space<vmem_shared>>) dst(%arg7 : memref<640xf32, #tpu.memory_space<vmem>>)
      tpu.yield
    }) : () -> ()
    %scan3A_124 = arith.constant 0 : i32
    %scan3A_125 = arith.constant 40 : i32
    %scan3A_126 = arith.addi %scan3A_124, %scan3A_125 : i32
    %scan3A_127 = arith.constant 1 : i32
    scf.for %scan3A_144 = %scan3A_124 to %scan3A_126 step %scan3A_127  : i32 {
      %mul3A_145 = arith.constant 16 : i32
      %mul3A_146 = arith.muli %scan3A_144, %mul3A_145 : i32
      %add3A_147 = arith.constant 0 : i32
      %add3A_148 = arith.addi %add3A_147, %mul3A_146 : i32
      %multiple_of3A = tpu.assume_multiple %add3A_148, 16 : i32
      %get3A = arith.index_cast %multiple_of3A : i32 to index
      %get3A_149 = tpu.vector_load %arg6[%get3A] {strides = array<i32>} : memref<640xf32, #tpu.memory_space<vmem>>, vector<16xf32>,
      %get3A_150 = arith.index_cast %multiple_of3A : i32 to index
      %get3A_151 = tpu.vector_load %arg7[%get3A_150] {strides = array<i32>} : memref<640xf32, #tpu.memory_space<vmem>>, vector<16xf32>,
      %add3A_152 = arith.addf %get3A_149, %get3A_151 : vector<16xf32>
      %swap3A = arith.index_cast %multiple_of3A : i32 to index
      %swap3A_153 = tpu.vector_load %arg6[%swap3A] {strides = array<i32>} : memref<640xf32, #tpu.memory_space<vmem>>, vector<16xf32>,
      tpu.vector_store %arg6[%swap3A], %add3A_152 {strides = array<i32>} : memref<640xf32, #tpu.memory_space<vmem>>, vector<16xf32>,
    }
    %scan3A_128 = arith.constant 40 : i32
    %mul3A_129 = arith.constant 640 : i32
    %mul3A_130 = arith.muli %arg1, %mul3A_129 : i32
    %run_scoped3A_131 = arith.constant 15 : i32
    "tpu.region"() ({
      %run_scoped3A_144 = tpu.sem_alloc : memref<!tpu.dma_semaphore, #tpu.memory_space<semaphore_mem>>
      %dma_start3A = tpu.memref_slice %arg8[%run_scoped3A_131, %mul3A_130] : memref<16x10240xf32, #tpu.memory_space<vmem_shared>> -> memref<1x640xf32, #tpu.memory_space<vmem_shared>>
      %dma_start3A_145 = tpu.memref_squeeze %dma_start3A : memref<1x640xf32, #tpu.memory_space<vmem_shared>> -> memref<640xf32, #tpu.memory_space<vmem_shared>>
      %dma_start3A_146 = tpu.memref_slice %arg8[%run_scoped3A_131, %mul3A_130] : memref<16x10240xf32, #tpu.memory_space<vmem_shared>> -> memref<1x640xf32, #tpu.memory_space<vmem_shared>>
      %dma_start3A_147 = tpu.memref_squeeze %dma_start3A_146 : memref<1x640xf32, #tpu.memory_space<vmem_shared>> -> memref<640xf32, #tpu.memory_space<vmem_shared>>
      tpu.enqueue_dma source(%dma_start3A_147 : memref<640xf32, #tpu.memory_space<vmem_shared>>) target(%arg7 : memref<640xf32, #tpu.memory_space<vmem>>) target_semaphore(%run_scoped3A_144 : memref<!tpu.dma_semaphore, #tpu.memory_space<semaphore_mem>>)
      %dma_wait3A = tpu.memref_slice %arg8[%run_scoped3A_131, %mul3A_130] : memref<16x10240xf32, #tpu.memory_space<vmem_shared>> -> memref<1x640xf32, #tpu.memory_space<vmem_shared>>
      %dma_wait3A_148 = tpu.memref_squeeze %dma_wait3A : memref<1x640xf32, #tpu.memory_space<vmem_shared>> -> memref<640xf32, #tpu.memory_space<vmem_shared>>
      %dma_wait3A_149 = tpu.memref_slice %arg8[%run_scoped3A_131, %mul3A_130] : memref<16x10240xf32, #tpu.memory_space<vmem_shared>> -> memref<1x640xf32, #tpu.memory_space<vmem_shared>>
      %dma_wait3A_150 = tpu.memref_squeeze %dma_wait3A_149 : memref<1x640xf32, #tpu.memory_space<vmem_shared>> -> memref<640xf32, #tpu.memory_space<vmem_shared>>
      tpu.wait_dma2 semaphore(%run_scoped3A_144 : memref<!tpu.dma_semaphore, #tpu.memory_space<semaphore_mem>>) src(%dma_wait3A_150 : memref<640xf32, #tpu.memory_space<vmem_shared>>) dst(%arg7 : memref<640xf32, #tpu.memory_space<vmem>>)
      tpu.yield
    }) : () -> ()
    %scan3A_132 = arith.constant 0 : i32
    %scan3A_133 = arith.constant 40 : i32
    %scan3A_134 = arith.addi %scan3A_132, %scan3A_133 : i32
    %scan3A_135 = arith.constant 1 : i32
    scf.for %scan3A_144 = %scan3A_132 to %scan3A_134 step %scan3A_135  : i32 {
      %mul3A_145 = arith.constant 16 : i32
      %mul3A_146 = arith.muli %scan3A_144, %mul3A_145 : i32
      %add3A_147 = arith.constant 0 : i32
      %add3A_148 = arith.addi %add3A_147, %mul3A_146 : i32
      %multiple_of3A = tpu.assume_multiple %add3A_148, 16 : i32
      %get3A = arith.index_cast %multiple_of3A : i32 to index
      %get3A_149 = tpu.vector_load %arg6[%get3A] {strides = array<i32>} : memref<640xf32, #tpu.memory_space<vmem>>, vector<16xf32>,
      %get3A_150 = arith.index_cast %multiple_of3A : i32 to index
      %get3A_151 = tpu.vector_load %arg7[%get3A_150] {strides = array<i32>} : memref<640xf32, #tpu.memory_space<vmem>>, vector<16xf32>,
      %add3A_152 = arith.addf %get3A_149, %get3A_151 : vector<16xf32>
      %swap3A = arith.index_cast %multiple_of3A : i32 to index
      %swap3A_153 = tpu.vector_load %arg6[%swap3A] {strides = array<i32>} : memref<640xf32, #tpu.memory_space<vmem>>, vector<16xf32>,
      tpu.vector_store %arg6[%swap3A], %add3A_152 {strides = array<i32>} : memref<640xf32, #tpu.memory_space<vmem>>, vector<16xf32>,
    }
    %scan3A_136 = arith.constant 40 : i32
    %eq3A = arith.constant 0 : i32
    %eq3A_137 = arith.cmpi eq, %arg0, %eq3A : i32
    %convert_element_type3A = arith.extui %eq3A_137 : i1 to i32
    %cond3A = arith.constant 0 : i32
    %cond3A_138 = arith.cmpi ne, %convert_element_type3A, %cond3A : i32
    scf.if %cond3A_138 {
      %mul3A_144 = arith.constant 640 : i32
      %mul3A_145 = arith.muli %arg1, %mul3A_144 : i32
      %run_scoped3A_146 = arith.constant 0 : i32
      "tpu.region"() ({
        %run_scoped3A_147 = tpu.sem_alloc : memref<!tpu.dma_semaphore, #tpu.memory_space<semaphore_mem>>
        %dma_start3A = tpu.memref_slice %arg3[%run_scoped3A_146, %mul3A_145] : memref<2x10240xf32, #tpu.memory_space<hbm>> -> memref<1x640xf32, #tpu.memory_space<hbm>>
        %dma_start3A_148 = tpu.memref_squeeze %dma_start3A : memref<1x640xf32, #tpu.memory_space<hbm>> -> memref<640xf32, #tpu.memory_space<hbm>>
        %dma_start3A_149 = tpu.memref_slice %arg3[%run_scoped3A_146, %mul3A_145] : memref<2x10240xf32, #tpu.memory_space<hbm>> -> memref<1x640xf32, #tpu.memory_space<hbm>>
        %dma_start3A_150 = tpu.memref_squeeze %dma_start3A_149 : memref<1x640xf32, #tpu.memory_space<hbm>> -> memref<640xf32, #tpu.memory_space<hbm>>
        tpu.enqueue_dma source(%arg6 : memref<640xf32, #tpu.memory_space<vmem>>) target(%dma_start3A_150 : memref<640xf32, #tpu.memory_space<hbm>>) target_semaphore(%run_scoped3A_147 : memref<!tpu.dma_semaphore, #tpu.memory_space<semaphore_mem>>)
        %dma_wait3A = tpu.memref_slice %arg3[%run_scoped3A_146, %mul3A_145] : memref<2x10240xf32, #tpu.memory_space<hbm>> -> memref<1x640xf32, #tpu.memory_space<hbm>>
        %dma_wait3A_151 = tpu.memref_squeeze %dma_wait3A : memref<1x640xf32, #tpu.memory_space<hbm>> -> memref<640xf32, #tpu.memory_space<hbm>>
        %dma_wait3A_152 = tpu.memref_slice %arg3[%run_scoped3A_146, %mul3A_145] : memref<2x10240xf32, #tpu.memory_space<hbm>> -> memref<1x640xf32, #tpu.memory_space<hbm>>
        %dma_wait3A_153 = tpu.memref_squeeze %dma_wait3A_152 : memref<1x640xf32, #tpu.memory_space<hbm>> -> memref<640xf32, #tpu.memory_space<hbm>>
        tpu.wait_dma2 semaphore(%run_scoped3A_147 : memref<!tpu.dma_semaphore, #tpu.memory_space<semaphore_mem>>) src(%arg6 : memref<640xf32, #tpu.memory_space<vmem>>) dst(%dma_wait3A_153 : memref<640xf32, #tpu.memory_space<hbm>>)
        tpu.yield
      }) : () -> ()
    } else {
    }
    %eq3A_139 = arith.constant 1 : i32
    %eq3A_140 = arith.cmpi eq, %arg0, %eq3A_139 : i32
    %convert_element_type3A_141 = arith.extui %eq3A_140 : i1 to i32
    %cond3A_142 = arith.constant 0 : i32
    %cond3A_143 = arith.cmpi ne, %convert_element_type3A_141, %cond3A_142 : i32
    scf.if %cond3A_143 {
      %mul3A_144 = arith.constant 640 : i32
      %mul3A_145 = arith.muli %arg1, %mul3A_144 : i32
      %run_scoped3A_146 = arith.constant 1 : i32
      "tpu.region"() ({
        %run_scoped3A_147 = tpu.sem_alloc : memref<!tpu.dma_semaphore, #tpu.memory_space<semaphore_mem>>
        %dma_start3A = tpu.memref_slice %arg3[%run_scoped3A_146, %mul3A_145] : memref<2x10240xf32, #tpu.memory_space<hbm>> -> memref<1x640xf32, #tpu.memory_space<hbm>>
        %dma_start3A_148 = tpu.memref_squeeze %dma_start3A : memref<1x640xf32, #tpu.memory_space<hbm>> -> memref<640xf32, #tpu.memory_space<hbm>>
        %dma_start3A_149 = tpu.memref_slice %arg3[%run_scoped3A_146, %mul3A_145] : memref<2x10240xf32, #tpu.memory_space<hbm>> -> memref<1x640xf32, #tpu.memory_space<hbm>>
        %dma_start3A_150 = tpu.memref_squeeze %dma_start3A_149 : memref<1x640xf32, #tpu.memory_space<hbm>> -> memref<640xf32, #tpu.memory_space<hbm>>
        tpu.enqueue_dma source(%arg6 : memref<640xf32, #tpu.memory_space<vmem>>) target(%dma_start3A_150 : memref<640xf32, #tpu.memory_space<hbm>>) target_semaphore(%run_scoped3A_147 : memref<!tpu.dma_semaphore, #tpu.memory_space<semaphore_mem>>)
        %dma_wait3A = tpu.memref_slice %arg3[%run_scoped3A_146, %mul3A_145] : memref<2x10240xf32, #tpu.memory_space<hbm>> -> memref<1x640xf32, #tpu.memory_space<hbm>>
        %dma_wait3A_151 = tpu.memref_squeeze %dma_wait3A : memref<1x640xf32, #tpu.memory_space<hbm>> -> memref<640xf32, #tpu.memory_space<hbm>>
        %dma_wait3A_152 = tpu.memref_slice %arg3[%run_scoped3A_146, %mul3A_145] : memref<2x10240xf32, #tpu.memory_space<hbm>> -> memref<1x640xf32, #tpu.memory_space<hbm>>
        %dma_wait3A_153 = tpu.memref_squeeze %dma_wait3A_152 : memref<1x640xf32, #tpu.memory_space<hbm>> -> memref<640xf32, #tpu.memory_space<hbm>>
        tpu.wait_dma2 semaphore(%run_scoped3A_147 : memref<!tpu.dma_semaphore, #tpu.memory_space<semaphore_mem>>) src(%arg6 : memref<640xf32, #tpu.memory_space<vmem>>) dst(%dma_wait3A_153 : memref<640xf32, #tpu.memory_space<hbm>>)
        tpu.yield
      }) : () -> ()
    } else {
    }
    return
  }
}

#map = affine_map<(d0, d1) -> (0, 0)>
module attributes {stable_mosaic.version = 14 : i64} {
  func.func @k(%arg0: i32, %arg1: i32, %arg2: memref<10000x128xf32, #tpu.memory_space<hbm>>, %arg3: memref<10000x128xf32, #tpu.memory_space<hbm>>, %arg4: memref<1280x128xi32, #tpu.memory_space<hbm>>, %arg5: memref<1280x128xi32, #tpu.memory_space<hbm>>, %arg6: memref<10240x128xf32, #tpu.memory_space<hbm>>, %arg7: memref<10240x128xf32, #tpu.memory_space<hbm>>, %arg8: memref<40x128xi32, #tpu.memory_space<vmem>>, %arg9: memref<40x128xi32, #tpu.memory_space<vmem>>, %arg10: memref<64x128xf32, #tpu.memory_space<vmem>>, %arg11: memref<64x128xf32, #tpu.memory_space<vmem>>, %arg12: memref<64x128xf32, #tpu.memory_space<vmem>>, %arg13: memref<64x128xf32, #tpu.memory_space<vmem>>, %arg14: memref<10240x128xf32, #tpu.memory_space<vmem_shared>>, %arg15: memref<4x!tpu.dma_semaphore, #tpu.memory_space<semaphore_mem>>, %arg16: memref<4x!tpu.dma_semaphore, #tpu.memory_space<semaphore_mem>>) attributes {dimension_semantics = [#tpu.dimension_semantics<core_parallel>, #tpu.dimension_semantics<subcore_parallel>], iteration_bounds = array<i64: 2, 16>, scalar_prefetch = 0 : i64, scratch_operands = 9 : i64, tpu.core_type = #tpu.core_type<sc_vector_subcore>, window_params = [{transform_indices = #map}, {transform_indices = #map}, {transform_indices = #map}, {transform_indices = #map}, {transform_indices = #map}, {transform_indices = #map}]} {
    %broadcast_in_dim3A = arith.constant 0.000000e+00 : f32
    %broadcast_in_dim3A_0 = vector.broadcast %broadcast_in_dim3A : f32 to vector<16xf32>
    %scan3A = arith.constant 0 : i32
    %scan3A_1 = arith.constant 64 : i32
    %scan3A_2 = arith.addi %scan3A, %scan3A_1 : i32
    %scan3A_3 = arith.constant 1 : i32
    scf.for %scan3A_63 = %scan3A to %scan3A_2 step %scan3A_3  : i32 {
      %mul3A_64 = arith.constant 1 : i32
      %mul3A_65 = arith.muli %scan3A_63, %mul3A_64 : i32
      %add3A_66 = arith.constant 0 : i32
      %add3A_67 = arith.addi %add3A_66, %mul3A_65 : i32
      %swap3A = arith.index_cast %add3A_67 : i32 to index
      %swap3A_68 = arith.constant 0 : index
      %swap3A_69 = tpu.vector_load %arg10[%swap3A, %swap3A_68] {strides = array<i32>} : memref<64x128xf32, #tpu.memory_space<vmem>>, vector<1x16xf32>,
      %swap3A_70 = vector.shape_cast %swap3A_69 : vector<1x16xf32> to vector<16xf32>
      %swap3A_71 = vector.shape_cast %broadcast_in_dim3A_0 : vector<16xf32> to vector<1x16xf32>
      tpu.vector_store %arg10[%swap3A, %swap3A_68], %swap3A_71 {strides = array<i32>} : memref<64x128xf32, #tpu.memory_space<vmem>>, vector<1x16xf32>,
      %swap3A_72 = arith.index_cast %add3A_67 : i32 to index
      %swap3A_73 = arith.constant 16 : index
      %swap3A_74 = tpu.vector_load %arg10[%swap3A_72, %swap3A_73] {strides = array<i32>} : memref<64x128xf32, #tpu.memory_space<vmem>>, vector<1x16xf32>,
      %swap3A_75 = vector.shape_cast %swap3A_74 : vector<1x16xf32> to vector<16xf32>
      %swap3A_76 = vector.shape_cast %broadcast_in_dim3A_0 : vector<16xf32> to vector<1x16xf32>
      tpu.vector_store %arg10[%swap3A_72, %swap3A_73], %swap3A_76 {strides = array<i32>} : memref<64x128xf32, #tpu.memory_space<vmem>>, vector<1x16xf32>,
      %swap3A_77 = arith.index_cast %add3A_67 : i32 to index
      %swap3A_78 = arith.constant 32 : index
      %swap3A_79 = tpu.vector_load %arg10[%swap3A_77, %swap3A_78] {strides = array<i32>} : memref<64x128xf32, #tpu.memory_space<vmem>>, vector<1x16xf32>,
      %swap3A_80 = vector.shape_cast %swap3A_79 : vector<1x16xf32> to vector<16xf32>
      %swap3A_81 = vector.shape_cast %broadcast_in_dim3A_0 : vector<16xf32> to vector<1x16xf32>
      tpu.vector_store %arg10[%swap3A_77, %swap3A_78], %swap3A_81 {strides = array<i32>} : memref<64x128xf32, #tpu.memory_space<vmem>>, vector<1x16xf32>,
      %swap3A_82 = arith.index_cast %add3A_67 : i32 to index
      %swap3A_83 = arith.constant 48 : index
      %swap3A_84 = tpu.vector_load %arg10[%swap3A_82, %swap3A_83] {strides = array<i32>} : memref<64x128xf32, #tpu.memory_space<vmem>>, vector<1x16xf32>,
      %swap3A_85 = vector.shape_cast %swap3A_84 : vector<1x16xf32> to vector<16xf32>
      %swap3A_86 = vector.shape_cast %broadcast_in_dim3A_0 : vector<16xf32> to vector<1x16xf32>
      tpu.vector_store %arg10[%swap3A_82, %swap3A_83], %swap3A_86 {strides = array<i32>} : memref<64x128xf32, #tpu.memory_space<vmem>>, vector<1x16xf32>,
      %swap3A_87 = arith.index_cast %add3A_67 : i32 to index
      %swap3A_88 = arith.constant 64 : index
      %swap3A_89 = tpu.vector_load %arg10[%swap3A_87, %swap3A_88] {strides = array<i32>} : memref<64x128xf32, #tpu.memory_space<vmem>>, vector<1x16xf32>,
      %swap3A_90 = vector.shape_cast %swap3A_89 : vector<1x16xf32> to vector<16xf32>
      %swap3A_91 = vector.shape_cast %broadcast_in_dim3A_0 : vector<16xf32> to vector<1x16xf32>
      tpu.vector_store %arg10[%swap3A_87, %swap3A_88], %swap3A_91 {strides = array<i32>} : memref<64x128xf32, #tpu.memory_space<vmem>>, vector<1x16xf32>,
      %swap3A_92 = arith.index_cast %add3A_67 : i32 to index
      %swap3A_93 = arith.constant 80 : index
      %swap3A_94 = tpu.vector_load %arg10[%swap3A_92, %swap3A_93] {strides = array<i32>} : memref<64x128xf32, #tpu.memory_space<vmem>>, vector<1x16xf32>,
      %swap3A_95 = vector.shape_cast %swap3A_94 : vector<1x16xf32> to vector<16xf32>
      %swap3A_96 = vector.shape_cast %broadcast_in_dim3A_0 : vector<16xf32> to vector<1x16xf32>
      tpu.vector_store %arg10[%swap3A_92, %swap3A_93], %swap3A_96 {strides = array<i32>} : memref<64x128xf32, #tpu.memory_space<vmem>>, vector<1x16xf32>,
      %swap3A_97 = arith.index_cast %add3A_67 : i32 to index
      %swap3A_98 = arith.constant 96 : index
      %swap3A_99 = tpu.vector_load %arg10[%swap3A_97, %swap3A_98] {strides = array<i32>} : memref<64x128xf32, #tpu.memory_space<vmem>>, vector<1x16xf32>,
      %swap3A_100 = vector.shape_cast %swap3A_99 : vector<1x16xf32> to vector<16xf32>
      %swap3A_101 = vector.shape_cast %broadcast_in_dim3A_0 : vector<16xf32> to vector<1x16xf32>
      tpu.vector_store %arg10[%swap3A_97, %swap3A_98], %swap3A_101 {strides = array<i32>} : memref<64x128xf32, #tpu.memory_space<vmem>>, vector<1x16xf32>,
      %swap3A_102 = arith.index_cast %add3A_67 : i32 to index
      %swap3A_103 = arith.constant 112 : index
      %swap3A_104 = tpu.vector_load %arg10[%swap3A_102, %swap3A_103] {strides = array<i32>} : memref<64x128xf32, #tpu.memory_space<vmem>>, vector<1x16xf32>,
      %swap3A_105 = vector.shape_cast %swap3A_104 : vector<1x16xf32> to vector<16xf32>
      %swap3A_106 = vector.shape_cast %broadcast_in_dim3A_0 : vector<16xf32> to vector<1x16xf32>
      tpu.vector_store %arg10[%swap3A_102, %swap3A_103], %swap3A_106 {strides = array<i32>} : memref<64x128xf32, #tpu.memory_space<vmem>>, vector<1x16xf32>,
    }
    %scan3A_4 = arith.constant 64 : i32
    %mul3A = arith.constant 640 : i32
    %mul3A_5 = arith.muli %arg1, %mul3A : i32
    %add3A = arith.constant 0 : i32
    %add3A_6 = arith.addi %mul3A_5, %add3A : i32
    "tpu.region"() ({
      %run_scoped3A = tpu.sem_alloc : memref<!tpu.dma_semaphore, #tpu.memory_space<semaphore_mem>>
      %dma_start3A = arith.constant 0 : i32
      %dma_start3A_63 = tpu.memref_slice %arg14[%add3A_6, %dma_start3A] : memref<10240x128xf32, #tpu.memory_space<vmem_shared>> -> memref<64x128xf32, #tpu.memory_space<vmem_shared>>
      %dma_start3A_64 = arith.constant 0 : i32
      %dma_start3A_65 = tpu.memref_slice %arg14[%add3A_6, %dma_start3A_64] : memref<10240x128xf32, #tpu.memory_space<vmem_shared>> -> memref<64x128xf32, #tpu.memory_space<vmem_shared>>
      tpu.enqueue_dma source(%arg10 : memref<64x128xf32, #tpu.memory_space<vmem>>) target(%dma_start3A_65 : memref<64x128xf32, #tpu.memory_space<vmem_shared>>) target_semaphore(%run_scoped3A : memref<!tpu.dma_semaphore, #tpu.memory_space<semaphore_mem>>)
      %dma_wait3A = arith.constant 0 : i32
      %dma_wait3A_66 = tpu.memref_slice %arg14[%add3A_6, %dma_wait3A] : memref<10240x128xf32, #tpu.memory_space<vmem_shared>> -> memref<64x128xf32, #tpu.memory_space<vmem_shared>>
      %dma_wait3A_67 = arith.constant 0 : i32
      %dma_wait3A_68 = tpu.memref_slice %arg14[%add3A_6, %dma_wait3A_67] : memref<10240x128xf32, #tpu.memory_space<vmem_shared>> -> memref<64x128xf32, #tpu.memory_space<vmem_shared>>
      tpu.wait_dma2 semaphore(%run_scoped3A : memref<!tpu.dma_semaphore, #tpu.memory_space<semaphore_mem>>) src(%arg10 : memref<64x128xf32, #tpu.memory_space<vmem>>) dst(%dma_wait3A_68 : memref<64x128xf32, #tpu.memory_space<vmem_shared>>)
      tpu.yield
    }) : () -> ()
    %mul3A_7 = arith.constant 640 : i32
    %mul3A_8 = arith.muli %arg1, %mul3A_7 : i32
    %add3A_9 = arith.constant 64 : i32
    %add3A_10 = arith.addi %mul3A_8, %add3A_9 : i32
    "tpu.region"() ({
      %run_scoped3A = tpu.sem_alloc : memref<!tpu.dma_semaphore, #tpu.memory_space<semaphore_mem>>
      %dma_start3A = arith.constant 0 : i32
      %dma_start3A_63 = tpu.memref_slice %arg14[%add3A_10, %dma_start3A] : memref<10240x128xf32, #tpu.memory_space<vmem_shared>> -> memref<64x128xf32, #tpu.memory_space<vmem_shared>>
      %dma_start3A_64 = arith.constant 0 : i32
      %dma_start3A_65 = tpu.memref_slice %arg14[%add3A_10, %dma_start3A_64] : memref<10240x128xf32, #tpu.memory_space<vmem_shared>> -> memref<64x128xf32, #tpu.memory_space<vmem_shared>>
      tpu.enqueue_dma source(%arg10 : memref<64x128xf32, #tpu.memory_space<vmem>>) target(%dma_start3A_65 : memref<64x128xf32, #tpu.memory_space<vmem_shared>>) target_semaphore(%run_scoped3A : memref<!tpu.dma_semaphore, #tpu.memory_space<semaphore_mem>>)
      %dma_wait3A = arith.constant 0 : i32
      %dma_wait3A_66 = tpu.memref_slice %arg14[%add3A_10, %dma_wait3A] : memref<10240x128xf32, #tpu.memory_space<vmem_shared>> -> memref<64x128xf32, #tpu.memory_space<vmem_shared>>
      %dma_wait3A_67 = arith.constant 0 : i32
      %dma_wait3A_68 = tpu.memref_slice %arg14[%add3A_10, %dma_wait3A_67] : memref<10240x128xf32, #tpu.memory_space<vmem_shared>> -> memref<64x128xf32, #tpu.memory_space<vmem_shared>>
      tpu.wait_dma2 semaphore(%run_scoped3A : memref<!tpu.dma_semaphore, #tpu.memory_space<semaphore_mem>>) src(%arg10 : memref<64x128xf32, #tpu.memory_space<vmem>>) dst(%dma_wait3A_68 : memref<64x128xf32, #tpu.memory_space<vmem_shared>>)
      tpu.yield
    }) : () -> ()
    %mul3A_11 = arith.constant 640 : i32
    %mul3A_12 = arith.muli %arg1, %mul3A_11 : i32
    %add3A_13 = arith.constant 128 : i32
    %add3A_14 = arith.addi %mul3A_12, %add3A_13 : i32
    "tpu.region"() ({
      %run_scoped3A = tpu.sem_alloc : memref<!tpu.dma_semaphore, #tpu.memory_space<semaphore_mem>>
      %dma_start3A = arith.constant 0 : i32
      %dma_start3A_63 = tpu.memref_slice %arg14[%add3A_14, %dma_start3A] : memref<10240x128xf32, #tpu.memory_space<vmem_shared>> -> memref<64x128xf32, #tpu.memory_space<vmem_shared>>
      %dma_start3A_64 = arith.constant 0 : i32
      %dma_start3A_65 = tpu.memref_slice %arg14[%add3A_14, %dma_start3A_64] : memref<10240x128xf32, #tpu.memory_space<vmem_shared>> -> memref<64x128xf32, #tpu.memory_space<vmem_shared>>
      tpu.enqueue_dma source(%arg10 : memref<64x128xf32, #tpu.memory_space<vmem>>) target(%dma_start3A_65 : memref<64x128xf32, #tpu.memory_space<vmem_shared>>) target_semaphore(%run_scoped3A : memref<!tpu.dma_semaphore, #tpu.memory_space<semaphore_mem>>)
      %dma_wait3A = arith.constant 0 : i32
      %dma_wait3A_66 = tpu.memref_slice %arg14[%add3A_14, %dma_wait3A] : memref<10240x128xf32, #tpu.memory_space<vmem_shared>> -> memref<64x128xf32, #tpu.memory_space<vmem_shared>>
      %dma_wait3A_67 = arith.constant 0 : i32
      %dma_wait3A_68 = tpu.memref_slice %arg14[%add3A_14, %dma_wait3A_67] : memref<10240x128xf32, #tpu.memory_space<vmem_shared>> -> memref<64x128xf32, #tpu.memory_space<vmem_shared>>
      tpu.wait_dma2 semaphore(%run_scoped3A : memref<!tpu.dma_semaphore, #tpu.memory_space<semaphore_mem>>) src(%arg10 : memref<64x128xf32, #tpu.memory_space<vmem>>) dst(%dma_wait3A_68 : memref<64x128xf32, #tpu.memory_space<vmem_shared>>)
      tpu.yield
    }) : () -> ()
    %mul3A_15 = arith.constant 640 : i32
    %mul3A_16 = arith.muli %arg1, %mul3A_15 : i32
    %add3A_17 = arith.constant 192 : i32
    %add3A_18 = arith.addi %mul3A_16, %add3A_17 : i32
    "tpu.region"() ({
      %run_scoped3A = tpu.sem_alloc : memref<!tpu.dma_semaphore, #tpu.memory_space<semaphore_mem>>
      %dma_start3A = arith.constant 0 : i32
      %dma_start3A_63 = tpu.memref_slice %arg14[%add3A_18, %dma_start3A] : memref<10240x128xf32, #tpu.memory_space<vmem_shared>> -> memref<64x128xf32, #tpu.memory_space<vmem_shared>>
      %dma_start3A_64 = arith.constant 0 : i32
      %dma_start3A_65 = tpu.memref_slice %arg14[%add3A_18, %dma_start3A_64] : memref<10240x128xf32, #tpu.memory_space<vmem_shared>> -> memref<64x128xf32, #tpu.memory_space<vmem_shared>>
      tpu.enqueue_dma source(%arg10 : memref<64x128xf32, #tpu.memory_space<vmem>>) target(%dma_start3A_65 : memref<64x128xf32, #tpu.memory_space<vmem_shared>>) target_semaphore(%run_scoped3A : memref<!tpu.dma_semaphore, #tpu.memory_space<semaphore_mem>>)
      %dma_wait3A = arith.constant 0 : i32
      %dma_wait3A_66 = tpu.memref_slice %arg14[%add3A_18, %dma_wait3A] : memref<10240x128xf32, #tpu.memory_space<vmem_shared>> -> memref<64x128xf32, #tpu.memory_space<vmem_shared>>
      %dma_wait3A_67 = arith.constant 0 : i32
      %dma_wait3A_68 = tpu.memref_slice %arg14[%add3A_18, %dma_wait3A_67] : memref<10240x128xf32, #tpu.memory_space<vmem_shared>> -> memref<64x128xf32, #tpu.memory_space<vmem_shared>>
      tpu.wait_dma2 semaphore(%run_scoped3A : memref<!tpu.dma_semaphore, #tpu.memory_space<semaphore_mem>>) src(%arg10 : memref<64x128xf32, #tpu.memory_space<vmem>>) dst(%dma_wait3A_68 : memref<64x128xf32, #tpu.memory_space<vmem_shared>>)
      tpu.yield
    }) : () -> ()
    %mul3A_19 = arith.constant 640 : i32
    %mul3A_20 = arith.muli %arg1, %mul3A_19 : i32
    %add3A_21 = arith.constant 256 : i32
    %add3A_22 = arith.addi %mul3A_20, %add3A_21 : i32
    "tpu.region"() ({
      %run_scoped3A = tpu.sem_alloc : memref<!tpu.dma_semaphore, #tpu.memory_space<semaphore_mem>>
      %dma_start3A = arith.constant 0 : i32
      %dma_start3A_63 = tpu.memref_slice %arg14[%add3A_22, %dma_start3A] : memref<10240x128xf32, #tpu.memory_space<vmem_shared>> -> memref<64x128xf32, #tpu.memory_space<vmem_shared>>
      %dma_start3A_64 = arith.constant 0 : i32
      %dma_start3A_65 = tpu.memref_slice %arg14[%add3A_22, %dma_start3A_64] : memref<10240x128xf32, #tpu.memory_space<vmem_shared>> -> memref<64x128xf32, #tpu.memory_space<vmem_shared>>
      tpu.enqueue_dma source(%arg10 : memref<64x128xf32, #tpu.memory_space<vmem>>) target(%dma_start3A_65 : memref<64x128xf32, #tpu.memory_space<vmem_shared>>) target_semaphore(%run_scoped3A : memref<!tpu.dma_semaphore, #tpu.memory_space<semaphore_mem>>)
      %dma_wait3A = arith.constant 0 : i32
      %dma_wait3A_66 = tpu.memref_slice %arg14[%add3A_22, %dma_wait3A] : memref<10240x128xf32, #tpu.memory_space<vmem_shared>> -> memref<64x128xf32, #tpu.memory_space<vmem_shared>>
      %dma_wait3A_67 = arith.constant 0 : i32
      %dma_wait3A_68 = tpu.memref_slice %arg14[%add3A_22, %dma_wait3A_67] : memref<10240x128xf32, #tpu.memory_space<vmem_shared>> -> memref<64x128xf32, #tpu.memory_space<vmem_shared>>
      tpu.wait_dma2 semaphore(%run_scoped3A : memref<!tpu.dma_semaphore, #tpu.memory_space<semaphore_mem>>) src(%arg10 : memref<64x128xf32, #tpu.memory_space<vmem>>) dst(%dma_wait3A_68 : memref<64x128xf32, #tpu.memory_space<vmem_shared>>)
      tpu.yield
    }) : () -> ()
    %mul3A_23 = arith.constant 640 : i32
    %mul3A_24 = arith.muli %arg1, %mul3A_23 : i32
    %add3A_25 = arith.constant 320 : i32
    %add3A_26 = arith.addi %mul3A_24, %add3A_25 : i32
    "tpu.region"() ({
      %run_scoped3A = tpu.sem_alloc : memref<!tpu.dma_semaphore, #tpu.memory_space<semaphore_mem>>
      %dma_start3A = arith.constant 0 : i32
      %dma_start3A_63 = tpu.memref_slice %arg14[%add3A_26, %dma_start3A] : memref<10240x128xf32, #tpu.memory_space<vmem_shared>> -> memref<64x128xf32, #tpu.memory_space<vmem_shared>>
      %dma_start3A_64 = arith.constant 0 : i32
      %dma_start3A_65 = tpu.memref_slice %arg14[%add3A_26, %dma_start3A_64] : memref<10240x128xf32, #tpu.memory_space<vmem_shared>> -> memref<64x128xf32, #tpu.memory_space<vmem_shared>>
      tpu.enqueue_dma source(%arg10 : memref<64x128xf32, #tpu.memory_space<vmem>>) target(%dma_start3A_65 : memref<64x128xf32, #tpu.memory_space<vmem_shared>>) target_semaphore(%run_scoped3A : memref<!tpu.dma_semaphore, #tpu.memory_space<semaphore_mem>>)
      %dma_wait3A = arith.constant 0 : i32
      %dma_wait3A_66 = tpu.memref_slice %arg14[%add3A_26, %dma_wait3A] : memref<10240x128xf32, #tpu.memory_space<vmem_shared>> -> memref<64x128xf32, #tpu.memory_space<vmem_shared>>
      %dma_wait3A_67 = arith.constant 0 : i32
      %dma_wait3A_68 = tpu.memref_slice %arg14[%add3A_26, %dma_wait3A_67] : memref<10240x128xf32, #tpu.memory_space<vmem_shared>> -> memref<64x128xf32, #tpu.memory_space<vmem_shared>>
      tpu.wait_dma2 semaphore(%run_scoped3A : memref<!tpu.dma_semaphore, #tpu.memory_space<semaphore_mem>>) src(%arg10 : memref<64x128xf32, #tpu.memory_space<vmem>>) dst(%dma_wait3A_68 : memref<64x128xf32, #tpu.memory_space<vmem_shared>>)
      tpu.yield
    }) : () -> ()
    %mul3A_27 = arith.constant 640 : i32
    %mul3A_28 = arith.muli %arg1, %mul3A_27 : i32
    %add3A_29 = arith.constant 384 : i32
    %add3A_30 = arith.addi %mul3A_28, %add3A_29 : i32
    "tpu.region"() ({
      %run_scoped3A = tpu.sem_alloc : memref<!tpu.dma_semaphore, #tpu.memory_space<semaphore_mem>>
      %dma_start3A = arith.constant 0 : i32
      %dma_start3A_63 = tpu.memref_slice %arg14[%add3A_30, %dma_start3A] : memref<10240x128xf32, #tpu.memory_space<vmem_shared>> -> memref<64x128xf32, #tpu.memory_space<vmem_shared>>
      %dma_start3A_64 = arith.constant 0 : i32
      %dma_start3A_65 = tpu.memref_slice %arg14[%add3A_30, %dma_start3A_64] : memref<10240x128xf32, #tpu.memory_space<vmem_shared>> -> memref<64x128xf32, #tpu.memory_space<vmem_shared>>
      tpu.enqueue_dma source(%arg10 : memref<64x128xf32, #tpu.memory_space<vmem>>) target(%dma_start3A_65 : memref<64x128xf32, #tpu.memory_space<vmem_shared>>) target_semaphore(%run_scoped3A : memref<!tpu.dma_semaphore, #tpu.memory_space<semaphore_mem>>)
      %dma_wait3A = arith.constant 0 : i32
      %dma_wait3A_66 = tpu.memref_slice %arg14[%add3A_30, %dma_wait3A] : memref<10240x128xf32, #tpu.memory_space<vmem_shared>> -> memref<64x128xf32, #tpu.memory_space<vmem_shared>>
      %dma_wait3A_67 = arith.constant 0 : i32
      %dma_wait3A_68 = tpu.memref_slice %arg14[%add3A_30, %dma_wait3A_67] : memref<10240x128xf32, #tpu.memory_space<vmem_shared>> -> memref<64x128xf32, #tpu.memory_space<vmem_shared>>
      tpu.wait_dma2 semaphore(%run_scoped3A : memref<!tpu.dma_semaphore, #tpu.memory_space<semaphore_mem>>) src(%arg10 : memref<64x128xf32, #tpu.memory_space<vmem>>) dst(%dma_wait3A_68 : memref<64x128xf32, #tpu.memory_space<vmem_shared>>)
      tpu.yield
    }) : () -> ()
    %mul3A_31 = arith.constant 640 : i32
    %mul3A_32 = arith.muli %arg1, %mul3A_31 : i32
    %add3A_33 = arith.constant 448 : i32
    %add3A_34 = arith.addi %mul3A_32, %add3A_33 : i32
    "tpu.region"() ({
      %run_scoped3A = tpu.sem_alloc : memref<!tpu.dma_semaphore, #tpu.memory_space<semaphore_mem>>
      %dma_start3A = arith.constant 0 : i32
      %dma_start3A_63 = tpu.memref_slice %arg14[%add3A_34, %dma_start3A] : memref<10240x128xf32, #tpu.memory_space<vmem_shared>> -> memref<64x128xf32, #tpu.memory_space<vmem_shared>>
      %dma_start3A_64 = arith.constant 0 : i32
      %dma_start3A_65 = tpu.memref_slice %arg14[%add3A_34, %dma_start3A_64] : memref<10240x128xf32, #tpu.memory_space<vmem_shared>> -> memref<64x128xf32, #tpu.memory_space<vmem_shared>>
      tpu.enqueue_dma source(%arg10 : memref<64x128xf32, #tpu.memory_space<vmem>>) target(%dma_start3A_65 : memref<64x128xf32, #tpu.memory_space<vmem_shared>>) target_semaphore(%run_scoped3A : memref<!tpu.dma_semaphore, #tpu.memory_space<semaphore_mem>>)
      %dma_wait3A = arith.constant 0 : i32
      %dma_wait3A_66 = tpu.memref_slice %arg14[%add3A_34, %dma_wait3A] : memref<10240x128xf32, #tpu.memory_space<vmem_shared>> -> memref<64x128xf32, #tpu.memory_space<vmem_shared>>
      %dma_wait3A_67 = arith.constant 0 : i32
      %dma_wait3A_68 = tpu.memref_slice %arg14[%add3A_34, %dma_wait3A_67] : memref<10240x128xf32, #tpu.memory_space<vmem_shared>> -> memref<64x128xf32, #tpu.memory_space<vmem_shared>>
      tpu.wait_dma2 semaphore(%run_scoped3A : memref<!tpu.dma_semaphore, #tpu.memory_space<semaphore_mem>>) src(%arg10 : memref<64x128xf32, #tpu.memory_space<vmem>>) dst(%dma_wait3A_68 : memref<64x128xf32, #tpu.memory_space<vmem_shared>>)
      tpu.yield
    }) : () -> ()
    %mul3A_35 = arith.constant 640 : i32
    %mul3A_36 = arith.muli %arg1, %mul3A_35 : i32
    %add3A_37 = arith.constant 512 : i32
    %add3A_38 = arith.addi %mul3A_36, %add3A_37 : i32
    "tpu.region"() ({
      %run_scoped3A = tpu.sem_alloc : memref<!tpu.dma_semaphore, #tpu.memory_space<semaphore_mem>>
      %dma_start3A = arith.constant 0 : i32
      %dma_start3A_63 = tpu.memref_slice %arg14[%add3A_38, %dma_start3A] : memref<10240x128xf32, #tpu.memory_space<vmem_shared>> -> memref<64x128xf32, #tpu.memory_space<vmem_shared>>
      %dma_start3A_64 = arith.constant 0 : i32
      %dma_start3A_65 = tpu.memref_slice %arg14[%add3A_38, %dma_start3A_64] : memref<10240x128xf32, #tpu.memory_space<vmem_shared>> -> memref<64x128xf32, #tpu.memory_space<vmem_shared>>
      tpu.enqueue_dma source(%arg10 : memref<64x128xf32, #tpu.memory_space<vmem>>) target(%dma_start3A_65 : memref<64x128xf32, #tpu.memory_space<vmem_shared>>) target_semaphore(%run_scoped3A : memref<!tpu.dma_semaphore, #tpu.memory_space<semaphore_mem>>)
      %dma_wait3A = arith.constant 0 : i32
      %dma_wait3A_66 = tpu.memref_slice %arg14[%add3A_38, %dma_wait3A] : memref<10240x128xf32, #tpu.memory_space<vmem_shared>> -> memref<64x128xf32, #tpu.memory_space<vmem_shared>>
      %dma_wait3A_67 = arith.constant 0 : i32
      %dma_wait3A_68 = tpu.memref_slice %arg14[%add3A_38, %dma_wait3A_67] : memref<10240x128xf32, #tpu.memory_space<vmem_shared>> -> memref<64x128xf32, #tpu.memory_space<vmem_shared>>
      tpu.wait_dma2 semaphore(%run_scoped3A : memref<!tpu.dma_semaphore, #tpu.memory_space<semaphore_mem>>) src(%arg10 : memref<64x128xf32, #tpu.memory_space<vmem>>) dst(%dma_wait3A_68 : memref<64x128xf32, #tpu.memory_space<vmem_shared>>)
      tpu.yield
    }) : () -> ()
    %mul3A_39 = arith.constant 640 : i32
    %mul3A_40 = arith.muli %arg1, %mul3A_39 : i32
    %add3A_41 = arith.constant 576 : i32
    %add3A_42 = arith.addi %mul3A_40, %add3A_41 : i32
    "tpu.region"() ({
      %run_scoped3A = tpu.sem_alloc : memref<!tpu.dma_semaphore, #tpu.memory_space<semaphore_mem>>
      %dma_start3A = arith.constant 0 : i32
      %dma_start3A_63 = tpu.memref_slice %arg14[%add3A_42, %dma_start3A] : memref<10240x128xf32, #tpu.memory_space<vmem_shared>> -> memref<64x128xf32, #tpu.memory_space<vmem_shared>>
      %dma_start3A_64 = arith.constant 0 : i32
      %dma_start3A_65 = tpu.memref_slice %arg14[%add3A_42, %dma_start3A_64] : memref<10240x128xf32, #tpu.memory_space<vmem_shared>> -> memref<64x128xf32, #tpu.memory_space<vmem_shared>>
      tpu.enqueue_dma source(%arg10 : memref<64x128xf32, #tpu.memory_space<vmem>>) target(%dma_start3A_65 : memref<64x128xf32, #tpu.memory_space<vmem_shared>>) target_semaphore(%run_scoped3A : memref<!tpu.dma_semaphore, #tpu.memory_space<semaphore_mem>>)
      %dma_wait3A = arith.constant 0 : i32
      %dma_wait3A_66 = tpu.memref_slice %arg14[%add3A_42, %dma_wait3A] : memref<10240x128xf32, #tpu.memory_space<vmem_shared>> -> memref<64x128xf32, #tpu.memory_space<vmem_shared>>
      %dma_wait3A_67 = arith.constant 0 : i32
      %dma_wait3A_68 = tpu.memref_slice %arg14[%add3A_42, %dma_wait3A_67] : memref<10240x128xf32, #tpu.memory_space<vmem_shared>> -> memref<64x128xf32, #tpu.memory_space<vmem_shared>>
      tpu.wait_dma2 semaphore(%run_scoped3A : memref<!tpu.dma_semaphore, #tpu.memory_space<semaphore_mem>>) src(%arg10 : memref<64x128xf32, #tpu.memory_space<vmem>>) dst(%dma_wait3A_68 : memref<64x128xf32, #tpu.memory_space<vmem_shared>>)
      tpu.yield
    }) : () -> ()
    %barrier3A = arith.constant 0 : index
    tpu.barrier barrier_id(%barrier3A)
    %eq3A = arith.constant 0 : i32
    %eq3A_43 = arith.cmpi eq, %arg0, %eq3A : i32
    %convert_element_type3A = arith.extui %eq3A_43 : i1 to i32
    %cond3A = arith.constant 0 : i32
    %cond3A_44 = arith.cmpi ne, %convert_element_type3A, %cond3A : i32
    scf.if %cond3A_44 {
      %mul3A_63 = arith.constant 80 : i32
      %mul3A_64 = arith.muli %arg1, %mul3A_63 : i32
      %add3A_65 = arith.constant 0 : i32
      %add3A_66 = arith.addi %mul3A_64, %add3A_65 : i32
      "tpu.region"() ({
        %run_scoped3A = tpu.sem_alloc : memref<!tpu.dma_semaphore, #tpu.memory_space<semaphore_mem>>
        %dma_start3A = arith.constant 0 : i32
        %dma_start3A_81 = tpu.memref_slice %arg4[%add3A_66, %dma_start3A] : memref<1280x128xi32, #tpu.memory_space<hbm>> -> memref<40x128xi32, #tpu.memory_space<hbm>>
        %dma_start3A_82 = arith.constant 0 : i32
        %dma_start3A_83 = tpu.memref_slice %arg4[%add3A_66, %dma_start3A_82] : memref<1280x128xi32, #tpu.memory_space<hbm>> -> memref<40x128xi32, #tpu.memory_space<hbm>>
        tpu.enqueue_dma source(%dma_start3A_83 : memref<40x128xi32, #tpu.memory_space<hbm>>) target(%arg8 : memref<40x128xi32, #tpu.memory_space<vmem>>) target_semaphore(%run_scoped3A : memref<!tpu.dma_semaphore, #tpu.memory_space<semaphore_mem>>)
        %dma_wait3A = arith.constant 0 : i32
        %dma_wait3A_84 = tpu.memref_slice %arg4[%add3A_66, %dma_wait3A] : memref<1280x128xi32, #tpu.memory_space<hbm>> -> memref<40x128xi32, #tpu.memory_space<hbm>>
        %dma_wait3A_85 = arith.constant 0 : i32
        %dma_wait3A_86 = tpu.memref_slice %arg4[%add3A_66, %dma_wait3A_85] : memref<1280x128xi32, #tpu.memory_space<hbm>> -> memref<40x128xi32, #tpu.memory_space<hbm>>
        tpu.wait_dma2 semaphore(%run_scoped3A : memref<!tpu.dma_semaphore, #tpu.memory_space<semaphore_mem>>) src(%dma_wait3A_86 : memref<40x128xi32, #tpu.memory_space<hbm>>) dst(%arg8 : memref<40x128xi32, #tpu.memory_space<vmem>>)
        tpu.yield
      }) : () -> ()
      "tpu.region"() ({
        %run_scoped3A = tpu.sem_alloc : memref<!tpu.dma_semaphore, #tpu.memory_space<semaphore_mem>>
        %dma_start3A = arith.constant 0 : i32
        %dma_start3A_81 = tpu.memref_slice %arg5[%add3A_66, %dma_start3A] : memref<1280x128xi32, #tpu.memory_space<hbm>> -> memref<40x128xi32, #tpu.memory_space<hbm>>
        %dma_start3A_82 = arith.constant 0 : i32
        %dma_start3A_83 = tpu.memref_slice %arg5[%add3A_66, %dma_start3A_82] : memref<1280x128xi32, #tpu.memory_space<hbm>> -> memref<40x128xi32, #tpu.memory_space<hbm>>
        tpu.enqueue_dma source(%dma_start3A_83 : memref<40x128xi32, #tpu.memory_space<hbm>>) target(%arg9 : memref<40x128xi32, #tpu.memory_space<vmem>>) target_semaphore(%run_scoped3A : memref<!tpu.dma_semaphore, #tpu.memory_space<semaphore_mem>>)
        %dma_wait3A = arith.constant 0 : i32
        %dma_wait3A_84 = tpu.memref_slice %arg5[%add3A_66, %dma_wait3A] : memref<1280x128xi32, #tpu.memory_space<hbm>> -> memref<40x128xi32, #tpu.memory_space<hbm>>
        %dma_wait3A_85 = arith.constant 0 : i32
        %dma_wait3A_86 = tpu.memref_slice %arg5[%add3A_66, %dma_wait3A_85] : memref<1280x128xi32, #tpu.memory_space<hbm>> -> memref<40x128xi32, #tpu.memory_space<hbm>>
        tpu.wait_dma2 semaphore(%run_scoped3A : memref<!tpu.dma_semaphore, #tpu.memory_space<semaphore_mem>>) src(%dma_wait3A_86 : memref<40x128xi32, #tpu.memory_space<hbm>>) dst(%arg9 : memref<40x128xi32, #tpu.memory_space<vmem>>)
        tpu.yield
      }) : () -> ()
      %scan3A_67 = arith.constant 0 : i32
      %scan3A_68 = arith.constant 20 : i32
      %scan3A_69 = arith.addi %scan3A_67, %scan3A_68 : i32
      %scan3A_70 = arith.constant 1 : i32
      scf.for %scan3A_81 = %scan3A_67 to %scan3A_69 step %scan3A_70  : i32 {
        %mul3A_82 = arith.constant 1 : i32
        %mul3A_83 = arith.muli %scan3A_81, %mul3A_82 : i32
        %add3A_84 = arith.constant 0 : i32
        %add3A_85 = arith.addi %add3A_84, %mul3A_83 : i32
        %mul3A_86 = arith.constant 2 : i32
        %mul3A_87 = arith.muli %mul3A_86, %add3A_85 : i32
        %add3A_88 = arith.constant 0 : i32
        %add3A_89 = arith.addi %mul3A_87, %add3A_88 : i32
        %dma_start3A = arith.constant 0 : i32
        %dma_start3A_90 = arith.constant 0 : i32
        %dma_start3A_91 = tpu.memref_slice %arg8[%add3A_89, %dma_start3A_90] : memref<40x128xi32, #tpu.memory_space<vmem>> -> memref<1x64xi32, #tpu.memory_space<vmem>>
        %dma_start3A_92 = tpu.memref_squeeze %dma_start3A_91 : memref<1x64xi32, #tpu.memory_space<vmem>> -> memref<64xi32, #tpu.memory_space<vmem>>
        %dma_start3A_93 = arith.constant 0 : i32
        %dma_start3A_94 = arith.constant 0 : i32
        %dma_start3A_95 = tpu.memref_slice %arg2[%dma_start3A_93, %dma_start3A_94] : memref<10000x128xf32, #tpu.memory_space<hbm>> -> memref<10000x128xf32, #tpu.memory_space<hbm>>
        %dma_start3A_96 = tpu.memref_slice %arg15[%dma_start3A] : memref<4x!tpu.dma_semaphore, #tpu.memory_space<semaphore_mem>> -> memref<1x!tpu.dma_semaphore, #tpu.memory_space<semaphore_mem>>
        %dma_start3A_97 = tpu.memref_squeeze %dma_start3A_96 : memref<1x!tpu.dma_semaphore, #tpu.memory_space<semaphore_mem>> -> memref<!tpu.dma_semaphore, #tpu.memory_space<semaphore_mem>>
        tpu.enqueue_indirect_dma source(%dma_start3A_95 : memref<10000x128xf32, #tpu.memory_space<hbm>>) target(%arg10 : memref<64x128xf32, #tpu.memory_space<vmem>>) offsets(%dma_start3A_92 : memref<64xi32, #tpu.memory_space<vmem>>) semaphore(%dma_start3A_97 : memref<!tpu.dma_semaphore, #tpu.memory_space<semaphore_mem>>)
        %add3A_98 = arith.constant 0 : i32
        %add3A_99 = arith.addi %mul3A_87, %add3A_98 : i32
        %dma_start3A_100 = arith.constant 1 : i32
        %dma_start3A_101 = arith.constant 64 : i32
        %dma_start3A_102 = tpu.memref_slice %arg8[%add3A_99, %dma_start3A_101] : memref<40x128xi32, #tpu.memory_space<vmem>> -> memref<1x64xi32, #tpu.memory_space<vmem>>
        %dma_start3A_103 = tpu.memref_squeeze %dma_start3A_102 : memref<1x64xi32, #tpu.memory_space<vmem>> -> memref<64xi32, #tpu.memory_space<vmem>>
        %dma_start3A_104 = arith.constant 0 : i32
        %dma_start3A_105 = arith.constant 0 : i32
        %dma_start3A_106 = tpu.memref_slice %arg2[%dma_start3A_104, %dma_start3A_105] : memref<10000x128xf32, #tpu.memory_space<hbm>> -> memref<10000x128xf32, #tpu.memory_space<hbm>>
        %dma_start3A_107 = tpu.memref_slice %arg15[%dma_start3A_100] : memref<4x!tpu.dma_semaphore, #tpu.memory_space<semaphore_mem>> -> memref<1x!tpu.dma_semaphore, #tpu.memory_space<semaphore_mem>>
        %dma_start3A_108 = tpu.memref_squeeze %dma_start3A_107 : memref<1x!tpu.dma_semaphore, #tpu.memory_space<semaphore_mem>> -> memref<!tpu.dma_semaphore, #tpu.memory_space<semaphore_mem>>
        tpu.enqueue_indirect_dma source(%dma_start3A_106 : memref<10000x128xf32, #tpu.memory_space<hbm>>) target(%arg11 : memref<64x128xf32, #tpu.memory_space<vmem>>) offsets(%dma_start3A_103 : memref<64xi32, #tpu.memory_space<vmem>>) semaphore(%dma_start3A_108 : memref<!tpu.dma_semaphore, #tpu.memory_space<semaphore_mem>>)
        %add3A_109 = arith.constant 1 : i32
        %add3A_110 = arith.addi %mul3A_87, %add3A_109 : i32
        %dma_start3A_111 = arith.constant 2 : i32
        %dma_start3A_112 = arith.constant 0 : i32
        %dma_start3A_113 = tpu.memref_slice %arg8[%add3A_110, %dma_start3A_112] : memref<40x128xi32, #tpu.memory_space<vmem>> -> memref<1x64xi32, #tpu.memory_space<vmem>>
        %dma_start3A_114 = tpu.memref_squeeze %dma_start3A_113 : memref<1x64xi32, #tpu.memory_space<vmem>> -> memref<64xi32, #tpu.memory_space<vmem>>
        %dma_start3A_115 = arith.constant 0 : i32
        %dma_start3A_116 = arith.constant 0 : i32
        %dma_start3A_117 = tpu.memref_slice %arg2[%dma_start3A_115, %dma_start3A_116] : memref<10000x128xf32, #tpu.memory_space<hbm>> -> memref<10000x128xf32, #tpu.memory_space<hbm>>
        %dma_start3A_118 = tpu.memref_slice %arg15[%dma_start3A_111] : memref<4x!tpu.dma_semaphore, #tpu.memory_space<semaphore_mem>> -> memref<1x!tpu.dma_semaphore, #tpu.memory_space<semaphore_mem>>
        %dma_start3A_119 = tpu.memref_squeeze %dma_start3A_118 : memref<1x!tpu.dma_semaphore, #tpu.memory_space<semaphore_mem>> -> memref<!tpu.dma_semaphore, #tpu.memory_space<semaphore_mem>>
        tpu.enqueue_indirect_dma source(%dma_start3A_117 : memref<10000x128xf32, #tpu.memory_space<hbm>>) target(%arg12 : memref<64x128xf32, #tpu.memory_space<vmem>>) offsets(%dma_start3A_114 : memref<64xi32, #tpu.memory_space<vmem>>) semaphore(%dma_start3A_119 : memref<!tpu.dma_semaphore, #tpu.memory_space<semaphore_mem>>)
        %add3A_120 = arith.constant 1 : i32
        %add3A_121 = arith.addi %mul3A_87, %add3A_120 : i32
        %dma_start3A_122 = arith.constant 3 : i32
        %dma_start3A_123 = arith.constant 64 : i32
        %dma_start3A_124 = tpu.memref_slice %arg8[%add3A_121, %dma_start3A_123] : memref<40x128xi32, #tpu.memory_space<vmem>> -> memref<1x64xi32, #tpu.memory_space<vmem>>
        %dma_start3A_125 = tpu.memref_squeeze %dma_start3A_124 : memref<1x64xi32, #tpu.memory_space<vmem>> -> memref<64xi32, #tpu.memory_space<vmem>>
        %dma_start3A_126 = arith.constant 0 : i32
        %dma_start3A_127 = arith.constant 0 : i32
        %dma_start3A_128 = tpu.memref_slice %arg2[%dma_start3A_126, %dma_start3A_127] : memref<10000x128xf32, #tpu.memory_space<hbm>> -> memref<10000x128xf32, #tpu.memory_space<hbm>>
        %dma_start3A_129 = tpu.memref_slice %arg15[%dma_start3A_122] : memref<4x!tpu.dma_semaphore, #tpu.memory_space<semaphore_mem>> -> memref<1x!tpu.dma_semaphore, #tpu.memory_space<semaphore_mem>>
        %dma_start3A_130 = tpu.memref_squeeze %dma_start3A_129 : memref<1x!tpu.dma_semaphore, #tpu.memory_space<semaphore_mem>> -> memref<!tpu.dma_semaphore, #tpu.memory_space<semaphore_mem>>
        tpu.enqueue_indirect_dma source(%dma_start3A_128 : memref<10000x128xf32, #tpu.memory_space<hbm>>) target(%arg13 : memref<64x128xf32, #tpu.memory_space<vmem>>) offsets(%dma_start3A_125 : memref<64xi32, #tpu.memory_space<vmem>>) semaphore(%dma_start3A_130 : memref<!tpu.dma_semaphore, #tpu.memory_space<semaphore_mem>>)
        %dma_wait3A = arith.constant 0 : i32
        %dma_wait3A_131 = arith.constant 0 : i32
        %dma_wait3A_132 = tpu.memref_slice %arg8[%add3A_89, %dma_wait3A_131] : memref<40x128xi32, #tpu.memory_space<vmem>> -> memref<1x64xi32, #tpu.memory_space<vmem>>
        %dma_wait3A_133 = tpu.memref_squeeze %dma_wait3A_132 : memref<1x64xi32, #tpu.memory_space<vmem>> -> memref<64xi32, #tpu.memory_space<vmem>>
        %dma_wait3A_134 = arith.constant 0 : i32
        %dma_wait3A_135 = arith.constant 0 : i32
        %dma_wait3A_136 = tpu.memref_slice %arg2[%dma_wait3A_134, %dma_wait3A_135] : memref<10000x128xf32, #tpu.memory_space<hbm>> -> memref<10000x128xf32, #tpu.memory_space<hbm>>
        %dma_wait3A_137 = tpu.memref_slice %arg15[%dma_wait3A] : memref<4x!tpu.dma_semaphore, #tpu.memory_space<semaphore_mem>> -> memref<1x!tpu.dma_semaphore, #tpu.memory_space<semaphore_mem>>
        %dma_wait3A_138 = tpu.memref_squeeze %dma_wait3A_137 : memref<1x!tpu.dma_semaphore, #tpu.memory_space<semaphore_mem>> -> memref<!tpu.dma_semaphore, #tpu.memory_space<semaphore_mem>>
        tpu.wait_indirect_dma semaphore(%dma_wait3A_138 : memref<!tpu.dma_semaphore, #tpu.memory_space<semaphore_mem>>) src(%dma_wait3A_136 : memref<10000x128xf32, #tpu.memory_space<hbm>>) dst(%arg10 : memref<64x128xf32, #tpu.memory_space<vmem>>)
        %add3A_139 = arith.constant 0 : i32
        %add3A_140 = arith.addi %mul3A_87, %add3A_139 : i32
        %dma_start3A_141 = arith.constant 0 : i32
        %dma_start3A_142 = arith.constant 0 : i32
        %dma_start3A_143 = tpu.memref_slice %arg9[%add3A_140, %dma_start3A_142] : memref<40x128xi32, #tpu.memory_space<vmem>> -> memref<1x64xi32, #tpu.memory_space<vmem>>
        %dma_start3A_144 = tpu.memref_squeeze %dma_start3A_143 : memref<1x64xi32, #tpu.memory_space<vmem>> -> memref<64xi32, #tpu.memory_space<vmem>>
        %dma_start3A_145 = arith.constant 0 : i32
        %dma_start3A_146 = arith.constant 0 : i32
        %dma_start3A_147 = tpu.memref_slice %arg14[%dma_start3A_145, %dma_start3A_146] : memref<10240x128xf32, #tpu.memory_space<vmem_shared>> -> memref<10240x128xf32, #tpu.memory_space<vmem_shared>>
        %dma_start3A_148 = tpu.memref_slice %arg16[%dma_start3A_141] : memref<4x!tpu.dma_semaphore, #tpu.memory_space<semaphore_mem>> -> memref<1x!tpu.dma_semaphore, #tpu.memory_space<semaphore_mem>>
        %dma_start3A_149 = tpu.memref_squeeze %dma_start3A_148 : memref<1x!tpu.dma_semaphore, #tpu.memory_space<semaphore_mem>> -> memref<!tpu.dma_semaphore, #tpu.memory_space<semaphore_mem>>
        tpu.enqueue_indirect_dma source(%arg10 : memref<64x128xf32, #tpu.memory_space<vmem>>) target(%dma_start3A_147 : memref<10240x128xf32, #tpu.memory_space<vmem_shared>>) offsets(%dma_start3A_144 : memref<64xi32, #tpu.memory_space<vmem>>) semaphore(%dma_start3A_149 : memref<!tpu.dma_semaphore, #tpu.memory_space<semaphore_mem>>) {add = true}
        %dma_wait3A_150 = arith.constant 1 : i32
        %dma_wait3A_151 = arith.constant 64 : i32
        %dma_wait3A_152 = tpu.memref_slice %arg8[%add3A_99, %dma_wait3A_151] : memref<40x128xi32, #tpu.memory_space<vmem>> -> memref<1x64xi32, #tpu.memory_space<vmem>>
        %dma_wait3A_153 = tpu.memref_squeeze %dma_wait3A_152 : memref<1x64xi32, #tpu.memory_space<vmem>> -> memref<64xi32, #tpu.memory_space<vmem>>
        %dma_wait3A_154 = arith.constant 0 : i32
        %dma_wait3A_155 = arith.constant 0 : i32
        %dma_wait3A_156 = tpu.memref_slice %arg2[%dma_wait3A_154, %dma_wait3A_155] : memref<10000x128xf32, #tpu.memory_space<hbm>> -> memref<10000x128xf32, #tpu.memory_space<hbm>>
        %dma_wait3A_157 = tpu.memref_slice %arg15[%dma_wait3A_150] : memref<4x!tpu.dma_semaphore, #tpu.memory_space<semaphore_mem>> -> memref<1x!tpu.dma_semaphore, #tpu.memory_space<semaphore_mem>>
        %dma_wait3A_158 = tpu.memref_squeeze %dma_wait3A_157 : memref<1x!tpu.dma_semaphore, #tpu.memory_space<semaphore_mem>> -> memref<!tpu.dma_semaphore, #tpu.memory_space<semaphore_mem>>
        tpu.wait_indirect_dma semaphore(%dma_wait3A_158 : memref<!tpu.dma_semaphore, #tpu.memory_space<semaphore_mem>>) src(%dma_wait3A_156 : memref<10000x128xf32, #tpu.memory_space<hbm>>) dst(%arg11 : memref<64x128xf32, #tpu.memory_space<vmem>>)
        %add3A_159 = arith.constant 0 : i32
        %add3A_160 = arith.addi %mul3A_87, %add3A_159 : i32
        %dma_start3A_161 = arith.constant 1 : i32
        %dma_start3A_162 = arith.constant 64 : i32
        %dma_start3A_163 = tpu.memref_slice %arg9[%add3A_160, %dma_start3A_162] : memref<40x128xi32, #tpu.memory_space<vmem>> -> memref<1x64xi32, #tpu.memory_space<vmem>>
        %dma_start3A_164 = tpu.memref_squeeze %dma_start3A_163 : memref<1x64xi32, #tpu.memory_space<vmem>> -> memref<64xi32, #tpu.memory_space<vmem>>
        %dma_start3A_165 = arith.constant 0 : i32
        %dma_start3A_166 = arith.constant 0 : i32
        %dma_start3A_167 = tpu.memref_slice %arg14[%dma_start3A_165, %dma_start3A_166] : memref<10240x128xf32, #tpu.memory_space<vmem_shared>> -> memref<10240x128xf32, #tpu.memory_space<vmem_shared>>
        %dma_start3A_168 = tpu.memref_slice %arg16[%dma_start3A_161] : memref<4x!tpu.dma_semaphore, #tpu.memory_space<semaphore_mem>> -> memref<1x!tpu.dma_semaphore, #tpu.memory_space<semaphore_mem>>
        %dma_start3A_169 = tpu.memref_squeeze %dma_start3A_168 : memref<1x!tpu.dma_semaphore, #tpu.memory_space<semaphore_mem>> -> memref<!tpu.dma_semaphore, #tpu.memory_space<semaphore_mem>>
        tpu.enqueue_indirect_dma source(%arg11 : memref<64x128xf32, #tpu.memory_space<vmem>>) target(%dma_start3A_167 : memref<10240x128xf32, #tpu.memory_space<vmem_shared>>) offsets(%dma_start3A_164 : memref<64xi32, #tpu.memory_space<vmem>>) semaphore(%dma_start3A_169 : memref<!tpu.dma_semaphore, #tpu.memory_space<semaphore_mem>>) {add = true}
        %dma_wait3A_170 = arith.constant 2 : i32
        %dma_wait3A_171 = arith.constant 0 : i32
        %dma_wait3A_172 = tpu.memref_slice %arg8[%add3A_110, %dma_wait3A_171] : memref<40x128xi32, #tpu.memory_space<vmem>> -> memref<1x64xi32, #tpu.memory_space<vmem>>
        %dma_wait3A_173 = tpu.memref_squeeze %dma_wait3A_172 : memref<1x64xi32, #tpu.memory_space<vmem>> -> memref<64xi32, #tpu.memory_space<vmem>>
        %dma_wait3A_174 = arith.constant 0 : i32
        %dma_wait3A_175 = arith.constant 0 : i32
        %dma_wait3A_176 = tpu.memref_slice %arg2[%dma_wait3A_174, %dma_wait3A_175] : memref<10000x128xf32, #tpu.memory_space<hbm>> -> memref<10000x128xf32, #tpu.memory_space<hbm>>
        %dma_wait3A_177 = tpu.memref_slice %arg15[%dma_wait3A_170] : memref<4x!tpu.dma_semaphore, #tpu.memory_space<semaphore_mem>> -> memref<1x!tpu.dma_semaphore, #tpu.memory_space<semaphore_mem>>
        %dma_wait3A_178 = tpu.memref_squeeze %dma_wait3A_177 : memref<1x!tpu.dma_semaphore, #tpu.memory_space<semaphore_mem>> -> memref<!tpu.dma_semaphore, #tpu.memory_space<semaphore_mem>>
        tpu.wait_indirect_dma semaphore(%dma_wait3A_178 : memref<!tpu.dma_semaphore, #tpu.memory_space<semaphore_mem>>) src(%dma_wait3A_176 : memref<10000x128xf32, #tpu.memory_space<hbm>>) dst(%arg12 : memref<64x128xf32, #tpu.memory_space<vmem>>)
        %add3A_179 = arith.constant 1 : i32
        %add3A_180 = arith.addi %mul3A_87, %add3A_179 : i32
        %dma_start3A_181 = arith.constant 2 : i32
        %dma_start3A_182 = arith.constant 0 : i32
        %dma_start3A_183 = tpu.memref_slice %arg9[%add3A_180, %dma_start3A_182] : memref<40x128xi32, #tpu.memory_space<vmem>> -> memref<1x64xi32, #tpu.memory_space<vmem>>
        %dma_start3A_184 = tpu.memref_squeeze %dma_start3A_183 : memref<1x64xi32, #tpu.memory_space<vmem>> -> memref<64xi32, #tpu.memory_space<vmem>>
        %dma_start3A_185 = arith.constant 0 : i32
        %dma_start3A_186 = arith.constant 0 : i32
        %dma_start3A_187 = tpu.memref_slice %arg14[%dma_start3A_185, %dma_start3A_186] : memref<10240x128xf32, #tpu.memory_space<vmem_shared>> -> memref<10240x128xf32, #tpu.memory_space<vmem_shared>>
        %dma_start3A_188 = tpu.memref_slice %arg16[%dma_start3A_181] : memref<4x!tpu.dma_semaphore, #tpu.memory_space<semaphore_mem>> -> memref<1x!tpu.dma_semaphore, #tpu.memory_space<semaphore_mem>>
        %dma_start3A_189 = tpu.memref_squeeze %dma_start3A_188 : memref<1x!tpu.dma_semaphore, #tpu.memory_space<semaphore_mem>> -> memref<!tpu.dma_semaphore, #tpu.memory_space<semaphore_mem>>
        tpu.enqueue_indirect_dma source(%arg12 : memref<64x128xf32, #tpu.memory_space<vmem>>) target(%dma_start3A_187 : memref<10240x128xf32, #tpu.memory_space<vmem_shared>>) offsets(%dma_start3A_184 : memref<64xi32, #tpu.memory_space<vmem>>) semaphore(%dma_start3A_189 : memref<!tpu.dma_semaphore, #tpu.memory_space<semaphore_mem>>) {add = true}
        %dma_wait3A_190 = arith.constant 3 : i32
        %dma_wait3A_191 = arith.constant 64 : i32
        %dma_wait3A_192 = tpu.memref_slice %arg8[%add3A_121, %dma_wait3A_191] : memref<40x128xi32, #tpu.memory_space<vmem>> -> memref<1x64xi32, #tpu.memory_space<vmem>>
        %dma_wait3A_193 = tpu.memref_squeeze %dma_wait3A_192 : memref<1x64xi32, #tpu.memory_space<vmem>> -> memref<64xi32, #tpu.memory_space<vmem>>
        %dma_wait3A_194 = arith.constant 0 : i32
        %dma_wait3A_195 = arith.constant 0 : i32
        %dma_wait3A_196 = tpu.memref_slice %arg2[%dma_wait3A_194, %dma_wait3A_195] : memref<10000x128xf32, #tpu.memory_space<hbm>> -> memref<10000x128xf32, #tpu.memory_space<hbm>>
        %dma_wait3A_197 = tpu.memref_slice %arg15[%dma_wait3A_190] : memref<4x!tpu.dma_semaphore, #tpu.memory_space<semaphore_mem>> -> memref<1x!tpu.dma_semaphore, #tpu.memory_space<semaphore_mem>>
        %dma_wait3A_198 = tpu.memref_squeeze %dma_wait3A_197 : memref<1x!tpu.dma_semaphore, #tpu.memory_space<semaphore_mem>> -> memref<!tpu.dma_semaphore, #tpu.memory_space<semaphore_mem>>
        tpu.wait_indirect_dma semaphore(%dma_wait3A_198 : memref<!tpu.dma_semaphore, #tpu.memory_space<semaphore_mem>>) src(%dma_wait3A_196 : memref<10000x128xf32, #tpu.memory_space<hbm>>) dst(%arg13 : memref<64x128xf32, #tpu.memory_space<vmem>>)
        %add3A_199 = arith.constant 1 : i32
        %add3A_200 = arith.addi %mul3A_87, %add3A_199 : i32
        %dma_start3A_201 = arith.constant 3 : i32
        %dma_start3A_202 = arith.constant 64 : i32
        %dma_start3A_203 = tpu.memref_slice %arg9[%add3A_200, %dma_start3A_202] : memref<40x128xi32, #tpu.memory_space<vmem>> -> memref<1x64xi32, #tpu.memory_space<vmem>>
        %dma_start3A_204 = tpu.memref_squeeze %dma_start3A_203 : memref<1x64xi32, #tpu.memory_space<vmem>> -> memref<64xi32, #tpu.memory_space<vmem>>
        %dma_start3A_205 = arith.constant 0 : i32
        %dma_start3A_206 = arith.constant 0 : i32
        %dma_start3A_207 = tpu.memref_slice %arg14[%dma_start3A_205, %dma_start3A_206] : memref<10240x128xf32, #tpu.memory_space<vmem_shared>> -> memref<10240x128xf32, #tpu.memory_space<vmem_shared>>
        %dma_start3A_208 = tpu.memref_slice %arg16[%dma_start3A_201] : memref<4x!tpu.dma_semaphore, #tpu.memory_space<semaphore_mem>> -> memref<1x!tpu.dma_semaphore, #tpu.memory_space<semaphore_mem>>
        %dma_start3A_209 = tpu.memref_squeeze %dma_start3A_208 : memref<1x!tpu.dma_semaphore, #tpu.memory_space<semaphore_mem>> -> memref<!tpu.dma_semaphore, #tpu.memory_space<semaphore_mem>>
        tpu.enqueue_indirect_dma source(%arg13 : memref<64x128xf32, #tpu.memory_space<vmem>>) target(%dma_start3A_207 : memref<10240x128xf32, #tpu.memory_space<vmem_shared>>) offsets(%dma_start3A_204 : memref<64xi32, #tpu.memory_space<vmem>>) semaphore(%dma_start3A_209 : memref<!tpu.dma_semaphore, #tpu.memory_space<semaphore_mem>>) {add = true}
        %dma_wait3A_210 = arith.constant 0 : i32
        %dma_wait3A_211 = arith.constant 0 : i32
        %dma_wait3A_212 = tpu.memref_slice %arg9[%add3A_140, %dma_wait3A_211] : memref<40x128xi32, #tpu.memory_space<vmem>> -> memref<1x64xi32, #tpu.memory_space<vmem>>
        %dma_wait3A_213 = tpu.memref_squeeze %dma_wait3A_212 : memref<1x64xi32, #tpu.memory_space<vmem>> -> memref<64xi32, #tpu.memory_space<vmem>>
        %dma_wait3A_214 = arith.constant 0 : i32
        %dma_wait3A_215 = arith.constant 0 : i32
        %dma_wait3A_216 = tpu.memref_slice %arg14[%dma_wait3A_214, %dma_wait3A_215] : memref<10240x128xf32, #tpu.memory_space<vmem_shared>> -> memref<10240x128xf32, #tpu.memory_space<vmem_shared>>
        %dma_wait3A_217 = tpu.memref_slice %arg16[%dma_wait3A_210] : memref<4x!tpu.dma_semaphore, #tpu.memory_space<semaphore_mem>> -> memref<1x!tpu.dma_semaphore, #tpu.memory_space<semaphore_mem>>
        %dma_wait3A_218 = tpu.memref_squeeze %dma_wait3A_217 : memref<1x!tpu.dma_semaphore, #tpu.memory_space<semaphore_mem>> -> memref<!tpu.dma_semaphore, #tpu.memory_space<semaphore_mem>>
        tpu.wait_indirect_dma semaphore(%dma_wait3A_218 : memref<!tpu.dma_semaphore, #tpu.memory_space<semaphore_mem>>) src(%arg10 : memref<64x128xf32, #tpu.memory_space<vmem>>) dst(%dma_wait3A_216 : memref<10240x128xf32, #tpu.memory_space<vmem_shared>>)
        %dma_wait3A_219 = arith.constant 1 : i32
        %dma_wait3A_220 = arith.constant 64 : i32
        %dma_wait3A_221 = tpu.memref_slice %arg9[%add3A_160, %dma_wait3A_220] : memref<40x128xi32, #tpu.memory_space<vmem>> -> memref<1x64xi32, #tpu.memory_space<vmem>>
        %dma_wait3A_222 = tpu.memref_squeeze %dma_wait3A_221 : memref<1x64xi32, #tpu.memory_space<vmem>> -> memref<64xi32, #tpu.memory_space<vmem>>
        %dma_wait3A_223 = arith.constant 0 : i32
        %dma_wait3A_224 = arith.constant 0 : i32
        %dma_wait3A_225 = tpu.memref_slice %arg14[%dma_wait3A_223, %dma_wait3A_224] : memref<10240x128xf32, #tpu.memory_space<vmem_shared>> -> memref<10240x128xf32, #tpu.memory_space<vmem_shared>>
        %dma_wait3A_226 = tpu.memref_slice %arg16[%dma_wait3A_219] : memref<4x!tpu.dma_semaphore, #tpu.memory_space<semaphore_mem>> -> memref<1x!tpu.dma_semaphore, #tpu.memory_space<semaphore_mem>>
        %dma_wait3A_227 = tpu.memref_squeeze %dma_wait3A_226 : memref<1x!tpu.dma_semaphore, #tpu.memory_space<semaphore_mem>> -> memref<!tpu.dma_semaphore, #tpu.memory_space<semaphore_mem>>
        tpu.wait_indirect_dma semaphore(%dma_wait3A_227 : memref<!tpu.dma_semaphore, #tpu.memory_space<semaphore_mem>>) src(%arg11 : memref<64x128xf32, #tpu.memory_space<vmem>>) dst(%dma_wait3A_225 : memref<10240x128xf32, #tpu.memory_space<vmem_shared>>)
        %dma_wait3A_228 = arith.constant 2 : i32
        %dma_wait3A_229 = arith.constant 0 : i32
        %dma_wait3A_230 = tpu.memref_slice %arg9[%add3A_180, %dma_wait3A_229] : memref<40x128xi32, #tpu.memory_space<vmem>> -> memref<1x64xi32, #tpu.memory_space<vmem>>
        %dma_wait3A_231 = tpu.memref_squeeze %dma_wait3A_230 : memref<1x64xi32, #tpu.memory_space<vmem>> -> memref<64xi32, #tpu.memory_space<vmem>>
        %dma_wait3A_232 = arith.constant 0 : i32
        %dma_wait3A_233 = arith.constant 0 : i32
        %dma_wait3A_234 = tpu.memref_slice %arg14[%dma_wait3A_232, %dma_wait3A_233] : memref<10240x128xf32, #tpu.memory_space<vmem_shared>> -> memref<10240x128xf32, #tpu.memory_space<vmem_shared>>
        %dma_wait3A_235 = tpu.memref_slice %arg16[%dma_wait3A_228] : memref<4x!tpu.dma_semaphore, #tpu.memory_space<semaphore_mem>> -> memref<1x!tpu.dma_semaphore, #tpu.memory_space<semaphore_mem>>
        %dma_wait3A_236 = tpu.memref_squeeze %dma_wait3A_235 : memref<1x!tpu.dma_semaphore, #tpu.memory_space<semaphore_mem>> -> memref<!tpu.dma_semaphore, #tpu.memory_space<semaphore_mem>>
        tpu.wait_indirect_dma semaphore(%dma_wait3A_236 : memref<!tpu.dma_semaphore, #tpu.memory_space<semaphore_mem>>) src(%arg12 : memref<64x128xf32, #tpu.memory_space<vmem>>) dst(%dma_wait3A_234 : memref<10240x128xf32, #tpu.memory_space<vmem_shared>>)
        %dma_wait3A_237 = arith.constant 3 : i32
        %dma_wait3A_238 = arith.constant 64 : i32
        %dma_wait3A_239 = tpu.memref_slice %arg9[%add3A_200, %dma_wait3A_238] : memref<40x128xi32, #tpu.memory_space<vmem>> -> memref<1x64xi32, #tpu.memory_space<vmem>>
        %dma_wait3A_240 = tpu.memref_squeeze %dma_wait3A_239 : memref<1x64xi32, #tpu.memory_space<vmem>> -> memref<64xi32, #tpu.memory_space<vmem>>
        %dma_wait3A_241 = arith.constant 0 : i32
        %dma_wait3A_242 = arith.constant 0 : i32
        %dma_wait3A_243 = tpu.memref_slice %arg14[%dma_wait3A_241, %dma_wait3A_242] : memref<10240x128xf32, #tpu.memory_space<vmem_shared>> -> memref<10240x128xf32, #tpu.memory_space<vmem_shared>>
        %dma_wait3A_244 = tpu.memref_slice %arg16[%dma_wait3A_237] : memref<4x!tpu.dma_semaphore, #tpu.memory_space<semaphore_mem>> -> memref<1x!tpu.dma_semaphore, #tpu.memory_space<semaphore_mem>>
        %dma_wait3A_245 = tpu.memref_squeeze %dma_wait3A_244 : memref<1x!tpu.dma_semaphore, #tpu.memory_space<semaphore_mem>> -> memref<!tpu.dma_semaphore, #tpu.memory_space<semaphore_mem>>
        tpu.wait_indirect_dma semaphore(%dma_wait3A_245 : memref<!tpu.dma_semaphore, #tpu.memory_space<semaphore_mem>>) src(%arg13 : memref<64x128xf32, #tpu.memory_space<vmem>>) dst(%dma_wait3A_243 : memref<10240x128xf32, #tpu.memory_space<vmem_shared>>)
      }
      %scan3A_71 = arith.constant 20 : i32
      %mul3A_72 = arith.constant 80 : i32
      %mul3A_73 = arith.muli %arg1, %mul3A_72 : i32
      %add3A_74 = arith.constant 40 : i32
      %add3A_75 = arith.addi %mul3A_73, %add3A_74 : i32
      "tpu.region"() ({
        %run_scoped3A = tpu.sem_alloc : memref<!tpu.dma_semaphore, #tpu.memory_space<semaphore_mem>>
        %dma_start3A = arith.constant 0 : i32
        %dma_start3A_81 = tpu.memref_slice %arg4[%add3A_75, %dma_start3A] : memref<1280x128xi32, #tpu.memory_space<hbm>> -> memref<40x128xi32, #tpu.memory_space<hbm>>
        %dma_start3A_82 = arith.constant 0 : i32
        %dma_start3A_83 = tpu.memref_slice %arg4[%add3A_75, %dma_start3A_82] : memref<1280x128xi32, #tpu.memory_space<hbm>> -> memref<40x128xi32, #tpu.memory_space<hbm>>
        tpu.enqueue_dma source(%dma_start3A_83 : memref<40x128xi32, #tpu.memory_space<hbm>>) target(%arg8 : memref<40x128xi32, #tpu.memory_space<vmem>>) target_semaphore(%run_scoped3A : memref<!tpu.dma_semaphore, #tpu.memory_space<semaphore_mem>>)
        %dma_wait3A = arith.constant 0 : i32
        %dma_wait3A_84 = tpu.memref_slice %arg4[%add3A_75, %dma_wait3A] : memref<1280x128xi32, #tpu.memory_space<hbm>> -> memref<40x128xi32, #tpu.memory_space<hbm>>
        %dma_wait3A_85 = arith.constant 0 : i32
        %dma_wait3A_86 = tpu.memref_slice %arg4[%add3A_75, %dma_wait3A_85] : memref<1280x128xi32, #tpu.memory_space<hbm>> -> memref<40x128xi32, #tpu.memory_space<hbm>>
        tpu.wait_dma2 semaphore(%run_scoped3A : memref<!tpu.dma_semaphore, #tpu.memory_space<semaphore_mem>>) src(%dma_wait3A_86 : memref<40x128xi32, #tpu.memory_space<hbm>>) dst(%arg8 : memref<40x128xi32, #tpu.memory_space<vmem>>)
        tpu.yield
      }) : () -> ()
      "tpu.region"() ({
        %run_scoped3A = tpu.sem_alloc : memref<!tpu.dma_semaphore, #tpu.memory_space<semaphore_mem>>
        %dma_start3A = arith.constant 0 : i32
        %dma_start3A_81 = tpu.memref_slice %arg5[%add3A_75, %dma_start3A] : memref<1280x128xi32, #tpu.memory_space<hbm>> -> memref<40x128xi32, #tpu.memory_space<hbm>>
        %dma_start3A_82 = arith.constant 0 : i32
        %dma_start3A_83 = tpu.memref_slice %arg5[%add3A_75, %dma_start3A_82] : memref<1280x128xi32, #tpu.memory_space<hbm>> -> memref<40x128xi32, #tpu.memory_space<hbm>>
        tpu.enqueue_dma source(%dma_start3A_83 : memref<40x128xi32, #tpu.memory_space<hbm>>) target(%arg9 : memref<40x128xi32, #tpu.memory_space<vmem>>) target_semaphore(%run_scoped3A : memref<!tpu.dma_semaphore, #tpu.memory_space<semaphore_mem>>)
        %dma_wait3A = arith.constant 0 : i32
        %dma_wait3A_84 = tpu.memref_slice %arg5[%add3A_75, %dma_wait3A] : memref<1280x128xi32, #tpu.memory_space<hbm>> -> memref<40x128xi32, #tpu.memory_space<hbm>>
        %dma_wait3A_85 = arith.constant 0 : i32
        %dma_wait3A_86 = tpu.memref_slice %arg5[%add3A_75, %dma_wait3A_85] : memref<1280x128xi32, #tpu.memory_space<hbm>> -> memref<40x128xi32, #tpu.memory_space<hbm>>
        tpu.wait_dma2 semaphore(%run_scoped3A : memref<!tpu.dma_semaphore, #tpu.memory_space<semaphore_mem>>) src(%dma_wait3A_86 : memref<40x128xi32, #tpu.memory_space<hbm>>) dst(%arg9 : memref<40x128xi32, #tpu.memory_space<vmem>>)
        tpu.yield
      }) : () -> ()
      %scan3A_76 = arith.constant 0 : i32
      %scan3A_77 = arith.constant 20 : i32
      %scan3A_78 = arith.addi %scan3A_76, %scan3A_77 : i32
      %scan3A_79 = arith.constant 1 : i32
      scf.for %scan3A_81 = %scan3A_76 to %scan3A_78 step %scan3A_79  : i32 {
        %mul3A_82 = arith.constant 1 : i32
        %mul3A_83 = arith.muli %scan3A_81, %mul3A_82 : i32
        %add3A_84 = arith.constant 0 : i32
        %add3A_85 = arith.addi %add3A_84, %mul3A_83 : i32
        %mul3A_86 = arith.constant 2 : i32
        %mul3A_87 = arith.muli %mul3A_86, %add3A_85 : i32
        %add3A_88 = arith.constant 0 : i32
        %add3A_89 = arith.addi %mul3A_87, %add3A_88 : i32
        %dma_start3A = arith.constant 0 : i32
        %dma_start3A_90 = arith.constant 0 : i32
        %dma_start3A_91 = tpu.memref_slice %arg8[%add3A_89, %dma_start3A_90] : memref<40x128xi32, #tpu.memory_space<vmem>> -> memref<1x64xi32, #tpu.memory_space<vmem>>
        %dma_start3A_92 = tpu.memref_squeeze %dma_start3A_91 : memref<1x64xi32, #tpu.memory_space<vmem>> -> memref<64xi32, #tpu.memory_space<vmem>>
        %dma_start3A_93 = arith.constant 0 : i32
        %dma_start3A_94 = arith.constant 0 : i32
        %dma_start3A_95 = tpu.memref_slice %arg2[%dma_start3A_93, %dma_start3A_94] : memref<10000x128xf32, #tpu.memory_space<hbm>> -> memref<10000x128xf32, #tpu.memory_space<hbm>>
        %dma_start3A_96 = tpu.memref_slice %arg15[%dma_start3A] : memref<4x!tpu.dma_semaphore, #tpu.memory_space<semaphore_mem>> -> memref<1x!tpu.dma_semaphore, #tpu.memory_space<semaphore_mem>>
        %dma_start3A_97 = tpu.memref_squeeze %dma_start3A_96 : memref<1x!tpu.dma_semaphore, #tpu.memory_space<semaphore_mem>> -> memref<!tpu.dma_semaphore, #tpu.memory_space<semaphore_mem>>
        tpu.enqueue_indirect_dma source(%dma_start3A_95 : memref<10000x128xf32, #tpu.memory_space<hbm>>) target(%arg10 : memref<64x128xf32, #tpu.memory_space<vmem>>) offsets(%dma_start3A_92 : memref<64xi32, #tpu.memory_space<vmem>>) semaphore(%dma_start3A_97 : memref<!tpu.dma_semaphore, #tpu.memory_space<semaphore_mem>>)
        %add3A_98 = arith.constant 0 : i32
        %add3A_99 = arith.addi %mul3A_87, %add3A_98 : i32
        %dma_start3A_100 = arith.constant 1 : i32
        %dma_start3A_101 = arith.constant 64 : i32
        %dma_start3A_102 = tpu.memref_slice %arg8[%add3A_99, %dma_start3A_101] : memref<40x128xi32, #tpu.memory_space<vmem>> -> memref<1x64xi32, #tpu.memory_space<vmem>>
        %dma_start3A_103 = tpu.memref_squeeze %dma_start3A_102 : memref<1x64xi32, #tpu.memory_space<vmem>> -> memref<64xi32, #tpu.memory_space<vmem>>
        %dma_start3A_104 = arith.constant 0 : i32
        %dma_start3A_105 = arith.constant 0 : i32
        %dma_start3A_106 = tpu.memref_slice %arg2[%dma_start3A_104, %dma_start3A_105] : memref<10000x128xf32, #tpu.memory_space<hbm>> -> memref<10000x128xf32, #tpu.memory_space<hbm>>
        %dma_start3A_107 = tpu.memref_slice %arg15[%dma_start3A_100] : memref<4x!tpu.dma_semaphore, #tpu.memory_space<semaphore_mem>> -> memref<1x!tpu.dma_semaphore, #tpu.memory_space<semaphore_mem>>
        %dma_start3A_108 = tpu.memref_squeeze %dma_start3A_107 : memref<1x!tpu.dma_semaphore, #tpu.memory_space<semaphore_mem>> -> memref<!tpu.dma_semaphore, #tpu.memory_space<semaphore_mem>>
        tpu.enqueue_indirect_dma source(%dma_start3A_106 : memref<10000x128xf32, #tpu.memory_space<hbm>>) target(%arg11 : memref<64x128xf32, #tpu.memory_space<vmem>>) offsets(%dma_start3A_103 : memref<64xi32, #tpu.memory_space<vmem>>) semaphore(%dma_start3A_108 : memref<!tpu.dma_semaphore, #tpu.memory_space<semaphore_mem>>)
        %add3A_109 = arith.constant 1 : i32
        %add3A_110 = arith.addi %mul3A_87, %add3A_109 : i32
        %dma_start3A_111 = arith.constant 2 : i32
        %dma_start3A_112 = arith.constant 0 : i32
        %dma_start3A_113 = tpu.memref_slice %arg8[%add3A_110, %dma_start3A_112] : memref<40x128xi32, #tpu.memory_space<vmem>> -> memref<1x64xi32, #tpu.memory_space<vmem>>
        %dma_start3A_114 = tpu.memref_squeeze %dma_start3A_113 : memref<1x64xi32, #tpu.memory_space<vmem>> -> memref<64xi32, #tpu.memory_space<vmem>>
        %dma_start3A_115 = arith.constant 0 : i32
        %dma_start3A_116 = arith.constant 0 : i32
        %dma_start3A_117 = tpu.memref_slice %arg2[%dma_start3A_115, %dma_start3A_116] : memref<10000x128xf32, #tpu.memory_space<hbm>> -> memref<10000x128xf32, #tpu.memory_space<hbm>>
        %dma_start3A_118 = tpu.memref_slice %arg15[%dma_start3A_111] : memref<4x!tpu.dma_semaphore, #tpu.memory_space<semaphore_mem>> -> memref<1x!tpu.dma_semaphore, #tpu.memory_space<semaphore_mem>>
        %dma_start3A_119 = tpu.memref_squeeze %dma_start3A_118 : memref<1x!tpu.dma_semaphore, #tpu.memory_space<semaphore_mem>> -> memref<!tpu.dma_semaphore, #tpu.memory_space<semaphore_mem>>
        tpu.enqueue_indirect_dma source(%dma_start3A_117 : memref<10000x128xf32, #tpu.memory_space<hbm>>) target(%arg12 : memref<64x128xf32, #tpu.memory_space<vmem>>) offsets(%dma_start3A_114 : memref<64xi32, #tpu.memory_space<vmem>>) semaphore(%dma_start3A_119 : memref<!tpu.dma_semaphore, #tpu.memory_space<semaphore_mem>>)
        %add3A_120 = arith.constant 1 : i32
        %add3A_121 = arith.addi %mul3A_87, %add3A_120 : i32
        %dma_start3A_122 = arith.constant 3 : i32
        %dma_start3A_123 = arith.constant 64 : i32
        %dma_start3A_124 = tpu.memref_slice %arg8[%add3A_121, %dma_start3A_123] : memref<40x128xi32, #tpu.memory_space<vmem>> -> memref<1x64xi32, #tpu.memory_space<vmem>>
        %dma_start3A_125 = tpu.memref_squeeze %dma_start3A_124 : memref<1x64xi32, #tpu.memory_space<vmem>> -> memref<64xi32, #tpu.memory_space<vmem>>
        %dma_start3A_126 = arith.constant 0 : i32
        %dma_start3A_127 = arith.constant 0 : i32
        %dma_start3A_128 = tpu.memref_slice %arg2[%dma_start3A_126, %dma_start3A_127] : memref<10000x128xf32, #tpu.memory_space<hbm>> -> memref<10000x128xf32, #tpu.memory_space<hbm>>
        %dma_start3A_129 = tpu.memref_slice %arg15[%dma_start3A_122] : memref<4x!tpu.dma_semaphore, #tpu.memory_space<semaphore_mem>> -> memref<1x!tpu.dma_semaphore, #tpu.memory_space<semaphore_mem>>
        %dma_start3A_130 = tpu.memref_squeeze %dma_start3A_129 : memref<1x!tpu.dma_semaphore, #tpu.memory_space<semaphore_mem>> -> memref<!tpu.dma_semaphore, #tpu.memory_space<semaphore_mem>>
        tpu.enqueue_indirect_dma source(%dma_start3A_128 : memref<10000x128xf32, #tpu.memory_space<hbm>>) target(%arg13 : memref<64x128xf32, #tpu.memory_space<vmem>>) offsets(%dma_start3A_125 : memref<64xi32, #tpu.memory_space<vmem>>) semaphore(%dma_start3A_130 : memref<!tpu.dma_semaphore, #tpu.memory_space<semaphore_mem>>)
        %dma_wait3A = arith.constant 0 : i32
        %dma_wait3A_131 = arith.constant 0 : i32
        %dma_wait3A_132 = tpu.memref_slice %arg8[%add3A_89, %dma_wait3A_131] : memref<40x128xi32, #tpu.memory_space<vmem>> -> memref<1x64xi32, #tpu.memory_space<vmem>>
        %dma_wait3A_133 = tpu.memref_squeeze %dma_wait3A_132 : memref<1x64xi32, #tpu.memory_space<vmem>> -> memref<64xi32, #tpu.memory_space<vmem>>
        %dma_wait3A_134 = arith.constant 0 : i32
        %dma_wait3A_135 = arith.constant 0 : i32
        %dma_wait3A_136 = tpu.memref_slice %arg2[%dma_wait3A_134, %dma_wait3A_135] : memref<10000x128xf32, #tpu.memory_space<hbm>> -> memref<10000x128xf32, #tpu.memory_space<hbm>>
        %dma_wait3A_137 = tpu.memref_slice %arg15[%dma_wait3A] : memref<4x!tpu.dma_semaphore, #tpu.memory_space<semaphore_mem>> -> memref<1x!tpu.dma_semaphore, #tpu.memory_space<semaphore_mem>>
        %dma_wait3A_138 = tpu.memref_squeeze %dma_wait3A_137 : memref<1x!tpu.dma_semaphore, #tpu.memory_space<semaphore_mem>> -> memref<!tpu.dma_semaphore, #tpu.memory_space<semaphore_mem>>
        tpu.wait_indirect_dma semaphore(%dma_wait3A_138 : memref<!tpu.dma_semaphore, #tpu.memory_space<semaphore_mem>>) src(%dma_wait3A_136 : memref<10000x128xf32, #tpu.memory_space<hbm>>) dst(%arg10 : memref<64x128xf32, #tpu.memory_space<vmem>>)
        %add3A_139 = arith.constant 0 : i32
        %add3A_140 = arith.addi %mul3A_87, %add3A_139 : i32
        %dma_start3A_141 = arith.constant 0 : i32
        %dma_start3A_142 = arith.constant 0 : i32
        %dma_start3A_143 = tpu.memref_slice %arg9[%add3A_140, %dma_start3A_142] : memref<40x128xi32, #tpu.memory_space<vmem>> -> memref<1x64xi32, #tpu.memory_space<vmem>>
        %dma_start3A_144 = tpu.memref_squeeze %dma_start3A_143 : memref<1x64xi32, #tpu.memory_space<vmem>> -> memref<64xi32, #tpu.memory_space<vmem>>
        %dma_start3A_145 = arith.constant 0 : i32
        %dma_start3A_146 = arith.constant 0 : i32
        %dma_start3A_147 = tpu.memref_slice %arg14[%dma_start3A_145, %dma_start3A_146] : memref<10240x128xf32, #tpu.memory_space<vmem_shared>> -> memref<10240x128xf32, #tpu.memory_space<vmem_shared>>
        %dma_start3A_148 = tpu.memref_slice %arg16[%dma_start3A_141] : memref<4x!tpu.dma_semaphore, #tpu.memory_space<semaphore_mem>> -> memref<1x!tpu.dma_semaphore, #tpu.memory_space<semaphore_mem>>
        %dma_start3A_149 = tpu.memref_squeeze %dma_start3A_148 : memref<1x!tpu.dma_semaphore, #tpu.memory_space<semaphore_mem>> -> memref<!tpu.dma_semaphore, #tpu.memory_space<semaphore_mem>>
        tpu.enqueue_indirect_dma source(%arg10 : memref<64x128xf32, #tpu.memory_space<vmem>>) target(%dma_start3A_147 : memref<10240x128xf32, #tpu.memory_space<vmem_shared>>) offsets(%dma_start3A_144 : memref<64xi32, #tpu.memory_space<vmem>>) semaphore(%dma_start3A_149 : memref<!tpu.dma_semaphore, #tpu.memory_space<semaphore_mem>>) {add = true}
        %dma_wait3A_150 = arith.constant 1 : i32
        %dma_wait3A_151 = arith.constant 64 : i32
        %dma_wait3A_152 = tpu.memref_slice %arg8[%add3A_99, %dma_wait3A_151] : memref<40x128xi32, #tpu.memory_space<vmem>> -> memref<1x64xi32, #tpu.memory_space<vmem>>
        %dma_wait3A_153 = tpu.memref_squeeze %dma_wait3A_152 : memref<1x64xi32, #tpu.memory_space<vmem>> -> memref<64xi32, #tpu.memory_space<vmem>>
        %dma_wait3A_154 = arith.constant 0 : i32
        %dma_wait3A_155 = arith.constant 0 : i32
        %dma_wait3A_156 = tpu.memref_slice %arg2[%dma_wait3A_154, %dma_wait3A_155] : memref<10000x128xf32, #tpu.memory_space<hbm>> -> memref<10000x128xf32, #tpu.memory_space<hbm>>
        %dma_wait3A_157 = tpu.memref_slice %arg15[%dma_wait3A_150] : memref<4x!tpu.dma_semaphore, #tpu.memory_space<semaphore_mem>> -> memref<1x!tpu.dma_semaphore, #tpu.memory_space<semaphore_mem>>
        %dma_wait3A_158 = tpu.memref_squeeze %dma_wait3A_157 : memref<1x!tpu.dma_semaphore, #tpu.memory_space<semaphore_mem>> -> memref<!tpu.dma_semaphore, #tpu.memory_space<semaphore_mem>>
        tpu.wait_indirect_dma semaphore(%dma_wait3A_158 : memref<!tpu.dma_semaphore, #tpu.memory_space<semaphore_mem>>) src(%dma_wait3A_156 : memref<10000x128xf32, #tpu.memory_space<hbm>>) dst(%arg11 : memref<64x128xf32, #tpu.memory_space<vmem>>)
        %add3A_159 = arith.constant 0 : i32
        %add3A_160 = arith.addi %mul3A_87, %add3A_159 : i32
        %dma_start3A_161 = arith.constant 1 : i32
        %dma_start3A_162 = arith.constant 64 : i32
        %dma_start3A_163 = tpu.memref_slice %arg9[%add3A_160, %dma_start3A_162] : memref<40x128xi32, #tpu.memory_space<vmem>> -> memref<1x64xi32, #tpu.memory_space<vmem>>
        %dma_start3A_164 = tpu.memref_squeeze %dma_start3A_163 : memref<1x64xi32, #tpu.memory_space<vmem>> -> memref<64xi32, #tpu.memory_space<vmem>>
        %dma_start3A_165 = arith.constant 0 : i32
        %dma_start3A_166 = arith.constant 0 : i32
        %dma_start3A_167 = tpu.memref_slice %arg14[%dma_start3A_165, %dma_start3A_166] : memref<10240x128xf32, #tpu.memory_space<vmem_shared>> -> memref<10240x128xf32, #tpu.memory_space<vmem_shared>>
        %dma_start3A_168 = tpu.memref_slice %arg16[%dma_start3A_161] : memref<4x!tpu.dma_semaphore, #tpu.memory_space<semaphore_mem>> -> memref<1x!tpu.dma_semaphore, #tpu.memory_space<semaphore_mem>>
        %dma_start3A_169 = tpu.memref_squeeze %dma_start3A_168 : memref<1x!tpu.dma_semaphore, #tpu.memory_space<semaphore_mem>> -> memref<!tpu.dma_semaphore, #tpu.memory_space<semaphore_mem>>
        tpu.enqueue_indirect_dma source(%arg11 : memref<64x128xf32, #tpu.memory_space<vmem>>) target(%dma_start3A_167 : memref<10240x128xf32, #tpu.memory_space<vmem_shared>>) offsets(%dma_start3A_164 : memref<64xi32, #tpu.memory_space<vmem>>) semaphore(%dma_start3A_169 : memref<!tpu.dma_semaphore, #tpu.memory_space<semaphore_mem>>) {add = true}
        %dma_wait3A_170 = arith.constant 2 : i32
        %dma_wait3A_171 = arith.constant 0 : i32
        %dma_wait3A_172 = tpu.memref_slice %arg8[%add3A_110, %dma_wait3A_171] : memref<40x128xi32, #tpu.memory_space<vmem>> -> memref<1x64xi32, #tpu.memory_space<vmem>>
        %dma_wait3A_173 = tpu.memref_squeeze %dma_wait3A_172 : memref<1x64xi32, #tpu.memory_space<vmem>> -> memref<64xi32, #tpu.memory_space<vmem>>
        %dma_wait3A_174 = arith.constant 0 : i32
        %dma_wait3A_175 = arith.constant 0 : i32
        %dma_wait3A_176 = tpu.memref_slice %arg2[%dma_wait3A_174, %dma_wait3A_175] : memref<10000x128xf32, #tpu.memory_space<hbm>> -> memref<10000x128xf32, #tpu.memory_space<hbm>>
        %dma_wait3A_177 = tpu.memref_slice %arg15[%dma_wait3A_170] : memref<4x!tpu.dma_semaphore, #tpu.memory_space<semaphore_mem>> -> memref<1x!tpu.dma_semaphore, #tpu.memory_space<semaphore_mem>>
        %dma_wait3A_178 = tpu.memref_squeeze %dma_wait3A_177 : memref<1x!tpu.dma_semaphore, #tpu.memory_space<semaphore_mem>> -> memref<!tpu.dma_semaphore, #tpu.memory_space<semaphore_mem>>
        tpu.wait_indirect_dma semaphore(%dma_wait3A_178 : memref<!tpu.dma_semaphore, #tpu.memory_space<semaphore_mem>>) src(%dma_wait3A_176 : memref<10000x128xf32, #tpu.memory_space<hbm>>) dst(%arg12 : memref<64x128xf32, #tpu.memory_space<vmem>>)
        %add3A_179 = arith.constant 1 : i32
        %add3A_180 = arith.addi %mul3A_87, %add3A_179 : i32
        %dma_start3A_181 = arith.constant 2 : i32
        %dma_start3A_182 = arith.constant 0 : i32
        %dma_start3A_183 = tpu.memref_slice %arg9[%add3A_180, %dma_start3A_182] : memref<40x128xi32, #tpu.memory_space<vmem>> -> memref<1x64xi32, #tpu.memory_space<vmem>>
        %dma_start3A_184 = tpu.memref_squeeze %dma_start3A_183 : memref<1x64xi32, #tpu.memory_space<vmem>> -> memref<64xi32, #tpu.memory_space<vmem>>
        %dma_start3A_185 = arith.constant 0 : i32
        %dma_start3A_186 = arith.constant 0 : i32
        %dma_start3A_187 = tpu.memref_slice %arg14[%dma_start3A_185, %dma_start3A_186] : memref<10240x128xf32, #tpu.memory_space<vmem_shared>> -> memref<10240x128xf32, #tpu.memory_space<vmem_shared>>
        %dma_start3A_188 = tpu.memref_slice %arg16[%dma_start3A_181] : memref<4x!tpu.dma_semaphore, #tpu.memory_space<semaphore_mem>> -> memref<1x!tpu.dma_semaphore, #tpu.memory_space<semaphore_mem>>
        %dma_start3A_189 = tpu.memref_squeeze %dma_start3A_188 : memref<1x!tpu.dma_semaphore, #tpu.memory_space<semaphore_mem>> -> memref<!tpu.dma_semaphore, #tpu.memory_space<semaphore_mem>>
        tpu.enqueue_indirect_dma source(%arg12 : memref<64x128xf32, #tpu.memory_space<vmem>>) target(%dma_start3A_187 : memref<10240x128xf32, #tpu.memory_space<vmem_shared>>) offsets(%dma_start3A_184 : memref<64xi32, #tpu.memory_space<vmem>>) semaphore(%dma_start3A_189 : memref<!tpu.dma_semaphore, #tpu.memory_space<semaphore_mem>>) {add = true}
        %dma_wait3A_190 = arith.constant 3 : i32
        %dma_wait3A_191 = arith.constant 64 : i32
        %dma_wait3A_192 = tpu.memref_slice %arg8[%add3A_121, %dma_wait3A_191] : memref<40x128xi32, #tpu.memory_space<vmem>> -> memref<1x64xi32, #tpu.memory_space<vmem>>
        %dma_wait3A_193 = tpu.memref_squeeze %dma_wait3A_192 : memref<1x64xi32, #tpu.memory_space<vmem>> -> memref<64xi32, #tpu.memory_space<vmem>>
        %dma_wait3A_194 = arith.constant 0 : i32
        %dma_wait3A_195 = arith.constant 0 : i32
        %dma_wait3A_196 = tpu.memref_slice %arg2[%dma_wait3A_194, %dma_wait3A_195] : memref<10000x128xf32, #tpu.memory_space<hbm>> -> memref<10000x128xf32, #tpu.memory_space<hbm>>
        %dma_wait3A_197 = tpu.memref_slice %arg15[%dma_wait3A_190] : memref<4x!tpu.dma_semaphore, #tpu.memory_space<semaphore_mem>> -> memref<1x!tpu.dma_semaphore, #tpu.memory_space<semaphore_mem>>
        %dma_wait3A_198 = tpu.memref_squeeze %dma_wait3A_197 : memref<1x!tpu.dma_semaphore, #tpu.memory_space<semaphore_mem>> -> memref<!tpu.dma_semaphore, #tpu.memory_space<semaphore_mem>>
        tpu.wait_indirect_dma semaphore(%dma_wait3A_198 : memref<!tpu.dma_semaphore, #tpu.memory_space<semaphore_mem>>) src(%dma_wait3A_196 : memref<10000x128xf32, #tpu.memory_space<hbm>>) dst(%arg13 : memref<64x128xf32, #tpu.memory_space<vmem>>)
        %add3A_199 = arith.constant 1 : i32
        %add3A_200 = arith.addi %mul3A_87, %add3A_199 : i32
        %dma_start3A_201 = arith.constant 3 : i32
        %dma_start3A_202 = arith.constant 64 : i32
        %dma_start3A_203 = tpu.memref_slice %arg9[%add3A_200, %dma_start3A_202] : memref<40x128xi32, #tpu.memory_space<vmem>> -> memref<1x64xi32, #tpu.memory_space<vmem>>
        %dma_start3A_204 = tpu.memref_squeeze %dma_start3A_203 : memref<1x64xi32, #tpu.memory_space<vmem>> -> memref<64xi32, #tpu.memory_space<vmem>>
        %dma_start3A_205 = arith.constant 0 : i32
        %dma_start3A_206 = arith.constant 0 : i32
        %dma_start3A_207 = tpu.memref_slice %arg14[%dma_start3A_205, %dma_start3A_206] : memref<10240x128xf32, #tpu.memory_space<vmem_shared>> -> memref<10240x128xf32, #tpu.memory_space<vmem_shared>>
        %dma_start3A_208 = tpu.memref_slice %arg16[%dma_start3A_201] : memref<4x!tpu.dma_semaphore, #tpu.memory_space<semaphore_mem>> -> memref<1x!tpu.dma_semaphore, #tpu.memory_space<semaphore_mem>>
        %dma_start3A_209 = tpu.memref_squeeze %dma_start3A_208 : memref<1x!tpu.dma_semaphore, #tpu.memory_space<semaphore_mem>> -> memref<!tpu.dma_semaphore, #tpu.memory_space<semaphore_mem>>
        tpu.enqueue_indirect_dma source(%arg13 : memref<64x128xf32, #tpu.memory_space<vmem>>) target(%dma_start3A_207 : memref<10240x128xf32, #tpu.memory_space<vmem_shared>>) offsets(%dma_start3A_204 : memref<64xi32, #tpu.memory_space<vmem>>) semaphore(%dma_start3A_209 : memref<!tpu.dma_semaphore, #tpu.memory_space<semaphore_mem>>) {add = true}
        %dma_wait3A_210 = arith.constant 0 : i32
        %dma_wait3A_211 = arith.constant 0 : i32
        %dma_wait3A_212 = tpu.memref_slice %arg9[%add3A_140, %dma_wait3A_211] : memref<40x128xi32, #tpu.memory_space<vmem>> -> memref<1x64xi32, #tpu.memory_space<vmem>>
        %dma_wait3A_213 = tpu.memref_squeeze %dma_wait3A_212 : memref<1x64xi32, #tpu.memory_space<vmem>> -> memref<64xi32, #tpu.memory_space<vmem>>
        %dma_wait3A_214 = arith.constant 0 : i32
        %dma_wait3A_215 = arith.constant 0 : i32
        %dma_wait3A_216 = tpu.memref_slice %arg14[%dma_wait3A_214, %dma_wait3A_215] : memref<10240x128xf32, #tpu.memory_space<vmem_shared>> -> memref<10240x128xf32, #tpu.memory_space<vmem_shared>>
        %dma_wait3A_217 = tpu.memref_slice %arg16[%dma_wait3A_210] : memref<4x!tpu.dma_semaphore, #tpu.memory_space<semaphore_mem>> -> memref<1x!tpu.dma_semaphore, #tpu.memory_space<semaphore_mem>>
        %dma_wait3A_218 = tpu.memref_squeeze %dma_wait3A_217 : memref<1x!tpu.dma_semaphore, #tpu.memory_space<semaphore_mem>> -> memref<!tpu.dma_semaphore, #tpu.memory_space<semaphore_mem>>
        tpu.wait_indirect_dma semaphore(%dma_wait3A_218 : memref<!tpu.dma_semaphore, #tpu.memory_space<semaphore_mem>>) src(%arg10 : memref<64x128xf32, #tpu.memory_space<vmem>>) dst(%dma_wait3A_216 : memref<10240x128xf32, #tpu.memory_space<vmem_shared>>)
        %dma_wait3A_219 = arith.constant 1 : i32
        %dma_wait3A_220 = arith.constant 64 : i32
        %dma_wait3A_221 = tpu.memref_slice %arg9[%add3A_160, %dma_wait3A_220] : memref<40x128xi32, #tpu.memory_space<vmem>> -> memref<1x64xi32, #tpu.memory_space<vmem>>
        %dma_wait3A_222 = tpu.memref_squeeze %dma_wait3A_221 : memref<1x64xi32, #tpu.memory_space<vmem>> -> memref<64xi32, #tpu.memory_space<vmem>>
        %dma_wait3A_223 = arith.constant 0 : i32
        %dma_wait3A_224 = arith.constant 0 : i32
        %dma_wait3A_225 = tpu.memref_slice %arg14[%dma_wait3A_223, %dma_wait3A_224] : memref<10240x128xf32, #tpu.memory_space<vmem_shared>> -> memref<10240x128xf32, #tpu.memory_space<vmem_shared>>
        %dma_wait3A_226 = tpu.memref_slice %arg16[%dma_wait3A_219] : memref<4x!tpu.dma_semaphore, #tpu.memory_space<semaphore_mem>> -> memref<1x!tpu.dma_semaphore, #tpu.memory_space<semaphore_mem>>
        %dma_wait3A_227 = tpu.memref_squeeze %dma_wait3A_226 : memref<1x!tpu.dma_semaphore, #tpu.memory_space<semaphore_mem>> -> memref<!tpu.dma_semaphore, #tpu.memory_space<semaphore_mem>>
        tpu.wait_indirect_dma semaphore(%dma_wait3A_227 : memref<!tpu.dma_semaphore, #tpu.memory_space<semaphore_mem>>) src(%arg11 : memref<64x128xf32, #tpu.memory_space<vmem>>) dst(%dma_wait3A_225 : memref<10240x128xf32, #tpu.memory_space<vmem_shared>>)
        %dma_wait3A_228 = arith.constant 2 : i32
        %dma_wait3A_229 = arith.constant 0 : i32
        %dma_wait3A_230 = tpu.memref_slice %arg9[%add3A_180, %dma_wait3A_229] : memref<40x128xi32, #tpu.memory_space<vmem>> -> memref<1x64xi32, #tpu.memory_space<vmem>>
        %dma_wait3A_231 = tpu.memref_squeeze %dma_wait3A_230 : memref<1x64xi32, #tpu.memory_space<vmem>> -> memref<64xi32, #tpu.memory_space<vmem>>
        %dma_wait3A_232 = arith.constant 0 : i32
        %dma_wait3A_233 = arith.constant 0 : i32
        %dma_wait3A_234 = tpu.memref_slice %arg14[%dma_wait3A_232, %dma_wait3A_233] : memref<10240x128xf32, #tpu.memory_space<vmem_shared>> -> memref<10240x128xf32, #tpu.memory_space<vmem_shared>>
        %dma_wait3A_235 = tpu.memref_slice %arg16[%dma_wait3A_228] : memref<4x!tpu.dma_semaphore, #tpu.memory_space<semaphore_mem>> -> memref<1x!tpu.dma_semaphore, #tpu.memory_space<semaphore_mem>>
        %dma_wait3A_236 = tpu.memref_squeeze %dma_wait3A_235 : memref<1x!tpu.dma_semaphore, #tpu.memory_space<semaphore_mem>> -> memref<!tpu.dma_semaphore, #tpu.memory_space<semaphore_mem>>
        tpu.wait_indirect_dma semaphore(%dma_wait3A_236 : memref<!tpu.dma_semaphore, #tpu.memory_space<semaphore_mem>>) src(%arg12 : memref<64x128xf32, #tpu.memory_space<vmem>>) dst(%dma_wait3A_234 : memref<10240x128xf32, #tpu.memory_space<vmem_shared>>)
        %dma_wait3A_237 = arith.constant 3 : i32
        %dma_wait3A_238 = arith.constant 64 : i32
        %dma_wait3A_239 = tpu.memref_slice %arg9[%add3A_200, %dma_wait3A_238] : memref<40x128xi32, #tpu.memory_space<vmem>> -> memref<1x64xi32, #tpu.memory_space<vmem>>
        %dma_wait3A_240 = tpu.memref_squeeze %dma_wait3A_239 : memref<1x64xi32, #tpu.memory_space<vmem>> -> memref<64xi32, #tpu.memory_space<vmem>>
        %dma_wait3A_241 = arith.constant 0 : i32
        %dma_wait3A_242 = arith.constant 0 : i32
        %dma_wait3A_243 = tpu.memref_slice %arg14[%dma_wait3A_241, %dma_wait3A_242] : memref<10240x128xf32, #tpu.memory_space<vmem_shared>> -> memref<10240x128xf32, #tpu.memory_space<vmem_shared>>
        %dma_wait3A_244 = tpu.memref_slice %arg16[%dma_wait3A_237] : memref<4x!tpu.dma_semaphore, #tpu.memory_space<semaphore_mem>> -> memref<1x!tpu.dma_semaphore, #tpu.memory_space<semaphore_mem>>
        %dma_wait3A_245 = tpu.memref_squeeze %dma_wait3A_244 : memref<1x!tpu.dma_semaphore, #tpu.memory_space<semaphore_mem>> -> memref<!tpu.dma_semaphore, #tpu.memory_space<semaphore_mem>>
        tpu.wait_indirect_dma semaphore(%dma_wait3A_245 : memref<!tpu.dma_semaphore, #tpu.memory_space<semaphore_mem>>) src(%arg13 : memref<64x128xf32, #tpu.memory_space<vmem>>) dst(%dma_wait3A_243 : memref<10240x128xf32, #tpu.memory_space<vmem_shared>>)
      }
      %scan3A_80 = arith.constant 20 : i32
    } else {
    }
    %eq3A_45 = arith.constant 1 : i32
    %eq3A_46 = arith.cmpi eq, %arg0, %eq3A_45 : i32
    %convert_element_type3A_47 = arith.extui %eq3A_46 : i1 to i32
    %cond3A_48 = arith.constant 0 : i32
    %cond3A_49 = arith.cmpi ne, %convert_element_type3A_47, %cond3A_48 : i32
    scf.if %cond3A_49 {
      %mul3A_63 = arith.constant 80 : i32
      %mul3A_64 = arith.muli %arg1, %mul3A_63 : i32
      %add3A_65 = arith.constant 0 : i32
      %add3A_66 = arith.addi %mul3A_64, %add3A_65 : i32
      "tpu.region"() ({
        %run_scoped3A = tpu.sem_alloc : memref<!tpu.dma_semaphore, #tpu.memory_space<semaphore_mem>>
        %dma_start3A = arith.constant 0 : i32
        %dma_start3A_81 = tpu.memref_slice %arg4[%add3A_66, %dma_start3A] : memref<1280x128xi32, #tpu.memory_space<hbm>> -> memref<40x128xi32, #tpu.memory_space<hbm>>
        %dma_start3A_82 = arith.constant 0 : i32
        %dma_start3A_83 = tpu.memref_slice %arg4[%add3A_66, %dma_start3A_82] : memref<1280x128xi32, #tpu.memory_space<hbm>> -> memref<40x128xi32, #tpu.memory_space<hbm>>
        tpu.enqueue_dma source(%dma_start3A_83 : memref<40x128xi32, #tpu.memory_space<hbm>>) target(%arg8 : memref<40x128xi32, #tpu.memory_space<vmem>>) target_semaphore(%run_scoped3A : memref<!tpu.dma_semaphore, #tpu.memory_space<semaphore_mem>>)
        %dma_wait3A = arith.constant 0 : i32
        %dma_wait3A_84 = tpu.memref_slice %arg4[%add3A_66, %dma_wait3A] : memref<1280x128xi32, #tpu.memory_space<hbm>> -> memref<40x128xi32, #tpu.memory_space<hbm>>
        %dma_wait3A_85 = arith.constant 0 : i32
        %dma_wait3A_86 = tpu.memref_slice %arg4[%add3A_66, %dma_wait3A_85] : memref<1280x128xi32, #tpu.memory_space<hbm>> -> memref<40x128xi32, #tpu.memory_space<hbm>>
        tpu.wait_dma2 semaphore(%run_scoped3A : memref<!tpu.dma_semaphore, #tpu.memory_space<semaphore_mem>>) src(%dma_wait3A_86 : memref<40x128xi32, #tpu.memory_space<hbm>>) dst(%arg8 : memref<40x128xi32, #tpu.memory_space<vmem>>)
        tpu.yield
      }) : () -> ()
      "tpu.region"() ({
        %run_scoped3A = tpu.sem_alloc : memref<!tpu.dma_semaphore, #tpu.memory_space<semaphore_mem>>
        %dma_start3A = arith.constant 0 : i32
        %dma_start3A_81 = tpu.memref_slice %arg5[%add3A_66, %dma_start3A] : memref<1280x128xi32, #tpu.memory_space<hbm>> -> memref<40x128xi32, #tpu.memory_space<hbm>>
        %dma_start3A_82 = arith.constant 0 : i32
        %dma_start3A_83 = tpu.memref_slice %arg5[%add3A_66, %dma_start3A_82] : memref<1280x128xi32, #tpu.memory_space<hbm>> -> memref<40x128xi32, #tpu.memory_space<hbm>>
        tpu.enqueue_dma source(%dma_start3A_83 : memref<40x128xi32, #tpu.memory_space<hbm>>) target(%arg9 : memref<40x128xi32, #tpu.memory_space<vmem>>) target_semaphore(%run_scoped3A : memref<!tpu.dma_semaphore, #tpu.memory_space<semaphore_mem>>)
        %dma_wait3A = arith.constant 0 : i32
        %dma_wait3A_84 = tpu.memref_slice %arg5[%add3A_66, %dma_wait3A] : memref<1280x128xi32, #tpu.memory_space<hbm>> -> memref<40x128xi32, #tpu.memory_space<hbm>>
        %dma_wait3A_85 = arith.constant 0 : i32
        %dma_wait3A_86 = tpu.memref_slice %arg5[%add3A_66, %dma_wait3A_85] : memref<1280x128xi32, #tpu.memory_space<hbm>> -> memref<40x128xi32, #tpu.memory_space<hbm>>
        tpu.wait_dma2 semaphore(%run_scoped3A : memref<!tpu.dma_semaphore, #tpu.memory_space<semaphore_mem>>) src(%dma_wait3A_86 : memref<40x128xi32, #tpu.memory_space<hbm>>) dst(%arg9 : memref<40x128xi32, #tpu.memory_space<vmem>>)
        tpu.yield
      }) : () -> ()
      %scan3A_67 = arith.constant 0 : i32
      %scan3A_68 = arith.constant 20 : i32
      %scan3A_69 = arith.addi %scan3A_67, %scan3A_68 : i32
      %scan3A_70 = arith.constant 1 : i32
      scf.for %scan3A_81 = %scan3A_67 to %scan3A_69 step %scan3A_70  : i32 {
        %mul3A_82 = arith.constant 1 : i32
        %mul3A_83 = arith.muli %scan3A_81, %mul3A_82 : i32
        %add3A_84 = arith.constant 0 : i32
        %add3A_85 = arith.addi %add3A_84, %mul3A_83 : i32
        %mul3A_86 = arith.constant 2 : i32
        %mul3A_87 = arith.muli %mul3A_86, %add3A_85 : i32
        %add3A_88 = arith.constant 0 : i32
        %add3A_89 = arith.addi %mul3A_87, %add3A_88 : i32
        %dma_start3A = arith.constant 0 : i32
        %dma_start3A_90 = arith.constant 0 : i32
        %dma_start3A_91 = tpu.memref_slice %arg8[%add3A_89, %dma_start3A_90] : memref<40x128xi32, #tpu.memory_space<vmem>> -> memref<1x64xi32, #tpu.memory_space<vmem>>
        %dma_start3A_92 = tpu.memref_squeeze %dma_start3A_91 : memref<1x64xi32, #tpu.memory_space<vmem>> -> memref<64xi32, #tpu.memory_space<vmem>>
        %dma_start3A_93 = arith.constant 0 : i32
        %dma_start3A_94 = arith.constant 0 : i32
        %dma_start3A_95 = tpu.memref_slice %arg3[%dma_start3A_93, %dma_start3A_94] : memref<10000x128xf32, #tpu.memory_space<hbm>> -> memref<10000x128xf32, #tpu.memory_space<hbm>>
        %dma_start3A_96 = tpu.memref_slice %arg15[%dma_start3A] : memref<4x!tpu.dma_semaphore, #tpu.memory_space<semaphore_mem>> -> memref<1x!tpu.dma_semaphore, #tpu.memory_space<semaphore_mem>>
        %dma_start3A_97 = tpu.memref_squeeze %dma_start3A_96 : memref<1x!tpu.dma_semaphore, #tpu.memory_space<semaphore_mem>> -> memref<!tpu.dma_semaphore, #tpu.memory_space<semaphore_mem>>
        tpu.enqueue_indirect_dma source(%dma_start3A_95 : memref<10000x128xf32, #tpu.memory_space<hbm>>) target(%arg10 : memref<64x128xf32, #tpu.memory_space<vmem>>) offsets(%dma_start3A_92 : memref<64xi32, #tpu.memory_space<vmem>>) semaphore(%dma_start3A_97 : memref<!tpu.dma_semaphore, #tpu.memory_space<semaphore_mem>>)
        %add3A_98 = arith.constant 0 : i32
        %add3A_99 = arith.addi %mul3A_87, %add3A_98 : i32
        %dma_start3A_100 = arith.constant 1 : i32
        %dma_start3A_101 = arith.constant 64 : i32
        %dma_start3A_102 = tpu.memref_slice %arg8[%add3A_99, %dma_start3A_101] : memref<40x128xi32, #tpu.memory_space<vmem>> -> memref<1x64xi32, #tpu.memory_space<vmem>>
        %dma_start3A_103 = tpu.memref_squeeze %dma_start3A_102 : memref<1x64xi32, #tpu.memory_space<vmem>> -> memref<64xi32, #tpu.memory_space<vmem>>
        %dma_start3A_104 = arith.constant 0 : i32
        %dma_start3A_105 = arith.constant 0 : i32
        %dma_start3A_106 = tpu.memref_slice %arg3[%dma_start3A_104, %dma_start3A_105] : memref<10000x128xf32, #tpu.memory_space<hbm>> -> memref<10000x128xf32, #tpu.memory_space<hbm>>
        %dma_start3A_107 = tpu.memref_slice %arg15[%dma_start3A_100] : memref<4x!tpu.dma_semaphore, #tpu.memory_space<semaphore_mem>> -> memref<1x!tpu.dma_semaphore, #tpu.memory_space<semaphore_mem>>
        %dma_start3A_108 = tpu.memref_squeeze %dma_start3A_107 : memref<1x!tpu.dma_semaphore, #tpu.memory_space<semaphore_mem>> -> memref<!tpu.dma_semaphore, #tpu.memory_space<semaphore_mem>>
        tpu.enqueue_indirect_dma source(%dma_start3A_106 : memref<10000x128xf32, #tpu.memory_space<hbm>>) target(%arg11 : memref<64x128xf32, #tpu.memory_space<vmem>>) offsets(%dma_start3A_103 : memref<64xi32, #tpu.memory_space<vmem>>) semaphore(%dma_start3A_108 : memref<!tpu.dma_semaphore, #tpu.memory_space<semaphore_mem>>)
        %add3A_109 = arith.constant 1 : i32
        %add3A_110 = arith.addi %mul3A_87, %add3A_109 : i32
        %dma_start3A_111 = arith.constant 2 : i32
        %dma_start3A_112 = arith.constant 0 : i32
        %dma_start3A_113 = tpu.memref_slice %arg8[%add3A_110, %dma_start3A_112] : memref<40x128xi32, #tpu.memory_space<vmem>> -> memref<1x64xi32, #tpu.memory_space<vmem>>
        %dma_start3A_114 = tpu.memref_squeeze %dma_start3A_113 : memref<1x64xi32, #tpu.memory_space<vmem>> -> memref<64xi32, #tpu.memory_space<vmem>>
        %dma_start3A_115 = arith.constant 0 : i32
        %dma_start3A_116 = arith.constant 0 : i32
        %dma_start3A_117 = tpu.memref_slice %arg3[%dma_start3A_115, %dma_start3A_116] : memref<10000x128xf32, #tpu.memory_space<hbm>> -> memref<10000x128xf32, #tpu.memory_space<hbm>>
        %dma_start3A_118 = tpu.memref_slice %arg15[%dma_start3A_111] : memref<4x!tpu.dma_semaphore, #tpu.memory_space<semaphore_mem>> -> memref<1x!tpu.dma_semaphore, #tpu.memory_space<semaphore_mem>>
        %dma_start3A_119 = tpu.memref_squeeze %dma_start3A_118 : memref<1x!tpu.dma_semaphore, #tpu.memory_space<semaphore_mem>> -> memref<!tpu.dma_semaphore, #tpu.memory_space<semaphore_mem>>
        tpu.enqueue_indirect_dma source(%dma_start3A_117 : memref<10000x128xf32, #tpu.memory_space<hbm>>) target(%arg12 : memref<64x128xf32, #tpu.memory_space<vmem>>) offsets(%dma_start3A_114 : memref<64xi32, #tpu.memory_space<vmem>>) semaphore(%dma_start3A_119 : memref<!tpu.dma_semaphore, #tpu.memory_space<semaphore_mem>>)
        %add3A_120 = arith.constant 1 : i32
        %add3A_121 = arith.addi %mul3A_87, %add3A_120 : i32
        %dma_start3A_122 = arith.constant 3 : i32
        %dma_start3A_123 = arith.constant 64 : i32
        %dma_start3A_124 = tpu.memref_slice %arg8[%add3A_121, %dma_start3A_123] : memref<40x128xi32, #tpu.memory_space<vmem>> -> memref<1x64xi32, #tpu.memory_space<vmem>>
        %dma_start3A_125 = tpu.memref_squeeze %dma_start3A_124 : memref<1x64xi32, #tpu.memory_space<vmem>> -> memref<64xi32, #tpu.memory_space<vmem>>
        %dma_start3A_126 = arith.constant 0 : i32
        %dma_start3A_127 = arith.constant 0 : i32
        %dma_start3A_128 = tpu.memref_slice %arg3[%dma_start3A_126, %dma_start3A_127] : memref<10000x128xf32, #tpu.memory_space<hbm>> -> memref<10000x128xf32, #tpu.memory_space<hbm>>
        %dma_start3A_129 = tpu.memref_slice %arg15[%dma_start3A_122] : memref<4x!tpu.dma_semaphore, #tpu.memory_space<semaphore_mem>> -> memref<1x!tpu.dma_semaphore, #tpu.memory_space<semaphore_mem>>
        %dma_start3A_130 = tpu.memref_squeeze %dma_start3A_129 : memref<1x!tpu.dma_semaphore, #tpu.memory_space<semaphore_mem>> -> memref<!tpu.dma_semaphore, #tpu.memory_space<semaphore_mem>>
        tpu.enqueue_indirect_dma source(%dma_start3A_128 : memref<10000x128xf32, #tpu.memory_space<hbm>>) target(%arg13 : memref<64x128xf32, #tpu.memory_space<vmem>>) offsets(%dma_start3A_125 : memref<64xi32, #tpu.memory_space<vmem>>) semaphore(%dma_start3A_130 : memref<!tpu.dma_semaphore, #tpu.memory_space<semaphore_mem>>)
        %dma_wait3A = arith.constant 0 : i32
        %dma_wait3A_131 = arith.constant 0 : i32
        %dma_wait3A_132 = tpu.memref_slice %arg8[%add3A_89, %dma_wait3A_131] : memref<40x128xi32, #tpu.memory_space<vmem>> -> memref<1x64xi32, #tpu.memory_space<vmem>>
        %dma_wait3A_133 = tpu.memref_squeeze %dma_wait3A_132 : memref<1x64xi32, #tpu.memory_space<vmem>> -> memref<64xi32, #tpu.memory_space<vmem>>
        %dma_wait3A_134 = arith.constant 0 : i32
        %dma_wait3A_135 = arith.constant 0 : i32
        %dma_wait3A_136 = tpu.memref_slice %arg3[%dma_wait3A_134, %dma_wait3A_135] : memref<10000x128xf32, #tpu.memory_space<hbm>> -> memref<10000x128xf32, #tpu.memory_space<hbm>>
        %dma_wait3A_137 = tpu.memref_slice %arg15[%dma_wait3A] : memref<4x!tpu.dma_semaphore, #tpu.memory_space<semaphore_mem>> -> memref<1x!tpu.dma_semaphore, #tpu.memory_space<semaphore_mem>>
        %dma_wait3A_138 = tpu.memref_squeeze %dma_wait3A_137 : memref<1x!tpu.dma_semaphore, #tpu.memory_space<semaphore_mem>> -> memref<!tpu.dma_semaphore, #tpu.memory_space<semaphore_mem>>
        tpu.wait_indirect_dma semaphore(%dma_wait3A_138 : memref<!tpu.dma_semaphore, #tpu.memory_space<semaphore_mem>>) src(%dma_wait3A_136 : memref<10000x128xf32, #tpu.memory_space<hbm>>) dst(%arg10 : memref<64x128xf32, #tpu.memory_space<vmem>>)
        %add3A_139 = arith.constant 0 : i32
        %add3A_140 = arith.addi %mul3A_87, %add3A_139 : i32
        %dma_start3A_141 = arith.constant 0 : i32
        %dma_start3A_142 = arith.constant 0 : i32
        %dma_start3A_143 = tpu.memref_slice %arg9[%add3A_140, %dma_start3A_142] : memref<40x128xi32, #tpu.memory_space<vmem>> -> memref<1x64xi32, #tpu.memory_space<vmem>>
        %dma_start3A_144 = tpu.memref_squeeze %dma_start3A_143 : memref<1x64xi32, #tpu.memory_space<vmem>> -> memref<64xi32, #tpu.memory_space<vmem>>
        %dma_start3A_145 = arith.constant 0 : i32
        %dma_start3A_146 = arith.constant 0 : i32
        %dma_start3A_147 = tpu.memref_slice %arg14[%dma_start3A_145, %dma_start3A_146] : memref<10240x128xf32, #tpu.memory_space<vmem_shared>> -> memref<10240x128xf32, #tpu.memory_space<vmem_shared>>
        %dma_start3A_148 = tpu.memref_slice %arg16[%dma_start3A_141] : memref<4x!tpu.dma_semaphore, #tpu.memory_space<semaphore_mem>> -> memref<1x!tpu.dma_semaphore, #tpu.memory_space<semaphore_mem>>
        %dma_start3A_149 = tpu.memref_squeeze %dma_start3A_148 : memref<1x!tpu.dma_semaphore, #tpu.memory_space<semaphore_mem>> -> memref<!tpu.dma_semaphore, #tpu.memory_space<semaphore_mem>>
        tpu.enqueue_indirect_dma source(%arg10 : memref<64x128xf32, #tpu.memory_space<vmem>>) target(%dma_start3A_147 : memref<10240x128xf32, #tpu.memory_space<vmem_shared>>) offsets(%dma_start3A_144 : memref<64xi32, #tpu.memory_space<vmem>>) semaphore(%dma_start3A_149 : memref<!tpu.dma_semaphore, #tpu.memory_space<semaphore_mem>>) {add = true}
        %dma_wait3A_150 = arith.constant 1 : i32
        %dma_wait3A_151 = arith.constant 64 : i32
        %dma_wait3A_152 = tpu.memref_slice %arg8[%add3A_99, %dma_wait3A_151] : memref<40x128xi32, #tpu.memory_space<vmem>> -> memref<1x64xi32, #tpu.memory_space<vmem>>
        %dma_wait3A_153 = tpu.memref_squeeze %dma_wait3A_152 : memref<1x64xi32, #tpu.memory_space<vmem>> -> memref<64xi32, #tpu.memory_space<vmem>>
        %dma_wait3A_154 = arith.constant 0 : i32
        %dma_wait3A_155 = arith.constant 0 : i32
        %dma_wait3A_156 = tpu.memref_slice %arg3[%dma_wait3A_154, %dma_wait3A_155] : memref<10000x128xf32, #tpu.memory_space<hbm>> -> memref<10000x128xf32, #tpu.memory_space<hbm>>
        %dma_wait3A_157 = tpu.memref_slice %arg15[%dma_wait3A_150] : memref<4x!tpu.dma_semaphore, #tpu.memory_space<semaphore_mem>> -> memref<1x!tpu.dma_semaphore, #tpu.memory_space<semaphore_mem>>
        %dma_wait3A_158 = tpu.memref_squeeze %dma_wait3A_157 : memref<1x!tpu.dma_semaphore, #tpu.memory_space<semaphore_mem>> -> memref<!tpu.dma_semaphore, #tpu.memory_space<semaphore_mem>>
        tpu.wait_indirect_dma semaphore(%dma_wait3A_158 : memref<!tpu.dma_semaphore, #tpu.memory_space<semaphore_mem>>) src(%dma_wait3A_156 : memref<10000x128xf32, #tpu.memory_space<hbm>>) dst(%arg11 : memref<64x128xf32, #tpu.memory_space<vmem>>)
        %add3A_159 = arith.constant 0 : i32
        %add3A_160 = arith.addi %mul3A_87, %add3A_159 : i32
        %dma_start3A_161 = arith.constant 1 : i32
        %dma_start3A_162 = arith.constant 64 : i32
        %dma_start3A_163 = tpu.memref_slice %arg9[%add3A_160, %dma_start3A_162] : memref<40x128xi32, #tpu.memory_space<vmem>> -> memref<1x64xi32, #tpu.memory_space<vmem>>
        %dma_start3A_164 = tpu.memref_squeeze %dma_start3A_163 : memref<1x64xi32, #tpu.memory_space<vmem>> -> memref<64xi32, #tpu.memory_space<vmem>>
        %dma_start3A_165 = arith.constant 0 : i32
        %dma_start3A_166 = arith.constant 0 : i32
        %dma_start3A_167 = tpu.memref_slice %arg14[%dma_start3A_165, %dma_start3A_166] : memref<10240x128xf32, #tpu.memory_space<vmem_shared>> -> memref<10240x128xf32, #tpu.memory_space<vmem_shared>>
        %dma_start3A_168 = tpu.memref_slice %arg16[%dma_start3A_161] : memref<4x!tpu.dma_semaphore, #tpu.memory_space<semaphore_mem>> -> memref<1x!tpu.dma_semaphore, #tpu.memory_space<semaphore_mem>>
        %dma_start3A_169 = tpu.memref_squeeze %dma_start3A_168 : memref<1x!tpu.dma_semaphore, #tpu.memory_space<semaphore_mem>> -> memref<!tpu.dma_semaphore, #tpu.memory_space<semaphore_mem>>
        tpu.enqueue_indirect_dma source(%arg11 : memref<64x128xf32, #tpu.memory_space<vmem>>) target(%dma_start3A_167 : memref<10240x128xf32, #tpu.memory_space<vmem_shared>>) offsets(%dma_start3A_164 : memref<64xi32, #tpu.memory_space<vmem>>) semaphore(%dma_start3A_169 : memref<!tpu.dma_semaphore, #tpu.memory_space<semaphore_mem>>) {add = true}
        %dma_wait3A_170 = arith.constant 2 : i32
        %dma_wait3A_171 = arith.constant 0 : i32
        %dma_wait3A_172 = tpu.memref_slice %arg8[%add3A_110, %dma_wait3A_171] : memref<40x128xi32, #tpu.memory_space<vmem>> -> memref<1x64xi32, #tpu.memory_space<vmem>>
        %dma_wait3A_173 = tpu.memref_squeeze %dma_wait3A_172 : memref<1x64xi32, #tpu.memory_space<vmem>> -> memref<64xi32, #tpu.memory_space<vmem>>
        %dma_wait3A_174 = arith.constant 0 : i32
        %dma_wait3A_175 = arith.constant 0 : i32
        %dma_wait3A_176 = tpu.memref_slice %arg3[%dma_wait3A_174, %dma_wait3A_175] : memref<10000x128xf32, #tpu.memory_space<hbm>> -> memref<10000x128xf32, #tpu.memory_space<hbm>>
        %dma_wait3A_177 = tpu.memref_slice %arg15[%dma_wait3A_170] : memref<4x!tpu.dma_semaphore, #tpu.memory_space<semaphore_mem>> -> memref<1x!tpu.dma_semaphore, #tpu.memory_space<semaphore_mem>>
        %dma_wait3A_178 = tpu.memref_squeeze %dma_wait3A_177 : memref<1x!tpu.dma_semaphore, #tpu.memory_space<semaphore_mem>> -> memref<!tpu.dma_semaphore, #tpu.memory_space<semaphore_mem>>
        tpu.wait_indirect_dma semaphore(%dma_wait3A_178 : memref<!tpu.dma_semaphore, #tpu.memory_space<semaphore_mem>>) src(%dma_wait3A_176 : memref<10000x128xf32, #tpu.memory_space<hbm>>) dst(%arg12 : memref<64x128xf32, #tpu.memory_space<vmem>>)
        %add3A_179 = arith.constant 1 : i32
        %add3A_180 = arith.addi %mul3A_87, %add3A_179 : i32
        %dma_start3A_181 = arith.constant 2 : i32
        %dma_start3A_182 = arith.constant 0 : i32
        %dma_start3A_183 = tpu.memref_slice %arg9[%add3A_180, %dma_start3A_182] : memref<40x128xi32, #tpu.memory_space<vmem>> -> memref<1x64xi32, #tpu.memory_space<vmem>>
        %dma_start3A_184 = tpu.memref_squeeze %dma_start3A_183 : memref<1x64xi32, #tpu.memory_space<vmem>> -> memref<64xi32, #tpu.memory_space<vmem>>
        %dma_start3A_185 = arith.constant 0 : i32
        %dma_start3A_186 = arith.constant 0 : i32
        %dma_start3A_187 = tpu.memref_slice %arg14[%dma_start3A_185, %dma_start3A_186] : memref<10240x128xf32, #tpu.memory_space<vmem_shared>> -> memref<10240x128xf32, #tpu.memory_space<vmem_shared>>
        %dma_start3A_188 = tpu.memref_slice %arg16[%dma_start3A_181] : memref<4x!tpu.dma_semaphore, #tpu.memory_space<semaphore_mem>> -> memref<1x!tpu.dma_semaphore, #tpu.memory_space<semaphore_mem>>
        %dma_start3A_189 = tpu.memref_squeeze %dma_start3A_188 : memref<1x!tpu.dma_semaphore, #tpu.memory_space<semaphore_mem>> -> memref<!tpu.dma_semaphore, #tpu.memory_space<semaphore_mem>>
        tpu.enqueue_indirect_dma source(%arg12 : memref<64x128xf32, #tpu.memory_space<vmem>>) target(%dma_start3A_187 : memref<10240x128xf32, #tpu.memory_space<vmem_shared>>) offsets(%dma_start3A_184 : memref<64xi32, #tpu.memory_space<vmem>>) semaphore(%dma_start3A_189 : memref<!tpu.dma_semaphore, #tpu.memory_space<semaphore_mem>>) {add = true}
        %dma_wait3A_190 = arith.constant 3 : i32
        %dma_wait3A_191 = arith.constant 64 : i32
        %dma_wait3A_192 = tpu.memref_slice %arg8[%add3A_121, %dma_wait3A_191] : memref<40x128xi32, #tpu.memory_space<vmem>> -> memref<1x64xi32, #tpu.memory_space<vmem>>
        %dma_wait3A_193 = tpu.memref_squeeze %dma_wait3A_192 : memref<1x64xi32, #tpu.memory_space<vmem>> -> memref<64xi32, #tpu.memory_space<vmem>>
        %dma_wait3A_194 = arith.constant 0 : i32
        %dma_wait3A_195 = arith.constant 0 : i32
        %dma_wait3A_196 = tpu.memref_slice %arg3[%dma_wait3A_194, %dma_wait3A_195] : memref<10000x128xf32, #tpu.memory_space<hbm>> -> memref<10000x128xf32, #tpu.memory_space<hbm>>
        %dma_wait3A_197 = tpu.memref_slice %arg15[%dma_wait3A_190] : memref<4x!tpu.dma_semaphore, #tpu.memory_space<semaphore_mem>> -> memref<1x!tpu.dma_semaphore, #tpu.memory_space<semaphore_mem>>
        %dma_wait3A_198 = tpu.memref_squeeze %dma_wait3A_197 : memref<1x!tpu.dma_semaphore, #tpu.memory_space<semaphore_mem>> -> memref<!tpu.dma_semaphore, #tpu.memory_space<semaphore_mem>>
        tpu.wait_indirect_dma semaphore(%dma_wait3A_198 : memref<!tpu.dma_semaphore, #tpu.memory_space<semaphore_mem>>) src(%dma_wait3A_196 : memref<10000x128xf32, #tpu.memory_space<hbm>>) dst(%arg13 : memref<64x128xf32, #tpu.memory_space<vmem>>)
        %add3A_199 = arith.constant 1 : i32
        %add3A_200 = arith.addi %mul3A_87, %add3A_199 : i32
        %dma_start3A_201 = arith.constant 3 : i32
        %dma_start3A_202 = arith.constant 64 : i32
        %dma_start3A_203 = tpu.memref_slice %arg9[%add3A_200, %dma_start3A_202] : memref<40x128xi32, #tpu.memory_space<vmem>> -> memref<1x64xi32, #tpu.memory_space<vmem>>
        %dma_start3A_204 = tpu.memref_squeeze %dma_start3A_203 : memref<1x64xi32, #tpu.memory_space<vmem>> -> memref<64xi32, #tpu.memory_space<vmem>>
        %dma_start3A_205 = arith.constant 0 : i32
        %dma_start3A_206 = arith.constant 0 : i32
        %dma_start3A_207 = tpu.memref_slice %arg14[%dma_start3A_205, %dma_start3A_206] : memref<10240x128xf32, #tpu.memory_space<vmem_shared>> -> memref<10240x128xf32, #tpu.memory_space<vmem_shared>>
        %dma_start3A_208 = tpu.memref_slice %arg16[%dma_start3A_201] : memref<4x!tpu.dma_semaphore, #tpu.memory_space<semaphore_mem>> -> memref<1x!tpu.dma_semaphore, #tpu.memory_space<semaphore_mem>>
        %dma_start3A_209 = tpu.memref_squeeze %dma_start3A_208 : memref<1x!tpu.dma_semaphore, #tpu.memory_space<semaphore_mem>> -> memref<!tpu.dma_semaphore, #tpu.memory_space<semaphore_mem>>
        tpu.enqueue_indirect_dma source(%arg13 : memref<64x128xf32, #tpu.memory_space<vmem>>) target(%dma_start3A_207 : memref<10240x128xf32, #tpu.memory_space<vmem_shared>>) offsets(%dma_start3A_204 : memref<64xi32, #tpu.memory_space<vmem>>) semaphore(%dma_start3A_209 : memref<!tpu.dma_semaphore, #tpu.memory_space<semaphore_mem>>) {add = true}
        %dma_wait3A_210 = arith.constant 0 : i32
        %dma_wait3A_211 = arith.constant 0 : i32
        %dma_wait3A_212 = tpu.memref_slice %arg9[%add3A_140, %dma_wait3A_211] : memref<40x128xi32, #tpu.memory_space<vmem>> -> memref<1x64xi32, #tpu.memory_space<vmem>>
        %dma_wait3A_213 = tpu.memref_squeeze %dma_wait3A_212 : memref<1x64xi32, #tpu.memory_space<vmem>> -> memref<64xi32, #tpu.memory_space<vmem>>
        %dma_wait3A_214 = arith.constant 0 : i32
        %dma_wait3A_215 = arith.constant 0 : i32
        %dma_wait3A_216 = tpu.memref_slice %arg14[%dma_wait3A_214, %dma_wait3A_215] : memref<10240x128xf32, #tpu.memory_space<vmem_shared>> -> memref<10240x128xf32, #tpu.memory_space<vmem_shared>>
        %dma_wait3A_217 = tpu.memref_slice %arg16[%dma_wait3A_210] : memref<4x!tpu.dma_semaphore, #tpu.memory_space<semaphore_mem>> -> memref<1x!tpu.dma_semaphore, #tpu.memory_space<semaphore_mem>>
        %dma_wait3A_218 = tpu.memref_squeeze %dma_wait3A_217 : memref<1x!tpu.dma_semaphore, #tpu.memory_space<semaphore_mem>> -> memref<!tpu.dma_semaphore, #tpu.memory_space<semaphore_mem>>
        tpu.wait_indirect_dma semaphore(%dma_wait3A_218 : memref<!tpu.dma_semaphore, #tpu.memory_space<semaphore_mem>>) src(%arg10 : memref<64x128xf32, #tpu.memory_space<vmem>>) dst(%dma_wait3A_216 : memref<10240x128xf32, #tpu.memory_space<vmem_shared>>)
        %dma_wait3A_219 = arith.constant 1 : i32
        %dma_wait3A_220 = arith.constant 64 : i32
        %dma_wait3A_221 = tpu.memref_slice %arg9[%add3A_160, %dma_wait3A_220] : memref<40x128xi32, #tpu.memory_space<vmem>> -> memref<1x64xi32, #tpu.memory_space<vmem>>
        %dma_wait3A_222 = tpu.memref_squeeze %dma_wait3A_221 : memref<1x64xi32, #tpu.memory_space<vmem>> -> memref<64xi32, #tpu.memory_space<vmem>>
        %dma_wait3A_223 = arith.constant 0 : i32
        %dma_wait3A_224 = arith.constant 0 : i32
        %dma_wait3A_225 = tpu.memref_slice %arg14[%dma_wait3A_223, %dma_wait3A_224] : memref<10240x128xf32, #tpu.memory_space<vmem_shared>> -> memref<10240x128xf32, #tpu.memory_space<vmem_shared>>
        %dma_wait3A_226 = tpu.memref_slice %arg16[%dma_wait3A_219] : memref<4x!tpu.dma_semaphore, #tpu.memory_space<semaphore_mem>> -> memref<1x!tpu.dma_semaphore, #tpu.memory_space<semaphore_mem>>
        %dma_wait3A_227 = tpu.memref_squeeze %dma_wait3A_226 : memref<1x!tpu.dma_semaphore, #tpu.memory_space<semaphore_mem>> -> memref<!tpu.dma_semaphore, #tpu.memory_space<semaphore_mem>>
        tpu.wait_indirect_dma semaphore(%dma_wait3A_227 : memref<!tpu.dma_semaphore, #tpu.memory_space<semaphore_mem>>) src(%arg11 : memref<64x128xf32, #tpu.memory_space<vmem>>) dst(%dma_wait3A_225 : memref<10240x128xf32, #tpu.memory_space<vmem_shared>>)
        %dma_wait3A_228 = arith.constant 2 : i32
        %dma_wait3A_229 = arith.constant 0 : i32
        %dma_wait3A_230 = tpu.memref_slice %arg9[%add3A_180, %dma_wait3A_229] : memref<40x128xi32, #tpu.memory_space<vmem>> -> memref<1x64xi32, #tpu.memory_space<vmem>>
        %dma_wait3A_231 = tpu.memref_squeeze %dma_wait3A_230 : memref<1x64xi32, #tpu.memory_space<vmem>> -> memref<64xi32, #tpu.memory_space<vmem>>
        %dma_wait3A_232 = arith.constant 0 : i32
        %dma_wait3A_233 = arith.constant 0 : i32
        %dma_wait3A_234 = tpu.memref_slice %arg14[%dma_wait3A_232, %dma_wait3A_233] : memref<10240x128xf32, #tpu.memory_space<vmem_shared>> -> memref<10240x128xf32, #tpu.memory_space<vmem_shared>>
        %dma_wait3A_235 = tpu.memref_slice %arg16[%dma_wait3A_228] : memref<4x!tpu.dma_semaphore, #tpu.memory_space<semaphore_mem>> -> memref<1x!tpu.dma_semaphore, #tpu.memory_space<semaphore_mem>>
        %dma_wait3A_236 = tpu.memref_squeeze %dma_wait3A_235 : memref<1x!tpu.dma_semaphore, #tpu.memory_space<semaphore_mem>> -> memref<!tpu.dma_semaphore, #tpu.memory_space<semaphore_mem>>
        tpu.wait_indirect_dma semaphore(%dma_wait3A_236 : memref<!tpu.dma_semaphore, #tpu.memory_space<semaphore_mem>>) src(%arg12 : memref<64x128xf32, #tpu.memory_space<vmem>>) dst(%dma_wait3A_234 : memref<10240x128xf32, #tpu.memory_space<vmem_shared>>)
        %dma_wait3A_237 = arith.constant 3 : i32
        %dma_wait3A_238 = arith.constant 64 : i32
        %dma_wait3A_239 = tpu.memref_slice %arg9[%add3A_200, %dma_wait3A_238] : memref<40x128xi32, #tpu.memory_space<vmem>> -> memref<1x64xi32, #tpu.memory_space<vmem>>
        %dma_wait3A_240 = tpu.memref_squeeze %dma_wait3A_239 : memref<1x64xi32, #tpu.memory_space<vmem>> -> memref<64xi32, #tpu.memory_space<vmem>>
        %dma_wait3A_241 = arith.constant 0 : i32
        %dma_wait3A_242 = arith.constant 0 : i32
        %dma_wait3A_243 = tpu.memref_slice %arg14[%dma_wait3A_241, %dma_wait3A_242] : memref<10240x128xf32, #tpu.memory_space<vmem_shared>> -> memref<10240x128xf32, #tpu.memory_space<vmem_shared>>
        %dma_wait3A_244 = tpu.memref_slice %arg16[%dma_wait3A_237] : memref<4x!tpu.dma_semaphore, #tpu.memory_space<semaphore_mem>> -> memref<1x!tpu.dma_semaphore, #tpu.memory_space<semaphore_mem>>
        %dma_wait3A_245 = tpu.memref_squeeze %dma_wait3A_244 : memref<1x!tpu.dma_semaphore, #tpu.memory_space<semaphore_mem>> -> memref<!tpu.dma_semaphore, #tpu.memory_space<semaphore_mem>>
        tpu.wait_indirect_dma semaphore(%dma_wait3A_245 : memref<!tpu.dma_semaphore, #tpu.memory_space<semaphore_mem>>) src(%arg13 : memref<64x128xf32, #tpu.memory_space<vmem>>) dst(%dma_wait3A_243 : memref<10240x128xf32, #tpu.memory_space<vmem_shared>>)
      }
      %scan3A_71 = arith.constant 20 : i32
      %mul3A_72 = arith.constant 80 : i32
      %mul3A_73 = arith.muli %arg1, %mul3A_72 : i32
      %add3A_74 = arith.constant 40 : i32
      %add3A_75 = arith.addi %mul3A_73, %add3A_74 : i32
      "tpu.region"() ({
        %run_scoped3A = tpu.sem_alloc : memref<!tpu.dma_semaphore, #tpu.memory_space<semaphore_mem>>
        %dma_start3A = arith.constant 0 : i32
        %dma_start3A_81 = tpu.memref_slice %arg4[%add3A_75, %dma_start3A] : memref<1280x128xi32, #tpu.memory_space<hbm>> -> memref<40x128xi32, #tpu.memory_space<hbm>>
        %dma_start3A_82 = arith.constant 0 : i32
        %dma_start3A_83 = tpu.memref_slice %arg4[%add3A_75, %dma_start3A_82] : memref<1280x128xi32, #tpu.memory_space<hbm>> -> memref<40x128xi32, #tpu.memory_space<hbm>>
        tpu.enqueue_dma source(%dma_start3A_83 : memref<40x128xi32, #tpu.memory_space<hbm>>) target(%arg8 : memref<40x128xi32, #tpu.memory_space<vmem>>) target_semaphore(%run_scoped3A : memref<!tpu.dma_semaphore, #tpu.memory_space<semaphore_mem>>)
        %dma_wait3A = arith.constant 0 : i32
        %dma_wait3A_84 = tpu.memref_slice %arg4[%add3A_75, %dma_wait3A] : memref<1280x128xi32, #tpu.memory_space<hbm>> -> memref<40x128xi32, #tpu.memory_space<hbm>>
        %dma_wait3A_85 = arith.constant 0 : i32
        %dma_wait3A_86 = tpu.memref_slice %arg4[%add3A_75, %dma_wait3A_85] : memref<1280x128xi32, #tpu.memory_space<hbm>> -> memref<40x128xi32, #tpu.memory_space<hbm>>
        tpu.wait_dma2 semaphore(%run_scoped3A : memref<!tpu.dma_semaphore, #tpu.memory_space<semaphore_mem>>) src(%dma_wait3A_86 : memref<40x128xi32, #tpu.memory_space<hbm>>) dst(%arg8 : memref<40x128xi32, #tpu.memory_space<vmem>>)
        tpu.yield
      }) : () -> ()
      "tpu.region"() ({
        %run_scoped3A = tpu.sem_alloc : memref<!tpu.dma_semaphore, #tpu.memory_space<semaphore_mem>>
        %dma_start3A = arith.constant 0 : i32
        %dma_start3A_81 = tpu.memref_slice %arg5[%add3A_75, %dma_start3A] : memref<1280x128xi32, #tpu.memory_space<hbm>> -> memref<40x128xi32, #tpu.memory_space<hbm>>
        %dma_start3A_82 = arith.constant 0 : i32
        %dma_start3A_83 = tpu.memref_slice %arg5[%add3A_75, %dma_start3A_82] : memref<1280x128xi32, #tpu.memory_space<hbm>> -> memref<40x128xi32, #tpu.memory_space<hbm>>
        tpu.enqueue_dma source(%dma_start3A_83 : memref<40x128xi32, #tpu.memory_space<hbm>>) target(%arg9 : memref<40x128xi32, #tpu.memory_space<vmem>>) target_semaphore(%run_scoped3A : memref<!tpu.dma_semaphore, #tpu.memory_space<semaphore_mem>>)
        %dma_wait3A = arith.constant 0 : i32
        %dma_wait3A_84 = tpu.memref_slice %arg5[%add3A_75, %dma_wait3A] : memref<1280x128xi32, #tpu.memory_space<hbm>> -> memref<40x128xi32, #tpu.memory_space<hbm>>
        %dma_wait3A_85 = arith.constant 0 : i32
        %dma_wait3A_86 = tpu.memref_slice %arg5[%add3A_75, %dma_wait3A_85] : memref<1280x128xi32, #tpu.memory_space<hbm>> -> memref<40x128xi32, #tpu.memory_space<hbm>>
        tpu.wait_dma2 semaphore(%run_scoped3A : memref<!tpu.dma_semaphore, #tpu.memory_space<semaphore_mem>>) src(%dma_wait3A_86 : memref<40x128xi32, #tpu.memory_space<hbm>>) dst(%arg9 : memref<40x128xi32, #tpu.memory_space<vmem>>)
        tpu.yield
      }) : () -> ()
      %scan3A_76 = arith.constant 0 : i32
      %scan3A_77 = arith.constant 20 : i32
      %scan3A_78 = arith.addi %scan3A_76, %scan3A_77 : i32
      %scan3A_79 = arith.constant 1 : i32
      scf.for %scan3A_81 = %scan3A_76 to %scan3A_78 step %scan3A_79  : i32 {
        %mul3A_82 = arith.constant 1 : i32
        %mul3A_83 = arith.muli %scan3A_81, %mul3A_82 : i32
        %add3A_84 = arith.constant 0 : i32
        %add3A_85 = arith.addi %add3A_84, %mul3A_83 : i32
        %mul3A_86 = arith.constant 2 : i32
        %mul3A_87 = arith.muli %mul3A_86, %add3A_85 : i32
        %add3A_88 = arith.constant 0 : i32
        %add3A_89 = arith.addi %mul3A_87, %add3A_88 : i32
        %dma_start3A = arith.constant 0 : i32
        %dma_start3A_90 = arith.constant 0 : i32
        %dma_start3A_91 = tpu.memref_slice %arg8[%add3A_89, %dma_start3A_90] : memref<40x128xi32, #tpu.memory_space<vmem>> -> memref<1x64xi32, #tpu.memory_space<vmem>>
        %dma_start3A_92 = tpu.memref_squeeze %dma_start3A_91 : memref<1x64xi32, #tpu.memory_space<vmem>> -> memref<64xi32, #tpu.memory_space<vmem>>
        %dma_start3A_93 = arith.constant 0 : i32
        %dma_start3A_94 = arith.constant 0 : i32
        %dma_start3A_95 = tpu.memref_slice %arg3[%dma_start3A_93, %dma_start3A_94] : memref<10000x128xf32, #tpu.memory_space<hbm>> -> memref<10000x128xf32, #tpu.memory_space<hbm>>
        %dma_start3A_96 = tpu.memref_slice %arg15[%dma_start3A] : memref<4x!tpu.dma_semaphore, #tpu.memory_space<semaphore_mem>> -> memref<1x!tpu.dma_semaphore, #tpu.memory_space<semaphore_mem>>
        %dma_start3A_97 = tpu.memref_squeeze %dma_start3A_96 : memref<1x!tpu.dma_semaphore, #tpu.memory_space<semaphore_mem>> -> memref<!tpu.dma_semaphore, #tpu.memory_space<semaphore_mem>>
        tpu.enqueue_indirect_dma source(%dma_start3A_95 : memref<10000x128xf32, #tpu.memory_space<hbm>>) target(%arg10 : memref<64x128xf32, #tpu.memory_space<vmem>>) offsets(%dma_start3A_92 : memref<64xi32, #tpu.memory_space<vmem>>) semaphore(%dma_start3A_97 : memref<!tpu.dma_semaphore, #tpu.memory_space<semaphore_mem>>)
        %add3A_98 = arith.constant 0 : i32
        %add3A_99 = arith.addi %mul3A_87, %add3A_98 : i32
        %dma_start3A_100 = arith.constant 1 : i32
        %dma_start3A_101 = arith.constant 64 : i32
        %dma_start3A_102 = tpu.memref_slice %arg8[%add3A_99, %dma_start3A_101] : memref<40x128xi32, #tpu.memory_space<vmem>> -> memref<1x64xi32, #tpu.memory_space<vmem>>
        %dma_start3A_103 = tpu.memref_squeeze %dma_start3A_102 : memref<1x64xi32, #tpu.memory_space<vmem>> -> memref<64xi32, #tpu.memory_space<vmem>>
        %dma_start3A_104 = arith.constant 0 : i32
        %dma_start3A_105 = arith.constant 0 : i32
        %dma_start3A_106 = tpu.memref_slice %arg3[%dma_start3A_104, %dma_start3A_105] : memref<10000x128xf32, #tpu.memory_space<hbm>> -> memref<10000x128xf32, #tpu.memory_space<hbm>>
        %dma_start3A_107 = tpu.memref_slice %arg15[%dma_start3A_100] : memref<4x!tpu.dma_semaphore, #tpu.memory_space<semaphore_mem>> -> memref<1x!tpu.dma_semaphore, #tpu.memory_space<semaphore_mem>>
        %dma_start3A_108 = tpu.memref_squeeze %dma_start3A_107 : memref<1x!tpu.dma_semaphore, #tpu.memory_space<semaphore_mem>> -> memref<!tpu.dma_semaphore, #tpu.memory_space<semaphore_mem>>
        tpu.enqueue_indirect_dma source(%dma_start3A_106 : memref<10000x128xf32, #tpu.memory_space<hbm>>) target(%arg11 : memref<64x128xf32, #tpu.memory_space<vmem>>) offsets(%dma_start3A_103 : memref<64xi32, #tpu.memory_space<vmem>>) semaphore(%dma_start3A_108 : memref<!tpu.dma_semaphore, #tpu.memory_space<semaphore_mem>>)
        %add3A_109 = arith.constant 1 : i32
        %add3A_110 = arith.addi %mul3A_87, %add3A_109 : i32
        %dma_start3A_111 = arith.constant 2 : i32
        %dma_start3A_112 = arith.constant 0 : i32
        %dma_start3A_113 = tpu.memref_slice %arg8[%add3A_110, %dma_start3A_112] : memref<40x128xi32, #tpu.memory_space<vmem>> -> memref<1x64xi32, #tpu.memory_space<vmem>>
        %dma_start3A_114 = tpu.memref_squeeze %dma_start3A_113 : memref<1x64xi32, #tpu.memory_space<vmem>> -> memref<64xi32, #tpu.memory_space<vmem>>
        %dma_start3A_115 = arith.constant 0 : i32
        %dma_start3A_116 = arith.constant 0 : i32
        %dma_start3A_117 = tpu.memref_slice %arg3[%dma_start3A_115, %dma_start3A_116] : memref<10000x128xf32, #tpu.memory_space<hbm>> -> memref<10000x128xf32, #tpu.memory_space<hbm>>
        %dma_start3A_118 = tpu.memref_slice %arg15[%dma_start3A_111] : memref<4x!tpu.dma_semaphore, #tpu.memory_space<semaphore_mem>> -> memref<1x!tpu.dma_semaphore, #tpu.memory_space<semaphore_mem>>
        %dma_start3A_119 = tpu.memref_squeeze %dma_start3A_118 : memref<1x!tpu.dma_semaphore, #tpu.memory_space<semaphore_mem>> -> memref<!tpu.dma_semaphore, #tpu.memory_space<semaphore_mem>>
        tpu.enqueue_indirect_dma source(%dma_start3A_117 : memref<10000x128xf32, #tpu.memory_space<hbm>>) target(%arg12 : memref<64x128xf32, #tpu.memory_space<vmem>>) offsets(%dma_start3A_114 : memref<64xi32, #tpu.memory_space<vmem>>) semaphore(%dma_start3A_119 : memref<!tpu.dma_semaphore, #tpu.memory_space<semaphore_mem>>)
        %add3A_120 = arith.constant 1 : i32
        %add3A_121 = arith.addi %mul3A_87, %add3A_120 : i32
        %dma_start3A_122 = arith.constant 3 : i32
        %dma_start3A_123 = arith.constant 64 : i32
        %dma_start3A_124 = tpu.memref_slice %arg8[%add3A_121, %dma_start3A_123] : memref<40x128xi32, #tpu.memory_space<vmem>> -> memref<1x64xi32, #tpu.memory_space<vmem>>
        %dma_start3A_125 = tpu.memref_squeeze %dma_start3A_124 : memref<1x64xi32, #tpu.memory_space<vmem>> -> memref<64xi32, #tpu.memory_space<vmem>>
        %dma_start3A_126 = arith.constant 0 : i32
        %dma_start3A_127 = arith.constant 0 : i32
        %dma_start3A_128 = tpu.memref_slice %arg3[%dma_start3A_126, %dma_start3A_127] : memref<10000x128xf32, #tpu.memory_space<hbm>> -> memref<10000x128xf32, #tpu.memory_space<hbm>>
        %dma_start3A_129 = tpu.memref_slice %arg15[%dma_start3A_122] : memref<4x!tpu.dma_semaphore, #tpu.memory_space<semaphore_mem>> -> memref<1x!tpu.dma_semaphore, #tpu.memory_space<semaphore_mem>>
        %dma_start3A_130 = tpu.memref_squeeze %dma_start3A_129 : memref<1x!tpu.dma_semaphore, #tpu.memory_space<semaphore_mem>> -> memref<!tpu.dma_semaphore, #tpu.memory_space<semaphore_mem>>
        tpu.enqueue_indirect_dma source(%dma_start3A_128 : memref<10000x128xf32, #tpu.memory_space<hbm>>) target(%arg13 : memref<64x128xf32, #tpu.memory_space<vmem>>) offsets(%dma_start3A_125 : memref<64xi32, #tpu.memory_space<vmem>>) semaphore(%dma_start3A_130 : memref<!tpu.dma_semaphore, #tpu.memory_space<semaphore_mem>>)
        %dma_wait3A = arith.constant 0 : i32
        %dma_wait3A_131 = arith.constant 0 : i32
        %dma_wait3A_132 = tpu.memref_slice %arg8[%add3A_89, %dma_wait3A_131] : memref<40x128xi32, #tpu.memory_space<vmem>> -> memref<1x64xi32, #tpu.memory_space<vmem>>
        %dma_wait3A_133 = tpu.memref_squeeze %dma_wait3A_132 : memref<1x64xi32, #tpu.memory_space<vmem>> -> memref<64xi32, #tpu.memory_space<vmem>>
        %dma_wait3A_134 = arith.constant 0 : i32
        %dma_wait3A_135 = arith.constant 0 : i32
        %dma_wait3A_136 = tpu.memref_slice %arg3[%dma_wait3A_134, %dma_wait3A_135] : memref<10000x128xf32, #tpu.memory_space<hbm>> -> memref<10000x128xf32, #tpu.memory_space<hbm>>
        %dma_wait3A_137 = tpu.memref_slice %arg15[%dma_wait3A] : memref<4x!tpu.dma_semaphore, #tpu.memory_space<semaphore_mem>> -> memref<1x!tpu.dma_semaphore, #tpu.memory_space<semaphore_mem>>
        %dma_wait3A_138 = tpu.memref_squeeze %dma_wait3A_137 : memref<1x!tpu.dma_semaphore, #tpu.memory_space<semaphore_mem>> -> memref<!tpu.dma_semaphore, #tpu.memory_space<semaphore_mem>>
        tpu.wait_indirect_dma semaphore(%dma_wait3A_138 : memref<!tpu.dma_semaphore, #tpu.memory_space<semaphore_mem>>) src(%dma_wait3A_136 : memref<10000x128xf32, #tpu.memory_space<hbm>>) dst(%arg10 : memref<64x128xf32, #tpu.memory_space<vmem>>)
        %add3A_139 = arith.constant 0 : i32
        %add3A_140 = arith.addi %mul3A_87, %add3A_139 : i32
        %dma_start3A_141 = arith.constant 0 : i32
        %dma_start3A_142 = arith.constant 0 : i32
        %dma_start3A_143 = tpu.memref_slice %arg9[%add3A_140, %dma_start3A_142] : memref<40x128xi32, #tpu.memory_space<vmem>> -> memref<1x64xi32, #tpu.memory_space<vmem>>
        %dma_start3A_144 = tpu.memref_squeeze %dma_start3A_143 : memref<1x64xi32, #tpu.memory_space<vmem>> -> memref<64xi32, #tpu.memory_space<vmem>>
        %dma_start3A_145 = arith.constant 0 : i32
        %dma_start3A_146 = arith.constant 0 : i32
        %dma_start3A_147 = tpu.memref_slice %arg14[%dma_start3A_145, %dma_start3A_146] : memref<10240x128xf32, #tpu.memory_space<vmem_shared>> -> memref<10240x128xf32, #tpu.memory_space<vmem_shared>>
        %dma_start3A_148 = tpu.memref_slice %arg16[%dma_start3A_141] : memref<4x!tpu.dma_semaphore, #tpu.memory_space<semaphore_mem>> -> memref<1x!tpu.dma_semaphore, #tpu.memory_space<semaphore_mem>>
        %dma_start3A_149 = tpu.memref_squeeze %dma_start3A_148 : memref<1x!tpu.dma_semaphore, #tpu.memory_space<semaphore_mem>> -> memref<!tpu.dma_semaphore, #tpu.memory_space<semaphore_mem>>
        tpu.enqueue_indirect_dma source(%arg10 : memref<64x128xf32, #tpu.memory_space<vmem>>) target(%dma_start3A_147 : memref<10240x128xf32, #tpu.memory_space<vmem_shared>>) offsets(%dma_start3A_144 : memref<64xi32, #tpu.memory_space<vmem>>) semaphore(%dma_start3A_149 : memref<!tpu.dma_semaphore, #tpu.memory_space<semaphore_mem>>) {add = true}
        %dma_wait3A_150 = arith.constant 1 : i32
        %dma_wait3A_151 = arith.constant 64 : i32
        %dma_wait3A_152 = tpu.memref_slice %arg8[%add3A_99, %dma_wait3A_151] : memref<40x128xi32, #tpu.memory_space<vmem>> -> memref<1x64xi32, #tpu.memory_space<vmem>>
        %dma_wait3A_153 = tpu.memref_squeeze %dma_wait3A_152 : memref<1x64xi32, #tpu.memory_space<vmem>> -> memref<64xi32, #tpu.memory_space<vmem>>
        %dma_wait3A_154 = arith.constant 0 : i32
        %dma_wait3A_155 = arith.constant 0 : i32
        %dma_wait3A_156 = tpu.memref_slice %arg3[%dma_wait3A_154, %dma_wait3A_155] : memref<10000x128xf32, #tpu.memory_space<hbm>> -> memref<10000x128xf32, #tpu.memory_space<hbm>>
        %dma_wait3A_157 = tpu.memref_slice %arg15[%dma_wait3A_150] : memref<4x!tpu.dma_semaphore, #tpu.memory_space<semaphore_mem>> -> memref<1x!tpu.dma_semaphore, #tpu.memory_space<semaphore_mem>>
        %dma_wait3A_158 = tpu.memref_squeeze %dma_wait3A_157 : memref<1x!tpu.dma_semaphore, #tpu.memory_space<semaphore_mem>> -> memref<!tpu.dma_semaphore, #tpu.memory_space<semaphore_mem>>
        tpu.wait_indirect_dma semaphore(%dma_wait3A_158 : memref<!tpu.dma_semaphore, #tpu.memory_space<semaphore_mem>>) src(%dma_wait3A_156 : memref<10000x128xf32, #tpu.memory_space<hbm>>) dst(%arg11 : memref<64x128xf32, #tpu.memory_space<vmem>>)
        %add3A_159 = arith.constant 0 : i32
        %add3A_160 = arith.addi %mul3A_87, %add3A_159 : i32
        %dma_start3A_161 = arith.constant 1 : i32
        %dma_start3A_162 = arith.constant 64 : i32
        %dma_start3A_163 = tpu.memref_slice %arg9[%add3A_160, %dma_start3A_162] : memref<40x128xi32, #tpu.memory_space<vmem>> -> memref<1x64xi32, #tpu.memory_space<vmem>>
        %dma_start3A_164 = tpu.memref_squeeze %dma_start3A_163 : memref<1x64xi32, #tpu.memory_space<vmem>> -> memref<64xi32, #tpu.memory_space<vmem>>
        %dma_start3A_165 = arith.constant 0 : i32
        %dma_start3A_166 = arith.constant 0 : i32
        %dma_start3A_167 = tpu.memref_slice %arg14[%dma_start3A_165, %dma_start3A_166] : memref<10240x128xf32, #tpu.memory_space<vmem_shared>> -> memref<10240x128xf32, #tpu.memory_space<vmem_shared>>
        %dma_start3A_168 = tpu.memref_slice %arg16[%dma_start3A_161] : memref<4x!tpu.dma_semaphore, #tpu.memory_space<semaphore_mem>> -> memref<1x!tpu.dma_semaphore, #tpu.memory_space<semaphore_mem>>
        %dma_start3A_169 = tpu.memref_squeeze %dma_start3A_168 : memref<1x!tpu.dma_semaphore, #tpu.memory_space<semaphore_mem>> -> memref<!tpu.dma_semaphore, #tpu.memory_space<semaphore_mem>>
        tpu.enqueue_indirect_dma source(%arg11 : memref<64x128xf32, #tpu.memory_space<vmem>>) target(%dma_start3A_167 : memref<10240x128xf32, #tpu.memory_space<vmem_shared>>) offsets(%dma_start3A_164 : memref<64xi32, #tpu.memory_space<vmem>>) semaphore(%dma_start3A_169 : memref<!tpu.dma_semaphore, #tpu.memory_space<semaphore_mem>>) {add = true}
        %dma_wait3A_170 = arith.constant 2 : i32
        %dma_wait3A_171 = arith.constant 0 : i32
        %dma_wait3A_172 = tpu.memref_slice %arg8[%add3A_110, %dma_wait3A_171] : memref<40x128xi32, #tpu.memory_space<vmem>> -> memref<1x64xi32, #tpu.memory_space<vmem>>
        %dma_wait3A_173 = tpu.memref_squeeze %dma_wait3A_172 : memref<1x64xi32, #tpu.memory_space<vmem>> -> memref<64xi32, #tpu.memory_space<vmem>>
        %dma_wait3A_174 = arith.constant 0 : i32
        %dma_wait3A_175 = arith.constant 0 : i32
        %dma_wait3A_176 = tpu.memref_slice %arg3[%dma_wait3A_174, %dma_wait3A_175] : memref<10000x128xf32, #tpu.memory_space<hbm>> -> memref<10000x128xf32, #tpu.memory_space<hbm>>
        %dma_wait3A_177 = tpu.memref_slice %arg15[%dma_wait3A_170] : memref<4x!tpu.dma_semaphore, #tpu.memory_space<semaphore_mem>> -> memref<1x!tpu.dma_semaphore, #tpu.memory_space<semaphore_mem>>
        %dma_wait3A_178 = tpu.memref_squeeze %dma_wait3A_177 : memref<1x!tpu.dma_semaphore, #tpu.memory_space<semaphore_mem>> -> memref<!tpu.dma_semaphore, #tpu.memory_space<semaphore_mem>>
        tpu.wait_indirect_dma semaphore(%dma_wait3A_178 : memref<!tpu.dma_semaphore, #tpu.memory_space<semaphore_mem>>) src(%dma_wait3A_176 : memref<10000x128xf32, #tpu.memory_space<hbm>>) dst(%arg12 : memref<64x128xf32, #tpu.memory_space<vmem>>)
        %add3A_179 = arith.constant 1 : i32
        %add3A_180 = arith.addi %mul3A_87, %add3A_179 : i32
        %dma_start3A_181 = arith.constant 2 : i32
        %dma_start3A_182 = arith.constant 0 : i32
        %dma_start3A_183 = tpu.memref_slice %arg9[%add3A_180, %dma_start3A_182] : memref<40x128xi32, #tpu.memory_space<vmem>> -> memref<1x64xi32, #tpu.memory_space<vmem>>
        %dma_start3A_184 = tpu.memref_squeeze %dma_start3A_183 : memref<1x64xi32, #tpu.memory_space<vmem>> -> memref<64xi32, #tpu.memory_space<vmem>>
        %dma_start3A_185 = arith.constant 0 : i32
        %dma_start3A_186 = arith.constant 0 : i32
        %dma_start3A_187 = tpu.memref_slice %arg14[%dma_start3A_185, %dma_start3A_186] : memref<10240x128xf32, #tpu.memory_space<vmem_shared>> -> memref<10240x128xf32, #tpu.memory_space<vmem_shared>>
        %dma_start3A_188 = tpu.memref_slice %arg16[%dma_start3A_181] : memref<4x!tpu.dma_semaphore, #tpu.memory_space<semaphore_mem>> -> memref<1x!tpu.dma_semaphore, #tpu.memory_space<semaphore_mem>>
        %dma_start3A_189 = tpu.memref_squeeze %dma_start3A_188 : memref<1x!tpu.dma_semaphore, #tpu.memory_space<semaphore_mem>> -> memref<!tpu.dma_semaphore, #tpu.memory_space<semaphore_mem>>
        tpu.enqueue_indirect_dma source(%arg12 : memref<64x128xf32, #tpu.memory_space<vmem>>) target(%dma_start3A_187 : memref<10240x128xf32, #tpu.memory_space<vmem_shared>>) offsets(%dma_start3A_184 : memref<64xi32, #tpu.memory_space<vmem>>) semaphore(%dma_start3A_189 : memref<!tpu.dma_semaphore, #tpu.memory_space<semaphore_mem>>) {add = true}
        %dma_wait3A_190 = arith.constant 3 : i32
        %dma_wait3A_191 = arith.constant 64 : i32
        %dma_wait3A_192 = tpu.memref_slice %arg8[%add3A_121, %dma_wait3A_191] : memref<40x128xi32, #tpu.memory_space<vmem>> -> memref<1x64xi32, #tpu.memory_space<vmem>>
        %dma_wait3A_193 = tpu.memref_squeeze %dma_wait3A_192 : memref<1x64xi32, #tpu.memory_space<vmem>> -> memref<64xi32, #tpu.memory_space<vmem>>
        %dma_wait3A_194 = arith.constant 0 : i32
        %dma_wait3A_195 = arith.constant 0 : i32
        %dma_wait3A_196 = tpu.memref_slice %arg3[%dma_wait3A_194, %dma_wait3A_195] : memref<10000x128xf32, #tpu.memory_space<hbm>> -> memref<10000x128xf32, #tpu.memory_space<hbm>>
        %dma_wait3A_197 = tpu.memref_slice %arg15[%dma_wait3A_190] : memref<4x!tpu.dma_semaphore, #tpu.memory_space<semaphore_mem>> -> memref<1x!tpu.dma_semaphore, #tpu.memory_space<semaphore_mem>>
        %dma_wait3A_198 = tpu.memref_squeeze %dma_wait3A_197 : memref<1x!tpu.dma_semaphore, #tpu.memory_space<semaphore_mem>> -> memref<!tpu.dma_semaphore, #tpu.memory_space<semaphore_mem>>
        tpu.wait_indirect_dma semaphore(%dma_wait3A_198 : memref<!tpu.dma_semaphore, #tpu.memory_space<semaphore_mem>>) src(%dma_wait3A_196 : memref<10000x128xf32, #tpu.memory_space<hbm>>) dst(%arg13 : memref<64x128xf32, #tpu.memory_space<vmem>>)
        %add3A_199 = arith.constant 1 : i32
        %add3A_200 = arith.addi %mul3A_87, %add3A_199 : i32
        %dma_start3A_201 = arith.constant 3 : i32
        %dma_start3A_202 = arith.constant 64 : i32
        %dma_start3A_203 = tpu.memref_slice %arg9[%add3A_200, %dma_start3A_202] : memref<40x128xi32, #tpu.memory_space<vmem>> -> memref<1x64xi32, #tpu.memory_space<vmem>>
        %dma_start3A_204 = tpu.memref_squeeze %dma_start3A_203 : memref<1x64xi32, #tpu.memory_space<vmem>> -> memref<64xi32, #tpu.memory_space<vmem>>
        %dma_start3A_205 = arith.constant 0 : i32
        %dma_start3A_206 = arith.constant 0 : i32
        %dma_start3A_207 = tpu.memref_slice %arg14[%dma_start3A_205, %dma_start3A_206] : memref<10240x128xf32, #tpu.memory_space<vmem_shared>> -> memref<10240x128xf32, #tpu.memory_space<vmem_shared>>
        %dma_start3A_208 = tpu.memref_slice %arg16[%dma_start3A_201] : memref<4x!tpu.dma_semaphore, #tpu.memory_space<semaphore_mem>> -> memref<1x!tpu.dma_semaphore, #tpu.memory_space<semaphore_mem>>
        %dma_start3A_209 = tpu.memref_squeeze %dma_start3A_208 : memref<1x!tpu.dma_semaphore, #tpu.memory_space<semaphore_mem>> -> memref<!tpu.dma_semaphore, #tpu.memory_space<semaphore_mem>>
        tpu.enqueue_indirect_dma source(%arg13 : memref<64x128xf32, #tpu.memory_space<vmem>>) target(%dma_start3A_207 : memref<10240x128xf32, #tpu.memory_space<vmem_shared>>) offsets(%dma_start3A_204 : memref<64xi32, #tpu.memory_space<vmem>>) semaphore(%dma_start3A_209 : memref<!tpu.dma_semaphore, #tpu.memory_space<semaphore_mem>>) {add = true}
        %dma_wait3A_210 = arith.constant 0 : i32
        %dma_wait3A_211 = arith.constant 0 : i32
        %dma_wait3A_212 = tpu.memref_slice %arg9[%add3A_140, %dma_wait3A_211] : memref<40x128xi32, #tpu.memory_space<vmem>> -> memref<1x64xi32, #tpu.memory_space<vmem>>
        %dma_wait3A_213 = tpu.memref_squeeze %dma_wait3A_212 : memref<1x64xi32, #tpu.memory_space<vmem>> -> memref<64xi32, #tpu.memory_space<vmem>>
        %dma_wait3A_214 = arith.constant 0 : i32
        %dma_wait3A_215 = arith.constant 0 : i32
        %dma_wait3A_216 = tpu.memref_slice %arg14[%dma_wait3A_214, %dma_wait3A_215] : memref<10240x128xf32, #tpu.memory_space<vmem_shared>> -> memref<10240x128xf32, #tpu.memory_space<vmem_shared>>
        %dma_wait3A_217 = tpu.memref_slice %arg16[%dma_wait3A_210] : memref<4x!tpu.dma_semaphore, #tpu.memory_space<semaphore_mem>> -> memref<1x!tpu.dma_semaphore, #tpu.memory_space<semaphore_mem>>
        %dma_wait3A_218 = tpu.memref_squeeze %dma_wait3A_217 : memref<1x!tpu.dma_semaphore, #tpu.memory_space<semaphore_mem>> -> memref<!tpu.dma_semaphore, #tpu.memory_space<semaphore_mem>>
        tpu.wait_indirect_dma semaphore(%dma_wait3A_218 : memref<!tpu.dma_semaphore, #tpu.memory_space<semaphore_mem>>) src(%arg10 : memref<64x128xf32, #tpu.memory_space<vmem>>) dst(%dma_wait3A_216 : memref<10240x128xf32, #tpu.memory_space<vmem_shared>>)
        %dma_wait3A_219 = arith.constant 1 : i32
        %dma_wait3A_220 = arith.constant 64 : i32
        %dma_wait3A_221 = tpu.memref_slice %arg9[%add3A_160, %dma_wait3A_220] : memref<40x128xi32, #tpu.memory_space<vmem>> -> memref<1x64xi32, #tpu.memory_space<vmem>>
        %dma_wait3A_222 = tpu.memref_squeeze %dma_wait3A_221 : memref<1x64xi32, #tpu.memory_space<vmem>> -> memref<64xi32, #tpu.memory_space<vmem>>
        %dma_wait3A_223 = arith.constant 0 : i32
        %dma_wait3A_224 = arith.constant 0 : i32
        %dma_wait3A_225 = tpu.memref_slice %arg14[%dma_wait3A_223, %dma_wait3A_224] : memref<10240x128xf32, #tpu.memory_space<vmem_shared>> -> memref<10240x128xf32, #tpu.memory_space<vmem_shared>>
        %dma_wait3A_226 = tpu.memref_slice %arg16[%dma_wait3A_219] : memref<4x!tpu.dma_semaphore, #tpu.memory_space<semaphore_mem>> -> memref<1x!tpu.dma_semaphore, #tpu.memory_space<semaphore_mem>>
        %dma_wait3A_227 = tpu.memref_squeeze %dma_wait3A_226 : memref<1x!tpu.dma_semaphore, #tpu.memory_space<semaphore_mem>> -> memref<!tpu.dma_semaphore, #tpu.memory_space<semaphore_mem>>
        tpu.wait_indirect_dma semaphore(%dma_wait3A_227 : memref<!tpu.dma_semaphore, #tpu.memory_space<semaphore_mem>>) src(%arg11 : memref<64x128xf32, #tpu.memory_space<vmem>>) dst(%dma_wait3A_225 : memref<10240x128xf32, #tpu.memory_space<vmem_shared>>)
        %dma_wait3A_228 = arith.constant 2 : i32
        %dma_wait3A_229 = arith.constant 0 : i32
        %dma_wait3A_230 = tpu.memref_slice %arg9[%add3A_180, %dma_wait3A_229] : memref<40x128xi32, #tpu.memory_space<vmem>> -> memref<1x64xi32, #tpu.memory_space<vmem>>
        %dma_wait3A_231 = tpu.memref_squeeze %dma_wait3A_230 : memref<1x64xi32, #tpu.memory_space<vmem>> -> memref<64xi32, #tpu.memory_space<vmem>>
        %dma_wait3A_232 = arith.constant 0 : i32
        %dma_wait3A_233 = arith.constant 0 : i32
        %dma_wait3A_234 = tpu.memref_slice %arg14[%dma_wait3A_232, %dma_wait3A_233] : memref<10240x128xf32, #tpu.memory_space<vmem_shared>> -> memref<10240x128xf32, #tpu.memory_space<vmem_shared>>
        %dma_wait3A_235 = tpu.memref_slice %arg16[%dma_wait3A_228] : memref<4x!tpu.dma_semaphore, #tpu.memory_space<semaphore_mem>> -> memref<1x!tpu.dma_semaphore, #tpu.memory_space<semaphore_mem>>
        %dma_wait3A_236 = tpu.memref_squeeze %dma_wait3A_235 : memref<1x!tpu.dma_semaphore, #tpu.memory_space<semaphore_mem>> -> memref<!tpu.dma_semaphore, #tpu.memory_space<semaphore_mem>>
        tpu.wait_indirect_dma semaphore(%dma_wait3A_236 : memref<!tpu.dma_semaphore, #tpu.memory_space<semaphore_mem>>) src(%arg12 : memref<64x128xf32, #tpu.memory_space<vmem>>) dst(%dma_wait3A_234 : memref<10240x128xf32, #tpu.memory_space<vmem_shared>>)
        %dma_wait3A_237 = arith.constant 3 : i32
        %dma_wait3A_238 = arith.constant 64 : i32
        %dma_wait3A_239 = tpu.memref_slice %arg9[%add3A_200, %dma_wait3A_238] : memref<40x128xi32, #tpu.memory_space<vmem>> -> memref<1x64xi32, #tpu.memory_space<vmem>>
        %dma_wait3A_240 = tpu.memref_squeeze %dma_wait3A_239 : memref<1x64xi32, #tpu.memory_space<vmem>> -> memref<64xi32, #tpu.memory_space<vmem>>
        %dma_wait3A_241 = arith.constant 0 : i32
        %dma_wait3A_242 = arith.constant 0 : i32
        %dma_wait3A_243 = tpu.memref_slice %arg14[%dma_wait3A_241, %dma_wait3A_242] : memref<10240x128xf32, #tpu.memory_space<vmem_shared>> -> memref<10240x128xf32, #tpu.memory_space<vmem_shared>>
        %dma_wait3A_244 = tpu.memref_slice %arg16[%dma_wait3A_237] : memref<4x!tpu.dma_semaphore, #tpu.memory_space<semaphore_mem>> -> memref<1x!tpu.dma_semaphore, #tpu.memory_space<semaphore_mem>>
        %dma_wait3A_245 = tpu.memref_squeeze %dma_wait3A_244 : memref<1x!tpu.dma_semaphore, #tpu.memory_space<semaphore_mem>> -> memref<!tpu.dma_semaphore, #tpu.memory_space<semaphore_mem>>
        tpu.wait_indirect_dma semaphore(%dma_wait3A_245 : memref<!tpu.dma_semaphore, #tpu.memory_space<semaphore_mem>>) src(%arg13 : memref<64x128xf32, #tpu.memory_space<vmem>>) dst(%dma_wait3A_243 : memref<10240x128xf32, #tpu.memory_space<vmem_shared>>)
      }
      %scan3A_80 = arith.constant 20 : i32
    } else {
    }
    %barrier3A_50 = arith.constant 0 : index
    tpu.barrier barrier_id(%barrier3A_50)
    %mul3A_51 = arith.constant 640 : i32
    %mul3A_52 = arith.muli %arg1, %mul3A_51 : i32
    %eq3A_53 = arith.constant 0 : i32
    %eq3A_54 = arith.cmpi eq, %arg0, %eq3A_53 : i32
    %convert_element_type3A_55 = arith.extui %eq3A_54 : i1 to i32
    %cond3A_56 = arith.constant 0 : i32
    %cond3A_57 = arith.cmpi ne, %convert_element_type3A_55, %cond3A_56 : i32
    scf.if %cond3A_57 {
      "tpu.region"() ({
        %run_scoped3A = tpu.sem_alloc : memref<!tpu.dma_semaphore, #tpu.memory_space<semaphore_mem>>
        %dma_start3A = arith.constant 0 : i32
        %dma_start3A_63 = tpu.memref_slice %arg6[%mul3A_52, %dma_start3A] : memref<10240x128xf32, #tpu.memory_space<hbm>> -> memref<640x128xf32, #tpu.memory_space<hbm>>
        %dma_start3A_64 = arith.constant 0 : i32
        %dma_start3A_65 = tpu.memref_slice %arg14[%mul3A_52, %dma_start3A_64] : memref<10240x128xf32, #tpu.memory_space<vmem_shared>> -> memref<640x128xf32, #tpu.memory_space<vmem_shared>>
        tpu.enqueue_dma source(%dma_start3A_65 : memref<640x128xf32, #tpu.memory_space<vmem_shared>>) target(%dma_start3A_63 : memref<640x128xf32, #tpu.memory_space<hbm>>) target_semaphore(%run_scoped3A : memref<!tpu.dma_semaphore, #tpu.memory_space<semaphore_mem>>)
        %dma_wait3A = arith.constant 0 : i32
        %dma_wait3A_66 = tpu.memref_slice %arg6[%mul3A_52, %dma_wait3A] : memref<10240x128xf32, #tpu.memory_space<hbm>> -> memref<640x128xf32, #tpu.memory_space<hbm>>
        %dma_wait3A_67 = arith.constant 0 : i32
        %dma_wait3A_68 = tpu.memref_slice %arg14[%mul3A_52, %dma_wait3A_67] : memref<10240x128xf32, #tpu.memory_space<vmem_shared>> -> memref<640x128xf32, #tpu.memory_space<vmem_shared>>
        tpu.wait_dma2 semaphore(%run_scoped3A : memref<!tpu.dma_semaphore, #tpu.memory_space<semaphore_mem>>) src(%dma_wait3A_68 : memref<640x128xf32, #tpu.memory_space<vmem_shared>>) dst(%dma_wait3A_66 : memref<640x128xf32, #tpu.memory_space<hbm>>)
        tpu.yield
      }) : () -> ()
    } else {
    }
    %eq3A_58 = arith.constant 1 : i32
    %eq3A_59 = arith.cmpi eq, %arg0, %eq3A_58 : i32
    %convert_element_type3A_60 = arith.extui %eq3A_59 : i1 to i32
    %cond3A_61 = arith.constant 0 : i32
    %cond3A_62 = arith.cmpi ne, %convert_element_type3A_60, %cond3A_61 : i32
    scf.if %cond3A_62 {
      "tpu.region"() ({
        %run_scoped3A = tpu.sem_alloc : memref<!tpu.dma_semaphore, #tpu.memory_space<semaphore_mem>>
        %dma_start3A = arith.constant 0 : i32
        %dma_start3A_63 = tpu.memref_slice %arg7[%mul3A_52, %dma_start3A] : memref<10240x128xf32, #tpu.memory_space<hbm>> -> memref<640x128xf32, #tpu.memory_space<hbm>>
        %dma_start3A_64 = arith.constant 0 : i32
        %dma_start3A_65 = tpu.memref_slice %arg14[%mul3A_52, %dma_start3A_64] : memref<10240x128xf32, #tpu.memory_space<vmem_shared>> -> memref<640x128xf32, #tpu.memory_space<vmem_shared>>
        tpu.enqueue_dma source(%dma_start3A_65 : memref<640x128xf32, #tpu.memory_space<vmem_shared>>) target(%dma_start3A_63 : memref<640x128xf32, #tpu.memory_space<hbm>>) target_semaphore(%run_scoped3A : memref<!tpu.dma_semaphore, #tpu.memory_space<semaphore_mem>>)
        %dma_wait3A = arith.constant 0 : i32
        %dma_wait3A_66 = tpu.memref_slice %arg7[%mul3A_52, %dma_wait3A] : memref<10240x128xf32, #tpu.memory_space<hbm>> -> memref<640x128xf32, #tpu.memory_space<hbm>>
        %dma_wait3A_67 = arith.constant 0 : i32
        %dma_wait3A_68 = tpu.memref_slice %arg14[%mul3A_52, %dma_wait3A_67] : memref<10240x128xf32, #tpu.memory_space<vmem_shared>> -> memref<640x128xf32, #tpu.memory_space<vmem_shared>>
        tpu.wait_dma2 semaphore(%run_scoped3A : memref<!tpu.dma_semaphore, #tpu.memory_space<semaphore_mem>>) src(%dma_wait3A_68 : memref<640x128xf32, #tpu.memory_space<vmem_shared>>) dst(%dma_wait3A_66 : memref<640x128xf32, #tpu.memory_space<hbm>>)
        tpu.yield
      }) : () -> ()
    } else {
    }
    return
  }
}

module attributes {stable_mosaic.version = 14 : i64} {
  func.func @body(%arg0: i32, %arg1: memref<1000x256xf32, #tpu.memory_space<vmem>>, %arg2: memref<256x256xf32, #tpu.memory_space<vmem>>, %arg3: memref<1000x1xf32, #tpu.memory_space<vmem>>, %arg4: memref<1000x1xf32, #tpu.memory_space<vmem>>, %arg5: memref<1000x256xf32, #tpu.memory_space<vmem>>, %arg6: memref<1000x128xf32, #tpu.memory_space<vmem>>, %arg7: memref<1000x128xf32, #tpu.memory_space<vmem>>) attributes {dimension_semantics = [#tpu.dimension_semantics<arbitrary>], iteration_bounds = array<i64: 10>, scalar_prefetch = 0 : i64, scratch_operands = 0 : i64, tpu.core_type = #tpu.core_type<tc>, window_params = [{transform_indices = @transform_0, window_bounds = array<i64: 1000, 256>}, {pipeline_mode = #tpu.pipeline_mode<synchronous>, transform_indices = @transform_1, window_bounds = array<i64: 256, 256>}, {transform_indices = @transform_2, window_bounds = array<i64: 1000, 1>}, {transform_indices = @transform_3, window_bounds = array<i64: 1000, 1>}, {transform_indices = @transform_4, window_bounds = array<i64: 1000, 256>}, {transform_indices = @transform_5, window_bounds = array<i64: 1000, 128>}, {transform_indices = @transform_6, window_bounds = array<i64: 1000, 128>}]} {
    %get3A = arith.constant 0 : index
    %get3A_0 = arith.constant 0 : index
    %get3A_1 = vector.load %arg1[%get3A, %get3A_0] : memref<1000x256xf32, #tpu.memory_space<vmem>>, vector<1000x256xf32>
    %get3A_2 = arith.constant 0 : index
    %get3A_3 = arith.constant 0 : index
    %get3A_4 = vector.load %arg2[%get3A_2, %get3A_3] : memref<256x256xf32, #tpu.memory_space<vmem>>, vector<256x256xf32>
    %dot_general3A = arith.constant dense<0.000000e+00> : vector<1000x256xf32>
    %dot_general3A_5 = tpu.matmul %get3A_1, %get3A_4, %dot_general3A {dimension_numbers = #tpu.dot_dimension_numbers<[1], [0], [0], [1], [0, 0, 1, 1], [], []>, precision = #tpu.contract_precision<fp32>, transpose_lhs_hint = false} : vector<1000x256xf32>, vector<256x256xf32>, vector<1000x256xf32> -> vector<1000x256xf32>
    %get3A_6 = arith.constant 0 : index
    %get3A_7 = arith.constant 0 : index
    %get3A_8 = vector.load %arg3[%get3A_6, %get3A_7] : memref<1000x1xf32, #tpu.memory_space<vmem>>, vector<1000x1xf32>
    %get3A_9 = arith.constant 0 : index
    %get3A_10 = arith.constant 0 : index
    %get3A_11 = vector.load %arg4[%get3A_9, %get3A_10] : memref<1000x1xf32, #tpu.memory_space<vmem>>, vector<1000x1xf32>
    %add3A = arith.addf %get3A_8, %get3A_11 : vector<1000x1xf32>
    %add3A_12 = arith.constant 1.000000e+00 : f32
    %add3A_13 = vector.broadcast %add3A_12 : f32 to vector<1000x1xf32>
    %add3A_14 = arith.addf %add3A, %add3A_13 : vector<1000x1xf32>
    %rsqrt3A = math.rsqrt %add3A_14 : vector<1000x1xf32>
    %mul3A = vector.broadcast %rsqrt3A : vector<1000x1xf32> to vector<1000x256xf32>
    %mul3A_15 = arith.mulf %dot_general3A_5, %mul3A : vector<1000x256xf32>
    %swap3A = arith.constant 0 : index
    %swap3A_16 = arith.constant 0 : index
    %swap3A_17 = vector.load %arg5[%swap3A, %swap3A_16] : memref<1000x256xf32, #tpu.memory_space<vmem>>, vector<1000x256xf32>
    tpu.vector_store %arg5[%swap3A, %swap3A_16], %dot_general3A_5 {strides = array<i32>} : memref<1000x256xf32, #tpu.memory_space<vmem>>, vector<1000x256xf32>,
    %slice3A = vector.extract_strided_slice %mul3A_15 {offsets = [0, 0], sizes = [1000, 128], strides = [1, 1]} : vector<1000x256xf32> to vector<1000x128xf32>
    %swap3A_18 = arith.constant 0 : index
    %swap3A_19 = arith.constant 0 : index
    %swap3A_20 = vector.load %arg6[%swap3A_18, %swap3A_19] : memref<1000x128xf32, #tpu.memory_space<vmem>>, vector<1000x128xf32>
    tpu.vector_store %arg6[%swap3A_18, %swap3A_19], %slice3A {strides = array<i32>} : memref<1000x128xf32, #tpu.memory_space<vmem>>, vector<1000x128xf32>,
    %slice3A_21 = vector.extract_strided_slice %mul3A_15 {offsets = [0, 128], sizes = [1000, 128], strides = [1, 1]} : vector<1000x256xf32> to vector<1000x128xf32>
    %swap3A_22 = arith.constant 0 : index
    %swap3A_23 = arith.constant 0 : index
    %swap3A_24 = vector.load %arg7[%swap3A_22, %swap3A_23] : memref<1000x128xf32, #tpu.memory_space<vmem>>, vector<1000x128xf32>
    tpu.vector_store %arg7[%swap3A_22, %swap3A_23], %slice3A_21 {strides = array<i32>} : memref<1000x128xf32, #tpu.memory_space<vmem>>, vector<1000x128xf32>,
    return
  }
  func.func @transform_0(%arg0: i32) -> (i32, i32) {
    %c0_i32 = arith.constant 0 : i32
    %c0_i32_0 = arith.constant 0 : i32
    return %arg0, %c0_i32 : i32, i32
  }
  func.func @transform_1(%arg0: i32) -> (i32, i32) {
    %c0_i32 = arith.constant 0 : i32
    %c0_i32_0 = arith.constant 0 : i32
    %c0_i32_1 = arith.constant 0 : i32
    return %c0_i32, %c0_i32_0 : i32, i32
  }
  func.func @transform_2(%arg0: i32) -> (i32, i32) {
    %c0_i32 = arith.constant 0 : i32
    %c0_i32_0 = arith.constant 0 : i32
    return %arg0, %c0_i32 : i32, i32
  }
  func.func @transform_3(%arg0: i32) -> (i32, i32) {
    %c0_i32 = arith.constant 0 : i32
    %c0_i32_0 = arith.constant 0 : i32
    return %arg0, %c0_i32 : i32, i32
  }
  func.func @transform_4(%arg0: i32) -> (i32, i32) {
    %c0_i32 = arith.constant 0 : i32
    %c0_i32_0 = arith.constant 0 : i32
    return %arg0, %c0_i32 : i32, i32
  }
  func.func @transform_5(%arg0: i32) -> (i32, i32) {
    %c0_i32 = arith.constant 0 : i32
    %c0_i32_0 = arith.constant 0 : i32
    return %arg0, %c0_i32 : i32, i32
  }
  func.func @transform_6(%arg0: i32) -> (i32, i32) {
    %c0_i32 = arith.constant 0 : i32
    %c0_i32_0 = arith.constant 0 : i32
    return %arg0, %c0_i32 : i32, i32
  }
}

module attributes {stable_mosaic.version = 14 : i64} {
  func.func @body(%arg0: i32, %arg1: memref<1000x128xf32, #tpu.memory_space<vmem>>, %arg2: memref<1000x128xf32, #tpu.memory_space<vmem>>, %arg3: memref<1000x256xf32, #tpu.memory_space<vmem>>, %arg4: memref<1000x1xf32, #tpu.memory_space<vmem>>, %arg5: memref<1000x1xf32, #tpu.memory_space<vmem>>, %arg6: memref<1x256xf32, #tpu.memory_space<vmem>>, %arg7: memref<1000x256xf32, #tpu.memory_space<vmem>>) attributes {dimension_semantics = [#tpu.dimension_semantics<arbitrary>], iteration_bounds = array<i64: 10>, scalar_prefetch = 0 : i64, scratch_operands = 0 : i64, tpu.core_type = #tpu.core_type<tc>, window_params = [{transform_indices = @transform_0, window_bounds = array<i64: 1000, 128>}, {transform_indices = @transform_1, window_bounds = array<i64: 1000, 128>}, {transform_indices = @transform_2, window_bounds = array<i64: 1000, 256>}, {transform_indices = @transform_3, window_bounds = array<i64: 1000, 1>}, {transform_indices = @transform_4, window_bounds = array<i64: 1000, 1>}, {pipeline_mode = #tpu.pipeline_mode<synchronous>, transform_indices = @transform_5, window_bounds = array<i64: 1, 256>}, {transform_indices = @transform_6, window_bounds = array<i64: 1000, 256>}]} {
    %get3A = arith.constant 0 : index
    %get3A_0 = arith.constant 0 : index
    %get3A_1 = vector.load %arg4[%get3A, %get3A_0] : memref<1000x1xf32, #tpu.memory_space<vmem>>, vector<1000x1xf32>
    %get3A_2 = arith.constant 0 : index
    %get3A_3 = arith.constant 0 : index
    %get3A_4 = vector.load %arg5[%get3A_2, %get3A_3] : memref<1000x1xf32, #tpu.memory_space<vmem>>, vector<1000x1xf32>
    %add3A = arith.addf %get3A_1, %get3A_4 : vector<1000x1xf32>
    %add3A_5 = arith.constant 1.000000e+00 : f32
    %add3A_6 = vector.broadcast %add3A_5 : f32 to vector<1000x1xf32>
    %add3A_7 = arith.addf %add3A, %add3A_6 : vector<1000x1xf32>
    %rsqrt3A = math.rsqrt %add3A_7 : vector<1000x1xf32>
    %div3A = arith.constant 1.000000e+00 : f32
    %div3A_8 = vector.broadcast %div3A : f32 to vector<1000x1xf32>
    %div3A_9 = arith.divf %div3A_8, %add3A_7 : vector<1000x1xf32>
    %get3A_10 = arith.constant 0 : index
    %get3A_11 = arith.constant 0 : index
    %get3A_12 = vector.load %arg1[%get3A_10, %get3A_11] : memref<1000x128xf32, #tpu.memory_space<vmem>>, vector<1000x128xf32>
    %get3A_13 = arith.constant 0 : index
    %get3A_14 = arith.constant 0 : index
    %get3A_15 = vector.load %arg2[%get3A_13, %get3A_14] : memref<1000x128xf32, #tpu.memory_space<vmem>>, vector<1000x128xf32>
    %concatenate3A = tpu.concatenate %get3A_12, %get3A_15 in 1 : vector<1000x128xf32>, vector<1000x128xf32> -> vector<1000x256xf32>
    %mul3A = vector.broadcast %rsqrt3A : vector<1000x1xf32> to vector<1000x256xf32>
    %mul3A_16 = arith.mulf %concatenate3A, %mul3A : vector<1000x256xf32>
    %get3A_17 = arith.constant 0 : index
    %get3A_18 = arith.constant 0 : index
    %get3A_19 = vector.load %arg3[%get3A_17, %get3A_18] : memref<1000x256xf32, #tpu.memory_space<vmem>>, vector<1000x256xf32>
    %mul3A_20 = vector.broadcast %div3A_9 : vector<1000x1xf32> to vector<1000x256xf32>
    %mul3A_21 = arith.mulf %get3A_19, %mul3A_20 : vector<1000x256xf32>
    %add3A_22 = arith.addf %mul3A_16, %mul3A_21 : vector<1000x256xf32>
    %get3A_23 = arith.constant 0 : index
    %get3A_24 = arith.constant 0 : index
    %get3A_25 = vector.load %arg6[%get3A_23, %get3A_24] : memref<1x256xf32, #tpu.memory_space<vmem>>, vector<1x256xf32>
    %add3A_26 = vector.broadcast %get3A_25 : vector<1x256xf32> to vector<1000x256xf32>
    %add3A_27 = arith.addf %add3A_22, %add3A_26 : vector<1000x256xf32>
    %swap3A = arith.constant 0 : index
    %swap3A_28 = arith.constant 0 : index
    %swap3A_29 = vector.load %arg7[%swap3A, %swap3A_28] : memref<1000x256xf32, #tpu.memory_space<vmem>>, vector<1000x256xf32>
    tpu.vector_store %arg7[%swap3A, %swap3A_28], %add3A_27 {strides = array<i32>} : memref<1000x256xf32, #tpu.memory_space<vmem>>, vector<1000x256xf32>,
    return
  }
  func.func @transform_0(%arg0: i32) -> (i32, i32) {
    %c0_i32 = arith.constant 0 : i32
    %c0_i32_0 = arith.constant 0 : i32
    return %arg0, %c0_i32 : i32, i32
  }
  func.func @transform_1(%arg0: i32) -> (i32, i32) {
    %c0_i32 = arith.constant 0 : i32
    %c0_i32_0 = arith.constant 0 : i32
    return %arg0, %c0_i32 : i32, i32
  }
  func.func @transform_2(%arg0: i32) -> (i32, i32) {
    %c0_i32 = arith.constant 0 : i32
    %c0_i32_0 = arith.constant 0 : i32
    return %arg0, %c0_i32 : i32, i32
  }
  func.func @transform_3(%arg0: i32) -> (i32, i32) {
    %c0_i32 = arith.constant 0 : i32
    %c0_i32_0 = arith.constant 0 : i32
    return %arg0, %c0_i32 : i32, i32
  }
  func.func @transform_4(%arg0: i32) -> (i32, i32) {
    %c0_i32 = arith.constant 0 : i32
    %c0_i32_0 = arith.constant 0 : i32
    return %arg0, %c0_i32 : i32, i32
  }
  func.func @transform_5(%arg0: i32) -> (i32, i32) {
    %c0_i32 = arith.constant 0 : i32
    %c0_i32_0 = arith.constant 0 : i32
    %c0_i32_1 = arith.constant 0 : i32
    return %c0_i32, %c0_i32_0 : i32, i32
  }
  func.func @transform_6(%arg0: i32) -> (i32, i32) {
    %c0_i32 = arith.constant 0 : i32
    %c0_i32_0 = arith.constant 0 : i32
    return %arg0, %c0_i32 : i32, i32
  }
}

module attributes {stable_mosaic.version = 14 : i64} {
  func.func @body(%arg0: i32, %arg1: memref<1000x128xf32, #tpu.memory_space<vmem>>, %arg2: memref<1000x128xf32, #tpu.memory_space<vmem>>, %arg3: memref<1000x256xf32, #tpu.memory_space<vmem>>, %arg4: memref<1000x1xf32, #tpu.memory_space<vmem>>, %arg5: memref<1000x1xf32, #tpu.memory_space<vmem>>, %arg6: memref<1x256xf32, #tpu.memory_space<vmem>>, %arg7: memref<256x256xf32, #tpu.memory_space<vmem>>, %arg8: memref<1000x256xf32, #tpu.memory_space<vmem>>, %arg9: memref<1000x128xf32, #tpu.memory_space<vmem>>, %arg10: memref<1000x128xf32, #tpu.memory_space<vmem>>) attributes {dimension_semantics = [#tpu.dimension_semantics<arbitrary>], iteration_bounds = array<i64: 10>, scalar_prefetch = 0 : i64, scratch_operands = 0 : i64, tpu.core_type = #tpu.core_type<tc>, window_params = [{transform_indices = @transform_0, window_bounds = array<i64: 1000, 128>}, {transform_indices = @transform_1, window_bounds = array<i64: 1000, 128>}, {transform_indices = @transform_2, window_bounds = array<i64: 1000, 256>}, {transform_indices = @transform_3, window_bounds = array<i64: 1000, 1>}, {transform_indices = @transform_4, window_bounds = array<i64: 1000, 1>}, {pipeline_mode = #tpu.pipeline_mode<synchronous>, transform_indices = @transform_5, window_bounds = array<i64: 1, 256>}, {pipeline_mode = #tpu.pipeline_mode<synchronous>, transform_indices = @transform_6, window_bounds = array<i64: 256, 256>}, {transform_indices = @transform_7, window_bounds = array<i64: 1000, 256>}, {transform_indices = @transform_8, window_bounds = array<i64: 1000, 128>}, {transform_indices = @transform_9, window_bounds = array<i64: 1000, 128>}]} {
    %get3A = arith.constant 0 : index
    %get3A_0 = arith.constant 0 : index
    %get3A_1 = vector.load %arg4[%get3A, %get3A_0] : memref<1000x1xf32, #tpu.memory_space<vmem>>, vector<1000x1xf32>
    %get3A_2 = arith.constant 0 : index
    %get3A_3 = arith.constant 0 : index
    %get3A_4 = vector.load %arg5[%get3A_2, %get3A_3] : memref<1000x1xf32, #tpu.memory_space<vmem>>, vector<1000x1xf32>
    %add3A = arith.addf %get3A_1, %get3A_4 : vector<1000x1xf32>
    %add3A_5 = arith.constant 1.000000e+00 : f32
    %add3A_6 = vector.broadcast %add3A_5 : f32 to vector<1000x1xf32>
    %add3A_7 = arith.addf %add3A, %add3A_6 : vector<1000x1xf32>
    %rsqrt3A = math.rsqrt %add3A_7 : vector<1000x1xf32>
    %div3A = arith.constant 1.000000e+00 : f32
    %div3A_8 = vector.broadcast %div3A : f32 to vector<1000x1xf32>
    %div3A_9 = arith.divf %div3A_8, %add3A_7 : vector<1000x1xf32>
    %get3A_10 = arith.constant 0 : index
    %get3A_11 = arith.constant 0 : index
    %get3A_12 = vector.load %arg1[%get3A_10, %get3A_11] : memref<1000x128xf32, #tpu.memory_space<vmem>>, vector<1000x128xf32>
    %get3A_13 = arith.constant 0 : index
    %get3A_14 = arith.constant 0 : index
    %get3A_15 = vector.load %arg2[%get3A_13, %get3A_14] : memref<1000x128xf32, #tpu.memory_space<vmem>>, vector<1000x128xf32>
    %concatenate3A = tpu.concatenate %get3A_12, %get3A_15 in 1 : vector<1000x128xf32>, vector<1000x128xf32> -> vector<1000x256xf32>
    %mul3A = vector.broadcast %rsqrt3A : vector<1000x1xf32> to vector<1000x256xf32>
    %mul3A_16 = arith.mulf %concatenate3A, %mul3A : vector<1000x256xf32>
    %get3A_17 = arith.constant 0 : index
    %get3A_18 = arith.constant 0 : index
    %get3A_19 = vector.load %arg3[%get3A_17, %get3A_18] : memref<1000x256xf32, #tpu.memory_space<vmem>>, vector<1000x256xf32>
    %mul3A_20 = vector.broadcast %div3A_9 : vector<1000x1xf32> to vector<1000x256xf32>
    %mul3A_21 = arith.mulf %get3A_19, %mul3A_20 : vector<1000x256xf32>
    %add3A_22 = arith.addf %mul3A_16, %mul3A_21 : vector<1000x256xf32>
    %get3A_23 = arith.constant 0 : index
    %get3A_24 = arith.constant 0 : index
    %get3A_25 = vector.load %arg6[%get3A_23, %get3A_24] : memref<1x256xf32, #tpu.memory_space<vmem>>, vector<1x256xf32>
    %add3A_26 = vector.broadcast %get3A_25 : vector<1x256xf32> to vector<1000x256xf32>
    %add3A_27 = arith.addf %add3A_22, %add3A_26 : vector<1000x256xf32>
    %max3A = arith.constant 0.000000e+00 : f32
    %max3A_28 = vector.broadcast %max3A : f32 to vector<1000x256xf32>
    %max3A_29 = arith.maximumf %add3A_27, %max3A_28 : vector<1000x256xf32>
    %get3A_30 = arith.constant 0 : index
    %get3A_31 = arith.constant 0 : index
    %get3A_32 = vector.load %arg7[%get3A_30, %get3A_31] : memref<256x256xf32, #tpu.memory_space<vmem>>, vector<256x256xf32>
    %dot_general3A = arith.constant dense<0.000000e+00> : vector<1000x256xf32>
    %dot_general3A_33 = tpu.matmul %max3A_29, %get3A_32, %dot_general3A {dimension_numbers = #tpu.dot_dimension_numbers<[1], [0], [0], [1], [0, 0, 1, 1], [], []>, precision = #tpu.contract_precision<fp32>, transpose_lhs_hint = false} : vector<1000x256xf32>, vector<256x256xf32>, vector<1000x256xf32> -> vector<1000x256xf32>
    %mul3A_34 = vector.broadcast %rsqrt3A : vector<1000x1xf32> to vector<1000x256xf32>
    %mul3A_35 = arith.mulf %dot_general3A_33, %mul3A_34 : vector<1000x256xf32>
    %swap3A = arith.constant 0 : index
    %swap3A_36 = arith.constant 0 : index
    %swap3A_37 = vector.load %arg8[%swap3A, %swap3A_36] : memref<1000x256xf32, #tpu.memory_space<vmem>>, vector<1000x256xf32>
    tpu.vector_store %arg8[%swap3A, %swap3A_36], %dot_general3A_33 {strides = array<i32>} : memref<1000x256xf32, #tpu.memory_space<vmem>>, vector<1000x256xf32>,
    %slice3A = vector.extract_strided_slice %mul3A_35 {offsets = [0, 0], sizes = [1000, 128], strides = [1, 1]} : vector<1000x256xf32> to vector<1000x128xf32>
    %swap3A_38 = arith.constant 0 : index
    %swap3A_39 = arith.constant 0 : index
    %swap3A_40 = vector.load %arg9[%swap3A_38, %swap3A_39] : memref<1000x128xf32, #tpu.memory_space<vmem>>, vector<1000x128xf32>
    tpu.vector_store %arg9[%swap3A_38, %swap3A_39], %slice3A {strides = array<i32>} : memref<1000x128xf32, #tpu.memory_space<vmem>>, vector<1000x128xf32>,
    %slice3A_41 = vector.extract_strided_slice %mul3A_35 {offsets = [0, 128], sizes = [1000, 128], strides = [1, 1]} : vector<1000x256xf32> to vector<1000x128xf32>
    %swap3A_42 = arith.constant 0 : index
    %swap3A_43 = arith.constant 0 : index
    %swap3A_44 = vector.load %arg10[%swap3A_42, %swap3A_43] : memref<1000x128xf32, #tpu.memory_space<vmem>>, vector<1000x128xf32>
    tpu.vector_store %arg10[%swap3A_42, %swap3A_43], %slice3A_41 {strides = array<i32>} : memref<1000x128xf32, #tpu.memory_space<vmem>>, vector<1000x128xf32>,
    return
  }
  func.func @transform_0(%arg0: i32) -> (i32, i32) {
    %c0_i32 = arith.constant 0 : i32
    %c0_i32_0 = arith.constant 0 : i32
    return %arg0, %c0_i32 : i32, i32
  }
  func.func @transform_1(%arg0: i32) -> (i32, i32) {
    %c0_i32 = arith.constant 0 : i32
    %c0_i32_0 = arith.constant 0 : i32
    return %arg0, %c0_i32 : i32, i32
  }
  func.func @transform_2(%arg0: i32) -> (i32, i32) {
    %c0_i32 = arith.constant 0 : i32
    %c0_i32_0 = arith.constant 0 : i32
    return %arg0, %c0_i32 : i32, i32
  }
  func.func @transform_3(%arg0: i32) -> (i32, i32) {
    %c0_i32 = arith.constant 0 : i32
    %c0_i32_0 = arith.constant 0 : i32
    return %arg0, %c0_i32 : i32, i32
  }
  func.func @transform_4(%arg0: i32) -> (i32, i32) {
    %c0_i32 = arith.constant 0 : i32
    %c0_i32_0 = arith.constant 0 : i32
    return %arg0, %c0_i32 : i32, i32
  }
  func.func @transform_5(%arg0: i32) -> (i32, i32) {
    %c0_i32 = arith.constant 0 : i32
    %c0_i32_0 = arith.constant 0 : i32
    %c0_i32_1 = arith.constant 0 : i32
    return %c0_i32, %c0_i32_0 : i32, i32
  }
  func.func @transform_6(%arg0: i32) -> (i32, i32) {
    %c0_i32 = arith.constant 0 : i32
    %c0_i32_0 = arith.constant 0 : i32
    %c0_i32_1 = arith.constant 0 : i32
    return %c0_i32, %c0_i32_0 : i32, i32
  }
  func.func @transform_7(%arg0: i32) -> (i32, i32) {
    %c0_i32 = arith.constant 0 : i32
    %c0_i32_0 = arith.constant 0 : i32
    return %arg0, %c0_i32 : i32, i32
  }
  func.func @transform_8(%arg0: i32) -> (i32, i32) {
    %c0_i32 = arith.constant 0 : i32
    %c0_i32_0 = arith.constant 0 : i32
    return %arg0, %c0_i32 : i32, i32
  }
  func.func @transform_9(%arg0: i32) -> (i32, i32) {
    %c0_i32 = arith.constant 0 : i32
    %c0_i32_0 = arith.constant 0 : i32
    return %arg0, %c0_i32 : i32, i32
  }
}

</mosaic_0001>

<sc_bundles>
// kernel: kernel.11.cloned.1.call-start
scs
__scs_entry_jumppad:
0x0: {  	(pc) =	sbr.rel $0x88, $3  }
0x1: {  	(tag) =	ssettag $0x0;
	lr =	simm.s32 $0x1  }
0x2: {  	[smem:$0x3F9B] =	sst lr;
	_ =	strace $0xD0000000  }
0x3: {  	_ = 	snop  }
0x4: {  	_ = 	snop  }
0x5: {  	_ = 	snop  }
0x6: {  	_ = 	snop  }
0x7: {  	_ = 	snop  }
__scs_overlays_trampoline_lowered:
0x8: {  	[smem:$0x3FAA] =	sst s0  }
0x9: {  	[smem:$0x3FAB] =	sst s1  }
0xa: {  	[smem:$0x3FAC] =	sst s2  }
0xb: {  	[smem:$0x3FAD] =	sst s3  }
0xc: {  	[smem:$0x3FAE] =	sst s4  }
0xd: {  	[smem:$0x3FAF] =	sst s5  }
0xe: {  	[smem:$0x3FB0] =	sst s6  }
0xf: {  	[smem:$0x3FB1] =	sst s7  }
0x10: {  	[smem:$0x3FB2] =	sst s8  }
0x11: {  	[smem:$0x3FB3] =	sst s9;
	s0 =	simm.s32 @!p0 $0x0  }
0x12: {  	s1 =	sld [smem:$0x3F99];
	s0 =	simm.s32 @p0 $0x1  }
0x13: {  	[smem:$0x3FB4] =	sst s0;
	s0 =	simm.s32 @!p1 $0x0  }
0x14: {  	s2 =	sld [smem:$0x3F98];
	s0 =	simm.s32 @p1 $0x1  }
0x15: {  	[smem:$0x3FB5] =	sst s0;
	s0 =	simm.s32 @!p2 $0x0  }
0x16: {  	s3 =	sld [smem:$0x3FDB];
	s0 =	simm.s32 @p2 $0x1  }
0x17: {  	s4 =	simm.s32 $0x1BF5;
	[smem:$0x3FB7] =	sst s0  }
0x18: {  	s0 =	sld [smem:$0x3F9A];
	_ =	swait.ge [sflag:s4], $0x0  }
0x19: {  	s7 =	sld [smem:$0x3F9B]  }
0x1a: {  	s8 =	sadd.s32 $0xFFFFE003, lr  }
0x1b: {  	s9 =	sadd.s32 $0xFFFFFEF7, lr;
	s5 =	simm.s32 $0xFFFFFFFF;
	p2 =	slt.u32 s8, $0xFFFFF086  }
0x1c: {  	p1 =	slt.u32 s9, $0xF7A;
	s5 =	simm.s32 @!p2 $0x0  }
0x1d: {  	s5 =	simm.s32 @p1 $0x1;
	p0 =	seq.s32 s7, s2  }
0x1e: {  	s7 =	smul.u32 @!p0 $0xF7A, s2;
	p2 =	seq.s32 @!p0 s5, $0x0  }
0x1f: {  	s9 =	smul.u32 $0xF7A, s1;
	s8 =	simm.s32 @!p0 $0x1BF5;
	p2 =	por !p2, p0  }
0x20: {  	[sflag:s8] =	ssyncset.s32 @!p0 $0xFFFFF086;
	s6 =	sadd.s32 @!p0 s3, s7;
	s7 =	simm.s32 @!p0 $0x108  }
0x21: {  	s3 =	sadd.s32 s3, s9;
	s6 =	sadd.s32 @!p0 $0x88, s6;
	s7 =	simm.s32 @p2 $0x1082  }
0x22: {  	[simem:s7], [sflag:s8] =	dma.local @!p0 [hbm:s6], $0xF7A  }
0x23: {  	s9 =	sor.u32 $0xD0000000, s2;
	s6 =	simm.s32 $0x108;
	_ =	swait.ge @!p0 [sflag:s8], $0x0  }
0x24: {  	s3 =	sadd.s32 $0x88, s3;
	s6 =	simm.s32 @!p1 $0x1082;
	[sflag:s4] =	ssyncset.s32 $0xFFFFF086  }
0x25: {  	[simem:s6], [sflag:s4] =	dma.local [hbm:s3], $0xF7A  }
0x26: {  	[smem:$0x3F9B] =	sst s1;
	(tag) =	ssettag s2;
	_ =	strace s9  }
0x27: {  	s1 =	sld [smem:$0x3FAB]  }
0x28: {  	s2 =	sld [smem:$0x3FAC]  }
0x29: {  	s4 =	sld [smem:$0x3FAE]  }
0x2a: {  	p0 =	seq.s32 s5, $0x0;
	s5 =	sld [smem:$0x3FAF]  }
0x2b: {  	s6 =	sld [smem:$0x3FB0]  }
0x2c: {  	s7 =	sld [smem:$0x3FB1]  }
0x2d: {  	s3 =	simm.s32 $0x108;
	s8 =	sld [smem:$0x3FB2]  }
0x2e: {  	s3 =	simm.s32 @!p0 $0x1082;
	s9 =	sld [smem:$0x3FB3]  }
0x2f: {  	lr =	sadd.s32 s0, s3;
	s0 =	sld [smem:$0x3FAA]  }
0x30: {  	s3 =	sld [smem:$0x3FAD]  }
0x31: {  	[smem:$0x3FB6] =	sst s10  }
0x32: {  	s10 =	sld [smem:$0x3FB4];
	_ =	sdelay $0x3  }
0x33: {  	p0 =	seq.s32 s10, $0x1;
	s10 =	sld [smem:$0x3FB6];
	_ =	sdelay $0x3  }
0x34: {  	[smem:$0x3FB6] =	sst s10  }
0x35: {  	s10 =	sld [smem:$0x3FB5];
	_ =	sdelay $0x3  }
0x36: {  	p1 =	seq.s32 s10, $0x1;
	s10 =	sld [smem:$0x3FB6];
	_ =	sdelay $0x3  }
0x37: {  	[smem:$0x3FB6] =	sst s10  }
0x38: {  	s10 =	sld [smem:$0x3FB7]  }
0x39: {  	_ = 	snop;
	(pc) =	sbr.ind lr, $3  }
0x3a: {  	_ = 	snop  }
0x3b: {  	_ = 	snop  }
0x3c: {  	p2 =	seq.s32 s10, $0x1;
	s10 =	sld [smem:$0x3FB6]  }
0x3d: {  	_ =	shalt  }
0x3e: {  	_ =	shalt  }
0x3f: {  	_ =	shalt  }
0x40: {  	_ =	shalt  }
0x41: {  	_ =	shalt  }
0x42: {  	_ =	shalt  }
0x43: {  	_ =	shalt  }
0x44: {  	_ =	shalt  }
0x45: {  	_ =	shalt  }
0x46: {  	_ =	shalt  }
0x47: {  	_ =	shalt  }
0x48: {  	_ =	shalt  }
0x49: {  	_ =	shalt  }
0x4a: {  	_ =	shalt  }
0x4b: {  	_ =	shalt  }
0x4c: {  	_ =	shalt  }
0x4d: {  	_ =	shalt  }
0x4e: {  	_ =	shalt  }
0x4f: {  	_ =	shalt  }
0x50: {  	_ =	shalt  }
0x51: {  	_ =	shalt  }
0x52: {  	_ =	shalt  }
0x53: {  	_ =	shalt  }
0x54: {  	_ =	shalt  }
0x55: {  	_ =	shalt  }
0x56: {  	_ =	shalt  }
0x57: {  	_ =	shalt  }
0x58: {  	_ =	shalt  }
0x59: {  	_ =	shalt  }
0x5a: {  	_ =	shalt  }
0x5b: {  	_ =	shalt  }
0x5c: {  	_ =	shalt  }
0x5d: {  	_ =	shalt  }
0x5e: {  	_ =	shalt  }
0x5f: {  	_ =	shalt  }
0x60: {  	_ =	shalt  }
0x61: {  	_ =	shalt  }
0x62: {  	_ =	shalt  }
0x63: {  	_ =	shalt  }
0x64: {  	_ =	shalt  }
0x65: {  	_ =	shalt  }
0x66: {  	_ =	shalt  }
0x67: {  	_ =	shalt  }
0x68: {  	_ =	shalt  }
0x69: {  	_ =	shalt  }
0x6a: {  	_ =	shalt  }
0x6b: {  	_ =	shalt  }
0x6c: {  	_ =	shalt  }
0x6d: {  	_ =	shalt  }
0x6e: {  	_ =	shalt  }
0x6f: {  	_ =	shalt  }
0x70: {  	_ =	shalt  }
0x71: {  	_ =	shalt  }
0x72: {  	_ =	shalt  }
0x73: {  	_ =	shalt  }
0x74: {  	_ =	shalt  }
0x75: {  	_ =	shalt  }
0x76: {  	_ =	shalt  }
0x77: {  	_ =	shalt  }
0x78: {  	_ =	shalt  }
0x79: {  	_ =	shalt  }
0x7a: {  	_ =	shalt  }
0x7b: {  	_ =	shalt  }
0x7c: {  	_ =	shalt  }
0x7d: {  	_ =	shalt  }
0x7e: {  	_ =	shalt  }
0x7f: {  	_ =	shalt  }
0x80: {  	_ =	shalt  }
0x81: {  	_ =	shalt  }
0x82: {  	_ =	shalt  }
0x83: {  	_ =	shalt  }
0x84: {  	_ =	shalt  }
0x85: {  	_ =	shalt  }
0x86: {  	_ =	shalt  }
0x87: {  	_ =	shalt  }
.Lfunc_end0:
.L_simem_size_0:
called_computation.1_lowered:
.L_overlay_start_0:
0x88: {  	s2 =	sld [smem:$0x3FD9]  }
0x89: {  	s3 =	sld [smem:$0x3FFE];
	_ =	sdelay $0x1  }
0x8a: {  	s1 =	srdreg.scid  }
0x8b: {  	s0 =	sand.u32 $0x1, s1  }
0x8c: {  	s16 =	sshll.u32 s0, $0xA;
	s2 =	sadd.s32 s3, s2  }
0x8d: {  	s2 =	sadd.s32 s2, s16  }
0x8e: {  	[smem:$0x3FC2] =	sst s2  }
0x8f: {  	_ = 	snop  }
0x90: {  	(tm) =	ssettm $0x1  }
0x91: {  	s17 =	sld [smem:$0x3FFB];
	_ =	sdelay $0x3  }
0x92: {  	_ =	strace s17  }
0x93: {  	s2 =	sld [smem:$0x3FFC];
	_ =	sdelay $0x3  }
0x94: {  	_ =	strace s2  }
0x95: {  	s2 =	sld [smem:$0x3FFD];
	_ =	sdelay $0x3  }
0x96: {  	_ =	strace s2  }
0x97: {  	_ =	strace $0x8FFFFFFF  }
0x98: {  	s18 =	sld [smem:$0x3FDB];
	_ =	sdelay $0x1  }
0x99: {  	s19 =	simm.s32 $_scs_section_size  }
0x9a: {  	s4 =	simm.s32 $_size__tile_overlayer_lowered;
	s5 =	simm.s32 $_tile_overlayer_lowered  }
0x9b: {  	s22 =	simm.s32 $0x1BFF;
	s21 =	sshll.u32 s5, $0x1;
	s2 =	sadd.s32 s19, s18  }
0x9c: {  	s6 =	simm.s32 $0x0;
	s20 =	sshll.u32 s4, $0x1;
	s4 =	sadd.s32 s21, s2  }
0x9d: {  	[timem:s6], [sflag:s22] =	dma.local [hbm:s4], s20  }
0x9e: {  	_ =	swait.ge [sflag:s22], s20  }
0x9f: {  	s3 =	ssub.s32 $0x0, s20;
	[sflag:s22] =	ssyncset.done $0x0  }
0xa0: {  	[sflag:s22] =	ssyncadd.s32 s3;
	_ =	sdelay $0x1  }
0xa1: {  	s23 =	simm.s32 $0x1B8B  }
0xa2: {  	_ =	swait.ge [sflag:s23], $0x1  }
0xa3: {  	[sflag:s23] =	ssyncset.done $0x0  }
0xa4: {  	s25 =	simm.s32 $0x1B8E;
	s24 =	sld [smem:$0x3FFE];
	[sflag:s23] =	ssyncadd.s32 $0xFFFFFFFF  }
0xa5: {  	s26 =	simm.s32 $execute0_lowered;
	[smem:$0x3FD2] =	sst s25  }
0xa6: {  	s4 =	sshll.u32 s26, $0x1;
	_ =	strace $0x80000049;
	[dreg:$0x1] =	wrdreg $0xFFFFFFFF  }
0xa7: {  	s28 =	simm.s32 $_size_execute0_lowered;
	s2 =	sadd.s32 s2, s4;
	[dreg:$0x0] =	wrdreg $0x0  }
0xa8: {  	s4 =	sshll.u32 s28, $0x1;
	[dreg:$0x2] =	wrdreg s2  }
0xa9: {  	[dreg:$0x3] =	wrdreg s4  }
0xaa: {  	[dreg:$0x4] =	wrdreg $0xC0  }
0xab: {  	_ =	task [dreg:s6], $0x5FFFF  }
0xac: {  	[dreg:$0x1] =	wrdreg $0xFFFFFFFF  }
0xad: {  	[dreg:$0x0] =	wrdreg $0x60  }
0xae: {  	[dreg:$0x2] =	wrdreg s24  }
0xaf: {  	[dreg:$0x3] =	wrdreg $0xA8000  }
0xb0: {  	[dreg:$0x4] =	wrdreg $0x9  }
0xb1: {  	_ =	task.clear_ibuf [dreg:s6], $0x5FFFF;
	_ =	strace $0x90000049  }
0xb2: {  	s29 =	simm.s32 $0x9;
	_ =	strace $0x8000004B  }
0xb3: {  	_ =	swait.ge [sflag:s29], $0x1  }
0xb4: {  	[sflag:s29] =	ssyncadd.s32 $0xFFFFFFFF  }
0xb5: {  	_ =	strace $0x9000004B  }
0xb6: {  	_ =	sfence  }
0xb7: {  	s30 =	sld [smem:$0x0];
	_ =	sdelay $0x2  }
0xb8: {  	s31 =	sshll.u32 s1, $0xD;
	s1 =	sshrl.u32 s1, $0x2  }
0xb9: {  	s3 =	sand.u32 $0x4000, s31;
	s1 =	sadd.s32 s1, s30  }
0xba: {  	s0 =	sor.u32 s3, s0;
	s1 =	sshll.u32 s1, $0x11  }
0xbb: {  	s0 =	sor.u32 s1, s0  }
0xbc: {  	s0 =	sadd.s32 $0x8F2B, s0  }
0xbd: {  	[sflag:s0] =	ssyncadd.remote.s32 $0x1  }
0xbe: {  	_ =	sfence.sel $0xFFFF  }
0xbf: {  	[dreg:$0x0] =	wrdreg $0xFFFFFFFF;
	(pc) =	sbr.abs _section_cstart, $3  }
0xc0: {  	[dreg:$0x1] =	wrdreg $0xFFFFFFFF  }
0xc1: {  	_ =	task.clear_ibuf [dreg:s6], $0x2FFFF;
	_ =	strace $0x9FFFFFFF  }
0xc2: {  	(tm) =	ssettm $0x7FFFFFFF  }
0xc3: {  	_ =	shalt  }
tec
execute0_lowered:
.L_overlay_start_1:
0x0: {  	(tag) =	ssettag $0x1  }
0x1: {  	s0 =	rddreg [dreg:$0x0]  }
0x2: {  	s1 =	rddreg [dreg:$0x1];
	s3 =	simm.s32 $0x0  }
0x3: {  	s13 =	stileid.u32;
	s2 =	srdreg.scid;
	s28 =	simm.s32 $0x40  }
0x4: {  	s29 =	simm.s32 $0x4800;
	s30 =	simm.s32 $0x6800;
	s31 =	simm.s32 $0x8800  }
0x5: {  	[smem:$0x7FF] =	sst s3;
	s4 =	sadd.s32 $0x5BE00, s0;
	s6 =	smul.u32 $0x50000, s13  }
0x6: {  	s5 =	sadd.s32 $0x83000, s0;
	s8 =	sadd.s32 $0x3A00, s0;
	s2 =	sand.u32 $0x1, s2  }
0x7: {  	s9 =	sadd.s32 $0x8A00, s0;
	s7 =	sadd.s32 $0xAA200, s0;
	s12 =	smul.u32 $0x2800, s13  }
0x8: {  	s0 =	sadd.s32 $0xD2200, s0;
	s25 =	smul.u32 $0x500, s13;
	s13 =	simm.s32 $0x8  }
0x9: {  	_ =	strace $0x8000004A;
	s10 =	ssub.s32 $0x2, s2;
	[dreg:$0x3] =	wrdreg s7  }
0xa: {  	[dreg:$0x4] =	wrdreg s0;
	p0 =	sne.s32 s2, $0x0;
	s6 =	sshrl.u32 s6, $0x2  }
0xb: {  	s0 =	simm.s32 $0x1;
	s2 =	simm.s32 $0x4;
	s7 =	sadd.s32 s6, s1  }
0xc: {  	s11 =	sshrl.u32 s10, $0x1;
	s26 =	sshrl.u32 s12, $0x3;
	s6 =	sadd.s32 $0x2000, s7  }
0xd: {  	s16 =	ssub.s32 s10, s11;
	s19 =	sadd.s32 $0x4000, s7;
	[dreg:$0x5] =	wrdreg s6  }
0xe: {  	s10 =	sadd.s32 $0x280, s26;
	s20 =	sadd.s32 $0x6000, s7;
	[dreg:$0x6] =	wrdreg s19  }
0xf: {  	s11 =	simm.s32 $0x7;
	s21 =	sadd.s32 $0x8000, s7;
	[dreg:$0x7] =	wrdreg s20  }
0x10: {  	s22 =	sadd.s32 $0xA000, s7;
	s23 =	sadd.s32 $0xC000, s7;
	[dreg:$0x8] =	wrdreg s21  }
0x11: {  	s24 =	sadd.s32 $0xE000, s7;
	s17 =	sadd.s32 $0x10000, s7;
	[dreg:$0x9] =	wrdreg s22  }
.Ltmp0:
0x12: {  	s18 =	sadd.s32 $0x12000, s7;
	[dreg:$0xa] =	wrdreg s23;
	(pc) =	sbr.rel .LBB2_1-.Ltmp0, $4  }
0x13: {  	[dreg:$0xb] =	wrdreg s24;
	s19 =	sadd.s32 s8, s25;
	s20 =	sadd.s32 s9, s25  }
0x14: {  	s21 =	sadd.s32 s8, s10;
	s22 =	sadd.s32 s9, s10;
	s23 =	smax.u32 s16, $0x1  }
0x15: {  	s24 =	simm.s32 $0x2800;
	s25 =	simm.s32 $0x9;
	s6 =	simm.s32 $0x2  }
0x16: {  	v0 =	vimm.f32 $0.0e+00;
	s8 =	simm.s32 $0x3;
	s9 =	simm.s32 $0x5;
	s10 =	simm.s32 $0x6  }
.LBB2_13:
0x17: {  	s14 =	sshra.s32 s14, $0x2;
	[sflag:s13] =	ssyncadd.s32 $0xFFFFE000  }
0x18: {  	[tilespmem:s24], [sflag:$0x1] =	stream.indirect.gather [hbm4b:s5+s28], $0x80, s14, s28, $0xb8;
	[tilespmem:$0x1E800] =	vst v63  }
0x19: {  	s15 =	sadd.s32 $0x40, s14  }
0x1a: {  	[tilespmem:s29], [sflag:$0x2] =	stream.indirect.gather [hbm4b:s5+s28], $0x80, s15, s28, $0xb8;
	[tilespmem:$0x1E800] =	vst v63  }
0x1b: {  	s26 =	sadd.s32 $0x80, s14  }
0x1c: {  	[tilespmem:s30], [sflag:$0x3] =	stream.indirect.gather [hbm4b:s5+s28], $0x80, s26, s28, $0xb8;
	[tilespmem:$0x1E800] =	vst v63  }
0x1d: {  	s16 =	sadd.s32 $0xC0, s14  }
0x1e: {  	[tilespmem:s31], [sflag:$0x4] =	stream.indirect.gather [hbm4b:s5+s28], $0x80, s16, s28, $0xb8;
	[tilespmem:$0x1E800] =	vst v63  }
0x1f: {  	_ =	swait.ge [sflag:s0], $0x2000  }
0x20: {  	[sflag:s0] =	ssyncset.done $0x0  }
0x21: {  	s26 =	sadd.s32 $0x1400, s14;
	[sflag:s0] =	ssyncadd.s32 $0xFFFFE000  }
0x22: {  	[spmem:s1] =	stream.indirect.scatter.add.f32 [tilespmem:s24], [sflag:$0x5], $0x80, s26, s28, $0xb8;
	[tilespmem:$0x1E800] =	vst v63  }
0x23: {  	_ =	swait.ge [sflag:s6], $0x2000  }
0x24: {  	[sflag:s6] =	ssyncset.done $0x0  }
0x25: {  	s16 =	sadd.s32 $0x1440, s14;
	[sflag:s6] =	ssyncadd.s32 $0xFFFFE000  }
0x26: {  	[spmem:s1] =	stream.indirect.scatter.add.f32 [tilespmem:s29], [sflag:$0x6], $0x80, s16, s28, $0xb8;
	[tilespmem:$0x1E800] =	vst v63  }
0x27: {  	_ =	swait.ge [sflag:s8], $0x2000  }
0x28: {  	[sflag:s8] =	ssyncset.done $0x0  }
0x29: {  	s26 =	sadd.s32 $0x1480, s14;
	[sflag:s8] =	ssyncadd.s32 $0xFFFFE000  }
0x2a: {  	[spmem:s1] =	stream.indirect.scatter.add.f32 [tilespmem:s30], [sflag:$0x7], $0x80, s26, s28, $0xb8;
	[tilespmem:$0x1E800] =	vst v63  }
0x2b: {  	_ =	swait.ge [sflag:s2], $0x2000  }
0x2c: {  	[sflag:s2] =	ssyncset.done $0x0  }
0x2d: {  	s14 =	sadd.s32 $0x14C0, s14;
	[sflag:s2] =	ssyncadd.s32 $0xFFFFE000  }
0x2e: {  	[spmem:s1] =	stream.indirect.scatter.add.f32 [tilespmem:s31], [sflag:$0x8], $0x80, s14, s28, $0xb8;
	[tilespmem:$0x1E800] =	vst v63  }
0x2f: {  	_ =	swait.ge [sflag:s9], $0x2000  }
0x30: {  	[sflag:s9] =	ssyncset.done $0x0  }
0x31: {  	[sflag:s9] =	ssyncadd.s32 $0xFFFFE000  }
0x32: {  	_ =	swait.ge [sflag:s10], $0x2000  }
0x33: {  	[sflag:s10] =	ssyncset.done $0x0  }
0x34: {  	[sflag:s10] =	ssyncadd.s32 $0xFFFFE000  }
0x35: {  	_ =	swait.ge [sflag:s11], $0x2000  }
0x36: {  	[sflag:s11] =	ssyncset.done $0x0  }
0x37: {  	[sflag:s11] =	ssyncadd.s32 $0xFFFFE000  }
0x38: {  	_ =	swait.ge [sflag:s13], $0x2000  }
0x39: {  	[sflag:s13] =	ssyncset.done $0x0  }
0x3a: {  	s14 =	rddreg [dreg:$0x4];
	[sflag:s13] =	ssyncadd.s32 $0xFFFFE000  }
.LBB2_14:
0x3b: {  	s14 =	sadd.s32 s14, s12;
	s15 =	stileid.u32;
	s3 =	sadd.s32 $0x1, s3  }
0x3c: {  	[bflag:$0x0] =	sbarrier.arrive $0xFFFF;
	s15 =	sshll.u32 s15, $0x6;
	p1 =	sne.s32 s3, s23  }
.Ltmp1:
0x3d: {  	s16 =	sshrl.u32 s7, $0x3;
	s15 =	sor.u32 $0x1C09, s15;
	(pc) =	sbr.rel @!p1 .LBB2_15-.Ltmp1, $4  }
0x3e: {  	[hbm:s14], [sflag:s15] =	dma.local [spmem:s16], $0x2800  }
0x3f: {  	_ =	swait.ge [sflag:s25], $0x2800  }
0x40: {  	[sflag:s25] =	ssyncset.done $0x0  }
0x41: {  	[sflag:s25] =	ssyncadd.s32 $0xFFFFD800  }
.LBB2_1:
0x42: {  	s14 =	simm.s32 $0x0;
	s15 =	simm.s32 $0x200  }
.LBB2_2:
0x43: {  	p1 =	sne.s32 s15, $0x7E00;
	[tilespmem:s14+$0x2870] =	vst v0  }
0x44: {  	[tilespmem:s14+$0x2800] =	vst v0  }
0x45: {  	[tilespmem:s14+$0x2810] =	vst v0  }
.Ltmp2:
0x46: {  	[tilespmem:s14+$0x2820] =	vst v0;
	(pc) =	sbr.rel @p1 .LBB2_2-.Ltmp2, $4  }
0x47: {  	[tilespmem:s14+$0x2830] =	vst v0  }
0x48: {  	[tilespmem:s14+$0x2840] =	vst v0  }
0x49: {  	[tilespmem:s14+$0x2850] =	vst v0  }
0x4a: {  	[tilespmem:s14+$0x2860] =	vst v0;
	s14 =	sshra.s32 s15, $0x2;
	s15 =	sadd.s32 $0x200, s15  }
0x4b: {  	[tilespmem:s14+$0x2870] =	vst v0  }
0x4c: {  	[tilespmem:s14+$0x2800] =	vst v0  }
0x4d: {  	[tilespmem:s14+$0x2810] =	vst v0  }
0x4e: {  	[tilespmem:s14+$0x2820] =	vst v0  }
0x4f: {  	[tilespmem:s14+$0x2830] =	vst v0  }
0x50: {  	[tilespmem:s14+$0x2840] =	vst v0  }
0x51: {  	[tilespmem:s14+$0x2850] =	vst v0  }
0x52: {  	[tilespmem:s14+$0x2860] =	vst v0  }
0x53: {  	[spmem:s7] =	stream.linear.scatter [tilespmem:s24], [sflag:$0x9], $0x2000, $0x38;
	[tilespmem:$0x1E800] =	vst v63  }
0x54: {  	_ =	swait.ge [sflag:s25], $0x2000  }
0x55: {  	[sflag:s25] =	ssyncset.done $0x0  }
0x56: {  	s16 =	rddreg [dreg:$0x5];
	[sflag:s25] =	ssyncadd.s32 $0xFFFFE000  }
0x57: {  	[spmem:s16] =	stream.linear.scatter [tilespmem:s24], [sflag:$0x9], $0x2000, $0x38;
	[tilespmem:$0x1E800] =	vst v63  }
0x58: {  	_ =	swait.ge [sflag:s25], $0x2000  }
0x59: {  	[sflag:s25] =	ssyncset.done $0x0  }
0x5a: {  	s26 =	rddreg [dreg:$0x6];
	[sflag:s25] =	ssyncadd.s32 $0xFFFFE000  }
0x5b: {  	[spmem:s26] =	stream.linear.scatter [tilespmem:s24], [sflag:$0x9], $0x2000, $0x38;
	[tilespmem:$0x1E800] =	vst v63  }
0x5c: {  	_ =	swait.ge [sflag:s25], $0x2000  }
0x5d: {  	[sflag:s25] =	ssyncset.done $0x0  }
0x5e: {  	s15 =	rddreg [dreg:$0x7];
	[sflag:s25] =	ssyncadd.s32 $0xFFFFE000  }
0x5f: {  	[spmem:s15] =	stream.linear.scatter [tilespmem:s24], [sflag:$0x9], $0x2000, $0x38;
	[tilespmem:$0x1E800] =	vst v63  }
0x60: {  	_ =	swait.ge [sflag:s25], $0x2000  }
0x61: {  	[sflag:s25] =	ssyncset.done $0x0  }
0x62: {  	s16 =	rddreg [dreg:$0x8];
	[sflag:s25] =	ssyncadd.s32 $0xFFFFE000  }
0x63: {  	[spmem:s16] =	stream.linear.scatter [tilespmem:s24], [sflag:$0x9], $0x2000, $0x38;
	[tilespmem:$0x1E800] =	vst v63  }
0x64: {  	_ =	swait.ge [sflag:s25], $0x2000  }
0x65: {  	[sflag:s25] =	ssyncset.done $0x0  }
0x66: {  	s26 =	rddreg [dreg:$0x9];
	[sflag:s25] =	ssyncadd.s32 $0xFFFFE000  }
0x67: {  	[spmem:s26] =	stream.linear.scatter [tilespmem:s24], [sflag:$0x9], $0x2000, $0x38;
	[tilespmem:$0x1E800] =	vst v63  }
0x68: {  	_ =	swait.ge [sflag:s25], $0x2000  }
0x69: {  	[sflag:s25] =	ssyncset.done $0x0  }
0x6a: {  	s15 =	rddreg [dreg:$0xa];
	[sflag:s25] =	ssyncadd.s32 $0xFFFFE000  }
0x6b: {  	[spmem:s15] =	stream.linear.scatter [tilespmem:s24], [sflag:$0x9], $0x2000, $0x38;
	[tilespmem:$0x1E800] =	vst v63  }
0x6c: {  	_ =	swait.ge [sflag:s25], $0x2000  }
0x6d: {  	[sflag:s25] =	ssyncset.done $0x0  }
0x6e: {  	s16 =	rddreg [dreg:$0xb];
	[sflag:s25] =	ssyncadd.s32 $0xFFFFE000  }
0x6f: {  	[spmem:s16] =	stream.linear.scatter [tilespmem:s24], [sflag:$0x9], $0x2000, $0x38;
	[tilespmem:$0x1E800] =	vst v63  }
0x70: {  	_ =	swait.ge [sflag:s25], $0x2000  }
0x71: {  	[sflag:s25] =	ssyncset.done $0x0  }
0x72: {  	[sflag:s25] =	ssyncadd.s32 $0xFFFFE000  }
0x73: {  	[spmem:s17] =	stream.linear.scatter [tilespmem:s24], [sflag:$0x9], $0x2000, $0x38;
	[tilespmem:$0x1E800] =	vst v63  }
0x74: {  	_ =	swait.ge [sflag:s25], $0x2000  }
0x75: {  	[sflag:s25] =	ssyncset.done $0x0  }
0x76: {  	[sflag:s25] =	ssyncadd.s32 $0xFFFFE000  }
0x77: {  	[spmem:s18] =	stream.linear.scatter [tilespmem:s24], [sflag:$0x9], $0x2000, $0x38;
	[tilespmem:$0x1E800] =	vst v63  }
0x78: {  	_ =	swait.ge [sflag:s25], $0x2000  }
0x79: {  	[sflag:s25] =	ssyncset.done $0x0  }
0x7a: {  	[sflag:s25] =	ssyncadd.s32 $0xFFFFE000  }
0x7b: {  	s26 =	simm.s32 $0x0;
	[bflag:$0x0] =	sbarrier.arrive $0xFFFF  }
0x7c: {  	[tilespmem:s26], [sflag:$0x9] =	stream.linear.gather [hbm4b:s19+s26], $0x1400, $0x38;
	[tilespmem:$0x1E800] =	vst v63  }
0x7d: {  	_ =	swait.ge [sflag:s25], $0x1400  }
0x7e: {  	[sflag:s25] =	ssyncset.done $0x0  }
.Ltmp3:
0x7f: {  	s15 =	simm.s32 $0x1400;
	[sflag:s25] =	ssyncadd.s32 $0xFFFFEC00;
	(pc) =	sbr.rel @p0 .LBB2_9-.Ltmp3, $4  }
0x80: {  	[tilespmem:s15], [sflag:$0x9] =	stream.linear.gather [hbm4b:s20+s26], $0x1400, $0x38;
	[tilespmem:$0x1E800] =	vst v63  }
0x81: {  	_ =	swait.ge [sflag:s25], $0x1400  }
0x82: {  	[sflag:s25] =	ssyncset.done $0x0  }
0x83: {  	s14 =	simm.s32 $0x0;
	[sflag:s25] =	ssyncadd.s32 $0xFFFFEC00  }
0x84: {  	[tilespmem:s24], [sflag:$0x1] =	stream.indirect.gather [hbm4b:s4+s28], $0x80, s14, s28, $0xb8;
	[tilespmem:$0x1E800] =	vst v63  }
0x85: {  	s26 =	simm.s32 $0x40  }
0x86: {  	[tilespmem:s29], [sflag:$0x2] =	stream.indirect.gather [hbm4b:s4+s28], $0x80, s26, s28, $0xb8;
	[tilespmem:$0x1E800] =	vst v63  }
0x87: {  	s15 =	simm.s32 $0x80  }
0x88: {  	[tilespmem:s30], [sflag:$0x3] =	stream.indirect.gather [hbm4b:s4+s28], $0x80, s15, s28, $0xb8;
	[tilespmem:$0x1E800] =	vst v63  }
0x89: {  	s16 =	simm.s32 $0xC0  }
0x8a: {  	[tilespmem:s31], [sflag:$0x4] =	stream.indirect.gather [hbm4b:s4+s28], $0x80, s16, s28, $0xb8;
	[tilespmem:$0x1E800] =	vst v63  }
0x8b: {  	_ =	swait.ge [sflag:s0], $0x2000  }
0x8c: {  	[sflag:s0] =	ssyncset.done $0x0  }
0x8d: {  	s26 =	simm.s32 $0x1400;
	[sflag:s0] =	ssyncadd.s32 $0xFFFFE000  }
0x8e: {  	[spmem:s1] =	stream.indirect.scatter.add.f32 [tilespmem:s24], [sflag:$0x5], $0x80, s26, s28, $0xb8;
	[tilespmem:$0x1E800] =	vst v63  }
0x8f: {  	_ =	swait.ge [sflag:s6], $0x2000  }
0x90: {  	[sflag:s6] =	ssyncset.done $0x0  }
0x91: {  	s15 =	simm.s32 $0x1440;
	[sflag:s6] =	ssyncadd.s32 $0xFFFFE000  }
0x92: {  	[spmem:s1] =	stream.indirect.scatter.add.f32 [tilespmem:s29], [sflag:$0x6], $0x80, s15, s28, $0xb8;
	[tilespmem:$0x1E800] =	vst v63  }
0x93: {  	_ =	swait.ge [sflag:s8], $0x2000  }
0x94: {  	[sflag:s8] =	ssyncset.done $0x0  }
0x95: {  	s16 =	simm.s32 $0x1480;
	[sflag:s8] =	ssyncadd.s32 $0xFFFFE000  }
0x96: {  	[spmem:s1] =	stream.indirect.scatter.add.f32 [tilespmem:s30], [sflag:$0x7], $0x80, s16, s28, $0xb8;
	[tilespmem:$0x1E800] =	vst v63  }
0x97: {  	_ =	swait.ge [sflag:s2], $0x2000  }
0x98: {  	[sflag:s2] =	ssyncset.done $0x0  }
0x99: {  	s26 =	simm.s32 $0x14C0;
	[sflag:s2] =	ssyncadd.s32 $0xFFFFE000  }
0x9a: {  	[spmem:s1] =	stream.indirect.scatter.add.f32 [tilespmem:s31], [sflag:$0x8], $0x80, s26, s28, $0xb8;
	[tilespmem:$0x1E800] =	vst v63  }
0x9b: {  	_ =	swait.ge [sflag:s9], $0x2000  }
0x9c: {  	[sflag:s9] =	ssyncset.done $0x0  }
0x9d: {  	[sflag:s9] =	ssyncadd.s32 $0xFFFFE000  }
0x9e: {  	_ =	swait.ge [sflag:s10], $0x2000  }
0x9f: {  	[sflag:s10] =	ssyncset.done $0x0  }
0xa0: {  	[sflag:s10] =	ssyncadd.s32 $0xFFFFE000  }
0xa1: {  	_ =	swait.ge [sflag:s11], $0x2000  }
0xa2: {  	[sflag:s11] =	ssyncset.done $0x0  }
0xa3: {  	[sflag:s11] =	ssyncadd.s32 $0xFFFFE000  }
0xa4: {  	_ =	swait.ge [sflag:s13], $0x2000  }
0xa5: {  	s14 =	simm.s32 $0x400;
	s15 =	simm.s32 $0x800;
	[sflag:s13] =	ssyncset.done $0x0  }
.LBB2_5:
0xa6: {  	s26 =	sshra.s32 s14, $0x2  }
0xa7: {  	[sflag:s13] =	ssyncadd.s32 $0xFFFFE000;
	s14 =	smov.u32 s15;
	s16 =	sadd.s32 $0x400, s15  }
0xa8: {  	[tilespmem:s24], [sflag:$0x1] =	stream.indirect.gather [hbm4b:s4+s28], $0x80, s26, s28, $0xb8;
	[tilespmem:$0x1E800] =	vst v63  }
0xa9: {  	p1 =	sne.s32 s15, $0x4C00;
	s15 =	sadd.s32 $0x40, s26  }
0xaa: {  	[tilespmem:s29], [sflag:$0x2] =	stream.indirect.gather [hbm4b:s4+s28], $0x80, s15, s28, $0xb8;
	[tilespmem:$0x1E800] =	vst v63  }
0xab: {  	s15 =	sadd.s32 $0x80, s26  }
0xac: {  	[tilespmem:s30], [sflag:$0x3] =	stream.indirect.gather [hbm4b:s4+s28], $0x80, s15, s28, $0xb8;
	[tilespmem:$0x1E800] =	vst v63  }
0xad: {  	s15 =	sadd.s32 $0xC0, s26  }
0xae: {  	[tilespmem:s31], [sflag:$0x4] =	stream.indirect.gather [hbm4b:s4+s28], $0x80, s15, s28, $0xb8;
	[tilespmem:$0x1E800] =	vst v63  }
0xaf: {  	_ =	swait.ge [sflag:s0], $0x2000  }
0xb0: {  	[sflag:s0] =	ssyncset.done $0x0  }
0xb1: {  	s15 =	sadd.s32 $0x1400, s26;
	[sflag:s0] =	ssyncadd.s32 $0xFFFFE000  }
0xb2: {  	[spmem:s1] =	stream.indirect.scatter.add.f32 [tilespmem:s24], [sflag:$0x5], $0x80, s15, s28, $0xb8;
	[tilespmem:$0x1E800] =	vst v63  }
0xb3: {  	_ =	swait.ge [sflag:s6], $0x2000  }
0xb4: {  	[sflag:s6] =	ssyncset.done $0x0  }
0xb5: {  	s15 =	sadd.s32 $0x1440, s26;
	[sflag:s6] =	ssyncadd.s32 $0xFFFFE000  }
0xb6: {  	[spmem:s1] =	stream.indirect.scatter.add.f32 [tilespmem:s29], [sflag:$0x6], $0x80, s15, s28, $0xb8;
	[tilespmem:$0x1E800] =	vst v63  }
0xb7: {  	_ =	swait.ge [sflag:s8], $0x2000  }
0xb8: {  	[sflag:s8] =	ssyncset.done $0x0  }
0xb9: {  	s15 =	sadd.s32 $0x1480, s26;
	[sflag:s8] =	ssyncadd.s32 $0xFFFFE000  }
0xba: {  	[spmem:s1] =	stream.indirect.scatter.add.f32 [tilespmem:s30], [sflag:$0x7], $0x80, s15, s28, $0xb8;
	[tilespmem:$0x1E800] =	vst v63  }
0xbb: {  	_ =	swait.ge [sflag:s2], $0x2000  }
0xbc: {  	[sflag:s2] =	ssyncset.done $0x0  }
0xbd: {  	s15 =	sadd.s32 $0x14C0, s26;
	[sflag:s2] =	ssyncadd.s32 $0xFFFFE000  }
0xbe: {  	[spmem:s1] =	stream.indirect.scatter.add.f32 [tilespmem:s31], [sflag:$0x8], $0x80, s15, s28, $0xb8;
	[tilespmem:$0x1E800] =	vst v63  }
0xbf: {  	_ =	swait.ge [sflag:s9], $0x2000  }
0xc0: {  	[sflag:s9] =	ssyncset.done $0x0  }
0xc1: {  	[sflag:s9] =	ssyncadd.s32 $0xFFFFE000  }
0xc2: {  	_ =	swait.ge [sflag:s10], $0x2000  }
0xc3: {  	[sflag:s10] =	ssyncset.done $0x0  }
0xc4: {  	[sflag:s10] =	ssyncadd.s32 $0xFFFFE000  }
.Ltmp4:
0xc5: {  	_ =	swait.ge [sflag:s11], $0x2000;
	(pc) =	sbr.rel @p1 .LBB2_5-.Ltmp4, $4  }
0xc6: {  	[sflag:s11] =	ssyncset.done $0x0  }
0xc7: {  	[sflag:s11] =	ssyncadd.s32 $0xFFFFE000  }
0xc8: {  	_ =	swait.ge [sflag:s13], $0x2000  }
0xc9: {  	s15 =	smov.u32 s16;
	[sflag:s13] =	ssyncset.done $0x0  }
0xca: {  	s14 =	sshra.s32 s14, $0x2;
	[sflag:s13] =	ssyncadd.s32 $0xFFFFE000  }
0xcb: {  	[tilespmem:s24], [sflag:$0x1] =	stream.indirect.gather [hbm4b:s4+s28], $0x80, s14, s28, $0xb8;
	[tilespmem:$0x1E800] =	vst v63  }
0xcc: {  	s15 =	sadd.s32 $0x40, s14  }
0xcd: {  	[tilespmem:s29], [sflag:$0x2] =	stream.indirect.gather [hbm4b:s4+s28], $0x80, s15, s28, $0xb8;
	[tilespmem:$0x1E800] =	vst v63  }
0xce: {  	s26 =	sadd.s32 $0x80, s14  }
0xcf: {  	[tilespmem:s30], [sflag:$0x3] =	stream.indirect.gather [hbm4b:s4+s28], $0x80, s26, s28, $0xb8;
	[tilespmem:$0x1E800] =	vst v63  }
0xd0: {  	s16 =	sadd.s32 $0xC0, s14  }
0xd1: {  	[tilespmem:s31], [sflag:$0x4] =	stream.indirect.gather [hbm4b:s4+s28], $0x80, s16, s28, $0xb8;
	[tilespmem:$0x1E800] =	vst v63  }
0xd2: {  	_ =	swait.ge [sflag:s0], $0x2000  }
0xd3: {  	[sflag:s0] =	ssyncset.done $0x0  }
0xd4: {  	s26 =	sadd.s32 $0x1400, s14;
	[sflag:s0] =	ssyncadd.s32 $0xFFFFE000  }
0xd5: {  	[spmem:s1] =	stream.indirect.scatter.add.f32 [tilespmem:s24], [sflag:$0x5], $0x80, s26, s28, $0xb8;
	[tilespmem:$0x1E800] =	vst v63  }
0xd6: {  	_ =	swait.ge [sflag:s6], $0x2000  }
0xd7: {  	[sflag:s6] =	ssyncset.done $0x0  }
0xd8: {  	s16 =	sadd.s32 $0x1440, s14;
	[sflag:s6] =	ssyncadd.s32 $0xFFFFE000  }
0xd9: {  	[spmem:s1] =	stream.indirect.scatter.add.f32 [tilespmem:s29], [sflag:$0x6], $0x80, s16, s28, $0xb8;
	[tilespmem:$0x1E800] =	vst v63  }
0xda: {  	_ =	swait.ge [sflag:s8], $0x2000  }
0xdb: {  	[sflag:s8] =	ssyncset.done $0x0  }
0xdc: {  	s26 =	sadd.s32 $0x1480, s14;
	[sflag:s8] =	ssyncadd.s32 $0xFFFFE000  }
0xdd: {  	[spmem:s1] =	stream.indirect.scatter.add.f32 [tilespmem:s30], [sflag:$0x7], $0x80, s26, s28, $0xb8;
	[tilespmem:$0x1E800] =	vst v63  }
0xde: {  	_ =	swait.ge [sflag:s2], $0x2000  }
0xdf: {  	[sflag:s2] =	ssyncset.done $0x0  }
0xe0: {  	s14 =	sadd.s32 $0x14C0, s14;
	[sflag:s2] =	ssyncadd.s32 $0xFFFFE000  }
0xe1: {  	[spmem:s1] =	stream.indirect.scatter.add.f32 [tilespmem:s31], [sflag:$0x8], $0x80, s14, s28, $0xb8;
	[tilespmem:$0x1E800] =	vst v63  }
0xe2: {  	_ =	swait.ge [sflag:s9], $0x2000  }
0xe3: {  	[sflag:s9] =	ssyncset.done $0x0  }
0xe4: {  	[sflag:s9] =	ssyncadd.s32 $0xFFFFE000  }
0xe5: {  	_ =	swait.ge [sflag:s10], $0x2000  }
0xe6: {  	[sflag:s10] =	ssyncset.done $0x0  }
0xe7: {  	[sflag:s10] =	ssyncadd.s32 $0xFFFFE000  }
0xe8: {  	_ =	swait.ge [sflag:s11], $0x2000  }
0xe9: {  	[sflag:s11] =	ssyncset.done $0x0  }
0xea: {  	[sflag:s11] =	ssyncadd.s32 $0xFFFFE000  }
0xeb: {  	_ =	swait.ge [sflag:s13], $0x2000  }
0xec: {  	[sflag:s13] =	ssyncset.done $0x0  }
0xed: {  	s16 =	simm.s32 $0x0;
	[sflag:s13] =	ssyncadd.s32 $0xFFFFE000  }
0xee: {  	[tilespmem:s16], [sflag:$0x9] =	stream.linear.gather [hbm4b:s21+s16], $0x1400, $0x38;
	[tilespmem:$0x1E800] =	vst v63  }
0xef: {  	_ =	swait.ge [sflag:s25], $0x1400  }
0xf0: {  	[sflag:s25] =	ssyncset.done $0x0  }
0xf1: {  	s26 =	simm.s32 $0x1400;
	[sflag:s25] =	ssyncadd.s32 $0xFFFFEC00  }
0xf2: {  	[tilespmem:s26], [sflag:$0x9] =	stream.linear.gather [hbm4b:s22+s16], $0x1400, $0x38;
	[tilespmem:$0x1E800] =	vst v63  }
0xf3: {  	_ =	swait.ge [sflag:s25], $0x1400  }
0xf4: {  	[sflag:s25] =	ssyncset.done $0x0  }
0xf5: {  	s16 =	simm.s32 $0x0;
	[sflag:s25] =	ssyncadd.s32 $0xFFFFEC00  }
0xf6: {  	[tilespmem:s24], [sflag:$0x1] =	stream.indirect.gather [hbm4b:s4+s28], $0x80, s16, s28, $0xb8;
	[tilespmem:$0x1E800] =	vst v63  }
0xf7: {  	s26 =	simm.s32 $0x40  }
0xf8: {  	[tilespmem:s29], [sflag:$0x2] =	stream.indirect.gather [hbm4b:s4+s28], $0x80, s26, s28, $0xb8;
	[tilespmem:$0x1E800] =	vst v63  }
0xf9: {  	s15 =	simm.s32 $0x80  }
0xfa: {  	[tilespmem:s30], [sflag:$0x3] =	stream.indirect.gather [hbm4b:s4+s28], $0x80, s15, s28, $0xb8;
	[tilespmem:$0x1E800] =	vst v63  }
0xfb: {  	s16 =	simm.s32 $0xC0  }
0xfc: {  	[tilespmem:s31], [sflag:$0x4] =	stream.indirect.gather [hbm4b:s4+s28], $0x80, s16, s28, $0xb8;
	[tilespmem:$0x1E800] =	vst v63  }
0xfd: {  	_ =	swait.ge [sflag:s0], $0x2000  }
0xfe: {  	[sflag:s0] =	ssyncset.done $0x0  }
0xff: {  	s26 =	simm.s32 $0x1400;
	[sflag:s0] =	ssyncadd.s32 $0xFFFFE000  }
0x100: {  	[spmem:s1] =	stream.indirect.scatter.add.f32 [tilespmem:s24], [sflag:$0x5], $0x80, s26, s28, $0xb8;
	[tilespmem:$0x1E800] =	vst v63  }
0x101: {  	_ =	swait.ge [sflag:s6], $0x2000  }
0x102: {  	[sflag:s6] =	ssyncset.done $0x0  }
0x103: {  	s15 =	simm.s32 $0x1440;
	[sflag:s6] =	ssyncadd.s32 $0xFFFFE000  }
0x104: {  	[spmem:s1] =	stream.indirect.scatter.add.f32 [tilespmem:s29], [sflag:$0x6], $0x80, s15, s28, $0xb8;
	[tilespmem:$0x1E800] =	vst v63  }
0x105: {  	_ =	swait.ge [sflag:s8], $0x2000  }
0x106: {  	[sflag:s8] =	ssyncset.done $0x0  }
0x107: {  	s16 =	simm.s32 $0x1480;
	[sflag:s8] =	ssyncadd.s32 $0xFFFFE000  }
0x108: {  	[spmem:s1] =	stream.indirect.scatter.add.f32 [tilespmem:s30], [sflag:$0x7], $0x80, s16, s28, $0xb8;
	[tilespmem:$0x1E800] =	vst v63  }
0x109: {  	_ =	swait.ge [sflag:s2], $0x2000  }
0x10a: {  	[sflag:s2] =	ssyncset.done $0x0  }
0x10b: {  	s26 =	simm.s32 $0x14C0;
	[sflag:s2] =	ssyncadd.s32 $0xFFFFE000  }
0x10c: {  	[spmem:s1] =	stream.indirect.scatter.add.f32 [tilespmem:s31], [sflag:$0x8], $0x80, s26, s28, $0xb8;
	[tilespmem:$0x1E800] =	vst v63  }
0x10d: {  	_ =	swait.ge [sflag:s9], $0x2000  }
0x10e: {  	[sflag:s9] =	ssyncset.done $0x0  }
0x10f: {  	[sflag:s9] =	ssyncadd.s32 $0xFFFFE000  }
0x110: {  	_ =	swait.ge [sflag:s10], $0x2000  }
0x111: {  	[sflag:s10] =	ssyncset.done $0x0  }
0x112: {  	[sflag:s10] =	ssyncadd.s32 $0xFFFFE000  }
0x113: {  	_ =	swait.ge [sflag:s11], $0x2000  }
0x114: {  	[sflag:s11] =	ssyncset.done $0x0  }
0x115: {  	[sflag:s11] =	ssyncadd.s32 $0xFFFFE000  }
0x116: {  	_ =	swait.ge [sflag:s13], $0x2000  }
0x117: {  	s14 =	simm.s32 $0x400;
	s16 =	simm.s32 $0x800;
	[sflag:s13] =	ssyncset.done $0x0  }
.LBB2_7:
0x118: {  	s26 =	sshra.s32 s14, $0x2  }
0x119: {  	[sflag:s13] =	ssyncadd.s32 $0xFFFFE000;
	s14 =	smov.u32 s16;
	s15 =	sadd.s32 $0x400, s16  }
0x11a: {  	[tilespmem:s24], [sflag:$0x1] =	stream.indirect.gather [hbm4b:s4+s28], $0x80, s26, s28, $0xb8;
	[tilespmem:$0x1E800] =	vst v63  }
0x11b: {  	p1 =	seq.s32 s16, $0x4C00;
	s16 =	sadd.s32 $0x40, s26  }
0x11c: {  	[tilespmem:s29], [sflag:$0x2] =	stream.indirect.gather [hbm4b:s4+s28], $0x80, s16, s28, $0xb8;
	[tilespmem:$0x1E800] =	vst v63  }
0x11d: {  	s16 =	sadd.s32 $0x80, s26  }
0x11e: {  	[tilespmem:s30], [sflag:$0x3] =	stream.indirect.gather [hbm4b:s4+s28], $0x80, s16, s28, $0xb8;
	[tilespmem:$0x1E800] =	vst v63  }
0x11f: {  	s16 =	sadd.s32 $0xC0, s26  }
0x120: {  	[tilespmem:s31], [sflag:$0x4] =	stream.indirect.gather [hbm4b:s4+s28], $0x80, s16, s28, $0xb8;
	[tilespmem:$0x1E800] =	vst v63  }
0x121: {  	_ =	swait.ge [sflag:s0], $0x2000  }
0x122: {  	[sflag:s0] =	ssyncset.done $0x0  }
0x123: {  	s16 =	sadd.s32 $0x1400, s26;
	[sflag:s0] =	ssyncadd.s32 $0xFFFFE000  }
0x124: {  	[spmem:s1] =	stream.indirect.scatter.add.f32 [tilespmem:s24], [sflag:$0x5], $0x80, s16, s28, $0xb8;
	[tilespmem:$0x1E800] =	vst v63  }
0x125: {  	_ =	swait.ge [sflag:s6], $0x2000  }
0x126: {  	[sflag:s6] =	ssyncset.done $0x0  }
0x127: {  	s16 =	sadd.s32 $0x1440, s26;
	[sflag:s6] =	ssyncadd.s32 $0xFFFFE000  }
0x128: {  	[spmem:s1] =	stream.indirect.scatter.add.f32 [tilespmem:s29], [sflag:$0x6], $0x80, s16, s28, $0xb8;
	[tilespmem:$0x1E800] =	vst v63  }
0x129: {  	_ =	swait.ge [sflag:s8], $0x2000  }
0x12a: {  	[sflag:s8] =	ssyncset.done $0x0  }
0x12b: {  	s16 =	sadd.s32 $0x1480, s26;
	[sflag:s8] =	ssyncadd.s32 $0xFFFFE000  }
0x12c: {  	[spmem:s1] =	stream.indirect.scatter.add.f32 [tilespmem:s30], [sflag:$0x7], $0x80, s16, s28, $0xb8;
	[tilespmem:$0x1E800] =	vst v63  }
0x12d: {  	_ =	swait.ge [sflag:s2], $0x2000  }
0x12e: {  	[sflag:s2] =	ssyncset.done $0x0  }
0x12f: {  	s16 =	sadd.s32 $0x14C0, s26;
	[sflag:s2] =	ssyncadd.s32 $0xFFFFE000  }
0x130: {  	[spmem:s1] =	stream.indirect.scatter.add.f32 [tilespmem:s31], [sflag:$0x8], $0x80, s16, s28, $0xb8;
	[tilespmem:$0x1E800] =	vst v63  }
0x131: {  	_ =	swait.ge [sflag:s9], $0x2000  }
0x132: {  	[sflag:s9] =	ssyncset.done $0x0  }
0x133: {  	[sflag:s9] =	ssyncadd.s32 $0xFFFFE000  }
0x134: {  	_ =	swait.ge [sflag:s10], $0x2000  }
0x135: {  	[sflag:s10] =	ssyncset.done $0x0  }
0x136: {  	[sflag:s10] =	ssyncadd.s32 $0xFFFFE000  }
.Ltmp5:
0x137: {  	_ =	swait.ge [sflag:s11], $0x2000;
	(pc) =	sbr.rel @!p1 .LBB2_7-.Ltmp5, $4  }
0x138: {  	[sflag:s11] =	ssyncset.done $0x0  }
0x139: {  	[sflag:s11] =	ssyncadd.s32 $0xFFFFE000  }
0x13a: {  	_ =	swait.ge [sflag:s13], $0x2000  }
0x13b: {  	s16 =	smov.u32 s15;
	[sflag:s13] =	ssyncset.done $0x0  }
0x13c: {  	s14 =	sshra.s32 s14, $0x2;
	[sflag:s13] =	ssyncadd.s32 $0xFFFFE000  }
0x13d: {  	[tilespmem:s24], [sflag:$0x1] =	stream.indirect.gather [hbm4b:s4+s28], $0x80, s14, s28, $0xb8;
	[tilespmem:$0x1E800] =	vst v63  }
0x13e: {  	s15 =	sadd.s32 $0x40, s14  }
0x13f: {  	[tilespmem:s29], [sflag:$0x2] =	stream.indirect.gather [hbm4b:s4+s28], $0x80, s15, s28, $0xb8;
	[tilespmem:$0x1E800] =	vst v63  }
0x140: {  	s26 =	sadd.s32 $0x80, s14  }
0x141: {  	[tilespmem:s30], [sflag:$0x3] =	stream.indirect.gather [hbm4b:s4+s28], $0x80, s26, s28, $0xb8;
	[tilespmem:$0x1E800] =	vst v63  }
0x142: {  	s16 =	sadd.s32 $0xC0, s14  }
0x143: {  	[tilespmem:s31], [sflag:$0x4] =	stream.indirect.gather [hbm4b:s4+s28], $0x80, s16, s28, $0xb8;
	[tilespmem:$0x1E800] =	vst v63  }
0x144: {  	_ =	swait.ge [sflag:s0], $0x2000  }
0x145: {  	[sflag:s0] =	ssyncset.done $0x0  }
0x146: {  	s26 =	sadd.s32 $0x1400, s14;
	[sflag:s0] =	ssyncadd.s32 $0xFFFFE000  }
0x147: {  	[spmem:s1] =	stream.indirect.scatter.add.f32 [tilespmem:s24], [sflag:$0x5], $0x80, s26, s28, $0xb8;
	[tilespmem:$0x1E800] =	vst v63  }
0x148: {  	_ =	swait.ge [sflag:s6], $0x2000  }
0x149: {  	[sflag:s6] =	ssyncset.done $0x0  }
0x14a: {  	s16 =	sadd.s32 $0x1440, s14;
	[sflag:s6] =	ssyncadd.s32 $0xFFFFE000  }
0x14b: {  	[spmem:s1] =	stream.indirect.scatter.add.f32 [tilespmem:s29], [sflag:$0x6], $0x80, s16, s28, $0xb8;
	[tilespmem:$0x1E800] =	vst v63  }
0x14c: {  	_ =	swait.ge [sflag:s8], $0x2000  }
0x14d: {  	[sflag:s8] =	ssyncset.done $0x0  }
0x14e: {  	s26 =	sadd.s32 $0x1480, s14;
	[sflag:s8] =	ssyncadd.s32 $0xFFFFE000  }
0x14f: {  	[spmem:s1] =	stream.indirect.scatter.add.f32 [tilespmem:s30], [sflag:$0x7], $0x80, s26, s28, $0xb8;
	[tilespmem:$0x1E800] =	vst v63  }
0x150: {  	_ =	swait.ge [sflag:s2], $0x2000  }
0x151: {  	[sflag:s2] =	ssyncset.done $0x0  }
0x152: {  	s14 =	sadd.s32 $0x14C0, s14;
	[sflag:s2] =	ssyncadd.s32 $0xFFFFE000  }
0x153: {  	[spmem:s1] =	stream.indirect.scatter.add.f32 [tilespmem:s31], [sflag:$0x8], $0x80, s14, s28, $0xb8;
	[tilespmem:$0x1E800] =	vst v63  }
0x154: {  	_ =	swait.ge [sflag:s9], $0x2000  }
0x155: {  	[sflag:s9] =	ssyncset.done $0x0  }
0x156: {  	[sflag:s9] =	ssyncadd.s32 $0xFFFFE000  }
0x157: {  	_ =	swait.ge [sflag:s10], $0x2000  }
0x158: {  	[sflag:s10] =	ssyncset.done $0x0  }
0x159: {  	[sflag:s10] =	ssyncadd.s32 $0xFFFFE000  }
0x15a: {  	_ =	swait.ge [sflag:s11], $0x2000  }
.Ltmp6:
0x15b: {  	[sflag:s11] =	ssyncset.done $0x0;
	(pc) =	sbr.rel .LBB2_14-.Ltmp6, $4  }
0x15c: {  	[sflag:s11] =	ssyncadd.s32 $0xFFFFE000  }
0x15d: {  	_ =	swait.ge [sflag:s13], $0x2000  }
0x15e: {  	[sflag:s13] =	ssyncset.done $0x0  }
0x15f: {  	s14 =	rddreg [dreg:$0x3];
	[sflag:s13] =	ssyncadd.s32 $0xFFFFE000  }
.LBB2_9:
0x160: {  	[tilespmem:s24], [sflag:$0x1] =	stream.indirect.gather [hbm4b:s5+s28], $0x80, s14, s28, $0xb8;
	[tilespmem:$0x1E800] =	vst v63  }
0x161: {  	s26 =	simm.s32 $0x40  }
0x162: {  	[tilespmem:s29], [sflag:$0x2] =	stream.indirect.gather [hbm4b:s5+s28], $0x80, s26, s28, $0xb8;
	[tilespmem:$0x1E800] =	vst v63  }
0x163: {  	s15 =	simm.s32 $0x80  }
0x164: {  	[tilespmem:s30], [sflag:$0x3] =	stream.indirect.gather [hbm4b:s5+s28], $0x80, s15, s28, $0xb8;
	[tilespmem:$0x1E800] =	vst v63  }
0x165: {  	s16 =	simm.s32 $0xC0  }
0x166: {  	[tilespmem:s31], [sflag:$0x4] =	stream.indirect.gather [hbm4b:s5+s28], $0x80, s16, s28, $0xb8;
	[tilespmem:$0x1E800] =	vst v63  }
0x167: {  	_ =	swait.ge [sflag:s0], $0x2000  }
0x168: {  	[sflag:s0] =	ssyncset.done $0x0  }
0x169: {  	s26 =	simm.s32 $0x1400;
	[sflag:s0] =	ssyncadd.s32 $0xFFFFE000  }
0x16a: {  	[spmem:s1] =	stream.indirect.scatter.add.f32 [tilespmem:s24], [sflag:$0x5], $0x80, s26, s28, $0xb8;
	[tilespmem:$0x1E800] =	vst v63  }
0x16b: {  	_ =	swait.ge [sflag:s6], $0x2000  }
0x16c: {  	[sflag:s6] =	ssyncset.done $0x0  }
0x16d: {  	s15 =	simm.s32 $0x1440;
	[sflag:s6] =	ssyncadd.s32 $0xFFFFE000  }
0x16e: {  	[spmem:s1] =	stream.indirect.scatter.add.f32 [tilespmem:s29], [sflag:$0x6], $0x80, s15, s28, $0xb8;
	[tilespmem:$0x1E800] =	vst v63  }
0x16f: {  	_ =	swait.ge [sflag:s8], $0x2000  }
0x170: {  	[sflag:s8] =	ssyncset.done $0x0  }
0x171: {  	s16 =	simm.s32 $0x1480;
	[sflag:s8] =	ssyncadd.s32 $0xFFFFE000  }
0x172: {  	[spmem:s1] =	stream.indirect.scatter.add.f32 [tilespmem:s30], [sflag:$0x7], $0x80, s16, s28, $0xb8;
	[tilespmem:$0x1E800] =	vst v63  }
0x173: {  	_ =	swait.ge [sflag:s2], $0x2000  }
0x174: {  	[sflag:s2] =	ssyncset.done $0x0  }
0x175: {  	s26 =	simm.s32 $0x14C0;
	[sflag:s2] =	ssyncadd.s32 $0xFFFFE000  }
0x176: {  	[spmem:s1] =	stream.indirect.scatter.add.f32 [tilespmem:s31], [sflag:$0x8], $0x80, s26, s28, $0xb8;
	[tilespmem:$0x1E800] =	vst v63  }
0x177: {  	_ =	swait.ge [sflag:s9], $0x2000  }
0x178: {  	[sflag:s9] =	ssyncset.done $0x0  }
0x179: {  	[sflag:s9] =	ssyncadd.s32 $0xFFFFE000  }
0x17a: {  	_ =	swait.ge [sflag:s10], $0x2000  }
0x17b: {  	[sflag:s10] =	ssyncset.done $0x0  }
0x17c: {  	[sflag:s10] =	ssyncadd.s32 $0xFFFFE000  }
0x17d: {  	_ =	swait.ge [sflag:s11], $0x2000  }
0x17e: {  	[sflag:s11] =	ssyncset.done $0x0  }
0x17f: {  	[sflag:s11] =	ssyncadd.s32 $0xFFFFE000  }
0x180: {  	_ =	swait.ge [sflag:s13], $0x2000  }
0x181: {  	s14 =	simm.s32 $0x400;
	s16 =	simm.s32 $0x800;
	[sflag:s13] =	ssyncset.done $0x0  }
.LBB2_10:
0x182: {  	s26 =	sshra.s32 s14, $0x2  }
0x183: {  	[sflag:s13] =	ssyncadd.s32 $0xFFFFE000;
	s14 =	smov.u32 s16;
	s15 =	sadd.s32 $0x400, s16  }
0x184: {  	[tilespmem:s24], [sflag:$0x1] =	stream.indirect.gather [hbm4b:s5+s28], $0x80, s26, s28, $0xb8;
	[tilespmem:$0x1E800] =	vst v63  }
0x185: {  	p1 =	sne.s32 s16, $0x4C00;
	s16 =	sadd.s32 $0x40, s26  }
0x186: {  	[tilespmem:s29], [sflag:$0x2] =	stream.indirect.gather [hbm4b:s5+s28], $0x80, s16, s28, $0xb8;
	[tilespmem:$0x1E800] =	vst v63  }
0x187: {  	s16 =	sadd.s32 $0x80, s26  }
0x188: {  	[tilespmem:s30], [sflag:$0x3] =	stream.indirect.gather [hbm4b:s5+s28], $0x80, s16, s28, $0xb8;
	[tilespmem:$0x1E800] =	vst v63  }
0x189: {  	s16 =	sadd.s32 $0xC0, s26  }
0x18a: {  	[tilespmem:s31], [sflag:$0x4] =	stream.indirect.gather [hbm4b:s5+s28], $0x80, s16, s28, $0xb8;
	[tilespmem:$0x1E800] =	vst v63  }
0x18b: {  	_ =	swait.ge [sflag:s0], $0x2000  }
0x18c: {  	[sflag:s0] =	ssyncset.done $0x0  }
0x18d: {  	s16 =	sadd.s32 $0x1400, s26;
	[sflag:s0] =	ssyncadd.s32 $0xFFFFE000  }
0x18e: {  	[spmem:s1] =	stream.indirect.scatter.add.f32 [tilespmem:s24], [sflag:$0x5], $0x80, s16, s28, $0xb8;
	[tilespmem:$0x1E800] =	vst v63  }
0x18f: {  	_ =	swait.ge [sflag:s6], $0x2000  }
0x190: {  	[sflag:s6] =	ssyncset.done $0x0  }
0x191: {  	s16 =	sadd.s32 $0x1440, s26;
	[sflag:s6] =	ssyncadd.s32 $0xFFFFE000  }
0x192: {  	[spmem:s1] =	stream.indirect.scatter.add.f32 [tilespmem:s29], [sflag:$0x6], $0x80, s16, s28, $0xb8;
	[tilespmem:$0x1E800] =	vst v63  }
0x193: {  	_ =	swait.ge [sflag:s8], $0x2000  }
0x194: {  	[sflag:s8] =	ssyncset.done $0x0  }
0x195: {  	s16 =	sadd.s32 $0x1480, s26;
	[sflag:s8] =	ssyncadd.s32 $0xFFFFE000  }
0x196: {  	[spmem:s1] =	stream.indirect.scatter.add.f32 [tilespmem:s30], [sflag:$0x7], $0x80, s16, s28, $0xb8;
	[tilespmem:$0x1E800] =	vst v63  }
0x197: {  	_ =	swait.ge [sflag:s2], $0x2000  }
0x198: {  	[sflag:s2] =	ssyncset.done $0x0  }
0x199: {  	s16 =	sadd.s32 $0x14C0, s26;
	[sflag:s2] =	ssyncadd.s32 $0xFFFFE000  }
0x19a: {  	[spmem:s1] =	stream.indirect.scatter.add.f32 [tilespmem:s31], [sflag:$0x8], $0x80, s16, s28, $0xb8;
	[tilespmem:$0x1E800] =	vst v63  }
0x19b: {  	_ =	swait.ge [sflag:s9], $0x2000  }
0x19c: {  	[sflag:s9] =	ssyncset.done $0x0  }
0x19d: {  	[sflag:s9] =	ssyncadd.s32 $0xFFFFE000  }
0x19e: {  	_ =	swait.ge [sflag:s10], $0x2000  }
0x19f: {  	[sflag:s10] =	ssyncset.done $0x0  }
0x1a0: {  	[sflag:s10] =	ssyncadd.s32 $0xFFFFE000  }
.Ltmp7:
0x1a1: {  	_ =	swait.ge [sflag:s11], $0x2000;
	(pc) =	sbr.rel @p1 .LBB2_10-.Ltmp7, $4  }
0x1a2: {  	[sflag:s11] =	ssyncset.done $0x0  }
0x1a3: {  	[sflag:s11] =	ssyncadd.s32 $0xFFFFE000  }
0x1a4: {  	_ =	swait.ge [sflag:s13], $0x2000  }
0x1a5: {  	s16 =	smov.u32 s15;
	[sflag:s13] =	ssyncset.done $0x0  }
0x1a6: {  	s14 =	sshra.s32 s14, $0x2;
	[sflag:s13] =	ssyncadd.s32 $0xFFFFE000  }
0x1a7: {  	[tilespmem:s24], [sflag:$0x1] =	stream.indirect.gather [hbm4b:s5+s28], $0x80, s14, s28, $0xb8;
	[tilespmem:$0x1E800] =	vst v63  }
0x1a8: {  	s15 =	sadd.s32 $0x40, s14  }
0x1a9: {  	[tilespmem:s29], [sflag:$0x2] =	stream.indirect.gather [hbm4b:s5+s28], $0x80, s15, s28, $0xb8;
	[tilespmem:$0x1E800] =	vst v63  }
0x1aa: {  	s26 =	sadd.s32 $0x80, s14  }
0x1ab: {  	[tilespmem:s30], [sflag:$0x3] =	stream.indirect.gather [hbm4b:s5+s28], $0x80, s26, s28, $0xb8;
	[tilespmem:$0x1E800] =	vst v63  }
0x1ac: {  	s16 =	sadd.s32 $0xC0, s14  }
0x1ad: {  	[tilespmem:s31], [sflag:$0x4] =	stream.indirect.gather [hbm4b:s5+s28], $0x80, s16, s28, $0xb8;
	[tilespmem:$0x1E800] =	vst v63  }
0x1ae: {  	_ =	swait.ge [sflag:s0], $0x2000  }
0x1af: {  	[sflag:s0] =	ssyncset.done $0x0  }
0x1b0: {  	s26 =	sadd.s32 $0x1400, s14;
	[sflag:s0] =	ssyncadd.s32 $0xFFFFE000  }
0x1b1: {  	[spmem:s1] =	stream.indirect.scatter.add.f32 [tilespmem:s24], [sflag:$0x5], $0x80, s26, s28, $0xb8;
	[tilespmem:$0x1E800] =	vst v63  }
0x1b2: {  	_ =	swait.ge [sflag:s6], $0x2000  }
0x1b3: {  	[sflag:s6] =	ssyncset.done $0x0  }
0x1b4: {  	s16 =	sadd.s32 $0x1440, s14;
	[sflag:s6] =	ssyncadd.s32 $0xFFFFE000  }
0x1b5: {  	[spmem:s1] =	stream.indirect.scatter.add.f32 [tilespmem:s29], [sflag:$0x6], $0x80, s16, s28, $0xb8;
	[tilespmem:$0x1E800] =	vst v63  }
0x1b6: {  	_ =	swait.ge [sflag:s8], $0x2000  }
0x1b7: {  	[sflag:s8] =	ssyncset.done $0x0  }
0x1b8: {  	s26 =	sadd.s32 $0x1480, s14;
	[sflag:s8] =	ssyncadd.s32 $0xFFFFE000  }
0x1b9: {  	[spmem:s1] =	stream.indirect.scatter.add.f32 [tilespmem:s30], [sflag:$0x7], $0x80, s26, s28, $0xb8;
	[tilespmem:$0x1E800] =	vst v63  }
0x1ba: {  	_ =	swait.ge [sflag:s2], $0x2000  }
0x1bb: {  	[sflag:s2] =	ssyncset.done $0x0  }
0x1bc: {  	s14 =	sadd.s32 $0x14C0, s14;
	[sflag:s2] =	ssyncadd.s32 $0xFFFFE000  }
0x1bd: {  	[spmem:s1] =	stream.indirect.scatter.add.f32 [tilespmem:s31], [sflag:$0x8], $0x80, s14, s28, $0xb8;
	[tilespmem:$0x1E800] =	vst v63  }
0x1be: {  	_ =	swait.ge [sflag:s9], $0x2000  }
0x1bf: {  	[sflag:s9] =	ssyncset.done $0x0  }
0x1c0: {  	[sflag:s9] =	ssyncadd.s32 $0xFFFFE000  }
0x1c1: {  	_ =	swait.ge [sflag:s10], $0x2000  }
0x1c2: {  	[sflag:s10] =	ssyncset.done $0x0  }
0x1c3: {  	[sflag:s10] =	ssyncadd.s32 $0xFFFFE000  }
0x1c4: {  	_ =	swait.ge [sflag:s11], $0x2000  }
0x1c5: {  	[sflag:s11] =	ssyncset.done $0x0  }
0x1c6: {  	[sflag:s11] =	ssyncadd.s32 $0xFFFFE000  }
0x1c7: {  	_ =	swait.ge [sflag:s13], $0x2000  }
0x1c8: {  	[sflag:s13] =	ssyncset.done $0x0  }
0x1c9: {  	s16 =	simm.s32 $0x0;
	[sflag:s13] =	ssyncadd.s32 $0xFFFFE000  }
0x1ca: {  	[tilespmem:s16], [sflag:$0x9] =	stream.linear.gather [hbm4b:s21+s16], $0x1400, $0x38;
	[tilespmem:$0x1E800] =	vst v63  }
0x1cb: {  	_ =	swait.ge [sflag:s25], $0x1400  }
0x1cc: {  	[sflag:s25] =	ssyncset.done $0x0  }
0x1cd: {  	s26 =	simm.s32 $0x1400;
	[sflag:s25] =	ssyncadd.s32 $0xFFFFEC00  }
0x1ce: {  	[tilespmem:s26], [sflag:$0x9] =	stream.linear.gather [hbm4b:s22+s16], $0x1400, $0x38;
	[tilespmem:$0x1E800] =	vst v63  }
0x1cf: {  	_ =	swait.ge [sflag:s25], $0x1400  }
0x1d0: {  	[sflag:s25] =	ssyncset.done $0x0  }
0x1d1: {  	s16 =	simm.s32 $0x0;
	[sflag:s25] =	ssyncadd.s32 $0xFFFFEC00  }
0x1d2: {  	[tilespmem:s24], [sflag:$0x1] =	stream.indirect.gather [hbm4b:s5+s28], $0x80, s16, s28, $0xb8;
	[tilespmem:$0x1E800] =	vst v63  }
0x1d3: {  	s26 =	simm.s32 $0x40  }
0x1d4: {  	[tilespmem:s29], [sflag:$0x2] =	stream.indirect.gather [hbm4b:s5+s28], $0x80, s26, s28, $0xb8;
	[tilespmem:$0x1E800] =	vst v63  }
0x1d5: {  	s15 =	simm.s32 $0x80  }
0x1d6: {  	[tilespmem:s30], [sflag:$0x3] =	stream.indirect.gather [hbm4b:s5+s28], $0x80, s15, s28, $0xb8;
	[tilespmem:$0x1E800] =	vst v63  }
0x1d7: {  	s16 =	simm.s32 $0xC0  }
0x1d8: {  	[tilespmem:s31], [sflag:$0x4] =	stream.indirect.gather [hbm4b:s5+s28], $0x80, s16, s28, $0xb8;
	[tilespmem:$0x1E800] =	vst v63  }
0x1d9: {  	_ =	swait.ge [sflag:s0], $0x2000  }
0x1da: {  	[sflag:s0] =	ssyncset.done $0x0  }
0x1db: {  	s26 =	simm.s32 $0x1400;
	[sflag:s0] =	ssyncadd.s32 $0xFFFFE000  }
0x1dc: {  	[spmem:s1] =	stream.indirect.scatter.add.f32 [tilespmem:s24], [sflag:$0x5], $0x80, s26, s28, $0xb8;
	[tilespmem:$0x1E800] =	vst v63  }
0x1dd: {  	_ =	swait.ge [sflag:s6], $0x2000  }
0x1de: {  	[sflag:s6] =	ssyncset.done $0x0  }
0x1df: {  	s15 =	simm.s32 $0x1440;
	[sflag:s6] =	ssyncadd.s32 $0xFFFFE000  }
0x1e0: {  	[spmem:s1] =	stream.indirect.scatter.add.f32 [tilespmem:s29], [sflag:$0x6], $0x80, s15, s28, $0xb8;
	[tilespmem:$0x1E800] =	vst v63  }
0x1e1: {  	_ =	swait.ge [sflag:s8], $0x2000  }
0x1e2: {  	[sflag:s8] =	ssyncset.done $0x0  }
0x1e3: {  	s16 =	simm.s32 $0x1480;
	[sflag:s8] =	ssyncadd.s32 $0xFFFFE000  }
0x1e4: {  	[spmem:s1] =	stream.indirect.scatter.add.f32 [tilespmem:s30], [sflag:$0x7], $0x80, s16, s28, $0xb8;
	[tilespmem:$0x1E800] =	vst v63  }
0x1e5: {  	_ =	swait.ge [sflag:s2], $0x2000  }
0x1e6: {  	[sflag:s2] =	ssyncset.done $0x0  }
0x1e7: {  	s26 =	simm.s32 $0x14C0;
	[sflag:s2] =	ssyncadd.s32 $0xFFFFE000  }
0x1e8: {  	[spmem:s1] =	stream.indirect.scatter.add.f32 [tilespmem:s31], [sflag:$0x8], $0x80, s26, s28, $0xb8;
	[tilespmem:$0x1E800] =	vst v63  }
0x1e9: {  	_ =	swait.ge [sflag:s9], $0x2000  }
0x1ea: {  	[sflag:s9] =	ssyncset.done $0x0  }
0x1eb: {  	[sflag:s9] =	ssyncadd.s32 $0xFFFFE000  }
0x1ec: {  	_ =	swait.ge [sflag:s10], $0x2000  }
0x1ed: {  	[sflag:s10] =	ssyncset.done $0x0  }
0x1ee: {  	[sflag:s10] =	ssyncadd.s32 $0xFFFFE000  }
0x1ef: {  	_ =	swait.ge [sflag:s11], $0x2000  }
0x1f0: {  	[sflag:s11] =	ssyncset.done $0x0  }
0x1f1: {  	[sflag:s11] =	ssyncadd.s32 $0xFFFFE000  }
0x1f2: {  	_ =	swait.ge [sflag:s13], $0x2000  }
0x1f3: {  	s14 =	simm.s32 $0x400;
	s16 =	simm.s32 $0x800;
	[sflag:s13] =	ssyncset.done $0x0  }
.LBB2_12:
0x1f4: {  	s26 =	sshra.s32 s14, $0x2  }
0x1f5: {  	[sflag:s13] =	ssyncadd.s32 $0xFFFFE000;
	s14 =	smov.u32 s16;
	s15 =	sadd.s32 $0x400, s16  }
0x1f6: {  	[tilespmem:s24], [sflag:$0x1] =	stream.indirect.gather [hbm4b:s5+s28], $0x80, s26, s28, $0xb8;
	[tilespmem:$0x1E800] =	vst v63  }
0x1f7: {  	p1 =	sne.s32 s16, $0x4C00;
	s16 =	sadd.s32 $0x40, s26  }
0x1f8: {  	[tilespmem:s29], [sflag:$0x2] =	stream.indirect.gather [hbm4b:s5+s28], $0x80, s16, s28, $0xb8;
	[tilespmem:$0x1E800] =	vst v63  }
0x1f9: {  	s16 =	sadd.s32 $0x80, s26  }
0x1fa: {  	[tilespmem:s30], [sflag:$0x3] =	stream.indirect.gather [hbm4b:s5+s28], $0x80, s16, s28, $0xb8;
	[tilespmem:$0x1E800] =	vst v63  }
0x1fb: {  	s16 =	sadd.s32 $0xC0, s26  }
0x1fc: {  	[tilespmem:s31], [sflag:$0x4] =	stream.indirect.gather [hbm4b:s5+s28], $0x80, s16, s28, $0xb8;
	[tilespmem:$0x1E800] =	vst v63  }
0x1fd: {  	_ =	swait.ge [sflag:s0], $0x2000  }
0x1fe: {  	[sflag:s0] =	ssyncset.done $0x0  }
0x1ff: {  	s16 =	sadd.s32 $0x1400, s26;
	[sflag:s0] =	ssyncadd.s32 $0xFFFFE000  }
0x200: {  	[spmem:s1] =	stream.indirect.scatter.add.f32 [tilespmem:s24], [sflag:$0x5], $0x80, s16, s28, $0xb8;
	[tilespmem:$0x1E800] =	vst v63  }
0x201: {  	_ =	swait.ge [sflag:s6], $0x2000  }
0x202: {  	[sflag:s6] =	ssyncset.done $0x0  }
0x203: {  	s16 =	sadd.s32 $0x1440, s26;
	[sflag:s6] =	ssyncadd.s32 $0xFFFFE000  }
0x204: {  	[spmem:s1] =	stream.indirect.scatter.add.f32 [tilespmem:s29], [sflag:$0x6], $0x80, s16, s28, $0xb8;
	[tilespmem:$0x1E800] =	vst v63  }
0x205: {  	_ =	swait.ge [sflag:s8], $0x2000  }
0x206: {  	[sflag:s8] =	ssyncset.done $0x0  }
0x207: {  	s16 =	sadd.s32 $0x1480, s26;
	[sflag:s8] =	ssyncadd.s32 $0xFFFFE000  }
0x208: {  	[spmem:s1] =	stream.indirect.scatter.add.f32 [tilespmem:s30], [sflag:$0x7], $0x80, s16, s28, $0xb8;
	[tilespmem:$0x1E800] =	vst v63  }
0x209: {  	_ =	swait.ge [sflag:s2], $0x2000  }
0x20a: {  	[sflag:s2] =	ssyncset.done $0x0  }
0x20b: {  	s16 =	sadd.s32 $0x14C0, s26;
	[sflag:s2] =	ssyncadd.s32 $0xFFFFE000  }
0x20c: {  	[spmem:s1] =	stream.indirect.scatter.add.f32 [tilespmem:s31], [sflag:$0x8], $0x80, s16, s28, $0xb8;
	[tilespmem:$0x1E800] =	vst v63  }
0x20d: {  	_ =	swait.ge [sflag:s9], $0x2000  }
0x20e: {  	[sflag:s9] =	ssyncset.done $0x0  }
0x20f: {  	[sflag:s9] =	ssyncadd.s32 $0xFFFFE000  }
0x210: {  	_ =	swait.ge [sflag:s10], $0x2000  }
0x211: {  	[sflag:s10] =	ssyncset.done $0x0  }
0x212: {  	[sflag:s10] =	ssyncadd.s32 $0xFFFFE000  }
.Ltmp8:
0x213: {  	_ =	swait.ge [sflag:s11], $0x2000;
	(pc) =	sbr.rel @p1 .LBB2_12-.Ltmp8, $4  }
0x214: {  	[sflag:s11] =	ssyncset.done $0x0  }
0x215: {  	[sflag:s11] =	ssyncadd.s32 $0xFFFFE000  }
0x216: {  	_ =	swait.ge [sflag:s13], $0x2000  }
0x217: {  	s16 =	smov.u32 s15;
	[sflag:s13] =	ssyncset.done $0x0  }
.Ltmp9:
0x218: {  	_ = 	snop;
	(pc) =	sbr.rel .LBB2_13-.Ltmp9, $1  }
0x219: {  	_ =	sdelay $0x3  }
.LBB2_15:
0x21a: {  	_ =	sfence.sel $0x180000  }
0x21b: {  	[bflag:$0x0] =	sbarrier.arrive $0xFFFF  }
0x21c: {  	_ =	strace $0x9000004A  }
0x21d: {  	s0 =	stileid.u32;
	[bflag:$0x2] =	sbarrier.arrive $0xFFFF  }
0x21e: {  	p0 =	sne.s32 s0, $0x0;
	s0 =	rddreg [dreg:$0x2]  }
0x21f: {  	s0 =	sadd.s32 @!p0 $0x100000, s0  }
0x220: {  	[sflag:s0] =	ssyncadd.tile.s32 @!p0 $0x1;
	_ =	shalt  }
.Lfunc_end2:
_tile_overlayer_lowered:
.L_overlay_start_2:
0x221: {  	(tag) =	ssettag $0x2  }
0x222: {  	s0 =	rddreg [dreg:$0x0];
	s2 =	stileid.u32  }
0x223: {  	s1 =	rddreg [dreg:$0x1];
	p0 =	sne.s32 s2, $0x0  }
0x224: {  	s3 =	rddreg [dreg:$0x2];
	[bflag:$0x3] =	sbarrier.arrive $0xFFFF;
	s2 =	simm.s32 @!p0 $0x1C09  }
0x225: {  	[timem:s3], [sflag:s2] =	dma.local @!p0 [hbm:s0], s1  }
0x226: {  	s0 =	simm.s32 @!p0 $0x9  }
0x227: {  	_ =	swait.ge @!p0 [sflag:s0], s1  }
0x228: {  	s1 =	ssub.s32 @!p0 $0x0, s1;
	[sflag:s0] =	ssyncset.done @!p0 $0x0  }
0x229: {  	[sflag:s0] =	ssyncadd.s32 @!p0 s1  }
0x22a: {  	[bflag:$0x3] =	sbarrier.arrive $0xFFFF  }
0x22b: {  	_ =	shalt  }

// kernel: kernel.14.cloned.1.call-start
scs
__scs_entry_jumppad:
0x0: {  	(pc) =	sbr.rel $0x88, $3  }
0x1: {  	(tag) =	ssettag $0x0;
	lr =	simm.s32 $0x1  }
0x2: {  	[smem:$0x3F9B] =	sst lr;
	_ =	strace $0xD0000000  }
0x3: {  	_ = 	snop  }
0x4: {  	_ = 	snop  }
0x5: {  	_ = 	snop  }
0x6: {  	_ = 	snop  }
0x7: {  	_ = 	snop  }
__scs_overlays_trampoline_lowered:
0x8: {  	[smem:$0x3FAA] =	sst s0  }
0x9: {  	[smem:$0x3FAB] =	sst s1  }
0xa: {  	[smem:$0x3FAC] =	sst s2  }
0xb: {  	[smem:$0x3FAD] =	sst s3  }
0xc: {  	[smem:$0x3FAE] =	sst s4  }
0xd: {  	[smem:$0x3FAF] =	sst s5  }
0xe: {  	[smem:$0x3FB0] =	sst s6  }
0xf: {  	[smem:$0x3FB1] =	sst s7  }
0x10: {  	[smem:$0x3FB2] =	sst s8  }
0x11: {  	[smem:$0x3FB3] =	sst s9;
	s0 =	simm.s32 @!p0 $0x0  }
0x12: {  	s1 =	sld [smem:$0x3F99];
	s0 =	simm.s32 @p0 $0x1  }
0x13: {  	[smem:$0x3FB4] =	sst s0;
	s0 =	simm.s32 @!p1 $0x0  }
0x14: {  	s2 =	sld [smem:$0x3F98];
	s0 =	simm.s32 @p1 $0x1  }
0x15: {  	[smem:$0x3FB5] =	sst s0;
	s0 =	simm.s32 @!p2 $0x0  }
0x16: {  	s3 =	sld [smem:$0x3FDB];
	s0 =	simm.s32 @p2 $0x1  }
0x17: {  	s4 =	simm.s32 $0x1BF5;
	[smem:$0x3FB7] =	sst s0  }
0x18: {  	s0 =	sld [smem:$0x3F9A];
	_ =	swait.ge [sflag:s4], $0x0  }
0x19: {  	s7 =	sld [smem:$0x3F9B]  }
0x1a: {  	s8 =	sadd.s32 $0xFFFFE003, lr  }
0x1b: {  	s9 =	sadd.s32 $0xFFFFFEF7, lr;
	s5 =	simm.s32 $0xFFFFFFFF;
	p2 =	slt.u32 s8, $0xFFFFF086  }
0x1c: {  	p1 =	slt.u32 s9, $0xF7A;
	s5 =	simm.s32 @!p2 $0x0  }
0x1d: {  	s5 =	simm.s32 @p1 $0x1;
	p0 =	seq.s32 s7, s2  }
0x1e: {  	s7 =	smul.u32 @!p0 $0xF7A, s2;
	p2 =	seq.s32 @!p0 s5, $0x0  }
0x1f: {  	s9 =	smul.u32 $0xF7A, s1;
	s8 =	simm.s32 @!p0 $0x1BF5;
	p2 =	por !p2, p0  }
0x20: {  	[sflag:s8] =	ssyncset.s32 @!p0 $0xFFFFF086;
	s6 =	sadd.s32 @!p0 s3, s7;
	s7 =	simm.s32 @!p0 $0x108  }
0x21: {  	s3 =	sadd.s32 s3, s9;
	s6 =	sadd.s32 @!p0 $0x88, s6;
	s7 =	simm.s32 @p2 $0x1082  }
0x22: {  	[simem:s7], [sflag:s8] =	dma.local @!p0 [hbm:s6], $0xF7A  }
0x23: {  	s9 =	sor.u32 $0xD0000000, s2;
	s6 =	simm.s32 $0x108;
	_ =	swait.ge @!p0 [sflag:s8], $0x0  }
0x24: {  	s3 =	sadd.s32 $0x88, s3;
	s6 =	simm.s32 @!p1 $0x1082;
	[sflag:s4] =	ssyncset.s32 $0xFFFFF086  }
0x25: {  	[simem:s6], [sflag:s4] =	dma.local [hbm:s3], $0xF7A  }
0x26: {  	[smem:$0x3F9B] =	sst s1;
	(tag) =	ssettag s2;
	_ =	strace s9  }
0x27: {  	s1 =	sld [smem:$0x3FAB]  }
0x28: {  	s2 =	sld [smem:$0x3FAC]  }
0x29: {  	s4 =	sld [smem:$0x3FAE]  }
0x2a: {  	p0 =	seq.s32 s5, $0x0;
	s5 =	sld [smem:$0x3FAF]  }
0x2b: {  	s6 =	sld [smem:$0x3FB0]  }
0x2c: {  	s7 =	sld [smem:$0x3FB1]  }
0x2d: {  	s3 =	simm.s32 $0x108;
	s8 =	sld [smem:$0x3FB2]  }
0x2e: {  	s3 =	simm.s32 @!p0 $0x1082;
	s9 =	sld [smem:$0x3FB3]  }
0x2f: {  	lr =	sadd.s32 s0, s3;
	s0 =	sld [smem:$0x3FAA]  }
0x30: {  	s3 =	sld [smem:$0x3FAD]  }
0x31: {  	[smem:$0x3FB6] =	sst s10  }
0x32: {  	s10 =	sld [smem:$0x3FB4];
	_ =	sdelay $0x3  }
0x33: {  	p0 =	seq.s32 s10, $0x1;
	s10 =	sld [smem:$0x3FB6];
	_ =	sdelay $0x3  }
0x34: {  	[smem:$0x3FB6] =	sst s10  }
0x35: {  	s10 =	sld [smem:$0x3FB5];
	_ =	sdelay $0x3  }
0x36: {  	p1 =	seq.s32 s10, $0x1;
	s10 =	sld [smem:$0x3FB6];
	_ =	sdelay $0x3  }
0x37: {  	[smem:$0x3FB6] =	sst s10  }
0x38: {  	s10 =	sld [smem:$0x3FB7]  }
0x39: {  	_ = 	snop;
	(pc) =	sbr.ind lr, $3  }
0x3a: {  	_ = 	snop  }
0x3b: {  	_ = 	snop  }
0x3c: {  	p2 =	seq.s32 s10, $0x1;
	s10 =	sld [smem:$0x3FB6]  }
0x3d: {  	_ =	shalt  }
0x3e: {  	_ =	shalt  }
0x3f: {  	_ =	shalt  }
0x40: {  	_ =	shalt  }
0x41: {  	_ =	shalt  }
0x42: {  	_ =	shalt  }
0x43: {  	_ =	shalt  }
0x44: {  	_ =	shalt  }
0x45: {  	_ =	shalt  }
0x46: {  	_ =	shalt  }
0x47: {  	_ =	shalt  }
0x48: {  	_ =	shalt  }
0x49: {  	_ =	shalt  }
0x4a: {  	_ =	shalt  }
0x4b: {  	_ =	shalt  }
0x4c: {  	_ =	shalt  }
0x4d: {  	_ =	shalt  }
0x4e: {  	_ =	shalt  }
0x4f: {  	_ =	shalt  }
0x50: {  	_ =	shalt  }
0x51: {  	_ =	shalt  }
0x52: {  	_ =	shalt  }
0x53: {  	_ =	shalt  }
0x54: {  	_ =	shalt  }
0x55: {  	_ =	shalt  }
0x56: {  	_ =	shalt  }
0x57: {  	_ =	shalt  }
0x58: {  	_ =	shalt  }
0x59: {  	_ =	shalt  }
0x5a: {  	_ =	shalt  }
0x5b: {  	_ =	shalt  }
0x5c: {  	_ =	shalt  }
0x5d: {  	_ =	shalt  }
0x5e: {  	_ =	shalt  }
0x5f: {  	_ =	shalt  }
0x60: {  	_ =	shalt  }
0x61: {  	_ =	shalt  }
0x62: {  	_ =	shalt  }
0x63: {  	_ =	shalt  }
0x64: {  	_ =	shalt  }
0x65: {  	_ =	shalt  }
0x66: {  	_ =	shalt  }
0x67: {  	_ =	shalt  }
0x68: {  	_ =	shalt  }
0x69: {  	_ =	shalt  }
0x6a: {  	_ =	shalt  }
0x6b: {  	_ =	shalt  }
0x6c: {  	_ =	shalt  }
0x6d: {  	_ =	shalt  }
0x6e: {  	_ =	shalt  }
0x6f: {  	_ =	shalt  }
0x70: {  	_ =	shalt  }
0x71: {  	_ =	shalt  }
0x72: {  	_ =	shalt  }
0x73: {  	_ =	shalt  }
0x74: {  	_ =	shalt  }
0x75: {  	_ =	shalt  }
0x76: {  	_ =	shalt  }
0x77: {  	_ =	shalt  }
0x78: {  	_ =	shalt  }
0x79: {  	_ =	shalt  }
0x7a: {  	_ =	shalt  }
0x7b: {  	_ =	shalt  }
0x7c: {  	_ =	shalt  }
0x7d: {  	_ =	shalt  }
0x7e: {  	_ =	shalt  }
0x7f: {  	_ =	shalt  }
0x80: {  	_ =	shalt  }
0x81: {  	_ =	shalt  }
0x82: {  	_ =	shalt  }
0x83: {  	_ =	shalt  }
0x84: {  	_ =	shalt  }
0x85: {  	_ =	shalt  }
0x86: {  	_ =	shalt  }
0x87: {  	_ =	shalt  }
.Lfunc_end0:
.L_simem_size_0:
called_computation.2_lowered:
.L_overlay_start_0:
0x88: {  	s2 =	sld [smem:$0x3FD9]  }
0x89: {  	s3 =	sld [smem:$0x3FFE];
	_ =	sdelay $0x1  }
0x8a: {  	s1 =	srdreg.scid  }
0x8b: {  	s0 =	sand.u32 $0x1, s1  }
0x8c: {  	s17 =	sshll.u32 s0, $0xA;
	s2 =	sadd.s32 s3, s2  }
0x8d: {  	s2 =	sadd.s32 s2, s17  }
0x8e: {  	[smem:$0x3FC2] =	sst s2  }
0x8f: {  	_ = 	snop  }
0x90: {  	s2 =	sld [smem:$0x3FD0];
	(tm) =	ssettm $0x1  }
0x91: {  	s18 =	sld [smem:$0x3FFB];
	_ =	sdelay $0x3  }
0x92: {  	_ =	strace s18  }
0x93: {  	s3 =	sld [smem:$0x3FFC];
	_ =	sdelay $0x3  }
0x94: {  	_ =	strace s3  }
0x95: {  	s3 =	sld [smem:$0x3FFD];
	_ =	sdelay $0x3  }
0x96: {  	_ =	strace s3  }
0x97: {  	_ =	strace $0x8FFFFFFF  }
0x98: {  	s19 =	sld [smem:$0x3FDB];
	_ =	sdelay $0x1  }
0x99: {  	s4 =	simm.s32 $_scs_section_size  }
0x9a: {  	s5 =	simm.s32 $_size__tile_overlayer_lowered;
	s6 =	simm.s32 $_tile_overlayer_lowered  }
0x9b: {  	s22 =	simm.s32 $0x1BFF;
	s21 =	sshll.u32 s6, $0x1;
	s3 =	sadd.s32 s4, s19  }
0x9c: {  	s7 =	simm.s32 $0x0;
	s20 =	sshll.u32 s5, $0x1;
	s5 =	sadd.s32 s21, s3  }
0x9d: {  	[timem:s7], [sflag:s22] =	dma.local [hbm:s5], s20  }
0x9e: {  	_ =	swait.ge [sflag:s22], s20  }
0x9f: {  	s4 =	ssub.s32 $0x0, s20;
	[sflag:s22] =	ssyncset.done $0x0  }
0xa0: {  	[sflag:s22] =	ssyncadd.s32 s4;
	_ =	sdelay $0x1  }
0xa1: {  	s23 =	simm.s32 $0x1B8B  }
0xa2: {  	_ =	swait.ge [sflag:s23], $0x1  }
0xa3: {  	[sflag:s23] =	ssyncset.done $0x0  }
0xa4: {  	s25 =	simm.s32 $0x1B8E;
	s24 =	sld [smem:$0x3FFE];
	[sflag:s23] =	ssyncadd.s32 $0xFFFFFFFF  }
0xa5: {  	s26 =	simm.s32 $execute0_lowered;
	[smem:$0x3FD2] =	sst s25  }
0xa6: {  	s5 =	sshll.u32 s26, $0x1;
	_ =	strace $0x8000004C;
	[dreg:$0x1] =	wrdreg $0xFFFFFFFF  }
0xa7: {  	s28 =	simm.s32 $_size_execute0_lowered;
	s3 =	sadd.s32 s3, s5;
	[dreg:$0x0] =	wrdreg $0x0  }
0xa8: {  	s5 =	sshll.u32 s28, $0x1;
	[dreg:$0x2] =	wrdreg s3  }
0xa9: {  	[dreg:$0x3] =	wrdreg s5  }
0xaa: {  	[dreg:$0x4] =	wrdreg $0xC0  }
0xab: {  	_ =	task [dreg:s7], $0x5FFFF  }
0xac: {  	[dreg:$0x1] =	wrdreg $0xFFFFFFFF  }
0xad: {  	[dreg:$0x0] =	wrdreg $0x60  }
0xae: {  	[dreg:$0x2] =	wrdreg s24  }
0xaf: {  	[dreg:$0x3] =	wrdreg s2  }
0xb0: {  	[dreg:$0x4] =	wrdreg $0xA8000  }
0xb1: {  	[dreg:$0x5] =	wrdreg $0x9  }
0xb2: {  	_ =	task.clear_ibuf [dreg:s7], $0x6FFFF;
	_ =	strace $0x9000004C  }
0xb3: {  	s29 =	simm.s32 $0x9;
	_ =	strace $0x8000004E  }
0xb4: {  	_ =	swait.ge [sflag:s29], $0x1  }
0xb5: {  	[sflag:s29] =	ssyncadd.s32 $0xFFFFFFFF  }
0xb6: {  	_ =	strace $0x9000004E  }
0xb7: {  	_ =	sfence  }
0xb8: {  	s30 =	sld [smem:$0x0];
	_ =	sdelay $0x2  }
0xb9: {  	s31 =	sshll.u32 s1, $0xD;
	s1 =	sshrl.u32 s1, $0x2  }
0xba: {  	s3 =	sand.u32 $0x4000, s31;
	s1 =	sadd.s32 s1, s30  }
0xbb: {  	s0 =	sor.u32 s3, s0;
	s1 =	sshll.u32 s1, $0x11  }
0xbc: {  	s0 =	sor.u32 s1, s0  }
0xbd: {  	s0 =	sadd.s32 $0x8F2B, s0  }
0xbe: {  	[sflag:s0] =	ssyncadd.remote.s32 $0x1  }
0xbf: {  	_ =	sfence.sel $0xFFFF  }
0xc0: {  	[dreg:$0x0] =	wrdreg $0xFFFFFFFF;
	(pc) =	sbr.abs _section_cstart, $3  }
0xc1: {  	[dreg:$0x1] =	wrdreg $0xFFFFFFFF  }
0xc2: {  	_ =	task.clear_ibuf [dreg:s7], $0x2FFFF;
	_ =	strace $0x9FFFFFFF  }
0xc3: {  	(tm) =	ssettm $0x7FFFFFFF  }
tec
execute0_lowered:
.L_overlay_start_1:
0x0: {  	(tag) =	ssettag $0x1  }
0x1: {  	s0 =	rddreg [dreg:$0x0]  }
0x2: {  	s3 =	rddreg [dreg:$0x2];
	s4 =	simm.s32 $0x0;
	s13 =	stileid.u32  }
0x3: {  	s1 =	srdreg.scid;
	s28 =	simm.s32 $0x40;
	s29 =	simm.s32 $0x4800  }
0x4: {  	s30 =	simm.s32 $0x6800;
	s31 =	simm.s32 $0x8800;
	[smem:$0x7FF] =	sst s4  }
0x5: {  	s2 =	smul.u32 $0x50000, s13;
	s5 =	sadd.s32 $0xAA000, s0;
	s6 =	sadd.s32 $0xD1200, s0  }
0x6: {  	s1 =	sand.u32 $0x1, s1;
	s8 =	sadd.s32 $0x3A00, s0;
	s12 =	smul.u32 $0x2800, s13  }
0x7: {  	s10 =	sadd.s32 $0x8A00, s0;
	s0 =	sadd.s32 $0xF8400, s0;
	s25 =	smul.u32 $0x500, s13  }
0x8: {  	s13 =	simm.s32 $0x8;
	_ =	strace $0x8000004D;
	s9 =	ssub.s32 $0x2, s1  }
0x9: {  	[dreg:$0x4] =	wrdreg s0;
	p0 =	sne.s32 s1, $0x0;
	s2 =	sshrl.u32 s2, $0x2  }
0xa: {  	s0 =	simm.s32 $0x1;
	s1 =	simm.s32 $0x2;
	s7 =	sadd.s32 s2, s3  }
0xb: {  	s11 =	sshrl.u32 s9, $0x1;
	s26 =	sshrl.u32 s12, $0x3;
	s2 =	sadd.s32 $0x2000, s7  }
0xc: {  	s16 =	ssub.s32 s9, s11;
	s19 =	sadd.s32 $0x4000, s7;
	[dreg:$0x5] =	wrdreg s2  }
0xd: {  	s9 =	sadd.s32 $0x280, s26;
	s20 =	sadd.s32 $0x6000, s7;
	[dreg:$0x6] =	wrdreg s19  }
0xe: {  	s11 =	simm.s32 $0x7;
	s21 =	sadd.s32 $0x8000, s7;
	[dreg:$0x7] =	wrdreg s20  }
0xf: {  	s22 =	sadd.s32 $0xA000, s7;
	s23 =	sadd.s32 $0xC000, s7;
	[dreg:$0x8] =	wrdreg s21  }
0x10: {  	s24 =	sadd.s32 $0xE000, s7;
	s17 =	sadd.s32 $0x10000, s7;
	[dreg:$0x9] =	wrdreg s22  }
.Ltmp0:
0x11: {  	s18 =	sadd.s32 $0x12000, s7;
	[dreg:$0xa] =	wrdreg s23;
	(pc) =	sbr.rel .LBB2_1-.Ltmp0, $4  }
0x12: {  	[dreg:$0xb] =	wrdreg s24;
	s19 =	sadd.s32 s8, s25;
	s20 =	sadd.s32 s10, s25  }
0x13: {  	s21 =	sadd.s32 s8, s9;
	s22 =	sadd.s32 s10, s9;
	s23 =	smax.u32 s16, $0x1  }
0x14: {  	s24 =	simm.s32 $0x2800;
	s25 =	simm.s32 $0x9;
	s8 =	simm.s32 $0x3  }
0x15: {  	v0 =	vimm.f32 $0.0e+00;
	s2 =	simm.s32 $0x4;
	s9 =	simm.s32 $0x5;
	s10 =	simm.s32 $0x6  }
.LBB2_13:
0x16: {  	s14 =	sshra.s32 s14, $0x2;
	[sflag:s13] =	ssyncadd.s32 $0xFFFFE000  }
0x17: {  	[tilespmem:s24], [sflag:$0x1] =	stream.indirect.gather [hbm4b:s6+s28], $0x80, s14, s28, $0xb8;
	[tilespmem:$0x1E800] =	vst v63  }
0x18: {  	s15 =	sadd.s32 $0x40, s14  }
0x19: {  	[tilespmem:s29], [sflag:$0x2] =	stream.indirect.gather [hbm4b:s6+s28], $0x80, s15, s28, $0xb8;
	[tilespmem:$0x1E800] =	vst v63  }
0x1a: {  	s26 =	sadd.s32 $0x80, s14  }
0x1b: {  	[tilespmem:s30], [sflag:$0x3] =	stream.indirect.gather [hbm4b:s6+s28], $0x80, s26, s28, $0xb8;
	[tilespmem:$0x1E800] =	vst v63  }
0x1c: {  	s16 =	sadd.s32 $0xC0, s14  }
0x1d: {  	[tilespmem:s31], [sflag:$0x4] =	stream.indirect.gather [hbm4b:s6+s28], $0x80, s16, s28, $0xb8;
	[tilespmem:$0x1E800] =	vst v63  }
0x1e: {  	_ =	swait.ge [sflag:s0], $0x2000  }
0x1f: {  	[sflag:s0] =	ssyncset.done $0x0  }
0x20: {  	s26 =	sadd.s32 $0x1400, s14;
	[sflag:s0] =	ssyncadd.s32 $0xFFFFE000  }
0x21: {  	[spmem:s3] =	stream.indirect.scatter.add.f32 [tilespmem:s24], [sflag:$0x5], $0x80, s26, s28, $0xb8;
	[tilespmem:$0x1E800] =	vst v63  }
0x22: {  	_ =	swait.ge [sflag:s1], $0x2000  }
0x23: {  	[sflag:s1] =	ssyncset.done $0x0  }
0x24: {  	s16 =	sadd.s32 $0x1440, s14;
	[sflag:s1] =	ssyncadd.s32 $0xFFFFE000  }
0x25: {  	[spmem:s3] =	stream.indirect.scatter.add.f32 [tilespmem:s29], [sflag:$0x6], $0x80, s16, s28, $0xb8;
	[tilespmem:$0x1E800] =	vst v63  }
0x26: {  	_ =	swait.ge [sflag:s8], $0x2000  }
0x27: {  	[sflag:s8] =	ssyncset.done $0x0  }
0x28: {  	s26 =	sadd.s32 $0x1480, s14;
	[sflag:s8] =	ssyncadd.s32 $0xFFFFE000  }
0x29: {  	[spmem:s3] =	stream.indirect.scatter.add.f32 [tilespmem:s30], [sflag:$0x7], $0x80, s26, s28, $0xb8;
	[tilespmem:$0x1E800] =	vst v63  }
0x2a: {  	_ =	swait.ge [sflag:s2], $0x2000  }
0x2b: {  	[sflag:s2] =	ssyncset.done $0x0  }
0x2c: {  	s14 =	sadd.s32 $0x14C0, s14;
	[sflag:s2] =	ssyncadd.s32 $0xFFFFE000  }
0x2d: {  	[spmem:s3] =	stream.indirect.scatter.add.f32 [tilespmem:s31], [sflag:$0x8], $0x80, s14, s28, $0xb8;
	[tilespmem:$0x1E800] =	vst v63  }
0x2e: {  	_ =	swait.ge [sflag:s9], $0x2000  }
0x2f: {  	[sflag:s9] =	ssyncset.done $0x0  }
0x30: {  	[sflag:s9] =	ssyncadd.s32 $0xFFFFE000  }
0x31: {  	_ =	swait.ge [sflag:s10], $0x2000  }
0x32: {  	[sflag:s10] =	ssyncset.done $0x0  }
0x33: {  	[sflag:s10] =	ssyncadd.s32 $0xFFFFE000  }
0x34: {  	_ =	swait.ge [sflag:s11], $0x2000  }
0x35: {  	[sflag:s11] =	ssyncset.done $0x0  }
0x36: {  	[sflag:s11] =	ssyncadd.s32 $0xFFFFE000  }
0x37: {  	_ =	swait.ge [sflag:s13], $0x2000  }
0x38: {  	[sflag:s13] =	ssyncset.done $0x0  }
0x39: {  	s14 =	rddreg [dreg:$0x4];
	[sflag:s13] =	ssyncadd.s32 $0xFFFFE000  }
.LBB2_14:
0x3a: {  	s14 =	sadd.s32 s14, s12;
	s15 =	stileid.u32;
	s4 =	sadd.s32 $0x1, s4  }
0x3b: {  	[bflag:$0x0] =	sbarrier.arrive $0xFFFF;
	s15 =	sshll.u32 s15, $0x6;
	p1 =	sne.s32 s4, s23  }
.Ltmp1:
0x3c: {  	s16 =	sshrl.u32 s7, $0x3;
	s15 =	sor.u32 $0x1C09, s15;
	(pc) =	sbr.rel @!p1 .LBB2_15-.Ltmp1, $4  }
0x3d: {  	[hbm:s14], [sflag:s15] =	dma.local [spmem:s16], $0x2800  }
0x3e: {  	_ =	swait.ge [sflag:s25], $0x2800  }
0x3f: {  	[sflag:s25] =	ssyncset.done $0x0  }
0x40: {  	[sflag:s25] =	ssyncadd.s32 $0xFFFFD800  }
.LBB2_1:
0x41: {  	s14 =	simm.s32 $0x0;
	s15 =	simm.s32 $0x200  }
.LBB2_2:
0x42: {  	p1 =	sne.s32 s15, $0x7E00;
	[tilespmem:s14+$0x2870] =	vst v0  }
0x43: {  	[tilespmem:s14+$0x2800] =	vst v0  }
0x44: {  	[tilespmem:s14+$0x2810] =	vst v0  }
.Ltmp2:
0x45: {  	[tilespmem:s14+$0x2820] =	vst v0;
	(pc) =	sbr.rel @p1 .LBB2_2-.Ltmp2, $4  }
0x46: {  	[tilespmem:s14+$0x2830] =	vst v0  }
0x47: {  	[tilespmem:s14+$0x2840] =	vst v0  }
0x48: {  	[tilespmem:s14+$0x2850] =	vst v0  }
0x49: {  	[tilespmem:s14+$0x2860] =	vst v0;
	s14 =	sshra.s32 s15, $0x2;
	s15 =	sadd.s32 $0x200, s15  }
0x4a: {  	[tilespmem:s14+$0x2870] =	vst v0  }
0x4b: {  	[tilespmem:s14+$0x2800] =	vst v0  }
0x4c: {  	[tilespmem:s14+$0x2810] =	vst v0  }
0x4d: {  	[tilespmem:s14+$0x2820] =	vst v0  }
0x4e: {  	[tilespmem:s14+$0x2830] =	vst v0  }
0x4f: {  	[tilespmem:s14+$0x2840] =	vst v0  }
0x50: {  	[tilespmem:s14+$0x2850] =	vst v0  }
0x51: {  	[tilespmem:s14+$0x2860] =	vst v0  }
0x52: {  	[spmem:s7] =	stream.linear.scatter [tilespmem:s24], [sflag:$0x9], $0x2000, $0x38;
	[tilespmem:$0x1E800] =	vst v63  }
0x53: {  	_ =	swait.ge [sflag:s25], $0x2000  }
0x54: {  	[sflag:s25] =	ssyncset.done $0x0  }
0x55: {  	s16 =	rddreg [dreg:$0x5];
	[sflag:s25] =	ssyncadd.s32 $0xFFFFE000  }
0x56: {  	[spmem:s16] =	stream.linear.scatter [tilespmem:s24], [sflag:$0x9], $0x2000, $0x38;
	[tilespmem:$0x1E800] =	vst v63  }
0x57: {  	_ =	swait.ge [sflag:s25], $0x2000  }
0x58: {  	[sflag:s25] =	ssyncset.done $0x0  }
0x59: {  	s26 =	rddreg [dreg:$0x6];
	[sflag:s25] =	ssyncadd.s32 $0xFFFFE000  }
0x5a: {  	[spmem:s26] =	stream.linear.scatter [tilespmem:s24], [sflag:$0x9], $0x2000, $0x38;
	[tilespmem:$0x1E800] =	vst v63  }
0x5b: {  	_ =	swait.ge [sflag:s25], $0x2000  }
0x5c: {  	[sflag:s25] =	ssyncset.done $0x0  }
0x5d: {  	s15 =	rddreg [dreg:$0x7];
	[sflag:s25] =	ssyncadd.s32 $0xFFFFE000  }
0x5e: {  	[spmem:s15] =	stream.linear.scatter [tilespmem:s24], [sflag:$0x9], $0x2000, $0x38;
	[tilespmem:$0x1E800] =	vst v63  }
0x5f: {  	_ =	swait.ge [sflag:s25], $0x2000  }
0x60: {  	[sflag:s25] =	ssyncset.done $0x0  }
0x61: {  	s16 =	rddreg [dreg:$0x8];
	[sflag:s25] =	ssyncadd.s32 $0xFFFFE000  }
0x62: {  	[spmem:s16] =	stream.linear.scatter [tilespmem:s24], [sflag:$0x9], $0x2000, $0x38;
	[tilespmem:$0x1E800] =	vst v63  }
0x63: {  	_ =	swait.ge [sflag:s25], $0x2000  }
0x64: {  	[sflag:s25] =	ssyncset.done $0x0  }
0x65: {  	s26 =	rddreg [dreg:$0x9];
	[sflag:s25] =	ssyncadd.s32 $0xFFFFE000  }
0x66: {  	[spmem:s26] =	stream.linear.scatter [tilespmem:s24], [sflag:$0x9], $0x2000, $0x38;
	[tilespmem:$0x1E800] =	vst v63  }
0x67: {  	_ =	swait.ge [sflag:s25], $0x2000  }
0x68: {  	[sflag:s25] =	ssyncset.done $0x0  }
0x69: {  	s15 =	rddreg [dreg:$0xa];
	[sflag:s25] =	ssyncadd.s32 $0xFFFFE000  }
0x6a: {  	[spmem:s15] =	stream.linear.scatter [tilespmem:s24], [sflag:$0x9], $0x2000, $0x38;
	[tilespmem:$0x1E800] =	vst v63  }
0x6b: {  	_ =	swait.ge [sflag:s25], $0x2000  }
0x6c: {  	[sflag:s25] =	ssyncset.done $0x0  }
0x6d: {  	s16 =	rddreg [dreg:$0xb];
	[sflag:s25] =	ssyncadd.s32 $0xFFFFE000  }
0x6e: {  	[spmem:s16] =	stream.linear.scatter [tilespmem:s24], [sflag:$0x9], $0x2000, $0x38;
	[tilespmem:$0x1E800] =	vst v63  }
0x6f: {  	_ =	swait.ge [sflag:s25], $0x2000  }
0x70: {  	[sflag:s25] =	ssyncset.done $0x0  }
0x71: {  	[sflag:s25] =	ssyncadd.s32 $0xFFFFE000  }
0x72: {  	[spmem:s17] =	stream.linear.scatter [tilespmem:s24], [sflag:$0x9], $0x2000, $0x38;
	[tilespmem:$0x1E800] =	vst v63  }
0x73: {  	_ =	swait.ge [sflag:s25], $0x2000  }
0x74: {  	[sflag:s25] =	ssyncset.done $0x0  }
0x75: {  	[sflag:s25] =	ssyncadd.s32 $0xFFFFE000  }
0x76: {  	[spmem:s18] =	stream.linear.scatter [tilespmem:s24], [sflag:$0x9], $0x2000, $0x38;
	[tilespmem:$0x1E800] =	vst v63  }
0x77: {  	_ =	swait.ge [sflag:s25], $0x2000  }
0x78: {  	[sflag:s25] =	ssyncset.done $0x0  }
0x79: {  	[sflag:s25] =	ssyncadd.s32 $0xFFFFE000  }
0x7a: {  	s26 =	simm.s32 $0x0;
	[bflag:$0x0] =	sbarrier.arrive $0xFFFF  }
0x7b: {  	[tilespmem:s26], [sflag:$0x9] =	stream.linear.gather [hbm4b:s19+s26], $0x1400, $0x38;
	[tilespmem:$0x1E800] =	vst v63  }
0x7c: {  	_ =	swait.ge [sflag:s25], $0x1400  }
0x7d: {  	[sflag:s25] =	ssyncset.done $0x0  }
.Ltmp3:
0x7e: {  	s15 =	simm.s32 $0x1400;
	[sflag:s25] =	ssyncadd.s32 $0xFFFFEC00;
	(pc) =	sbr.rel @p0 .LBB2_9-.Ltmp3, $4  }
0x7f: {  	[tilespmem:s15], [sflag:$0x9] =	stream.linear.gather [hbm4b:s20+s26], $0x1400, $0x38;
	[tilespmem:$0x1E800] =	vst v63  }
0x80: {  	_ =	swait.ge [sflag:s25], $0x1400  }
0x81: {  	[sflag:s25] =	ssyncset.done $0x0  }
0x82: {  	s14 =	simm.s32 $0x0;
	[sflag:s25] =	ssyncadd.s32 $0xFFFFEC00  }
0x83: {  	[tilespmem:s24], [sflag:$0x1] =	stream.indirect.gather [hbm4b:s5+s28], $0x80, s14, s28, $0xb8;
	[tilespmem:$0x1E800] =	vst v63  }
0x84: {  	s26 =	simm.s32 $0x40  }
0x85: {  	[tilespmem:s29], [sflag:$0x2] =	stream.indirect.gather [hbm4b:s5+s28], $0x80, s26, s28, $0xb8;
	[tilespmem:$0x1E800] =	vst v63  }
0x86: {  	s15 =	simm.s32 $0x80  }
0x87: {  	[tilespmem:s30], [sflag:$0x3] =	stream.indirect.gather [hbm4b:s5+s28], $0x80, s15, s28, $0xb8;
	[tilespmem:$0x1E800] =	vst v63  }
0x88: {  	s16 =	simm.s32 $0xC0  }
0x89: {  	[tilespmem:s31], [sflag:$0x4] =	stream.indirect.gather [hbm4b:s5+s28], $0x80, s16, s28, $0xb8;
	[tilespmem:$0x1E800] =	vst v63  }
0x8a: {  	_ =	swait.ge [sflag:s0], $0x2000  }
0x8b: {  	[sflag:s0] =	ssyncset.done $0x0  }
0x8c: {  	s26 =	simm.s32 $0x1400;
	[sflag:s0] =	ssyncadd.s32 $0xFFFFE000  }
0x8d: {  	[spmem:s3] =	stream.indirect.scatter.add.f32 [tilespmem:s24], [sflag:$0x5], $0x80, s26, s28, $0xb8;
	[tilespmem:$0x1E800] =	vst v63  }
0x8e: {  	_ =	swait.ge [sflag:s1], $0x2000  }
0x8f: {  	[sflag:s1] =	ssyncset.done $0x0  }
0x90: {  	s15 =	simm.s32 $0x1440;
	[sflag:s1] =	ssyncadd.s32 $0xFFFFE000  }
0x91: {  	[spmem:s3] =	stream.indirect.scatter.add.f32 [tilespmem:s29], [sflag:$0x6], $0x80, s15, s28, $0xb8;
	[tilespmem:$0x1E800] =	vst v63  }
0x92: {  	_ =	swait.ge [sflag:s8], $0x2000  }
0x93: {  	[sflag:s8] =	ssyncset.done $0x0  }
0x94: {  	s16 =	simm.s32 $0x1480;
	[sflag:s8] =	ssyncadd.s32 $0xFFFFE000  }
0x95: {  	[spmem:s3] =	stream.indirect.scatter.add.f32 [tilespmem:s30], [sflag:$0x7], $0x80, s16, s28, $0xb8;
	[tilespmem:$0x1E800] =	vst v63  }
0x96: {  	_ =	swait.ge [sflag:s2], $0x2000  }
0x97: {  	[sflag:s2] =	ssyncset.done $0x0  }
0x98: {  	s26 =	simm.s32 $0x14C0;
	[sflag:s2] =	ssyncadd.s32 $0xFFFFE000  }
0x99: {  	[spmem:s3] =	stream.indirect.scatter.add.f32 [tilespmem:s31], [sflag:$0x8], $0x80, s26, s28, $0xb8;
	[tilespmem:$0x1E800] =	vst v63  }
0x9a: {  	_ =	swait.ge [sflag:s9], $0x2000  }
0x9b: {  	[sflag:s9] =	ssyncset.done $0x0  }
0x9c: {  	[sflag:s9] =	ssyncadd.s32 $0xFFFFE000  }
0x9d: {  	_ =	swait.ge [sflag:s10], $0x2000  }
0x9e: {  	[sflag:s10] =	ssyncset.done $0x0  }
0x9f: {  	[sflag:s10] =	ssyncadd.s32 $0xFFFFE000  }
0xa0: {  	_ =	swait.ge [sflag:s11], $0x2000  }
0xa1: {  	[sflag:s11] =	ssyncset.done $0x0  }
0xa2: {  	[sflag:s11] =	ssyncadd.s32 $0xFFFFE000  }
0xa3: {  	_ =	swait.ge [sflag:s13], $0x2000  }
0xa4: {  	s14 =	simm.s32 $0x400;
	s15 =	simm.s32 $0x800;
	[sflag:s13] =	ssyncset.done $0x0  }
.LBB2_5:
0xa5: {  	s26 =	sshra.s32 s14, $0x2  }
0xa6: {  	[sflag:s13] =	ssyncadd.s32 $0xFFFFE000;
	s14 =	smov.u32 s15;
	s16 =	sadd.s32 $0x400, s15  }
0xa7: {  	[tilespmem:s24], [sflag:$0x1] =	stream.indirect.gather [hbm4b:s5+s28], $0x80, s26, s28, $0xb8;
	[tilespmem:$0x1E800] =	vst v63  }
0xa8: {  	p1 =	sne.s32 s15, $0x4C00;
	s15 =	sadd.s32 $0x40, s26  }
0xa9: {  	[tilespmem:s29], [sflag:$0x2] =	stream.indirect.gather [hbm4b:s5+s28], $0x80, s15, s28, $0xb8;
	[tilespmem:$0x1E800] =	vst v63  }
0xaa: {  	s15 =	sadd.s32 $0x80, s26  }
0xab: {  	[tilespmem:s30], [sflag:$0x3] =	stream.indirect.gather [hbm4b:s5+s28], $0x80, s15, s28, $0xb8;
	[tilespmem:$0x1E800] =	vst v63  }
0xac: {  	s15 =	sadd.s32 $0xC0, s26  }
0xad: {  	[tilespmem:s31], [sflag:$0x4] =	stream.indirect.gather [hbm4b:s5+s28], $0x80, s15, s28, $0xb8;
	[tilespmem:$0x1E800] =	vst v63  }
0xae: {  	_ =	swait.ge [sflag:s0], $0x2000  }
0xaf: {  	[sflag:s0] =	ssyncset.done $0x0  }
0xb0: {  	s15 =	sadd.s32 $0x1400, s26;
	[sflag:s0] =	ssyncadd.s32 $0xFFFFE000  }
0xb1: {  	[spmem:s3] =	stream.indirect.scatter.add.f32 [tilespmem:s24], [sflag:$0x5], $0x80, s15, s28, $0xb8;
	[tilespmem:$0x1E800] =	vst v63  }
0xb2: {  	_ =	swait.ge [sflag:s1], $0x2000  }
0xb3: {  	[sflag:s1] =	ssyncset.done $0x0  }
0xb4: {  	s15 =	sadd.s32 $0x1440, s26;
	[sflag:s1] =	ssyncadd.s32 $0xFFFFE000  }
0xb5: {  	[spmem:s3] =	stream.indirect.scatter.add.f32 [tilespmem:s29], [sflag:$0x6], $0x80, s15, s28, $0xb8;
	[tilespmem:$0x1E800] =	vst v63  }
0xb6: {  	_ =	swait.ge [sflag:s8], $0x2000  }
0xb7: {  	[sflag:s8] =	ssyncset.done $0x0  }
0xb8: {  	s15 =	sadd.s32 $0x1480, s26;
	[sflag:s8] =	ssyncadd.s32 $0xFFFFE000  }
0xb9: {  	[spmem:s3] =	stream.indirect.scatter.add.f32 [tilespmem:s30], [sflag:$0x7], $0x80, s15, s28, $0xb8;
	[tilespmem:$0x1E800] =	vst v63  }
0xba: {  	_ =	swait.ge [sflag:s2], $0x2000  }
0xbb: {  	[sflag:s2] =	ssyncset.done $0x0  }
0xbc: {  	s15 =	sadd.s32 $0x14C0, s26;
	[sflag:s2] =	ssyncadd.s32 $0xFFFFE000  }
0xbd: {  	[spmem:s3] =	stream.indirect.scatter.add.f32 [tilespmem:s31], [sflag:$0x8], $0x80, s15, s28, $0xb8;
	[tilespmem:$0x1E800] =	vst v63  }
0xbe: {  	_ =	swait.ge [sflag:s9], $0x2000  }
0xbf: {  	[sflag:s9] =	ssyncset.done $0x0  }
0xc0: {  	[sflag:s9] =	ssyncadd.s32 $0xFFFFE000  }
0xc1: {  	_ =	swait.ge [sflag:s10], $0x2000  }
0xc2: {  	[sflag:s10] =	ssyncset.done $0x0  }
0xc3: {  	[sflag:s10] =	ssyncadd.s32 $0xFFFFE000  }
.Ltmp4:
0xc4: {  	_ =	swait.ge [sflag:s11], $0x2000;
	(pc) =	sbr.rel @p1 .LBB2_5-.Ltmp4, $4  }
0xc5: {  	[sflag:s11] =	ssyncset.done $0x0  }
0xc6: {  	[sflag:s11] =	ssyncadd.s32 $0xFFFFE000  }
0xc7: {  	_ =	swait.ge [sflag:s13], $0x2000  }
0xc8: {  	s15 =	smov.u32 s16;
	[sflag:s13] =	ssyncset.done $0x0  }
0xc9: {  	s14 =	sshra.s32 s14, $0x2;
	[sflag:s13] =	ssyncadd.s32 $0xFFFFE000  }
0xca: {  	[tilespmem:s24], [sflag:$0x1] =	stream.indirect.gather [hbm4b:s5+s28], $0x80, s14, s28, $0xb8;
	[tilespmem:$0x1E800] =	vst v63  }
0xcb: {  	s15 =	sadd.s32 $0x40, s14  }
0xcc: {  	[tilespmem:s29], [sflag:$0x2] =	stream.indirect.gather [hbm4b:s5+s28], $0x80, s15, s28, $0xb8;
	[tilespmem:$0x1E800] =	vst v63  }
0xcd: {  	s26 =	sadd.s32 $0x80, s14  }
0xce: {  	[tilespmem:s30], [sflag:$0x3] =	stream.indirect.gather [hbm4b:s5+s28], $0x80, s26, s28, $0xb8;
	[tilespmem:$0x1E800] =	vst v63  }
0xcf: {  	s16 =	sadd.s32 $0xC0, s14  }
0xd0: {  	[tilespmem:s31], [sflag:$0x4] =	stream.indirect.gather [hbm4b:s5+s28], $0x80, s16, s28, $0xb8;
	[tilespmem:$0x1E800] =	vst v63  }
0xd1: {  	_ =	swait.ge [sflag:s0], $0x2000  }
0xd2: {  	[sflag:s0] =	ssyncset.done $0x0  }
0xd3: {  	s26 =	sadd.s32 $0x1400, s14;
	[sflag:s0] =	ssyncadd.s32 $0xFFFFE000  }
0xd4: {  	[spmem:s3] =	stream.indirect.scatter.add.f32 [tilespmem:s24], [sflag:$0x5], $0x80, s26, s28, $0xb8;
	[tilespmem:$0x1E800] =	vst v63  }
0xd5: {  	_ =	swait.ge [sflag:s1], $0x2000  }
0xd6: {  	[sflag:s1] =	ssyncset.done $0x0  }
0xd7: {  	s16 =	sadd.s32 $0x1440, s14;
	[sflag:s1] =	ssyncadd.s32 $0xFFFFE000  }
0xd8: {  	[spmem:s3] =	stream.indirect.scatter.add.f32 [tilespmem:s29], [sflag:$0x6], $0x80, s16, s28, $0xb8;
	[tilespmem:$0x1E800] =	vst v63  }
0xd9: {  	_ =	swait.ge [sflag:s8], $0x2000  }
0xda: {  	[sflag:s8] =	ssyncset.done $0x0  }
0xdb: {  	s26 =	sadd.s32 $0x1480, s14;
	[sflag:s8] =	ssyncadd.s32 $0xFFFFE000  }
0xdc: {  	[spmem:s3] =	stream.indirect.scatter.add.f32 [tilespmem:s30], [sflag:$0x7], $0x80, s26, s28, $0xb8;
	[tilespmem:$0x1E800] =	vst v63  }
0xdd: {  	_ =	swait.ge [sflag:s2], $0x2000  }
0xde: {  	[sflag:s2] =	ssyncset.done $0x0  }
0xdf: {  	s14 =	sadd.s32 $0x14C0, s14;
	[sflag:s2] =	ssyncadd.s32 $0xFFFFE000  }
0xe0: {  	[spmem:s3] =	stream.indirect.scatter.add.f32 [tilespmem:s31], [sflag:$0x8], $0x80, s14, s28, $0xb8;
	[tilespmem:$0x1E800] =	vst v63  }
0xe1: {  	_ =	swait.ge [sflag:s9], $0x2000  }
0xe2: {  	[sflag:s9] =	ssyncset.done $0x0  }
0xe3: {  	[sflag:s9] =	ssyncadd.s32 $0xFFFFE000  }
0xe4: {  	_ =	swait.ge [sflag:s10], $0x2000  }
0xe5: {  	[sflag:s10] =	ssyncset.done $0x0  }
0xe6: {  	[sflag:s10] =	ssyncadd.s32 $0xFFFFE000  }
0xe7: {  	_ =	swait.ge [sflag:s11], $0x2000  }
0xe8: {  	[sflag:s11] =	ssyncset.done $0x0  }
0xe9: {  	[sflag:s11] =	ssyncadd.s32 $0xFFFFE000  }
0xea: {  	_ =	swait.ge [sflag:s13], $0x2000  }
0xeb: {  	[sflag:s13] =	ssyncset.done $0x0  }
0xec: {  	s16 =	simm.s32 $0x0;
	[sflag:s13] =	ssyncadd.s32 $0xFFFFE000  }
0xed: {  	[tilespmem:s16], [sflag:$0x9] =	stream.linear.gather [hbm4b:s21+s16], $0x1400, $0x38;
	[tilespmem:$0x1E800] =	vst v63  }
0xee: {  	_ =	swait.ge [sflag:s25], $0x1400  }
0xef: {  	[sflag:s25] =	ssyncset.done $0x0  }
0xf0: {  	s26 =	simm.s32 $0x1400;
	[sflag:s25] =	ssyncadd.s32 $0xFFFFEC00  }
0xf1: {  	[tilespmem:s26], [sflag:$0x9] =	stream.linear.gather [hbm4b:s22+s16], $0x1400, $0x38;
	[tilespmem:$0x1E800] =	vst v63  }
0xf2: {  	_ =	swait.ge [sflag:s25], $0x1400  }
0xf3: {  	[sflag:s25] =	ssyncset.done $0x0  }
0xf4: {  	s16 =	simm.s32 $0x0;
	[sflag:s25] =	ssyncadd.s32 $0xFFFFEC00  }
0xf5: {  	[tilespmem:s24], [sflag:$0x1] =	stream.indirect.gather [hbm4b:s5+s28], $0x80, s16, s28, $0xb8;
	[tilespmem:$0x1E800] =	vst v63  }
0xf6: {  	s26 =	simm.s32 $0x40  }
0xf7: {  	[tilespmem:s29], [sflag:$0x2] =	stream.indirect.gather [hbm4b:s5+s28], $0x80, s26, s28, $0xb8;
	[tilespmem:$0x1E800] =	vst v63  }
0xf8: {  	s15 =	simm.s32 $0x80  }
0xf9: {  	[tilespmem:s30], [sflag:$0x3] =	stream.indirect.gather [hbm4b:s5+s28], $0x80, s15, s28, $0xb8;
	[tilespmem:$0x1E800] =	vst v63  }
0xfa: {  	s16 =	simm.s32 $0xC0  }
0xfb: {  	[tilespmem:s31], [sflag:$0x4] =	stream.indirect.gather [hbm4b:s5+s28], $0x80, s16, s28, $0xb8;
	[tilespmem:$0x1E800] =	vst v63  }
0xfc: {  	_ =	swait.ge [sflag:s0], $0x2000  }
0xfd: {  	[sflag:s0] =	ssyncset.done $0x0  }
0xfe: {  	s26 =	simm.s32 $0x1400;
	[sflag:s0] =	ssyncadd.s32 $0xFFFFE000  }
0xff: {  	[spmem:s3] =	stream.indirect.scatter.add.f32 [tilespmem:s24], [sflag:$0x5], $0x80, s26, s28, $0xb8;
	[tilespmem:$0x1E800] =	vst v63  }
0x100: {  	_ =	swait.ge [sflag:s1], $0x2000  }
0x101: {  	[sflag:s1] =	ssyncset.done $0x0  }
0x102: {  	s15 =	simm.s32 $0x1440;
	[sflag:s1] =	ssyncadd.s32 $0xFFFFE000  }
0x103: {  	[spmem:s3] =	stream.indirect.scatter.add.f32 [tilespmem:s29], [sflag:$0x6], $0x80, s15, s28, $0xb8;
	[tilespmem:$0x1E800] =	vst v63  }
0x104: {  	_ =	swait.ge [sflag:s8], $0x2000  }
0x105: {  	[sflag:s8] =	ssyncset.done $0x0  }
0x106: {  	s16 =	simm.s32 $0x1480;
	[sflag:s8] =	ssyncadd.s32 $0xFFFFE000  }
0x107: {  	[spmem:s3] =	stream.indirect.scatter.add.f32 [tilespmem:s30], [sflag:$0x7], $0x80, s16, s28, $0xb8;
	[tilespmem:$0x1E800] =	vst v63  }
0x108: {  	_ =	swait.ge [sflag:s2], $0x2000  }
0x109: {  	[sflag:s2] =	ssyncset.done $0x0  }
0x10a: {  	s26 =	simm.s32 $0x14C0;
	[sflag:s2] =	ssyncadd.s32 $0xFFFFE000  }
0x10b: {  	[spmem:s3] =	stream.indirect.scatter.add.f32 [tilespmem:s31], [sflag:$0x8], $0x80, s26, s28, $0xb8;
	[tilespmem:$0x1E800] =	vst v63  }
0x10c: {  	_ =	swait.ge [sflag:s9], $0x2000  }
0x10d: {  	[sflag:s9] =	ssyncset.done $0x0  }
0x10e: {  	[sflag:s9] =	ssyncadd.s32 $0xFFFFE000  }
0x10f: {  	_ =	swait.ge [sflag:s10], $0x2000  }
0x110: {  	[sflag:s10] =	ssyncset.done $0x0  }
0x111: {  	[sflag:s10] =	ssyncadd.s32 $0xFFFFE000  }
0x112: {  	_ =	swait.ge [sflag:s11], $0x2000  }
0x113: {  	[sflag:s11] =	ssyncset.done $0x0  }
0x114: {  	[sflag:s11] =	ssyncadd.s32 $0xFFFFE000  }
0x115: {  	_ =	swait.ge [sflag:s13], $0x2000  }
0x116: {  	s14 =	simm.s32 $0x400;
	s16 =	simm.s32 $0x800;
	[sflag:s13] =	ssyncset.done $0x0  }
.LBB2_7:
0x117: {  	s26 =	sshra.s32 s14, $0x2  }
0x118: {  	[sflag:s13] =	ssyncadd.s32 $0xFFFFE000;
	s14 =	smov.u32 s16;
	s15 =	sadd.s32 $0x400, s16  }
0x119: {  	[tilespmem:s24], [sflag:$0x1] =	stream.indirect.gather [hbm4b:s5+s28], $0x80, s26, s28, $0xb8;
	[tilespmem:$0x1E800] =	vst v63  }
0x11a: {  	p1 =	seq.s32 s16, $0x4C00;
	s16 =	sadd.s32 $0x40, s26  }
0x11b: {  	[tilespmem:s29], [sflag:$0x2] =	stream.indirect.gather [hbm4b:s5+s28], $0x80, s16, s28, $0xb8;
	[tilespmem:$0x1E800] =	vst v63  }
0x11c: {  	s16 =	sadd.s32 $0x80, s26  }
0x11d: {  	[tilespmem:s30], [sflag:$0x3] =	stream.indirect.gather [hbm4b:s5+s28], $0x80, s16, s28, $0xb8;
	[tilespmem:$0x1E800] =	vst v63  }
0x11e: {  	s16 =	sadd.s32 $0xC0, s26  }
0x11f: {  	[tilespmem:s31], [sflag:$0x4] =	stream.indirect.gather [hbm4b:s5+s28], $0x80, s16, s28, $0xb8;
	[tilespmem:$0x1E800] =	vst v63  }
0x120: {  	_ =	swait.ge [sflag:s0], $0x2000  }
0x121: {  	[sflag:s0] =	ssyncset.done $0x0  }
0x122: {  	s16 =	sadd.s32 $0x1400, s26;
	[sflag:s0] =	ssyncadd.s32 $0xFFFFE000  }
0x123: {  	[spmem:s3] =	stream.indirect.scatter.add.f32 [tilespmem:s24], [sflag:$0x5], $0x80, s16, s28, $0xb8;
	[tilespmem:$0x1E800] =	vst v63  }
0x124: {  	_ =	swait.ge [sflag:s1], $0x2000  }
0x125: {  	[sflag:s1] =	ssyncset.done $0x0  }
0x126: {  	s16 =	sadd.s32 $0x1440, s26;
	[sflag:s1] =	ssyncadd.s32 $0xFFFFE000  }
0x127: {  	[spmem:s3] =	stream.indirect.scatter.add.f32 [tilespmem:s29], [sflag:$0x6], $0x80, s16, s28, $0xb8;
	[tilespmem:$0x1E800] =	vst v63  }
0x128: {  	_ =	swait.ge [sflag:s8], $0x2000  }
0x129: {  	[sflag:s8] =	ssyncset.done $0x0  }
0x12a: {  	s16 =	sadd.s32 $0x1480, s26;
	[sflag:s8] =	ssyncadd.s32 $0xFFFFE000  }
0x12b: {  	[spmem:s3] =	stream.indirect.scatter.add.f32 [tilespmem:s30], [sflag:$0x7], $0x80, s16, s28, $0xb8;
	[tilespmem:$0x1E800] =	vst v63  }
0x12c: {  	_ =	swait.ge [sflag:s2], $0x2000  }
0x12d: {  	[sflag:s2] =	ssyncset.done $0x0  }
0x12e: {  	s16 =	sadd.s32 $0x14C0, s26;
	[sflag:s2] =	ssyncadd.s32 $0xFFFFE000  }
0x12f: {  	[spmem:s3] =	stream.indirect.scatter.add.f32 [tilespmem:s31], [sflag:$0x8], $0x80, s16, s28, $0xb8;
	[tilespmem:$0x1E800] =	vst v63  }
0x130: {  	_ =	swait.ge [sflag:s9], $0x2000  }
0x131: {  	[sflag:s9] =	ssyncset.done $0x0  }
0x132: {  	[sflag:s9] =	ssyncadd.s32 $0xFFFFE000  }
0x133: {  	_ =	swait.ge [sflag:s10], $0x2000  }
0x134: {  	[sflag:s10] =	ssyncset.done $0x0  }
0x135: {  	[sflag:s10] =	ssyncadd.s32 $0xFFFFE000  }
.Ltmp5:
0x136: {  	_ =	swait.ge [sflag:s11], $0x2000;
	(pc) =	sbr.rel @!p1 .LBB2_7-.Ltmp5, $4  }
0x137: {  	[sflag:s11] =	ssyncset.done $0x0  }
0x138: {  	[sflag:s11] =	ssyncadd.s32 $0xFFFFE000  }
0x139: {  	_ =	swait.ge [sflag:s13], $0x2000  }
0x13a: {  	s16 =	smov.u32 s15;
	[sflag:s13] =	ssyncset.done $0x0  }
0x13b: {  	s14 =	sshra.s32 s14, $0x2;
	[sflag:s13] =	ssyncadd.s32 $0xFFFFE000  }
0x13c: {  	[tilespmem:s24], [sflag:$0x1] =	stream.indirect.gather [hbm4b:s5+s28], $0x80, s14, s28, $0xb8;
	[tilespmem:$0x1E800] =	vst v63  }
0x13d: {  	s15 =	sadd.s32 $0x40, s14  }
0x13e: {  	[tilespmem:s29], [sflag:$0x2] =	stream.indirect.gather [hbm4b:s5+s28], $0x80, s15, s28, $0xb8;
	[tilespmem:$0x1E800] =	vst v63  }
0x13f: {  	s26 =	sadd.s32 $0x80, s14  }
0x140: {  	[tilespmem:s30], [sflag:$0x3] =	stream.indirect.gather [hbm4b:s5+s28], $0x80, s26, s28, $0xb8;
	[tilespmem:$0x1E800] =	vst v63  }
0x141: {  	s16 =	sadd.s32 $0xC0, s14  }
0x142: {  	[tilespmem:s31], [sflag:$0x4] =	stream.indirect.gather [hbm4b:s5+s28], $0x80, s16, s28, $0xb8;
	[tilespmem:$0x1E800] =	vst v63  }
0x143: {  	_ =	swait.ge [sflag:s0], $0x2000  }
0x144: {  	[sflag:s0] =	ssyncset.done $0x0  }
0x145: {  	s26 =	sadd.s32 $0x1400, s14;
	[sflag:s0] =	ssyncadd.s32 $0xFFFFE000  }
0x146: {  	[spmem:s3] =	stream.indirect.scatter.add.f32 [tilespmem:s24], [sflag:$0x5], $0x80, s26, s28, $0xb8;
	[tilespmem:$0x1E800] =	vst v63  }
0x147: {  	_ =	swait.ge [sflag:s1], $0x2000  }
0x148: {  	[sflag:s1] =	ssyncset.done $0x0  }
0x149: {  	s16 =	sadd.s32 $0x1440, s14;
	[sflag:s1] =	ssyncadd.s32 $0xFFFFE000  }
0x14a: {  	[spmem:s3] =	stream.indirect.scatter.add.f32 [tilespmem:s29], [sflag:$0x6], $0x80, s16, s28, $0xb8;
	[tilespmem:$0x1E800] =	vst v63  }
0x14b: {  	_ =	swait.ge [sflag:s8], $0x2000  }
0x14c: {  	[sflag:s8] =	ssyncset.done $0x0  }
0x14d: {  	s26 =	sadd.s32 $0x1480, s14;
	[sflag:s8] =	ssyncadd.s32 $0xFFFFE000  }
0x14e: {  	[spmem:s3] =	stream.indirect.scatter.add.f32 [tilespmem:s30], [sflag:$0x7], $0x80, s26, s28, $0xb8;
	[tilespmem:$0x1E800] =	vst v63  }
0x14f: {  	_ =	swait.ge [sflag:s2], $0x2000  }
0x150: {  	[sflag:s2] =	ssyncset.done $0x0  }
0x151: {  	s14 =	sadd.s32 $0x14C0, s14;
	[sflag:s2] =	ssyncadd.s32 $0xFFFFE000  }
0x152: {  	[spmem:s3] =	stream.indirect.scatter.add.f32 [tilespmem:s31], [sflag:$0x8], $0x80, s14, s28, $0xb8;
	[tilespmem:$0x1E800] =	vst v63  }
0x153: {  	_ =	swait.ge [sflag:s9], $0x2000  }
0x154: {  	[sflag:s9] =	ssyncset.done $0x0  }
0x155: {  	[sflag:s9] =	ssyncadd.s32 $0xFFFFE000  }
0x156: {  	_ =	swait.ge [sflag:s10], $0x2000  }
0x157: {  	[sflag:s10] =	ssyncset.done $0x0  }
0x158: {  	[sflag:s10] =	ssyncadd.s32 $0xFFFFE000  }
0x159: {  	_ =	swait.ge [sflag:s11], $0x2000  }
0x15a: {  	[sflag:s11] =	ssyncset.done $0x0  }
.Ltmp6:
0x15b: {  	[sflag:s11] =	ssyncadd.s32 $0xFFFFE000;
	(pc) =	sbr.rel .LBB2_14-.Ltmp6, $4  }
0x15c: {  	_ =	swait.ge [sflag:s13], $0x2000  }
0x15d: {  	[sflag:s13] =	ssyncset.done $0x0  }
0x15e: {  	[sflag:s13] =	ssyncadd.s32 $0xFFFFE000  }
0x15f: {  	s14 =	rddreg [dreg:$0x1]  }
.LBB2_9:
0x160: {  	[tilespmem:s24], [sflag:$0x1] =	stream.indirect.gather [hbm4b:s6+s28], $0x80, s14, s28, $0xb8;
	[tilespmem:$0x1E800] =	vst v63  }
0x161: {  	s26 =	simm.s32 $0x40  }
0x162: {  	[tilespmem:s29], [sflag:$0x2] =	stream.indirect.gather [hbm4b:s6+s28], $0x80, s26, s28, $0xb8;
	[tilespmem:$0x1E800] =	vst v63  }
0x163: {  	s15 =	simm.s32 $0x80  }
0x164: {  	[tilespmem:s30], [sflag:$0x3] =	stream.indirect.gather [hbm4b:s6+s28], $0x80, s15, s28, $0xb8;
	[tilespmem:$0x1E800] =	vst v63  }
0x165: {  	s16 =	simm.s32 $0xC0  }
0x166: {  	[tilespmem:s31], [sflag:$0x4] =	stream.indirect.gather [hbm4b:s6+s28], $0x80, s16, s28, $0xb8;
	[tilespmem:$0x1E800] =	vst v63  }
0x167: {  	_ =	swait.ge [sflag:s0], $0x2000  }
0x168: {  	[sflag:s0] =	ssyncset.done $0x0  }
0x169: {  	s26 =	simm.s32 $0x1400;
	[sflag:s0] =	ssyncadd.s32 $0xFFFFE000  }
0x16a: {  	[spmem:s3] =	stream.indirect.scatter.add.f32 [tilespmem:s24], [sflag:$0x5], $0x80, s26, s28, $0xb8;
	[tilespmem:$0x1E800] =	vst v63  }
0x16b: {  	_ =	swait.ge [sflag:s1], $0x2000  }
0x16c: {  	[sflag:s1] =	ssyncset.done $0x0  }
0x16d: {  	s15 =	simm.s32 $0x1440;
	[sflag:s1] =	ssyncadd.s32 $0xFFFFE000  }
0x16e: {  	[spmem:s3] =	stream.indirect.scatter.add.f32 [tilespmem:s29], [sflag:$0x6], $0x80, s15, s28, $0xb8;
	[tilespmem:$0x1E800] =	vst v63  }
0x16f: {  	_ =	swait.ge [sflag:s8], $0x2000  }
0x170: {  	[sflag:s8] =	ssyncset.done $0x0  }
0x171: {  	s16 =	simm.s32 $0x1480;
	[sflag:s8] =	ssyncadd.s32 $0xFFFFE000  }
0x172: {  	[spmem:s3] =	stream.indirect.scatter.add.f32 [tilespmem:s30], [sflag:$0x7], $0x80, s16, s28, $0xb8;
	[tilespmem:$0x1E800] =	vst v63  }
0x173: {  	_ =	swait.ge [sflag:s2], $0x2000  }
0x174: {  	[sflag:s2] =	ssyncset.done $0x0  }
0x175: {  	s26 =	simm.s32 $0x14C0;
	[sflag:s2] =	ssyncadd.s32 $0xFFFFE000  }
0x176: {  	[spmem:s3] =	stream.indirect.scatter.add.f32 [tilespmem:s31], [sflag:$0x8], $0x80, s26, s28, $0xb8;
	[tilespmem:$0x1E800] =	vst v63  }
0x177: {  	_ =	swait.ge [sflag:s9], $0x2000  }
0x178: {  	[sflag:s9] =	ssyncset.done $0x0  }
0x179: {  	[sflag:s9] =	ssyncadd.s32 $0xFFFFE000  }
0x17a: {  	_ =	swait.ge [sflag:s10], $0x2000  }
0x17b: {  	[sflag:s10] =	ssyncset.done $0x0  }
0x17c: {  	[sflag:s10] =	ssyncadd.s32 $0xFFFFE000  }
0x17d: {  	_ =	swait.ge [sflag:s11], $0x2000  }
0x17e: {  	[sflag:s11] =	ssyncset.done $0x0  }
0x17f: {  	[sflag:s11] =	ssyncadd.s32 $0xFFFFE000  }
0x180: {  	_ =	swait.ge [sflag:s13], $0x2000  }
0x181: {  	s14 =	simm.s32 $0x400;
	s16 =	simm.s32 $0x800;
	[sflag:s13] =	ssyncset.done $0x0  }
.LBB2_10:
0x182: {  	s26 =	sshra.s32 s14, $0x2  }
0x183: {  	[sflag:s13] =	ssyncadd.s32 $0xFFFFE000;
	s14 =	smov.u32 s16;
	s15 =	sadd.s32 $0x400, s16  }
0x184: {  	[tilespmem:s24], [sflag:$0x1] =	stream.indirect.gather [hbm4b:s6+s28], $0x80, s26, s28, $0xb8;
	[tilespmem:$0x1E800] =	vst v63  }
0x185: {  	p1 =	sne.s32 s16, $0x4C00;
	s16 =	sadd.s32 $0x40, s26  }
0x186: {  	[tilespmem:s29], [sflag:$0x2] =	stream.indirect.gather [hbm4b:s6+s28], $0x80, s16, s28, $0xb8;
	[tilespmem:$0x1E800] =	vst v63  }
0x187: {  	s16 =	sadd.s32 $0x80, s26  }
0x188: {  	[tilespmem:s30], [sflag:$0x3] =	stream.indirect.gather [hbm4b:s6+s28], $0x80, s16, s28, $0xb8;
	[tilespmem:$0x1E800] =	vst v63  }
0x189: {  	s16 =	sadd.s32 $0xC0, s26  }
0x18a: {  	[tilespmem:s31], [sflag:$0x4] =	stream.indirect.gather [hbm4b:s6+s28], $0x80, s16, s28, $0xb8;
	[tilespmem:$0x1E800] =	vst v63  }
0x18b: {  	_ =	swait.ge [sflag:s0], $0x2000  }
0x18c: {  	[sflag:s0] =	ssyncset.done $0x0  }
0x18d: {  	s16 =	sadd.s32 $0x1400, s26;
	[sflag:s0] =	ssyncadd.s32 $0xFFFFE000  }
0x18e: {  	[spmem:s3] =	stream.indirect.scatter.add.f32 [tilespmem:s24], [sflag:$0x5], $0x80, s16, s28, $0xb8;
	[tilespmem:$0x1E800] =	vst v63  }
0x18f: {  	_ =	swait.ge [sflag:s1], $0x2000  }
0x190: {  	[sflag:s1] =	ssyncset.done $0x0  }
0x191: {  	s16 =	sadd.s32 $0x1440, s26;
	[sflag:s1] =	ssyncadd.s32 $0xFFFFE000  }
0x192: {  	[spmem:s3] =	stream.indirect.scatter.add.f32 [tilespmem:s29], [sflag:$0x6], $0x80, s16, s28, $0xb8;
	[tilespmem:$0x1E800] =	vst v63  }
0x193: {  	_ =	swait.ge [sflag:s8], $0x2000  }
0x194: {  	[sflag:s8] =	ssyncset.done $0x0  }
0x195: {  	s16 =	sadd.s32 $0x1480, s26;
	[sflag:s8] =	ssyncadd.s32 $0xFFFFE000  }
0x196: {  	[spmem:s3] =	stream.indirect.scatter.add.f32 [tilespmem:s30], [sflag:$0x7], $0x80, s16, s28, $0xb8;
	[tilespmem:$0x1E800] =	vst v63  }
0x197: {  	_ =	swait.ge [sflag:s2], $0x2000  }
0x198: {  	[sflag:s2] =	ssyncset.done $0x0  }
0x199: {  	s16 =	sadd.s32 $0x14C0, s26;
	[sflag:s2] =	ssyncadd.s32 $0xFFFFE000  }
0x19a: {  	[spmem:s3] =	stream.indirect.scatter.add.f32 [tilespmem:s31], [sflag:$0x8], $0x80, s16, s28, $0xb8;
	[tilespmem:$0x1E800] =	vst v63  }
0x19b: {  	_ =	swait.ge [sflag:s9], $0x2000  }
0x19c: {  	[sflag:s9] =	ssyncset.done $0x0  }
0x19d: {  	[sflag:s9] =	ssyncadd.s32 $0xFFFFE000  }
0x19e: {  	_ =	swait.ge [sflag:s10], $0x2000  }
0x19f: {  	[sflag:s10] =	ssyncset.done $0x0  }
0x1a0: {  	[sflag:s10] =	ssyncadd.s32 $0xFFFFE000  }
.Ltmp7:
0x1a1: {  	_ =	swait.ge [sflag:s11], $0x2000;
	(pc) =	sbr.rel @p1 .LBB2_10-.Ltmp7, $4  }
0x1a2: {  	[sflag:s11] =	ssyncset.done $0x0  }
0x1a3: {  	[sflag:s11] =	ssyncadd.s32 $0xFFFFE000  }
0x1a4: {  	_ =	swait.ge [sflag:s13], $0x2000  }
0x1a5: {  	s16 =	smov.u32 s15;
	[sflag:s13] =	ssyncset.done $0x0  }
0x1a6: {  	s14 =	sshra.s32 s14, $0x2;
	[sflag:s13] =	ssyncadd.s32 $0xFFFFE000  }
0x1a7: {  	[tilespmem:s24], [sflag:$0x1] =	stream.indirect.gather [hbm4b:s6+s28], $0x80, s14, s28, $0xb8;
	[tilespmem:$0x1E800] =	vst v63  }
0x1a8: {  	s15 =	sadd.s32 $0x40, s14  }
0x1a9: {  	[tilespmem:s29], [sflag:$0x2] =	stream.indirect.gather [hbm4b:s6+s28], $0x80, s15, s28, $0xb8;
	[tilespmem:$0x1E800] =	vst v63  }
0x1aa: {  	s26 =	sadd.s32 $0x80, s14  }
0x1ab: {  	[tilespmem:s30], [sflag:$0x3] =	stream.indirect.gather [hbm4b:s6+s28], $0x80, s26, s28, $0xb8;
	[tilespmem:$0x1E800] =	vst v63  }
0x1ac: {  	s16 =	sadd.s32 $0xC0, s14  }
0x1ad: {  	[tilespmem:s31], [sflag:$0x4] =	stream.indirect.gather [hbm4b:s6+s28], $0x80, s16, s28, $0xb8;
	[tilespmem:$0x1E800] =	vst v63  }
0x1ae: {  	_ =	swait.ge [sflag:s0], $0x2000  }
0x1af: {  	[sflag:s0] =	ssyncset.done $0x0  }
0x1b0: {  	s26 =	sadd.s32 $0x1400, s14;
	[sflag:s0] =	ssyncadd.s32 $0xFFFFE000  }
0x1b1: {  	[spmem:s3] =	stream.indirect.scatter.add.f32 [tilespmem:s24], [sflag:$0x5], $0x80, s26, s28, $0xb8;
	[tilespmem:$0x1E800] =	vst v63  }
0x1b2: {  	_ =	swait.ge [sflag:s1], $0x2000  }
0x1b3: {  	[sflag:s1] =	ssyncset.done $0x0  }
0x1b4: {  	s16 =	sadd.s32 $0x1440, s14;
	[sflag:s1] =	ssyncadd.s32 $0xFFFFE000  }
0x1b5: {  	[spmem:s3] =	stream.indirect.scatter.add.f32 [tilespmem:s29], [sflag:$0x6], $0x80, s16, s28, $0xb8;
	[tilespmem:$0x1E800] =	vst v63  }
0x1b6: {  	_ =	swait.ge [sflag:s8], $0x2000  }
0x1b7: {  	[sflag:s8] =	ssyncset.done $0x0  }
0x1b8: {  	s26 =	sadd.s32 $0x1480, s14;
	[sflag:s8] =	ssyncadd.s32 $0xFFFFE000  }
0x1b9: {  	[spmem:s3] =	stream.indirect.scatter.add.f32 [tilespmem:s30], [sflag:$0x7], $0x80, s26, s28, $0xb8;
	[tilespmem:$0x1E800] =	vst v63  }
0x1ba: {  	_ =	swait.ge [sflag:s2], $0x2000  }
0x1bb: {  	[sflag:s2] =	ssyncset.done $0x0  }
0x1bc: {  	s14 =	sadd.s32 $0x14C0, s14;
	[sflag:s2] =	ssyncadd.s32 $0xFFFFE000  }
0x1bd: {  	[spmem:s3] =	stream.indirect.scatter.add.f32 [tilespmem:s31], [sflag:$0x8], $0x80, s14, s28, $0xb8;
	[tilespmem:$0x1E800] =	vst v63  }
0x1be: {  	_ =	swait.ge [sflag:s9], $0x2000  }
0x1bf: {  	[sflag:s9] =	ssyncset.done $0x0  }
0x1c0: {  	[sflag:s9] =	ssyncadd.s32 $0xFFFFE000  }
0x1c1: {  	_ =	swait.ge [sflag:s10], $0x2000  }
0x1c2: {  	[sflag:s10] =	ssyncset.done $0x0  }
0x1c3: {  	[sflag:s10] =	ssyncadd.s32 $0xFFFFE000  }
0x1c4: {  	_ =	swait.ge [sflag:s11], $0x2000  }
0x1c5: {  	[sflag:s11] =	ssyncset.done $0x0  }
0x1c6: {  	[sflag:s11] =	ssyncadd.s32 $0xFFFFE000  }
0x1c7: {  	_ =	swait.ge [sflag:s13], $0x2000  }
0x1c8: {  	[sflag:s13] =	ssyncset.done $0x0  }
0x1c9: {  	s16 =	simm.s32 $0x0;
	[sflag:s13] =	ssyncadd.s32 $0xFFFFE000  }
0x1ca: {  	[tilespmem:s16], [sflag:$0x9] =	stream.linear.gather [hbm4b:s21+s16], $0x1400, $0x38;
	[tilespmem:$0x1E800] =	vst v63  }
0x1cb: {  	_ =	swait.ge [sflag:s25], $0x1400  }
0x1cc: {  	[sflag:s25] =	ssyncset.done $0x0  }
0x1cd: {  	s26 =	simm.s32 $0x1400;
	[sflag:s25] =	ssyncadd.s32 $0xFFFFEC00  }
0x1ce: {  	[tilespmem:s26], [sflag:$0x9] =	stream.linear.gather [hbm4b:s22+s16], $0x1400, $0x38;
	[tilespmem:$0x1E800] =	vst v63  }
0x1cf: {  	_ =	swait.ge [sflag:s25], $0x1400  }
0x1d0: {  	[sflag:s25] =	ssyncset.done $0x0  }
0x1d1: {  	s16 =	simm.s32 $0x0;
	[sflag:s25] =	ssyncadd.s32 $0xFFFFEC00  }
0x1d2: {  	[tilespmem:s24], [sflag:$0x1] =	stream.indirect.gather [hbm4b:s6+s28], $0x80, s16, s28, $0xb8;
	[tilespmem:$0x1E800] =	vst v63  }
0x1d3: {  	s26 =	simm.s32 $0x40  }
0x1d4: {  	[tilespmem:s29], [sflag:$0x2] =	stream.indirect.gather [hbm4b:s6+s28], $0x80, s26, s28, $0xb8;
	[tilespmem:$0x1E800] =	vst v63  }
0x1d5: {  	s15 =	simm.s32 $0x80  }
0x1d6: {  	[tilespmem:s30], [sflag:$0x3] =	stream.indirect.gather [hbm4b:s6+s28], $0x80, s15, s28, $0xb8;
	[tilespmem:$0x1E800] =	vst v63  }
0x1d7: {  	s16 =	simm.s32 $0xC0  }
0x1d8: {  	[tilespmem:s31], [sflag:$0x4] =	stream.indirect.gather [hbm4b:s6+s28], $0x80, s16, s28, $0xb8;
	[tilespmem:$0x1E800] =	vst v63  }
0x1d9: {  	_ =	swait.ge [sflag:s0], $0x2000  }
0x1da: {  	[sflag:s0] =	ssyncset.done $0x0  }
0x1db: {  	s26 =	simm.s32 $0x1400;
	[sflag:s0] =	ssyncadd.s32 $0xFFFFE000  }
0x1dc: {  	[spmem:s3] =	stream.indirect.scatter.add.f32 [tilespmem:s24], [sflag:$0x5], $0x80, s26, s28, $0xb8;
	[tilespmem:$0x1E800] =	vst v63  }
0x1dd: {  	_ =	swait.ge [sflag:s1], $0x2000  }
0x1de: {  	[sflag:s1] =	ssyncset.done $0x0  }
0x1df: {  	s15 =	simm.s32 $0x1440;
	[sflag:s1] =	ssyncadd.s32 $0xFFFFE000  }
0x1e0: {  	[spmem:s3] =	stream.indirect.scatter.add.f32 [tilespmem:s29], [sflag:$0x6], $0x80, s15, s28, $0xb8;
	[tilespmem:$0x1E800] =	vst v63  }
0x1e1: {  	_ =	swait.ge [sflag:s8], $0x2000  }
0x1e2: {  	[sflag:s8] =	ssyncset.done $0x0  }
0x1e3: {  	s16 =	simm.s32 $0x1480;
	[sflag:s8] =	ssyncadd.s32 $0xFFFFE000  }
0x1e4: {  	[spmem:s3] =	stream.indirect.scatter.add.f32 [tilespmem:s30], [sflag:$0x7], $0x80, s16, s28, $0xb8;
	[tilespmem:$0x1E800] =	vst v63  }
0x1e5: {  	_ =	swait.ge [sflag:s2], $0x2000  }
0x1e6: {  	[sflag:s2] =	ssyncset.done $0x0  }
0x1e7: {  	s26 =	simm.s32 $0x14C0;
	[sflag:s2] =	ssyncadd.s32 $0xFFFFE000  }
0x1e8: {  	[spmem:s3] =	stream.indirect.scatter.add.f32 [tilespmem:s31], [sflag:$0x8], $0x80, s26, s28, $0xb8;
	[tilespmem:$0x1E800] =	vst v63  }
0x1e9: {  	_ =	swait.ge [sflag:s9], $0x2000  }
0x1ea: {  	[sflag:s9] =	ssyncset.done $0x0  }
0x1eb: {  	[sflag:s9] =	ssyncadd.s32 $0xFFFFE000  }
0x1ec: {  	_ =	swait.ge [sflag:s10], $0x2000  }
0x1ed: {  	[sflag:s10] =	ssyncset.done $0x0  }
0x1ee: {  	[sflag:s10] =	ssyncadd.s32 $0xFFFFE000  }
0x1ef: {  	_ =	swait.ge [sflag:s11], $0x2000  }
0x1f0: {  	[sflag:s11] =	ssyncset.done $0x0  }
0x1f1: {  	[sflag:s11] =	ssyncadd.s32 $0xFFFFE000  }
0x1f2: {  	_ =	swait.ge [sflag:s13], $0x2000  }
0x1f3: {  	s14 =	simm.s32 $0x400;
	s16 =	simm.s32 $0x800;
	[sflag:s13] =	ssyncset.done $0x0  }
.LBB2_12:
0x1f4: {  	s26 =	sshra.s32 s14, $0x2  }
0x1f5: {  	[sflag:s13] =	ssyncadd.s32 $0xFFFFE000;
	s14 =	smov.u32 s16;
	s15 =	sadd.s32 $0x400, s16  }
0x1f6: {  	[tilespmem:s24], [sflag:$0x1] =	stream.indirect.gather [hbm4b:s6+s28], $0x80, s26, s28, $0xb8;
	[tilespmem:$0x1E800] =	vst v63  }
0x1f7: {  	p1 =	sne.s32 s16, $0x4C00;
	s16 =	sadd.s32 $0x40, s26  }
0x1f8: {  	[tilespmem:s29], [sflag:$0x2] =	stream.indirect.gather [hbm4b:s6+s28], $0x80, s16, s28, $0xb8;
	[tilespmem:$0x1E800] =	vst v63  }
0x1f9: {  	s16 =	sadd.s32 $0x80, s26  }
0x1fa: {  	[tilespmem:s30], [sflag:$0x3] =	stream.indirect.gather [hbm4b:s6+s28], $0x80, s16, s28, $0xb8;
	[tilespmem:$0x1E800] =	vst v63  }
0x1fb: {  	s16 =	sadd.s32 $0xC0, s26  }
0x1fc: {  	[tilespmem:s31], [sflag:$0x4] =	stream.indirect.gather [hbm4b:s6+s28], $0x80, s16, s28, $0xb8;
	[tilespmem:$0x1E800] =	vst v63  }
0x1fd: {  	_ =	swait.ge [sflag:s0], $0x2000  }
0x1fe: {  	[sflag:s0] =	ssyncset.done $0x0  }
0x1ff: {  	s16 =	sadd.s32 $0x1400, s26;
	[sflag:s0] =	ssyncadd.s32 $0xFFFFE000  }
0x200: {  	[spmem:s3] =	stream.indirect.scatter.add.f32 [tilespmem:s24], [sflag:$0x5], $0x80, s16, s28, $0xb8;
	[tilespmem:$0x1E800] =	vst v63  }
0x201: {  	_ =	swait.ge [sflag:s1], $0x2000  }
0x202: {  	[sflag:s1] =	ssyncset.done $0x0  }
0x203: {  	s16 =	sadd.s32 $0x1440, s26;
	[sflag:s1] =	ssyncadd.s32 $0xFFFFE000  }
0x204: {  	[spmem:s3] =	stream.indirect.scatter.add.f32 [tilespmem:s29], [sflag:$0x6], $0x80, s16, s28, $0xb8;
	[tilespmem:$0x1E800] =	vst v63  }
0x205: {  	_ =	swait.ge [sflag:s8], $0x2000  }
0x206: {  	[sflag:s8] =	ssyncset.done $0x0  }
0x207: {  	s16 =	sadd.s32 $0x1480, s26;
	[sflag:s8] =	ssyncadd.s32 $0xFFFFE000  }
0x208: {  	[spmem:s3] =	stream.indirect.scatter.add.f32 [tilespmem:s30], [sflag:$0x7], $0x80, s16, s28, $0xb8;
	[tilespmem:$0x1E800] =	vst v63  }
0x209: {  	_ =	swait.ge [sflag:s2], $0x2000  }
0x20a: {  	[sflag:s2] =	ssyncset.done $0x0  }
0x20b: {  	s16 =	sadd.s32 $0x14C0, s26;
	[sflag:s2] =	ssyncadd.s32 $0xFFFFE000  }
0x20c: {  	[spmem:s3] =	stream.indirect.scatter.add.f32 [tilespmem:s31], [sflag:$0x8], $0x80, s16, s28, $0xb8;
	[tilespmem:$0x1E800] =	vst v63  }
0x20d: {  	_ =	swait.ge [sflag:s9], $0x2000  }
0x20e: {  	[sflag:s9] =	ssyncset.done $0x0  }
0x20f: {  	[sflag:s9] =	ssyncadd.s32 $0xFFFFE000  }
0x210: {  	_ =	swait.ge [sflag:s10], $0x2000  }
0x211: {  	[sflag:s10] =	ssyncset.done $0x0  }
0x212: {  	[sflag:s10] =	ssyncadd.s32 $0xFFFFE000  }
.Ltmp8:
0x213: {  	_ =	swait.ge [sflag:s11], $0x2000;
	(pc) =	sbr.rel @p1 .LBB2_12-.Ltmp8, $4  }
0x214: {  	[sflag:s11] =	ssyncset.done $0x0  }
0x215: {  	[sflag:s11] =	ssyncadd.s32 $0xFFFFE000  }
0x216: {  	_ =	swait.ge [sflag:s13], $0x2000  }
0x217: {  	s16 =	smov.u32 s15;
	[sflag:s13] =	ssyncset.done $0x0  }
.Ltmp9:
0x218: {  	_ = 	snop;
	(pc) =	sbr.rel .LBB2_13-.Ltmp9, $1  }
0x219: {  	_ =	sdelay $0x3  }
.LBB2_15:
0x21a: {  	_ =	sfence.sel $0x180000  }
0x21b: {  	[bflag:$0x0] =	sbarrier.arrive $0xFFFF  }
0x21c: {  	_ =	strace $0x9000004D  }
0x21d: {  	s0 =	stileid.u32;
	[bflag:$0x2] =	sbarrier.arrive $0xFFFF  }
0x21e: {  	p0 =	sne.s32 s0, $0x0;
	s0 =	rddreg [dreg:$0x3]  }
0x21f: {  	s0 =	sadd.s32 @!p0 $0x100000, s0  }
0x220: {  	[sflag:s0] =	ssyncadd.tile.s32 @!p0 $0x1;
	_ =	shalt  }
.Lfunc_end2:
_tile_overlayer_lowered:
.L_overlay_start_2:
0x221: {  	(tag) =	ssettag $0x2  }
0x222: {  	s0 =	rddreg [dreg:$0x0];
	s2 =	stileid.u32  }
0x223: {  	s1 =	rddreg [dreg:$0x1];
	p0 =	sne.s32 s2, $0x0  }
0x224: {  	s3 =	rddreg [dreg:$0x2];
	[bflag:$0x3] =	sbarrier.arrive $0xFFFF;
	s2 =	simm.s32 @!p0 $0x1C09  }
0x225: {  	[timem:s3], [sflag:s2] =	dma.local @!p0 [hbm:s0], s1  }
0x226: {  	s0 =	simm.s32 @!p0 $0x9  }
0x227: {  	_ =	swait.ge @!p0 [sflag:s0], s1  }
0x228: {  	s1 =	ssub.s32 @!p0 $0x0, s1;
	[sflag:s0] =	ssyncset.done @!p0 $0x0  }
0x229: {  	[sflag:s0] =	ssyncadd.s32 @!p0 s1  }
0x22a: {  	[bflag:$0x3] =	sbarrier.arrive $0xFFFF  }
0x22b: {  	_ =	shalt  }

// kernel: kernel.8.cloned.1.call-start
scs
__scs_entry_jumppad:
0x0: {  	(pc) =	sbr.rel $0x88, $3  }
0x1: {  	(tag) =	ssettag $0x0;
	lr =	simm.s32 $0x1  }
0x2: {  	[smem:$0x3F9B] =	sst lr;
	_ =	strace $0xD0000000  }
0x3: {  	_ = 	snop  }
0x4: {  	_ = 	snop  }
0x5: {  	_ = 	snop  }
0x6: {  	_ = 	snop  }
0x7: {  	_ = 	snop  }
__scs_overlays_trampoline_lowered:
0x8: {  	[smem:$0x3FAA] =	sst s0  }
0x9: {  	[smem:$0x3FAB] =	sst s1  }
0xa: {  	[smem:$0x3FAC] =	sst s2  }
0xb: {  	[smem:$0x3FAD] =	sst s3  }
0xc: {  	[smem:$0x3FAE] =	sst s4  }
0xd: {  	[smem:$0x3FAF] =	sst s5  }
0xe: {  	[smem:$0x3FB0] =	sst s6  }
0xf: {  	[smem:$0x3FB1] =	sst s7  }
0x10: {  	[smem:$0x3FB2] =	sst s8  }
0x11: {  	[smem:$0x3FB3] =	sst s9;
	s0 =	simm.s32 @!p0 $0x0  }
0x12: {  	s1 =	sld [smem:$0x3F99];
	s0 =	simm.s32 @p0 $0x1  }
0x13: {  	[smem:$0x3FB4] =	sst s0;
	s0 =	simm.s32 @!p1 $0x0  }
0x14: {  	s2 =	sld [smem:$0x3F98];
	s0 =	simm.s32 @p1 $0x1  }
0x15: {  	[smem:$0x3FB5] =	sst s0;
	s0 =	simm.s32 @!p2 $0x0  }
0x16: {  	s3 =	sld [smem:$0x3FDB];
	s0 =	simm.s32 @p2 $0x1  }
0x17: {  	s4 =	simm.s32 $0x1BF5;
	[smem:$0x3FB7] =	sst s0  }
0x18: {  	s0 =	sld [smem:$0x3F9A];
	_ =	swait.ge [sflag:s4], $0x0  }
0x19: {  	s7 =	sld [smem:$0x3F9B]  }
0x1a: {  	s8 =	sadd.s32 $0xFFFFE003, lr  }
0x1b: {  	s9 =	sadd.s32 $0xFFFFFEF7, lr;
	s5 =	simm.s32 $0xFFFFFFFF;
	p2 =	slt.u32 s8, $0xFFFFF086  }
0x1c: {  	p1 =	slt.u32 s9, $0xF7A;
	s5 =	simm.s32 @!p2 $0x0  }
0x1d: {  	s5 =	simm.s32 @p1 $0x1;
	p0 =	seq.s32 s7, s2  }
0x1e: {  	s7 =	smul.u32 @!p0 $0xF7A, s2;
	p2 =	seq.s32 @!p0 s5, $0x0  }
0x1f: {  	s9 =	smul.u32 $0xF7A, s1;
	s8 =	simm.s32 @!p0 $0x1BF5;
	p2 =	por !p2, p0  }
0x20: {  	[sflag:s8] =	ssyncset.s32 @!p0 $0xFFFFF086;
	s6 =	sadd.s32 @!p0 s3, s7;
	s7 =	simm.s32 @!p0 $0x108  }
0x21: {  	s3 =	sadd.s32 s3, s9;
	s6 =	sadd.s32 @!p0 $0x88, s6;
	s7 =	simm.s32 @p2 $0x1082  }
0x22: {  	[simem:s7], [sflag:s8] =	dma.local @!p0 [hbm:s6], $0xF7A  }
0x23: {  	s9 =	sor.u32 $0xD0000000, s2;
	s6 =	simm.s32 $0x108;
	_ =	swait.ge @!p0 [sflag:s8], $0x0  }
0x24: {  	s3 =	sadd.s32 $0x88, s3;
	s6 =	simm.s32 @!p1 $0x1082;
	[sflag:s4] =	ssyncset.s32 $0xFFFFF086  }
0x25: {  	[simem:s6], [sflag:s4] =	dma.local [hbm:s3], $0xF7A  }
0x26: {  	[smem:$0x3F9B] =	sst s1;
	(tag) =	ssettag s2;
	_ =	strace s9  }
0x27: {  	s1 =	sld [smem:$0x3FAB]  }
0x28: {  	s2 =	sld [smem:$0x3FAC]  }
0x29: {  	s4 =	sld [smem:$0x3FAE]  }
0x2a: {  	p0 =	seq.s32 s5, $0x0;
	s5 =	sld [smem:$0x3FAF]  }
0x2b: {  	s6 =	sld [smem:$0x3FB0]  }
0x2c: {  	s7 =	sld [smem:$0x3FB1]  }
0x2d: {  	s3 =	simm.s32 $0x108;
	s8 =	sld [smem:$0x3FB2]  }
0x2e: {  	s3 =	simm.s32 @!p0 $0x1082;
	s9 =	sld [smem:$0x3FB3]  }
0x2f: {  	lr =	sadd.s32 s0, s3;
	s0 =	sld [smem:$0x3FAA]  }
0x30: {  	s3 =	sld [smem:$0x3FAD]  }
0x31: {  	[smem:$0x3FB6] =	sst s10  }
0x32: {  	s10 =	sld [smem:$0x3FB4];
	_ =	sdelay $0x3  }
0x33: {  	p0 =	seq.s32 s10, $0x1;
	s10 =	sld [smem:$0x3FB6];
	_ =	sdelay $0x3  }
0x34: {  	[smem:$0x3FB6] =	sst s10  }
0x35: {  	s10 =	sld [smem:$0x3FB5];
	_ =	sdelay $0x3  }
0x36: {  	p1 =	seq.s32 s10, $0x1;
	s10 =	sld [smem:$0x3FB6];
	_ =	sdelay $0x3  }
0x37: {  	[smem:$0x3FB6] =	sst s10  }
0x38: {  	s10 =	sld [smem:$0x3FB7]  }
0x39: {  	_ = 	snop;
	(pc) =	sbr.ind lr, $3  }
0x3a: {  	_ = 	snop  }
0x3b: {  	_ = 	snop  }
0x3c: {  	p2 =	seq.s32 s10, $0x1;
	s10 =	sld [smem:$0x3FB6]  }
0x3d: {  	_ =	shalt  }
0x3e: {  	_ =	shalt  }
0x3f: {  	_ =	shalt  }
0x40: {  	_ =	shalt  }
0x41: {  	_ =	shalt  }
0x42: {  	_ =	shalt  }
0x43: {  	_ =	shalt  }
0x44: {  	_ =	shalt  }
0x45: {  	_ =	shalt  }
0x46: {  	_ =	shalt  }
0x47: {  	_ =	shalt  }
0x48: {  	_ =	shalt  }
0x49: {  	_ =	shalt  }
0x4a: {  	_ =	shalt  }
0x4b: {  	_ =	shalt  }
0x4c: {  	_ =	shalt  }
0x4d: {  	_ =	shalt  }
0x4e: {  	_ =	shalt  }
0x4f: {  	_ =	shalt  }
0x50: {  	_ =	shalt  }
0x51: {  	_ =	shalt  }
0x52: {  	_ =	shalt  }
0x53: {  	_ =	shalt  }
0x54: {  	_ =	shalt  }
0x55: {  	_ =	shalt  }
0x56: {  	_ =	shalt  }
0x57: {  	_ =	shalt  }
0x58: {  	_ =	shalt  }
0x59: {  	_ =	shalt  }
0x5a: {  	_ =	shalt  }
0x5b: {  	_ =	shalt  }
0x5c: {  	_ =	shalt  }
0x5d: {  	_ =	shalt  }
0x5e: {  	_ =	shalt  }
0x5f: {  	_ =	shalt  }
0x60: {  	_ =	shalt  }
0x61: {  	_ =	shalt  }
0x62: {  	_ =	shalt  }
0x63: {  	_ =	shalt  }
0x64: {  	_ =	shalt  }
0x65: {  	_ =	shalt  }
0x66: {  	_ =	shalt  }
0x67: {  	_ =	shalt  }
0x68: {  	_ =	shalt  }
0x69: {  	_ =	shalt  }
0x6a: {  	_ =	shalt  }
0x6b: {  	_ =	shalt  }
0x6c: {  	_ =	shalt  }
0x6d: {  	_ =	shalt  }
0x6e: {  	_ =	shalt  }
0x6f: {  	_ =	shalt  }
0x70: {  	_ =	shalt  }
0x71: {  	_ =	shalt  }
0x72: {  	_ =	shalt  }
0x73: {  	_ =	shalt  }
0x74: {  	_ =	shalt  }
0x75: {  	_ =	shalt  }
0x76: {  	_ =	shalt  }
0x77: {  	_ =	shalt  }
0x78: {  	_ =	shalt  }
0x79: {  	_ =	shalt  }
0x7a: {  	_ =	shalt  }
0x7b: {  	_ =	shalt  }
0x7c: {  	_ =	shalt  }
0x7d: {  	_ =	shalt  }
0x7e: {  	_ =	shalt  }
0x7f: {  	_ =	shalt  }
0x80: {  	_ =	shalt  }
0x81: {  	_ =	shalt  }
0x82: {  	_ =	shalt  }
0x83: {  	_ =	shalt  }
0x84: {  	_ =	shalt  }
0x85: {  	_ =	shalt  }
0x86: {  	_ =	shalt  }
0x87: {  	_ =	shalt  }
.Lfunc_end0:
.L_simem_size_0:
called_computation_lowered:
.L_overlay_start_0:
0x88: {  	s2 =	sld [smem:$0x3FD9]  }
0x89: {  	s3 =	sld [smem:$0x3FFE];
	_ =	sdelay $0x1  }
0x8a: {  	s1 =	srdreg.scid  }
0x8b: {  	s0 =	sand.u32 $0x1, s1  }
0x8c: {  	s17 =	sshll.u32 s0, $0xA;
	s2 =	sadd.s32 s3, s2  }
0x8d: {  	s2 =	sadd.s32 s2, s17  }
0x8e: {  	[smem:$0x3FC2] =	sst s2  }
0x8f: {  	_ = 	snop  }
0x90: {  	s2 =	sld [smem:$0x3FD0];
	(tm) =	ssettm $0x1  }
0x91: {  	s18 =	sld [smem:$0x3FFB];
	_ =	sdelay $0x3  }
0x92: {  	_ =	strace s18  }
0x93: {  	s3 =	sld [smem:$0x3FFC];
	_ =	sdelay $0x3  }
0x94: {  	_ =	strace s3  }
0x95: {  	s3 =	sld [smem:$0x3FFD];
	_ =	sdelay $0x3  }
0x96: {  	_ =	strace s3  }
0x97: {  	_ =	strace $0x8FFFFFFF  }
0x98: {  	s19 =	sld [smem:$0x3FDB];
	_ =	sdelay $0x1  }
0x99: {  	s4 =	simm.s32 $_scs_section_size  }
0x9a: {  	s5 =	simm.s32 $_size__tile_overlayer_lowered;
	s6 =	simm.s32 $_tile_overlayer_lowered  }
0x9b: {  	s22 =	simm.s32 $0x1BFF;
	s21 =	sshll.u32 s6, $0x1;
	s3 =	sadd.s32 s4, s19  }
0x9c: {  	s7 =	simm.s32 $0x0;
	s20 =	sshll.u32 s5, $0x1;
	s5 =	sadd.s32 s21, s3  }
0x9d: {  	[timem:s7], [sflag:s22] =	dma.local [hbm:s5], s20  }
0x9e: {  	_ =	swait.ge [sflag:s22], s20  }
0x9f: {  	s4 =	ssub.s32 $0x0, s20;
	[sflag:s22] =	ssyncset.done $0x0  }
0xa0: {  	[sflag:s22] =	ssyncadd.s32 s4;
	_ =	sdelay $0x1  }
0xa1: {  	s23 =	simm.s32 $0x1B8B  }
0xa2: {  	_ =	swait.ge [sflag:s23], $0x1  }
0xa3: {  	[sflag:s23] =	ssyncset.done $0x0  }
0xa4: {  	s25 =	simm.s32 $0x1B8E;
	s24 =	sld [smem:$0x3FFE];
	[sflag:s23] =	ssyncadd.s32 $0xFFFFFFFF  }
0xa5: {  	s26 =	simm.s32 $execute0_lowered;
	[smem:$0x3FD2] =	sst s25  }
0xa6: {  	s5 =	sshll.u32 s26, $0x1;
	_ =	strace $0x80000046;
	[dreg:$0x1] =	wrdreg $0xFFFFFFFF  }
0xa7: {  	s28 =	simm.s32 $_size_execute0_lowered;
	s3 =	sadd.s32 s3, s5;
	[dreg:$0x0] =	wrdreg $0x0  }
0xa8: {  	s5 =	sshll.u32 s28, $0x1;
	[dreg:$0x2] =	wrdreg s3  }
0xa9: {  	[dreg:$0x3] =	wrdreg s5  }
0xaa: {  	[dreg:$0x4] =	wrdreg $0xC0  }
0xab: {  	_ =	task [dreg:s7], $0x5FFFF  }
0xac: {  	[dreg:$0x1] =	wrdreg $0xFFFFFFFF  }
0xad: {  	[dreg:$0x0] =	wrdreg $0x60  }
0xae: {  	[dreg:$0x2] =	wrdreg s24  }
0xaf: {  	[dreg:$0x3] =	wrdreg s2  }
0xb0: {  	[dreg:$0x4] =	wrdreg $0x41000  }
0xb1: {  	[dreg:$0x5] =	wrdreg $0x9  }
0xb2: {  	_ =	task.clear_ibuf [dreg:s7], $0x6FFFF;
	_ =	strace $0x90000046  }
0xb3: {  	s29 =	simm.s32 $0x9;
	_ =	strace $0x80000048  }
0xb4: {  	_ =	swait.ge [sflag:s29], $0x1  }
0xb5: {  	[sflag:s29] =	ssyncadd.s32 $0xFFFFFFFF  }
0xb6: {  	_ =	strace $0x90000048  }
0xb7: {  	_ =	sfence  }
0xb8: {  	s30 =	sld [smem:$0x0];
	_ =	sdelay $0x2  }
0xb9: {  	s31 =	sshll.u32 s1, $0xD;
	s1 =	sshrl.u32 s1, $0x2  }
0xba: {  	s3 =	sand.u32 $0x4000, s31;
	s1 =	sadd.s32 s1, s30  }
0xbb: {  	s0 =	sor.u32 s3, s0;
	s1 =	sshll.u32 s1, $0x11  }
0xbc: {  	s0 =	sor.u32 s1, s0  }
0xbd: {  	s0 =	sadd.s32 $0x8F2B, s0  }
0xbe: {  	[sflag:s0] =	ssyncadd.remote.s32 $0x1  }
0xbf: {  	_ =	sfence.sel $0xFFFF  }
0xc0: {  	[dreg:$0x0] =	wrdreg $0xFFFFFFFF;
	(pc) =	sbr.abs _section_cstart, $3  }
0xc1: {  	[dreg:$0x1] =	wrdreg $0xFFFFFFFF  }
0xc2: {  	_ =	task.clear_ibuf [dreg:s7], $0x2FFFF;
	_ =	strace $0x9FFFFFFF  }
0xc3: {  	(tm) =	ssettm $0x7FFFFFFF  }
tec
execute0_lowered:
.L_overlay_start_1:
0x0: {  	(tag) =	ssettag $0x1  }
0x1: {  	s0 =	rddreg [dreg:$0x0]  }
0x2: {  	s21 =	rddreg [dreg:$0x1]  }
0x3: {  	s3 =	rddreg [dreg:$0x2];
	s18 =	srdreg.scid  }
0x4: {  	s1 =	stileid.u32;
	s2 =	simm.s32 $0x0;
	s28 =	simm.s32 $0x3C00  }
0x5: {  	s29 =	simm.s32 $0x3E80;
	s30 =	simm.s32 $0x100;
	s6 =	smul.u32 $0x280, s1  }
0x6: {  	s4 =	sand.u32 $0x1, s18;
	s7 =	sshrl.u32 s1, $0x3;
	s8 =	smul.u32 $0x5000, s1  }
0x7: {  	[smem:$0x7FF] =	sst s2;
	s23 =	sshll.u32 s1, $0x7;
	s5 =	smul.u32 $0x2800, s4  }
0x8: {  	s31 =	sshll.u32 s18, $0x4;
	s4 =	ssub.s32 $0x2, s4;
	s7 =	smul.u32 $0x50000, s7  }
0x9: {  	_ =	strace $0x80000047;
	s26 =	sand.u32 $0x380, s23;
	s23 =	smul.u32 $0xA0, s1  }
0xa: {  	s22 =	sshrl.u32 s4, $0x1;
	s25 =	sshrl.u32 s8, $0x2;
	s5 =	sadd.s32 s6, s5  }
0xb: {  	s22 =	ssub.s32 s4, s22;
	s24 =	sshrl.u32 s7, $0x2;
	s0 =	sadd.s32 s5, s0  }
0xc: {  	s5 =	sadd.s32 s24, s3;
	s3 =	sadd.s32 s25, s3;
	s24 =	simm.s32 $0x1400  }
0xd: {  	s25 =	simm.s32 $0x80;
	s4 =	sadd.s32 $0x8A00, s0;
	s5 =	sadd.s32 s26, s5  }
0xe: {  	s6 =	sadd.s32 $0x80, s3;
	s7 =	sadd.s32 $0x100, s3;
	s8 =	sadd.s32 $0x180, s3  }
0xf: {  	s9 =	sadd.s32 $0x200, s3;
	s10 =	sadd.s32 $0x280, s3;
	s11 =	sadd.s32 $0x300, s3  }
0x10: {  	s12 =	sadd.s32 $0x380, s3;
	s13 =	sadd.s32 $0x14000, s3;
	s14 =	sadd.s32 $0x14080, s3  }
0x11: {  	s15 =	sadd.s32 $0x14100, s3;
	s16 =	sadd.s32 $0x14180, s3;
	s17 =	sadd.s32 $0x14200, s3  }
0x12: {  	s18 =	sadd.s32 $0x14280, s3;
	s0 =	sand.u32 $0x10, s31;
	s19 =	sadd.s32 $0x14300, s3  }
0x13: {  	s20 =	sadd.s32 $0x14380, s3;
	s26 =	simm.s32 $0x400;
	s0 =	sadd.s32 s0, s21  }
0x14: {  	v0 =	vimm.f32 $0.0e+00;
	v1 =	vimm.f32 $1.000000000e+00;
	s21 =	smax.u32 s22, $0x1;
	s22 =	sadd.s32 s23, s0;
	s23 =	simm.s32 $0x1  }
.LBB2_1:
0x15: {  	s0 =	simm.s32 $0x40;
	s31 =	simm.s32 $0x0  }
.LBB2_2:
0x16: {  	p0 =	sne.s32 s0, $0x9FC0;
	[tilespmem:s31+$0x1400] =	vst v0;
	s31 =	smov.u32 s0;
	s0 =	sadd.s32 $0x40, s0  }
.Ltmp0:
0x17: {  	(pc) =	sbr.rel @p0 .LBB2_2-.Ltmp0, $2  }
0x18: {  	_ =	sdelay $0x2  }
0x19: {  	s31 =	sshra.s32 s31, $0x2  }
0x1a: {  	[tilespmem:s31+$0x1400] =	vst v0;
	s31 =	simm.s32 $0x0  }
0x1b: {  	[tilespmem:s31], [sflag:$0x1] =	stream.linear.gather [hbm4b:s4+s31], $0x1400, $0x38;
	[tilespmem:$0x6900] =	vst v63  }
0x1c: {  	_ =	swait.ge [sflag:s23], $0x1400  }
0x1d: {  	[sflag:s23] =	ssyncset.done $0x0  }
0x1e: {  	[sflag:s23] =	ssyncadd.s32 $0xFFFFEC00  }
.LBB2_4:
0x1f: {  	s0 =	sshra.s32 s31, $0x2  }
0x20: {  	v2 =	vld [tilespmem:s0+$0x0];
	_ =	sdelay $0x7  }
0x21: {  	[tilespmem:v2+s24+$0x0] =	vst.idx.add.f32.msk $0xffff, v1  }
0x22: {  	v2 =	vld [tilespmem:s0+$0x10];
	_ =	sdelay $0x7  }
0x23: {  	[tilespmem:v2+s24+$0x0] =	vst.idx.add.f32.msk $0xffff, v1  }
0x24: {  	v2 =	vld [tilespmem:s0+$0x20];
	_ =	sdelay $0x7  }
0x25: {  	[tilespmem:v2+s24+$0x0] =	vst.idx.add.f32.msk $0xffff, v1  }
0x26: {  	v2 =	vld [tilespmem:s0+$0x30];
	_ =	sdelay $0x7  }
0x27: {  	[tilespmem:v2+s24+$0x0] =	vst.idx.add.f32.msk $0xffff, v1  }
0x28: {  	v2 =	vld [tilespmem:s0+$0x40];
	_ =	sdelay $0x7  }
0x29: {  	[tilespmem:v2+s24+$0x0] =	vst.idx.add.f32.msk $0xffff, v1  }
0x2a: {  	v2 =	vld [tilespmem:s0+$0x50];
	_ =	sdelay $0x7  }
0x2b: {  	[tilespmem:v2+s24+$0x0] =	vst.idx.add.f32.msk $0xffff, v1  }
0x2c: {  	v2 =	vld [tilespmem:s0+$0x60];
	_ =	sdelay $0x7  }
0x2d: {  	[tilespmem:v2+s24+$0x0] =	vst.idx.add.f32.msk $0xffff, v1  }
0x2e: {  	v2 =	vld [tilespmem:s0+$0x70];
	_ =	sdelay $0x2  }
0x2f: {  	p0 =	sne.s32 s31, $0x4E00  }
.Ltmp1:
0x30: {  	_ = 	snop;
	(pc) =	sbr.rel @p0 .LBB2_4-.Ltmp1, $2  }
0x31: {  	_ =	sdelay $0x2  }
0x32: {  	s31 =	sadd.s32 $0x200, s31;
	[tilespmem:v2+s24+$0x0] =	vst.idx.add.f32.msk $0xffff, v1  }
0x33: {  	[spmem:s5] =	stream.strided.scatter [tilespmem:s24], [sflag:$0x1], $0x2800, s26, s25, $0x38;
	[tilespmem:$0x6900] =	vst v63  }
0x34: {  	_ =	swait.ge [sflag:s23], $0x2800  }
0x35: {  	[sflag:s23] =	ssyncset.done $0x0  }
0x36: {  	[sflag:s23] =	ssyncadd.s32 $0xFFFFD800  }
0x37: {  	[bflag:$0x0] =	sbarrier.arrive $0xFFFF  }
0x38: {  	[tilespmem:s28], [sflag:$0x1] =	stream.strided.gather [spmem:s3], $0x280, s26, s25, $0x38;
	[tilespmem:$0x6900] =	vst v63  }
0x39: {  	_ =	swait.ge [sflag:s23], $0x280  }
0x3a: {  	[sflag:s23] =	ssyncset.done $0x0  }
0x3b: {  	[sflag:s23] =	ssyncadd.s32 $0xFFFFFD80  }
0x3c: {  	[tilespmem:s29], [sflag:$0x1] =	stream.strided.gather [spmem:s6], $0x280, s26, s25, $0x38;
	[tilespmem:$0x6900] =	vst v63  }
0x3d: {  	_ =	swait.ge [sflag:s23], $0x280  }
0x3e: {  	[sflag:s23] =	ssyncset.done $0x0  }
0x3f: {  	s31 =	simm.s32 $0x0;
	[sflag:s23] =	ssyncadd.s32 $0xFFFFFD80  }
0x40: {  	s0 =	simm.s32 $0x40;
	v2 =	vld [tilespmem:s31+$0x3E80]  }
.LBB2_6:
0x41: {  	p0 =	sne.s32 s0, $0x9C0;
	v3 =	vld [tilespmem:s31+$0x3C00];
	_ =	sdelay $0x2  }
.Ltmp2:
0x42: {  	(pc) =	sbr.rel @p0 .LBB2_6-.Ltmp2, $4  }
0x43: {  	_ = 	snop  }
0x44: {  	v3 =	vadd.f32 v2, v3  }
0x45: {  	s1 =	sshra.s32 s0, $0x2  }
0x46: {  	s0 =	sadd.s32 $0x40, s0;
	v2 =	vld [tilespmem:s1+$0x3E80];
	[tilespmem:s31+$0x3C00] =	vst v3;
	s31 =	smov.u32 s1  }
0x47: {  	v3 =	vld [tilespmem:s31+$0x3C00];
	_ =	sdelay $0x4  }
0x48: {  	v2 =	vadd.f32 v2, v3;
	_ =	sdelay $0x1  }
0x49: {  	[tilespmem:s31+$0x3C00] =	vst v2  }
0x4a: {  	[tilespmem:s29], [sflag:$0x1] =	stream.strided.gather [spmem:s7], $0x280, s26, s25, $0x38;
	[tilespmem:$0x6900] =	vst v63  }
0x4b: {  	_ =	swait.ge [sflag:s23], $0x280  }
0x4c: {  	[sflag:s23] =	ssyncset.done $0x0  }
0x4d: {  	s31 =	simm.s32 $0x0;
	[sflag:s23] =	ssyncadd.s32 $0xFFFFFD80  }
0x4e: {  	s0 =	simm.s32 $0x40;
	v2 =	vld [tilespmem:s31+$0x3E80]  }
.LBB2_8:
0x4f: {  	p0 =	sne.s32 s0, $0x9C0;
	v3 =	vld [tilespmem:s31+$0x3C00];
	_ =	sdelay $0x2  }
.Ltmp3:
0x50: {  	(pc) =	sbr.rel @p0 .LBB2_8-.Ltmp3, $4  }
0x51: {  	_ = 	snop  }
0x52: {  	v3 =	vadd.f32 v2, v3  }
0x53: {  	s1 =	sshra.s32 s0, $0x2  }
0x54: {  	s0 =	sadd.s32 $0x40, s0;
	v2 =	vld [tilespmem:s1+$0x3E80];
	[tilespmem:s31+$0x3C00] =	vst v3;
	s31 =	smov.u32 s1  }
0x55: {  	v3 =	vld [tilespmem:s31+$0x3C00];
	_ =	sdelay $0x4  }
0x56: {  	v2 =	vadd.f32 v2, v3;
	_ =	sdelay $0x1  }
0x57: {  	[tilespmem:s31+$0x3C00] =	vst v2  }
0x58: {  	[tilespmem:s29], [sflag:$0x1] =	stream.strided.gather [spmem:s8], $0x280, s26, s25, $0x38;
	[tilespmem:$0x6900] =	vst v63  }
0x59: {  	_ =	swait.ge [sflag:s23], $0x280  }
0x5a: {  	[sflag:s23] =	ssyncset.done $0x0  }
0x5b: {  	s31 =	simm.s32 $0x0;
	[sflag:s23] =	ssyncadd.s32 $0xFFFFFD80  }
0x5c: {  	s0 =	simm.s32 $0x40;
	v2 =	vld [tilespmem:s31+$0x3E80]  }
.LBB2_10:
0x5d: {  	p0 =	sne.s32 s0, $0x9C0;
	v3 =	vld [tilespmem:s31+$0x3C00];
	_ =	sdelay $0x2  }
.Ltmp4:
0x5e: {  	(pc) =	sbr.rel @p0 .LBB2_10-.Ltmp4, $4  }
0x5f: {  	_ = 	snop  }
0x60: {  	v3 =	vadd.f32 v2, v3  }
0x61: {  	s1 =	sshra.s32 s0, $0x2  }
0x62: {  	s0 =	sadd.s32 $0x40, s0;
	v2 =	vld [tilespmem:s1+$0x3E80];
	[tilespmem:s31+$0x3C00] =	vst v3;
	s31 =	smov.u32 s1  }
0x63: {  	v3 =	vld [tilespmem:s31+$0x3C00];
	_ =	sdelay $0x4  }
0x64: {  	v2 =	vadd.f32 v2, v3;
	_ =	sdelay $0x1  }
0x65: {  	[tilespmem:s31+$0x3C00] =	vst v2  }
0x66: {  	[tilespmem:s29], [sflag:$0x1] =	stream.strided.gather [spmem:s9], $0x280, s26, s25, $0x38;
	[tilespmem:$0x6900] =	vst v63  }
0x67: {  	_ =	swait.ge [sflag:s23], $0x280  }
0x68: {  	[sflag:s23] =	ssyncset.done $0x0  }
0x69: {  	s31 =	simm.s32 $0x0;
	[sflag:s23] =	ssyncadd.s32 $0xFFFFFD80  }
0x6a: {  	s0 =	simm.s32 $0x40;
	v2 =	vld [tilespmem:s31+$0x3E80]  }
.LBB2_12:
0x6b: {  	p0 =	sne.s32 s0, $0x9C0;
	v3 =	vld [tilespmem:s31+$0x3C00];
	_ =	sdelay $0x2  }
.Ltmp5:
0x6c: {  	(pc) =	sbr.rel @p0 .LBB2_12-.Ltmp5, $4  }
0x6d: {  	_ = 	snop  }
0x6e: {  	v3 =	vadd.f32 v2, v3  }
0x6f: {  	s1 =	sshra.s32 s0, $0x2  }
0x70: {  	s0 =	sadd.s32 $0x40, s0;
	v2 =	vld [tilespmem:s1+$0x3E80];
	[tilespmem:s31+$0x3C00] =	vst v3;
	s31 =	smov.u32 s1  }
0x71: {  	v3 =	vld [tilespmem:s31+$0x3C00];
	_ =	sdelay $0x4  }
0x72: {  	v2 =	vadd.f32 v2, v3;
	_ =	sdelay $0x1  }
0x73: {  	[tilespmem:s31+$0x3C00] =	vst v2  }
0x74: {  	[tilespmem:s29], [sflag:$0x1] =	stream.strided.gather [spmem:s10], $0x280, s26, s25, $0x38;
	[tilespmem:$0x6900] =	vst v63  }
0x75: {  	_ =	swait.ge [sflag:s23], $0x280  }
0x76: {  	[sflag:s23] =	ssyncset.done $0x0  }
0x77: {  	s31 =	simm.s32 $0x0;
	[sflag:s23] =	ssyncadd.s32 $0xFFFFFD80  }
0x78: {  	s0 =	simm.s32 $0x40;
	v2 =	vld [tilespmem:s31+$0x3E80]  }
.LBB2_14:
0x79: {  	p0 =	sne.s32 s0, $0x9C0;
	v3 =	vld [tilespmem:s31+$0x3C00];
	_ =	sdelay $0x2  }
.Ltmp6:
0x7a: {  	(pc) =	sbr.rel @p0 .LBB2_14-.Ltmp6, $4  }
0x7b: {  	_ = 	snop  }
0x7c: {  	v3 =	vadd.f32 v2, v3  }
0x7d: {  	s1 =	sshra.s32 s0, $0x2  }
0x7e: {  	s0 =	sadd.s32 $0x40, s0;
	v2 =	vld [tilespmem:s1+$0x3E80];
	[tilespmem:s31+$0x3C00] =	vst v3;
	s31 =	smov.u32 s1  }
0x7f: {  	v3 =	vld [tilespmem:s31+$0x3C00];
	_ =	sdelay $0x4  }
0x80: {  	v2 =	vadd.f32 v2, v3;
	_ =	sdelay $0x1  }
0x81: {  	[tilespmem:s31+$0x3C00] =	vst v2  }
0x82: {  	[tilespmem:s29], [sflag:$0x1] =	stream.strided.gather [spmem:s11], $0x280, s26, s25, $0x38;
	[tilespmem:$0x6900] =	vst v63  }
0x83: {  	_ =	swait.ge [sflag:s23], $0x280  }
0x84: {  	[sflag:s23] =	ssyncset.done $0x0  }
0x85: {  	s31 =	simm.s32 $0x0;
	[sflag:s23] =	ssyncadd.s32 $0xFFFFFD80  }
0x86: {  	s0 =	simm.s32 $0x40;
	v2 =	vld [tilespmem:s31+$0x3E80]  }
.LBB2_16:
0x87: {  	p0 =	sne.s32 s0, $0x9C0;
	v3 =	vld [tilespmem:s31+$0x3C00];
	_ =	sdelay $0x2  }
.Ltmp7:
0x88: {  	(pc) =	sbr.rel @p0 .LBB2_16-.Ltmp7, $4  }
0x89: {  	_ = 	snop  }
0x8a: {  	v3 =	vadd.f32 v2, v3  }
0x8b: {  	s1 =	sshra.s32 s0, $0x2  }
0x8c: {  	s0 =	sadd.s32 $0x40, s0;
	v2 =	vld [tilespmem:s1+$0x3E80];
	[tilespmem:s31+$0x3C00] =	vst v3;
	s31 =	smov.u32 s1  }
0x8d: {  	v3 =	vld [tilespmem:s31+$0x3C00];
	_ =	sdelay $0x4  }
0x8e: {  	v2 =	vadd.f32 v2, v3;
	_ =	sdelay $0x1  }
0x8f: {  	[tilespmem:s31+$0x3C00] =	vst v2  }
0x90: {  	[tilespmem:s29], [sflag:$0x1] =	stream.strided.gather [spmem:s12], $0x280, s26, s25, $0x38;
	[tilespmem:$0x6900] =	vst v63  }
0x91: {  	_ =	swait.ge [sflag:s23], $0x280  }
0x92: {  	[sflag:s23] =	ssyncset.done $0x0  }
0x93: {  	s31 =	simm.s32 $0x0;
	[sflag:s23] =	ssyncadd.s32 $0xFFFFFD80  }
0x94: {  	s0 =	simm.s32 $0x40;
	v2 =	vld [tilespmem:s31+$0x3E80]  }
.LBB2_18:
0x95: {  	p0 =	sne.s32 s0, $0x9C0;
	v3 =	vld [tilespmem:s31+$0x3C00];
	_ =	sdelay $0x2  }
.Ltmp8:
0x96: {  	(pc) =	sbr.rel @p0 .LBB2_18-.Ltmp8, $4  }
0x97: {  	_ = 	snop  }
0x98: {  	v3 =	vadd.f32 v2, v3  }
0x99: {  	s1 =	sshra.s32 s0, $0x2  }
0x9a: {  	s0 =	sadd.s32 $0x40, s0;
	v2 =	vld [tilespmem:s1+$0x3E80];
	[tilespmem:s31+$0x3C00] =	vst v3;
	s31 =	smov.u32 s1  }
0x9b: {  	v3 =	vld [tilespmem:s31+$0x3C00];
	_ =	sdelay $0x4  }
0x9c: {  	v2 =	vadd.f32 v2, v3;
	_ =	sdelay $0x1  }
0x9d: {  	[tilespmem:s31+$0x3C00] =	vst v2  }
0x9e: {  	[tilespmem:s29], [sflag:$0x1] =	stream.strided.gather [spmem:s13], $0x280, s26, s25, $0x38;
	[tilespmem:$0x6900] =	vst v63  }
0x9f: {  	_ =	swait.ge [sflag:s23], $0x280  }
0xa0: {  	[sflag:s23] =	ssyncset.done $0x0  }
0xa1: {  	s31 =	simm.s32 $0x0;
	[sflag:s23] =	ssyncadd.s32 $0xFFFFFD80  }
0xa2: {  	s0 =	simm.s32 $0x40;
	v2 =	vld [tilespmem:s31+$0x3E80]  }
.LBB2_20:
0xa3: {  	p0 =	sne.s32 s0, $0x9C0;
	v3 =	vld [tilespmem:s31+$0x3C00];
	_ =	sdelay $0x2  }
.Ltmp9:
0xa4: {  	(pc) =	sbr.rel @p0 .LBB2_20-.Ltmp9, $4  }
0xa5: {  	_ = 	snop  }
0xa6: {  	v3 =	vadd.f32 v2, v3  }
0xa7: {  	s1 =	sshra.s32 s0, $0x2  }
0xa8: {  	s0 =	sadd.s32 $0x40, s0;
	v2 =	vld [tilespmem:s1+$0x3E80];
	[tilespmem:s31+$0x3C00] =	vst v3;
	s31 =	smov.u32 s1  }
0xa9: {  	v3 =	vld [tilespmem:s31+$0x3C00];
	_ =	sdelay $0x4  }
0xaa: {  	v2 =	vadd.f32 v2, v3;
	_ =	sdelay $0x1  }
0xab: {  	[tilespmem:s31+$0x3C00] =	vst v2  }
0xac: {  	[tilespmem:s29], [sflag:$0x1] =	stream.strided.gather [spmem:s14], $0x280, s26, s25, $0x38;
	[tilespmem:$0x6900] =	vst v63  }
0xad: {  	_ =	swait.ge [sflag:s23], $0x280  }
0xae: {  	[sflag:s23] =	ssyncset.done $0x0  }
0xaf: {  	s31 =	simm.s32 $0x0;
	[sflag:s23] =	ssyncadd.s32 $0xFFFFFD80  }
0xb0: {  	s0 =	simm.s32 $0x40;
	v2 =	vld [tilespmem:s31+$0x3E80]  }
.LBB2_22:
0xb1: {  	p0 =	sne.s32 s0, $0x9C0;
	v3 =	vld [tilespmem:s31+$0x3C00];
	_ =	sdelay $0x2  }
.Ltmp10:
0xb2: {  	(pc) =	sbr.rel @p0 .LBB2_22-.Ltmp10, $4  }
0xb3: {  	_ = 	snop  }
0xb4: {  	v3 =	vadd.f32 v2, v3  }
0xb5: {  	s1 =	sshra.s32 s0, $0x2  }
0xb6: {  	s0 =	sadd.s32 $0x40, s0;
	v2 =	vld [tilespmem:s1+$0x3E80];
	[tilespmem:s31+$0x3C00] =	vst v3;
	s31 =	smov.u32 s1  }
0xb7: {  	v3 =	vld [tilespmem:s31+$0x3C00];
	_ =	sdelay $0x4  }
0xb8: {  	v2 =	vadd.f32 v2, v3;
	_ =	sdelay $0x1  }
0xb9: {  	[tilespmem:s31+$0x3C00] =	vst v2  }
0xba: {  	[tilespmem:s29], [sflag:$0x1] =	stream.strided.gather [spmem:s15], $0x280, s26, s25, $0x38;
	[tilespmem:$0x6900] =	vst v63  }
0xbb: {  	_ =	swait.ge [sflag:s23], $0x280  }
0xbc: {  	[sflag:s23] =	ssyncset.done $0x0  }
0xbd: {  	s31 =	simm.s32 $0x0;
	[sflag:s23] =	ssyncadd.s32 $0xFFFFFD80  }
0xbe: {  	s0 =	simm.s32 $0x40;
	v2 =	vld [tilespmem:s31+$0x3E80]  }
.LBB2_24:
0xbf: {  	p0 =	sne.s32 s0, $0x9C0;
	v3 =	vld [tilespmem:s31+$0x3C00];
	_ =	sdelay $0x2  }
.Ltmp11:
0xc0: {  	(pc) =	sbr.rel @p0 .LBB2_24-.Ltmp11, $4  }
0xc1: {  	_ = 	snop  }
0xc2: {  	v3 =	vadd.f32 v2, v3  }
0xc3: {  	s1 =	sshra.s32 s0, $0x2  }
0xc4: {  	s0 =	sadd.s32 $0x40, s0;
	v2 =	vld [tilespmem:s1+$0x3E80];
	[tilespmem:s31+$0x3C00] =	vst v3;
	s31 =	smov.u32 s1  }
0xc5: {  	v3 =	vld [tilespmem:s31+$0x3C00];
	_ =	sdelay $0x4  }
0xc6: {  	v2 =	vadd.f32 v2, v3;
	_ =	sdelay $0x1  }
0xc7: {  	[tilespmem:s31+$0x3C00] =	vst v2  }
0xc8: {  	[tilespmem:s29], [sflag:$0x1] =	stream.strided.gather [spmem:s16], $0x280, s26, s25, $0x38;
	[tilespmem:$0x6900] =	vst v63  }
0xc9: {  	_ =	swait.ge [sflag:s23], $0x280  }
0xca: {  	[sflag:s23] =	ssyncset.done $0x0  }
0xcb: {  	s31 =	simm.s32 $0x0;
	[sflag:s23] =	ssyncadd.s32 $0xFFFFFD80  }
0xcc: {  	s0 =	simm.s32 $0x40;
	v2 =	vld [tilespmem:s31+$0x3E80]  }
.LBB2_26:
0xcd: {  	p0 =	sne.s32 s0, $0x9C0;
	v3 =	vld [tilespmem:s31+$0x3C00];
	_ =	sdelay $0x2  }
.Ltmp12:
0xce: {  	(pc) =	sbr.rel @p0 .LBB2_26-.Ltmp12, $4  }
0xcf: {  	_ = 	snop  }
0xd0: {  	v3 =	vadd.f32 v2, v3  }
0xd1: {  	s1 =	sshra.s32 s0, $0x2  }
0xd2: {  	s0 =	sadd.s32 $0x40, s0;
	v2 =	vld [tilespmem:s1+$0x3E80];
	[tilespmem:s31+$0x3C00] =	vst v3;
	s31 =	smov.u32 s1  }
0xd3: {  	v3 =	vld [tilespmem:s31+$0x3C00];
	_ =	sdelay $0x4  }
0xd4: {  	v2 =	vadd.f32 v2, v3;
	_ =	sdelay $0x1  }
0xd5: {  	[tilespmem:s31+$0x3C00] =	vst v2  }
0xd6: {  	[tilespmem:s29], [sflag:$0x1] =	stream.strided.gather [spmem:s17], $0x280, s26, s25, $0x38;
	[tilespmem:$0x6900] =	vst v63  }
0xd7: {  	_ =	swait.ge [sflag:s23], $0x280  }
0xd8: {  	[sflag:s23] =	ssyncset.done $0x0  }
0xd9: {  	s31 =	simm.s32 $0x0;
	[sflag:s23] =	ssyncadd.s32 $0xFFFFFD80  }
0xda: {  	s0 =	simm.s32 $0x40;
	v2 =	vld [tilespmem:s31+$0x3E80]  }
.LBB2_28:
0xdb: {  	p0 =	sne.s32 s0, $0x9C0;
	v3 =	vld [tilespmem:s31+$0x3C00];
	_ =	sdelay $0x2  }
.Ltmp13:
0xdc: {  	(pc) =	sbr.rel @p0 .LBB2_28-.Ltmp13, $4  }
0xdd: {  	_ = 	snop  }
0xde: {  	v3 =	vadd.f32 v2, v3  }
0xdf: {  	s1 =	sshra.s32 s0, $0x2  }
0xe0: {  	s0 =	sadd.s32 $0x40, s0;
	v2 =	vld [tilespmem:s1+$0x3E80];
	[tilespmem:s31+$0x3C00] =	vst v3;
	s31 =	smov.u32 s1  }
0xe1: {  	v3 =	vld [tilespmem:s31+$0x3C00];
	_ =	sdelay $0x4  }
0xe2: {  	v2 =	vadd.f32 v2, v3;
	_ =	sdelay $0x1  }
0xe3: {  	[tilespmem:s31+$0x3C00] =	vst v2  }
0xe4: {  	[tilespmem:s29], [sflag:$0x1] =	stream.strided.gather [spmem:s18], $0x280, s26, s25, $0x38;
	[tilespmem:$0x6900] =	vst v63  }
0xe5: {  	_ =	swait.ge [sflag:s23], $0x280  }
0xe6: {  	[sflag:s23] =	ssyncset.done $0x0  }
0xe7: {  	s31 =	simm.s32 $0x0;
	[sflag:s23] =	ssyncadd.s32 $0xFFFFFD80  }
0xe8: {  	s0 =	simm.s32 $0x40;
	v2 =	vld [tilespmem:s31+$0x3E80]  }
.LBB2_30:
0xe9: {  	p0 =	sne.s32 s0, $0x9C0;
	v3 =	vld [tilespmem:s31+$0x3C00];
	_ =	sdelay $0x2  }
.Ltmp14:
0xea: {  	(pc) =	sbr.rel @p0 .LBB2_30-.Ltmp14, $4  }
0xeb: {  	_ = 	snop  }
0xec: {  	v3 =	vadd.f32 v2, v3  }
0xed: {  	s1 =	sshra.s32 s0, $0x2  }
0xee: {  	s0 =	sadd.s32 $0x40, s0;
	v2 =	vld [tilespmem:s1+$0x3E80];
	[tilespmem:s31+$0x3C00] =	vst v3;
	s31 =	smov.u32 s1  }
0xef: {  	v3 =	vld [tilespmem:s31+$0x3C00];
	_ =	sdelay $0x4  }
0xf0: {  	v2 =	vadd.f32 v2, v3;
	_ =	sdelay $0x1  }
0xf1: {  	[tilespmem:s31+$0x3C00] =	vst v2  }
0xf2: {  	[tilespmem:s29], [sflag:$0x1] =	stream.strided.gather [spmem:s19], $0x280, s26, s25, $0x38;
	[tilespmem:$0x6900] =	vst v63  }
0xf3: {  	_ =	swait.ge [sflag:s23], $0x280  }
0xf4: {  	[sflag:s23] =	ssyncset.done $0x0  }
0xf5: {  	s31 =	simm.s32 $0x0;
	[sflag:s23] =	ssyncadd.s32 $0xFFFFFD80  }
0xf6: {  	s0 =	simm.s32 $0x40;
	v2 =	vld [tilespmem:s31+$0x3E80]  }
.LBB2_32:
0xf7: {  	p0 =	sne.s32 s0, $0x9C0;
	v3 =	vld [tilespmem:s31+$0x3C00];
	_ =	sdelay $0x2  }
.Ltmp15:
0xf8: {  	(pc) =	sbr.rel @p0 .LBB2_32-.Ltmp15, $4  }
0xf9: {  	_ = 	snop  }
0xfa: {  	v3 =	vadd.f32 v2, v3  }
0xfb: {  	s1 =	sshra.s32 s0, $0x2  }
0xfc: {  	s0 =	sadd.s32 $0x40, s0;
	v2 =	vld [tilespmem:s1+$0x3E80];
	[tilespmem:s31+$0x3C00] =	vst v3;
	s31 =	smov.u32 s1  }
0xfd: {  	v3 =	vld [tilespmem:s31+$0x3C00];
	_ =	sdelay $0x4  }
0xfe: {  	v2 =	vadd.f32 v2, v3;
	_ =	sdelay $0x1  }
0xff: {  	[tilespmem:s31+$0x3C00] =	vst v2  }
0x100: {  	[tilespmem:s29], [sflag:$0x1] =	stream.strided.gather [spmem:s20], $0x280, s26, s25, $0x38;
	[tilespmem:$0x6900] =	vst v63  }
0x101: {  	_ =	swait.ge [sflag:s23], $0x280  }
0x102: {  	[sflag:s23] =	ssyncset.done $0x0  }
0x103: {  	s31 =	simm.s32 $0x0;
	[sflag:s23] =	ssyncadd.s32 $0xFFFFFD80  }
0x104: {  	s0 =	simm.s32 $0x40;
	v2 =	vld [tilespmem:s31+$0x3E80]  }
.LBB2_34:
0x105: {  	p0 =	sne.s32 s0, $0x9C0;
	v3 =	vld [tilespmem:s31+$0x3C00];
	_ =	sdelay $0x2  }
.Ltmp16:
0x106: {  	(pc) =	sbr.rel @p0 .LBB2_34-.Ltmp16, $4  }
0x107: {  	_ = 	snop  }
0x108: {  	v3 =	vadd.f32 v2, v3  }
0x109: {  	s1 =	sshra.s32 s0, $0x2  }
0x10a: {  	s0 =	sadd.s32 $0x40, s0;
	v2 =	vld [tilespmem:s1+$0x3E80];
	[tilespmem:s31+$0x3C00] =	vst v3;
	s31 =	smov.u32 s1  }
0x10b: {  	v3 =	vld [tilespmem:s31+$0x3C00];
	_ =	sdelay $0x4  }
0x10c: {  	s2 =	sadd.s32 $0x1, s2;
	v2 =	vadd.f32 v2, v3  }
0x10d: {  	p0 =	sne.s32 s2, s21  }
.Ltmp17:
0x10e: {  	[tilespmem:s31+$0x3C00] =	vst v2;
	(pc) =	sbr.rel @p0 .LBB2_1-.Ltmp17, $4  }
0x10f: {  	[hbm4b:s22+s25] =	stream.strided.scatter [tilespmem:s28], [sflag:$0x1], $0x280, s30, s25, $0x38;
	[tilespmem:$0x6900] =	vst v63  }
0x110: {  	_ =	swait.ge [sflag:s23], $0x280  }
0x111: {  	[sflag:s23] =	ssyncset.done $0x0  }
0x112: {  	[sflag:s23] =	ssyncadd.s32 $0xFFFFFD80  }
0x113: {  	_ =	sfence.sel $0x180000  }
0x114: {  	[bflag:$0x0] =	sbarrier.arrive $0xFFFF  }
0x115: {  	_ =	strace $0x90000047  }
0x116: {  	s0 =	stileid.u32;
	[bflag:$0x2] =	sbarrier.arrive $0xFFFF  }
0x117: {  	p0 =	sne.s32 s0, $0x0;
	s0 =	rddreg [dreg:$0x3]  }
0x118: {  	s0 =	sadd.s32 @!p0 $0x100000, s0  }
0x119: {  	[sflag:s0] =	ssyncadd.tile.s32 @!p0 $0x1;
	_ =	shalt  }
.Lfunc_end2:
_tile_overlayer_lowered:
.L_overlay_start_2:
0x11a: {  	(tag) =	ssettag $0x2  }
0x11b: {  	s0 =	rddreg [dreg:$0x0];
	s2 =	stileid.u32  }
0x11c: {  	s1 =	rddreg [dreg:$0x1];
	p0 =	sne.s32 s2, $0x0  }
0x11d: {  	s3 =	rddreg [dreg:$0x2];
	[bflag:$0x3] =	sbarrier.arrive $0xFFFF;
	s2 =	simm.s32 @!p0 $0x1C01  }
0x11e: {  	[timem:s3], [sflag:s2] =	dma.local @!p0 [hbm:s0], s1  }
0x11f: {  	s0 =	simm.s32 @!p0 $0x1  }
0x120: {  	_ =	swait.ge @!p0 [sflag:s0], s1  }
0x121: {  	s1 =	ssub.s32 @!p0 $0x0, s1;
	[sflag:s0] =	ssyncset.done @!p0 $0x0  }
0x122: {  	[sflag:s0] =	ssyncadd.s32 @!p0 s1  }
0x123: {  	[bflag:$0x3] =	sbarrier.arrive $0xFFFF  }
0x124: {  	_ =	shalt  }

</sc_bundles>
